<compile_context>
chip_gen: v7x
topology: tpu7x:2x2x1
jax: 0.10.2.dev20260603
libtpu: 0.0.44.dev20260713+nightly
codegen_flags: <defaults>
</compile_context>

<pallas_src>
import functools
import math

import jax
import jax.numpy as jnp
from jax import lax
from jax.experimental import pallas as pl
from jax.experimental.pallas import tpu as pltpu
from jax.experimental.pallas import tpu_sc as plsc

DIMC = 384
NH = 8
NP = 8
HD = DIMC // NH
HD2 = HD // 2
HW = 1024
SIDE = 32
NW = 32
CHUNK = 256
SCALE = HD ** (-0.5)



def _proj_body(x_ref, wq_ref, bq_ref, w0_ref, b0_ref, w1_ref, b1_ref,
               lo_ref, hi_ref, qt_ref, px_ref, py_ref, pk_ref, *, tm):
    x = x_ref[...]
    q = jnp.dot(x, wq_ref[...], preferred_element_type=jnp.float32) + bq_ref[...]
    qt_ref[...] = q.T
    o0 = jnp.dot(x, w0_ref[...], preferred_element_type=jnp.float32) + b0_ref[...]
    o1 = jnp.dot(x, w1_ref[...], preferred_element_type=jnp.float32) + b1_ref[...]
    row = pl.program_id(0) * tm + lax.broadcasted_iota(jnp.int32, (tm, NH * NP), 0)
    n = row % HW
    gy = (n // SIDE).astype(jnp.float32)
    gx = (n % SIDE).astype(jnp.float32)
    px_ref[...] = gy + o0
    py_ref[...] = gx + o1
    lo = lax.bitcast_convert_type(lo_ref[...].astype(jnp.bfloat16), jnp.uint16)
    hi = lax.bitcast_convert_type(hi_ref[...].astype(jnp.bfloat16), jnp.uint16)
    pk_ref[...] = lo.astype(jnp.int32) | (hi.astype(jnp.int32) << 16)


def _projections(xflat, Wq, bq, W0, b0, W1, b1, lo, hi):
    rows = xflat.shape[0]
    tm = 512
    grid = rows // tm
    return pl.pallas_call(
        functools.partial(_proj_body, tm=tm),
        grid=(grid,),
        in_specs=[
            pl.BlockSpec((tm, DIMC), lambda i: (i, 0)),
            pl.BlockSpec((DIMC, DIMC), lambda i: (0, 0)),
            pl.BlockSpec((DIMC,), lambda i: (0,)),
            pl.BlockSpec((DIMC, NH * NP), lambda i: (0, 0)),
            pl.BlockSpec((NH * NP,), lambda i: (0,)),
            pl.BlockSpec((DIMC, NH * NP), lambda i: (0, 0)),
            pl.BlockSpec((NH * NP,), lambda i: (0,)),
            pl.BlockSpec((4, HD2, HW), lambda i: (i, 0, 0)),
            pl.BlockSpec((4, HD2, HW), lambda i: (i, 0, 0)),
        ],
        out_specs=[
            pl.BlockSpec((DIMC, tm), lambda i: (i // 2, i % 2)),
            pl.BlockSpec((tm, NH * NP), lambda i: (i, 0)),
            pl.BlockSpec((tm, NH * NP), lambda i: (i, 0)),
            pl.BlockSpec((4, HD2, HW), lambda i: (i, 0, 0)),
        ],
        out_shape=[
            jax.ShapeDtypeStruct((4 * DIMC, rows // 4), jnp.float32),
            jax.ShapeDtypeStruct((rows, NH * NP), jnp.float32),
            jax.ShapeDtypeStruct((rows, NH * NP), jnp.float32),
            jax.ShapeDtypeStruct((NW, HD2, HW), jnp.int32),
        ],
    )(xflat, Wq, bq, W0, b0, W1, b1, lo, hi)



def _sc_body(ref_hbm, px_hbm, py_hbm, q_hbm, out_hbm,
             img_v, px_v, py_v, q_v, o_v, s_v):
    nc = 2
    w = lax.axis_index("s") * nc + lax.axis_index("c")
    pltpu.sync_copy(ref_hbm.at[w], img_v)

    def chunk_body(ci, _):
        t0 = ci * CHUNK
        pltpu.sync_copy(q_hbm.at[w, :, pl.ds(t0, CHUNK)], q_v)
        pltpu.sync_copy(px_hbm.at[w, :, pl.ds(t0, CHUNK)], px_v)
        pltpu.sync_copy(py_hbm.at[w, :, pl.ds(t0, CHUNK)], py_v)

        def group_body(g, _):
            lb = g * 16
            logits = [None] * NP
            for half in range(2):
                bases = []
                weights = []
                for p in range(4 * half, 4 * half + 4):
                    pxv = px_v[p, pl.ds(lb, 16)]
                    pyv = py_v[p, pl.ds(lb, 16)]
                    pxv = jnp.clip(pxv, -40.0, 40.0)
                    pyv = jnp.clip(pyv, -40.0, 40.0)
                    xt = pxv.astype(jnp.int32)
                    xtf = xt.astype(jnp.float32)
                    xfloor = jnp.where(xtf > pxv, xtf - 1.0, xtf)
                    x0i = jnp.where(xtf > pxv, xt - 1, xt)
                    yt = pyv.astype(jnp.int32)
                    ytf = yt.astype(jnp.float32)
                    yfloor = jnp.where(ytf > pyv, ytf - 1.0, ytf)
                    y0i = jnp.where(ytf > pyv, yt - 1, yt)
                    fx = pxv - xfloor
                    fy = pyv - yfloor
                    vx0 = (xfloor >= 0.0) & (xfloor <= SIDE - 1.0)
                    vx1 = (xfloor + 1.0 >= 0.0) & (xfloor + 1.0 <= SIDE - 1.0)
                    vy0 = (yfloor >= 0.0) & (yfloor <= SIDE - 1.0)
                    vy1 = (yfloor + 1.0 >= 0.0) & (yfloor + 1.0 <= SIDE - 1.0)
                    zero = jnp.zeros((16,), jnp.float32)
                    w00 = jnp.where(vy0 & vx0, (1.0 - fx) * (1.0 - fy), zero)
                    w10 = jnp.where(vy1 & vx0, (1.0 - fx) * fy, zero)
                    w01 = jnp.where(vy0 & vx1, fx * (1.0 - fy), zero)
                    w11 = jnp.where(vy1 & vx1, fx * fy, zero)
                    xc0 = jnp.clip(x0i, 0, SIDE - 1)
                    xc1 = jnp.clip(x0i + 1, 0, SIDE - 1)
                    yc0 = jnp.clip(y0i, 0, SIDE - 1)
                    yc1 = jnp.clip(y0i + 1, 0, SIDE - 1)
                    bases.append((xc0 * SIDE + yc0, xc1 * SIDE + yc0,
                                  xc0 * SIDE + yc1, xc1 * SIDE + yc1))
                    weights.append((w00, w01, w10, w11))

                def c_body(c2, accs):
                    o = c2 * HW
                    qlo = q_v[2 * c2, pl.ds(lb, 16)]
                    qhi = q_v[2 * c2 + 1, pl.ds(lb, 16)]
                    out_accs = []
                    for k in range(4):
                        i00, i01, i10, i11 = bases[k]
                        w00, w01, w10, w11 = weights[k]
                        g00 = plsc.load_gather(img_v, [i00 + o])
                        g01 = plsc.load_gather(img_v, [i01 + o])
                        g10 = plsc.load_gather(img_v, [i10 + o])
                        g11 = plsc.load_gather(img_v, [i11 + o])
                        s_lo = (w00 * plsc.bitcast(g00 << 16, jnp.float32)
                                + w01 * plsc.bitcast(g01 << 16, jnp.float32)
                                + w10 * plsc.bitcast(g10 << 16, jnp.float32)
                                + w11 * plsc.bitcast(g11 << 16, jnp.float32))
                        s_hi = (w00 * plsc.bitcast(g00, jnp.float32)
                                + w01 * plsc.bitcast(g01, jnp.float32)
                                + w10 * plsc.bitcast(g10, jnp.float32)
                                + w11 * plsc.bitcast(g11, jnp.float32))
                        p = 4 * half + k
                        s_v[p, pl.ds(32 * c2, 16)] = s_lo
                        s_v[p, pl.ds(32 * c2 + 16, 16)] = s_hi
                        out_accs.append(accs[k] + qlo * s_lo + qhi * s_hi)
                    return tuple(out_accs)

                zeros4 = (jnp.zeros((16,), jnp.float32),) * 4
                accs = plsc.parallel_loop(0, HD2, unroll=8, carry=zeros4)(c_body)
                for k in range(4):
                    logits[4 * half + k] = accs[k] * SCALE

            m = logits[0]
            for p in range(1, NP):
                m = jnp.maximum(m, logits[p])
            es = [jnp.exp(a - m) for a in logits]
            tot = es[0]
            for p in range(1, NP):
                tot = tot + es[p]
            inv = 1.0 / tot
            aw = [e * inv for e in es]

            def w_body(c):
                acc = aw[0] * s_v[0, pl.ds(c * 16, 16)]
                for p in range(1, NP):
                    acc = acc + aw[p] * s_v[p, pl.ds(c * 16, 16)]
                o_v[c, pl.ds(lb, 16)] = acc

            plsc.parallel_loop(0, HD, unroll=8)(w_body)
            return 0

        lax.fori_loop(0, CHUNK // 16, group_body, 0)
        pltpu.sync_copy(o_v, out_hbm.at[w, :, pl.ds(t0, CHUNK)])
        return 0

    lax.fori_loop(0, HW // CHUNK, chunk_body, 0)


def _sc_sample_attend(ref_packed, pxr, pyr, qT):
    mesh = plsc.VectorSubcoreMesh(core_axis_name="c", subcore_axis_name="s",
                                  num_cores=2, num_subcores=16)
    return pl.kernel(
        _sc_body,
        out_type=jax.ShapeDtypeStruct((NW, HD, HW), jnp.float32),
        mesh=mesh,
        compiler_params=pltpu.CompilerParams(needs_layout_passes=False),
        scratch_types=[
            pltpu.VMEM((HD2 * HW,), jnp.int32),
            pltpu.VMEM((NP, CHUNK), jnp.float32),
            pltpu.VMEM((NP, CHUNK), jnp.float32),
            pltpu.VMEM((HD, CHUNK), jnp.float32),
            pltpu.VMEM((HD, CHUNK), jnp.float32),
            pltpu.VMEM((NP, HD * 16), jnp.float32),
        ],
    )(ref_packed, pxr, pyr, qT)



def _out_body(xt_ref, wo_ref, bo_ref, y_ref):
    y_ref[...] = (lax.dot_general(xt_ref[...], wo_ref[...],
                                  (((0,), (0,)), ((), ())),
                                  preferred_element_type=jnp.float32)
                  + bo_ref[...])


def _out_proj(xT, Wo, bo, rows):
    tm = 512
    return pl.pallas_call(
        _out_body,
        grid=(rows // tm,),
        in_specs=[
            pl.BlockSpec((DIMC, tm), lambda i: (i // 2, i % 2)),
            pl.BlockSpec((DIMC, DIMC), lambda i: (0, 0)),
            pl.BlockSpec((DIMC,), lambda i: (0,)),
        ],
        out_specs=pl.BlockSpec((tm, DIMC), lambda i: (i, 0)),
        out_shape=jax.ShapeDtypeStruct((rows, DIMC), jnp.float32),
    )(xT, Wo, bo)



def kernel(query, reference, spatial_size, Wq, bq, Wkv, bkv, Woff, boff, Wo, bo):
    B, N, C = query.shape
    del spatial_size, Wkv, bkv
    W0 = Woff[:, 0::2]
    b0 = boff[0::2]
    W1 = Woff[:, 1::2]
    b1 = boff[1::2]

    ref_pairs = reference.reshape(B * NH, HD2, 2, SIDE, SIDE)
    lo_t = ref_pairs[:, :, 0].swapaxes(-1, -2).reshape(B * NH, HD2, HW)
    hi_t = ref_pairs[:, :, 1].swapaxes(-1, -2).reshape(B * NH, HD2, HW)
    qt2, px, py, ref_packed = _projections(
        query.reshape(B * N, C), Wq, bq, W0, b0, W1, b1, lo_t, hi_t)

    pxr = px.reshape(B, N * NH * NP).reshape(B * NH, NP, HW)
    pyr = py.reshape(B, N * NH * NP).reshape(B * NH, NP, HW)
    qT = qt2.reshape(B * NH, HD, N)
    ref_flat = ref_packed.reshape(NW, HD2 * HW)

    out_heads = _sc_sample_attend(ref_flat, pxr, pyr, qT)

    xT = out_heads.reshape(B * C, N)
    return _out_proj(xT, Wo, bo, B * N).reshape(B, N, C)

# --- scband reference (transcript-rebuilt; emitter-appended) ---
"""Pipeline reference for scband-deformable-cross-frame-attention-71957882077582 (READ-ONLY COPY).

The authoritative reference and input builder live on the scoring server;
editing this copy changes nothing except your own understanding.
"""

import jax, jax.numpy as jnp
import numpy as np
import math

DIM = 384
NUM_HEADS = 8
MAX_POINTS = 8


def grid_sample_bilinear(inp, grid):
    # inp: [Nb, C, H, W], grid: [Nb, Hg, Wg, 2] with grid[...,0]=x, grid[...,1]=y in [-1,1]
    # align_corners=True, padding_mode='zeros' (matches torch F.grid_sample defaults+align_corners=True)
    Nb, C, H, W = inp.shape
    x = (grid[..., 0] + 1.0) * 0.5 * (W - 1)
    y = (grid[..., 1] + 1.0) * 0.5 * (H - 1)
    x0 = jnp.floor(x); y0 = jnp.floor(y)
    x1 = x0 + 1.0; y1 = y0 + 1.0

    def one(img, xx, yy, xg0, xg1, yg0, yg1):
        def gather(yi, xi):
            valid = (yi >= 0) & (yi <= H - 1) & (xi >= 0) & (xi <= W - 1)
            yc = jnp.clip(yi, 0, H - 1).astype(jnp.int32)
            xc = jnp.clip(xi, 0, W - 1).astype(jnp.int32)
            return img[:, yc, xc] * valid[None].astype(img.dtype)
        Ia = gather(yg0, xg0); Ib = gather(yg1, xg0)
        Ic = gather(yg0, xg1); Id = gather(yg1, xg1)
        wa = (xg1 - xx) * (yg1 - yy); wb = (xg1 - xx) * (yy - yg0)
        wc = (xx - xg0) * (yg1 - yy); wd = (xx - xg0) * (yy - yg0)
        return Ia * wa[None] + Ib * wb[None] + Ic * wc[None] + Id * wd[None]

    return jax.vmap(one)(inp, x, y, x0, x1, y0, y1)


def _forward(query, reference, Wq, bq, Wkv, bkv, Woff, boff, Wo, bo, H, W, spatial_size):
    B, N, C = query.shape
    nh = NUM_HEADS; mp = MAX_POINTS; n_points = mp
    hd = C // nh
    scale = hd ** (-0.5)
    q = (query @ Wq + bq).reshape(B, N, nh, hd)
    kv = (reference @ Wkv + bkv).reshape(B, N, 2, nh, hd)
    k = kv[:, :, 0]; v = kv[:, :, 1]  # computed but unused downstream (faithful to original)
    offsets = (query @ Woff + boff).reshape(B, N, nh, mp, 2)[:, :, :, :n_points]
    ys = jnp.arange(H); xs = jnp.arange(W)
    gy, gx = jnp.meshgrid(ys, xs, indexing='ij')
    coords = jnp.stack([gy, gx], -1).reshape(1, N, 1, 1, 2).astype(jnp.float32)
    sample_locs = coords + offsets
    Hf = spatial_size.astype(jnp.float32)
    Wf = spatial_size.astype(jnp.float32)
    loc0 = sample_locs[..., 0] / (Hf - 1.0) * 2.0 - 1.0
    loc1 = sample_locs[..., 1] / (Wf - 1.0) * 2.0 - 1.0
    sample_locs = jnp.stack([loc0, loc1], -1)
    grid = sample_locs.reshape(B, nh * n_points, H, W, 2).reshape(B * nh * n_points, H, W, 2)
    ref_k = reference.reshape(B, C, H, W)  # faithful channel-reinterpreting view from the original
    ref_heads = ref_k.reshape(B, nh, hd, H, W)
    ref_exp = jnp.broadcast_to(ref_heads[:, :, None], (B, nh, n_points, hd, H, W))
    ref_exp = ref_exp.reshape(B * nh * n_points, hd, H, W)
    sampled = grid_sample_bilinear(ref_exp, grid)  # [B*nh*np, hd, H, W]
    sampled = sampled.reshape(B, nh, n_points, hd, H * W)
    sampled = jnp.transpose(sampled, (0, 4, 1, 2, 3))  # [B, HW, nh, np, hd]
    qe = q[:, :, :, None, :]
    attn = (qe * sampled).sum(-1) * scale
    attn = jax.nn.softmax(attn, axis=-1)
    out = (attn[..., None] * sampled).sum(-2)
    out = out.reshape(B, N, C)
    return out @ Wo + bo


def setup_inputs(seed: int = 0) -> dict:
    key = jax.random.key(seed)
    ks = jax.random.split(key, 8)
    B, N, C = 4, 1024, DIM
    return {
        "query": jax.random.normal(ks[0], (B, N, C), dtype=jnp.float32),
        "reference": jax.random.normal(ks[1], (B, N, C), dtype=jnp.float32),
        "spatial_size": 32,
        "Wq": jax.random.normal(ks[2], (C, C), dtype=jnp.float32) * 0.02,
        "bq": jnp.zeros((C,), dtype=jnp.float32),
        "Wkv": jax.random.normal(ks[3], (C, 2 * C), dtype=jnp.float32) * 0.02,
        "bkv": jnp.zeros((2 * C,), dtype=jnp.float32),
        "Woff": jax.random.normal(ks[4], (C, NUM_HEADS * MAX_POINTS * 2), dtype=jnp.float32) * 0.02,
        "boff": jnp.zeros((NUM_HEADS * MAX_POINTS * 2,), dtype=jnp.float32),
        "Wo": jax.random.normal(ks[5], (C, C), dtype=jnp.float32) * 0.02,
        "bo": jnp.zeros((C,), dtype=jnp.float32),
    }


def reference(query, reference, spatial_size, Wq, bq, Wkv, bkv, Woff, boff, Wo, bo):
    H = W = int(math.isqrt(query.shape[1]))
    spatial_size = jnp.asarray(spatial_size)
    return _forward(query, reference, Wq, bq, Wkv, bkv, Woff, boff, Wo, bo, H, W, spatial_size)

if __name__ == "__main__":
    import jax
    _d = setup_inputs()
    print(jax.jit(kernel)(*tuple(_d.values())))

</pallas_src>

<mosaic_0001>
#map = affine_map<(d0, d1) -> (0, 0)>
#map1 = affine_map<(d0, d1) -> (0, 0, 0)>
module attributes {stable_mosaic.version = 14 : i64} {
  func.func @_sc_body(%arg0: i32, %arg1: i32, %arg2: memref<32x24576xi32, #tpu.memory_space<hbm>>, %arg3: memref<32x8x1024xf32, #tpu.memory_space<hbm>>, %arg4: memref<32x8x1024xf32, #tpu.memory_space<hbm>>, %arg5: memref<32x48x1024xf32, #tpu.memory_space<hbm>>, %arg6: memref<32x48x1024xf32, #tpu.memory_space<hbm>>, %arg7: memref<24576xi32, #tpu.memory_space<vmem>>, %arg8: memref<8x256xf32, #tpu.memory_space<vmem>>, %arg9: memref<8x256xf32, #tpu.memory_space<vmem>>, %arg10: memref<48x256xf32, #tpu.memory_space<vmem>>, %arg11: memref<48x256xf32, #tpu.memory_space<vmem>>, %arg12: memref<8x768xf32, #tpu.memory_space<vmem>>) attributes {dimension_semantics = [#tpu.dimension_semantics<core_parallel>, #tpu.dimension_semantics<subcore_parallel>], iteration_bounds = array<i64: 2, 16>, scalar_prefetch = 0 : i64, scratch_operands = 6 : i64, tpu.core_type = #tpu.core_type<sc_vector_subcore>, window_params = [{transform_indices = #map}, {transform_indices = #map1}, {transform_indices = #map1}, {transform_indices = #map1}, {transform_indices = #map1}]} {
    %mul3A = arith.constant 2 : i32
    %mul3A_0 = arith.muli %arg1, %mul3A : i32
    %add3A = arith.addi %mul3A_0, %arg0 : i32
    "tpu.region"() ({
      %run_scoped3A = tpu.sem_alloc : memref<!tpu.dma_semaphore, #tpu.memory_space<semaphore_mem>>
      %dma_start3A = arith.constant 0 : i32
      %dma_start3A_7 = tpu.memref_slice %arg2[%add3A, %dma_start3A] : memref<32x24576xi32, #tpu.memory_space<hbm>> -> memref<1x24576xi32, #tpu.memory_space<hbm>>
      %dma_start3A_8 = tpu.memref_squeeze %dma_start3A_7 : memref<1x24576xi32, #tpu.memory_space<hbm>> -> memref<24576xi32, #tpu.memory_space<hbm>>
      %dma_start3A_9 = arith.constant 0 : i32
      %dma_start3A_10 = tpu.memref_slice %arg2[%add3A, %dma_start3A_9] : memref<32x24576xi32, #tpu.memory_space<hbm>> -> memref<1x24576xi32, #tpu.memory_space<hbm>>
      %dma_start3A_11 = tpu.memref_squeeze %dma_start3A_10 : memref<1x24576xi32, #tpu.memory_space<hbm>> -> memref<24576xi32, #tpu.memory_space<hbm>>
      tpu.enqueue_dma source(%dma_start3A_11 : memref<24576xi32, #tpu.memory_space<hbm>>) target(%arg7 : memref<24576xi32, #tpu.memory_space<vmem>>) target_semaphore(%run_scoped3A : memref<!tpu.dma_semaphore, #tpu.memory_space<semaphore_mem>>)
      %dma_wait3A = arith.constant 0 : i32
      %dma_wait3A_12 = tpu.memref_slice %arg2[%add3A, %dma_wait3A] : memref<32x24576xi32, #tpu.memory_space<hbm>> -> memref<1x24576xi32, #tpu.memory_space<hbm>>
      %dma_wait3A_13 = tpu.memref_squeeze %dma_wait3A_12 : memref<1x24576xi32, #tpu.memory_space<hbm>> -> memref<24576xi32, #tpu.memory_space<hbm>>
      %dma_wait3A_14 = arith.constant 0 : i32
      %dma_wait3A_15 = tpu.memref_slice %arg2[%add3A, %dma_wait3A_14] : memref<32x24576xi32, #tpu.memory_space<hbm>> -> memref<1x24576xi32, #tpu.memory_space<hbm>>
      %dma_wait3A_16 = tpu.memref_squeeze %dma_wait3A_15 : memref<1x24576xi32, #tpu.memory_space<hbm>> -> memref<24576xi32, #tpu.memory_space<hbm>>
      tpu.wait_dma2 semaphore(%run_scoped3A : memref<!tpu.dma_semaphore, #tpu.memory_space<semaphore_mem>>) src(%dma_wait3A_16 : memref<24576xi32, #tpu.memory_space<hbm>>) dst(%arg7 : memref<24576xi32, #tpu.memory_space<vmem>>)
      tpu.yield
    }) : () -> ()
    %scan3A = arith.constant 0 : i32
    %scan3A_1 = arith.constant 0 : i32
    %scan3A_2 = arith.constant 4 : i32
    %scan3A_3 = arith.addi %scan3A_1, %scan3A_2 : i32
    %scan3A_4 = arith.constant 1 : i32
    %scan3A_5 = scf.for %scan3A_7 = %scan3A_1 to %scan3A_3 step %scan3A_4 iter_args(%scan3A_8 = %scan3A) -> (i32)  : i32 {
      %mul3A_9 = arith.constant 256 : i32
      %mul3A_10 = arith.muli %scan3A_7, %mul3A_9 : i32
      "tpu.region"() ({
        %run_scoped3A = tpu.sem_alloc : memref<!tpu.dma_semaphore, #tpu.memory_space<semaphore_mem>>
        %dma_start3A = arith.constant 0 : i32
        %dma_start3A_19 = tpu.memref_slice %arg5[%add3A, %dma_start3A, %mul3A_10] : memref<32x48x1024xf32, #tpu.memory_space<hbm>> -> memref<1x48x256xf32, #tpu.memory_space<hbm>>
        %dma_start3A_20 = tpu.memref_squeeze %dma_start3A_19 : memref<1x48x256xf32, #tpu.memory_space<hbm>> -> memref<48x256xf32, #tpu.memory_space<hbm>>
        %dma_start3A_21 = arith.constant 0 : i32
        %dma_start3A_22 = tpu.memref_slice %arg5[%add3A, %dma_start3A_21, %mul3A_10] : memref<32x48x1024xf32, #tpu.memory_space<hbm>> -> memref<1x48x256xf32, #tpu.memory_space<hbm>>
        %dma_start3A_23 = tpu.memref_squeeze %dma_start3A_22 : memref<1x48x256xf32, #tpu.memory_space<hbm>> -> memref<48x256xf32, #tpu.memory_space<hbm>>
        tpu.enqueue_dma source(%dma_start3A_23 : memref<48x256xf32, #tpu.memory_space<hbm>>) target(%arg10 : memref<48x256xf32, #tpu.memory_space<vmem>>) target_semaphore(%run_scoped3A : memref<!tpu.dma_semaphore, #tpu.memory_space<semaphore_mem>>)
        %dma_wait3A = arith.constant 0 : i32
        %dma_wait3A_24 = tpu.memref_slice %arg5[%add3A, %dma_wait3A, %mul3A_10] : memref<32x48x1024xf32, #tpu.memory_space<hbm>> -> memref<1x48x256xf32, #tpu.memory_space<hbm>>
        %dma_wait3A_25 = tpu.memref_squeeze %dma_wait3A_24 : memref<1x48x256xf32, #tpu.memory_space<hbm>> -> memref<48x256xf32, #tpu.memory_space<hbm>>
        %dma_wait3A_26 = arith.constant 0 : i32
        %dma_wait3A_27 = tpu.memref_slice %arg5[%add3A, %dma_wait3A_26, %mul3A_10] : memref<32x48x1024xf32, #tpu.memory_space<hbm>> -> memref<1x48x256xf32, #tpu.memory_space<hbm>>
        %dma_wait3A_28 = tpu.memref_squeeze %dma_wait3A_27 : memref<1x48x256xf32, #tpu.memory_space<hbm>> -> memref<48x256xf32, #tpu.memory_space<hbm>>
        tpu.wait_dma2 semaphore(%run_scoped3A : memref<!tpu.dma_semaphore, #tpu.memory_space<semaphore_mem>>) src(%dma_wait3A_28 : memref<48x256xf32, #tpu.memory_space<hbm>>) dst(%arg10 : memref<48x256xf32, #tpu.memory_space<vmem>>)
        tpu.yield
      }) : () -> ()
      "tpu.region"() ({
        %run_scoped3A = tpu.sem_alloc : memref<!tpu.dma_semaphore, #tpu.memory_space<semaphore_mem>>
        %dma_start3A = arith.constant 0 : i32
        %dma_start3A_19 = tpu.memref_slice %arg3[%add3A, %dma_start3A, %mul3A_10] : memref<32x8x1024xf32, #tpu.memory_space<hbm>> -> memref<1x8x256xf32, #tpu.memory_space<hbm>>
        %dma_start3A_20 = tpu.memref_squeeze %dma_start3A_19 : memref<1x8x256xf32, #tpu.memory_space<hbm>> -> memref<8x256xf32, #tpu.memory_space<hbm>>
        %dma_start3A_21 = arith.constant 0 : i32
        %dma_start3A_22 = tpu.memref_slice %arg3[%add3A, %dma_start3A_21, %mul3A_10] : memref<32x8x1024xf32, #tpu.memory_space<hbm>> -> memref<1x8x256xf32, #tpu.memory_space<hbm>>
        %dma_start3A_23 = tpu.memref_squeeze %dma_start3A_22 : memref<1x8x256xf32, #tpu.memory_space<hbm>> -> memref<8x256xf32, #tpu.memory_space<hbm>>
        tpu.enqueue_dma source(%dma_start3A_23 : memref<8x256xf32, #tpu.memory_space<hbm>>) target(%arg8 : memref<8x256xf32, #tpu.memory_space<vmem>>) target_semaphore(%run_scoped3A : memref<!tpu.dma_semaphore, #tpu.memory_space<semaphore_mem>>)
        %dma_wait3A = arith.constant 0 : i32
        %dma_wait3A_24 = tpu.memref_slice %arg3[%add3A, %dma_wait3A, %mul3A_10] : memref<32x8x1024xf32, #tpu.memory_space<hbm>> -> memref<1x8x256xf32, #tpu.memory_space<hbm>>
        %dma_wait3A_25 = tpu.memref_squeeze %dma_wait3A_24 : memref<1x8x256xf32, #tpu.memory_space<hbm>> -> memref<8x256xf32, #tpu.memory_space<hbm>>
        %dma_wait3A_26 = arith.constant 0 : i32
        %dma_wait3A_27 = tpu.memref_slice %arg3[%add3A, %dma_wait3A_26, %mul3A_10] : memref<32x8x1024xf32, #tpu.memory_space<hbm>> -> memref<1x8x256xf32, #tpu.memory_space<hbm>>
        %dma_wait3A_28 = tpu.memref_squeeze %dma_wait3A_27 : memref<1x8x256xf32, #tpu.memory_space<hbm>> -> memref<8x256xf32, #tpu.memory_space<hbm>>
        tpu.wait_dma2 semaphore(%run_scoped3A : memref<!tpu.dma_semaphore, #tpu.memory_space<semaphore_mem>>) src(%dma_wait3A_28 : memref<8x256xf32, #tpu.memory_space<hbm>>) dst(%arg8 : memref<8x256xf32, #tpu.memory_space<vmem>>)
        tpu.yield
      }) : () -> ()
      "tpu.region"() ({
        %run_scoped3A = tpu.sem_alloc : memref<!tpu.dma_semaphore, #tpu.memory_space<semaphore_mem>>
        %dma_start3A = arith.constant 0 : i32
        %dma_start3A_19 = tpu.memref_slice %arg4[%add3A, %dma_start3A, %mul3A_10] : memref<32x8x1024xf32, #tpu.memory_space<hbm>> -> memref<1x8x256xf32, #tpu.memory_space<hbm>>
        %dma_start3A_20 = tpu.memref_squeeze %dma_start3A_19 : memref<1x8x256xf32, #tpu.memory_space<hbm>> -> memref<8x256xf32, #tpu.memory_space<hbm>>
        %dma_start3A_21 = arith.constant 0 : i32
        %dma_start3A_22 = tpu.memref_slice %arg4[%add3A, %dma_start3A_21, %mul3A_10] : memref<32x8x1024xf32, #tpu.memory_space<hbm>> -> memref<1x8x256xf32, #tpu.memory_space<hbm>>
        %dma_start3A_23 = tpu.memref_squeeze %dma_start3A_22 : memref<1x8x256xf32, #tpu.memory_space<hbm>> -> memref<8x256xf32, #tpu.memory_space<hbm>>
        tpu.enqueue_dma source(%dma_start3A_23 : memref<8x256xf32, #tpu.memory_space<hbm>>) target(%arg9 : memref<8x256xf32, #tpu.memory_space<vmem>>) target_semaphore(%run_scoped3A : memref<!tpu.dma_semaphore, #tpu.memory_space<semaphore_mem>>)
        %dma_wait3A = arith.constant 0 : i32
        %dma_wait3A_24 = tpu.memref_slice %arg4[%add3A, %dma_wait3A, %mul3A_10] : memref<32x8x1024xf32, #tpu.memory_space<hbm>> -> memref<1x8x256xf32, #tpu.memory_space<hbm>>
        %dma_wait3A_25 = tpu.memref_squeeze %dma_wait3A_24 : memref<1x8x256xf32, #tpu.memory_space<hbm>> -> memref<8x256xf32, #tpu.memory_space<hbm>>
        %dma_wait3A_26 = arith.constant 0 : i32
        %dma_wait3A_27 = tpu.memref_slice %arg4[%add3A, %dma_wait3A_26, %mul3A_10] : memref<32x8x1024xf32, #tpu.memory_space<hbm>> -> memref<1x8x256xf32, #tpu.memory_space<hbm>>
        %dma_wait3A_28 = tpu.memref_squeeze %dma_wait3A_27 : memref<1x8x256xf32, #tpu.memory_space<hbm>> -> memref<8x256xf32, #tpu.memory_space<hbm>>
        tpu.wait_dma2 semaphore(%run_scoped3A : memref<!tpu.dma_semaphore, #tpu.memory_space<semaphore_mem>>) src(%dma_wait3A_28 : memref<8x256xf32, #tpu.memory_space<hbm>>) dst(%arg9 : memref<8x256xf32, #tpu.memory_space<vmem>>)
        tpu.yield
      }) : () -> ()
      %scan3A_11 = arith.constant 0 : i32
      %scan3A_12 = arith.constant 0 : i32
      %scan3A_13 = arith.constant 16 : i32
      %scan3A_14 = arith.addi %scan3A_12, %scan3A_13 : i32
      %scan3A_15 = arith.constant 1 : i32
      %scan3A_16 = scf.for %scan3A_19 = %scan3A_12 to %scan3A_14 step %scan3A_15 iter_args(%scan3A_20 = %scan3A_11) -> (i32)  : i32 {
        %mul3A_21 = arith.constant 16 : i32
        %mul3A_22 = arith.muli %scan3A_19, %mul3A_21 : i32
        %get3A = arith.constant 0 : i32
        %get3A_23 = arith.index_cast %get3A : i32 to index
        %get3A_24 = arith.index_cast %mul3A_22 : i32 to index
        %get3A_25 = tpu.vector_load %arg8[%get3A_23, %get3A_24] {strides = array<i32>} : memref<8x256xf32, #tpu.memory_space<vmem>>, vector<16xf32>,
        %get3A_26 = arith.constant 0 : i32
        %get3A_27 = arith.index_cast %get3A_26 : i32 to index
        %get3A_28 = arith.index_cast %mul3A_22 : i32 to index
        %get3A_29 = tpu.vector_load %arg9[%get3A_27, %get3A_28] {strides = array<i32>} : memref<8x256xf32, #tpu.memory_space<vmem>>, vector<16xf32>,
        %jit3A = arith.constant -4.000000e+01 : f32
        %jit3A_30 = arith.constant 4.000000e+01 : f32
        %max3A = vector.broadcast %jit3A : f32 to vector<16xf32>
        %max3A_31 = arith.maximumf %max3A, %get3A_25 : vector<16xf32>
        %min3A = vector.broadcast %jit3A_30 : f32 to vector<16xf32>
        %min3A_32 = arith.minimumf %min3A, %max3A_31 : vector<16xf32>
        %jit3A_33 = arith.constant -4.000000e+01 : f32
        %jit3A_34 = arith.constant 4.000000e+01 : f32
        %max3A_35 = vector.broadcast %jit3A_33 : f32 to vector<16xf32>
        %max3A_36 = arith.maximumf %max3A_35, %get3A_29 : vector<16xf32>
        %min3A_37 = vector.broadcast %jit3A_34 : f32 to vector<16xf32>
        %min3A_38 = arith.minimumf %min3A_37, %max3A_36 : vector<16xf32>
        %convert_element_type3A = arith.fptosi %min3A_32 : vector<16xf32> to vector<16xi32>
        %convert_element_type3A_39 = arith.sitofp %convert_element_type3A : vector<16xi32> to vector<16xf32>
        %gt3A = arith.cmpf ogt, %convert_element_type3A_39, %min3A_32 : vector<16xf32>
        %sub3A = arith.constant 1.000000e+00 : f32
        %sub3A_40 = vector.broadcast %sub3A : f32 to vector<16xf32>
        %sub3A_41 = arith.subf %convert_element_type3A_39, %sub3A_40 : vector<16xf32>
        %select_n3A = arith.select %gt3A, %sub3A_41, %convert_element_type3A_39 : vector<16xi1>, vector<16xf32>
        %gt3A_42 = arith.cmpf ogt, %convert_element_type3A_39, %min3A_32 : vector<16xf32>
        %sub3A_43 = arith.constant 1 : i32
        %sub3A_44 = vector.broadcast %sub3A_43 : i32 to vector<16xi32>
        %sub3A_45 = arith.subi %convert_element_type3A, %sub3A_44 : vector<16xi32>
        %select_n3A_46 = arith.select %gt3A_42, %sub3A_45, %convert_element_type3A : vector<16xi1>, vector<16xi32>
        %convert_element_type3A_47 = arith.fptosi %min3A_38 : vector<16xf32> to vector<16xi32>
        %convert_element_type3A_48 = arith.sitofp %convert_element_type3A_47 : vector<16xi32> to vector<16xf32>
        %gt3A_49 = arith.cmpf ogt, %convert_element_type3A_48, %min3A_38 : vector<16xf32>
        %sub3A_50 = arith.constant 1.000000e+00 : f32
        %sub3A_51 = vector.broadcast %sub3A_50 : f32 to vector<16xf32>
        %sub3A_52 = arith.subf %convert_element_type3A_48, %sub3A_51 : vector<16xf32>
        %select_n3A_53 = arith.select %gt3A_49, %sub3A_52, %convert_element_type3A_48 : vector<16xi1>, vector<16xf32>
        %gt3A_54 = arith.cmpf ogt, %convert_element_type3A_48, %min3A_38 : vector<16xf32>
        %sub3A_55 = arith.constant 1 : i32
        %sub3A_56 = vector.broadcast %sub3A_55 : i32 to vector<16xi32>
        %sub3A_57 = arith.subi %convert_element_type3A_47, %sub3A_56 : vector<16xi32>
        %select_n3A_58 = arith.select %gt3A_54, %sub3A_57, %convert_element_type3A_47 : vector<16xi1>, vector<16xi32>
        %sub3A_59 = arith.subf %min3A_32, %select_n3A : vector<16xf32>
        %sub3A_60 = arith.subf %min3A_38, %select_n3A_53 : vector<16xf32>
        %ge3A = arith.constant 0.000000e+00 : f32
        %ge3A_61 = vector.broadcast %ge3A : f32 to vector<16xf32>
        %ge3A_62 = arith.cmpf oge, %select_n3A, %ge3A_61 : vector<16xf32>
        %le3A = arith.constant 3.100000e+01 : f32
        %le3A_63 = vector.broadcast %le3A : f32 to vector<16xf32>
        %le3A_64 = arith.cmpf ole, %select_n3A, %le3A_63 : vector<16xf32>
        %and3A = arith.andi %ge3A_62, %le3A_64 : vector<16xi1>
        %add3A_65 = arith.constant 1.000000e+00 : f32
        %add3A_66 = vector.broadcast %add3A_65 : f32 to vector<16xf32>
        %add3A_67 = arith.addf %select_n3A, %add3A_66 : vector<16xf32>
        %ge3A_68 = arith.constant 0.000000e+00 : f32
        %ge3A_69 = vector.broadcast %ge3A_68 : f32 to vector<16xf32>
        %ge3A_70 = arith.cmpf oge, %add3A_67, %ge3A_69 : vector<16xf32>
        %add3A_71 = arith.constant 1.000000e+00 : f32
        %add3A_72 = vector.broadcast %add3A_71 : f32 to vector<16xf32>
        %add3A_73 = arith.addf %select_n3A, %add3A_72 : vector<16xf32>
        %le3A_74 = arith.constant 3.100000e+01 : f32
        %le3A_75 = vector.broadcast %le3A_74 : f32 to vector<16xf32>
        %le3A_76 = arith.cmpf ole, %add3A_73, %le3A_75 : vector<16xf32>
        %and3A_77 = arith.andi %ge3A_70, %le3A_76 : vector<16xi1>
        %ge3A_78 = arith.constant 0.000000e+00 : f32
        %ge3A_79 = vector.broadcast %ge3A_78 : f32 to vector<16xf32>
        %ge3A_80 = arith.cmpf oge, %select_n3A_53, %ge3A_79 : vector<16xf32>
        %le3A_81 = arith.constant 3.100000e+01 : f32
        %le3A_82 = vector.broadcast %le3A_81 : f32 to vector<16xf32>
        %le3A_83 = arith.cmpf ole, %select_n3A_53, %le3A_82 : vector<16xf32>
        %and3A_84 = arith.andi %ge3A_80, %le3A_83 : vector<16xi1>
        %add3A_85 = arith.constant 1.000000e+00 : f32
        %add3A_86 = vector.broadcast %add3A_85 : f32 to vector<16xf32>
        %add3A_87 = arith.addf %select_n3A_53, %add3A_86 : vector<16xf32>
        %ge3A_88 = arith.constant 0.000000e+00 : f32
        %ge3A_89 = vector.broadcast %ge3A_88 : f32 to vector<16xf32>
        %ge3A_90 = arith.cmpf oge, %add3A_87, %ge3A_89 : vector<16xf32>
        %add3A_91 = arith.constant 1.000000e+00 : f32
        %add3A_92 = vector.broadcast %add3A_91 : f32 to vector<16xf32>
        %add3A_93 = arith.addf %select_n3A_53, %add3A_92 : vector<16xf32>
        %le3A_94 = arith.constant 3.100000e+01 : f32
        %le3A_95 = vector.broadcast %le3A_94 : f32 to vector<16xf32>
        %le3A_96 = arith.cmpf ole, %add3A_93, %le3A_95 : vector<16xf32>
        %and3A_97 = arith.andi %ge3A_90, %le3A_96 : vector<16xi1>
        %broadcast_in_dim3A = arith.constant 0.000000e+00 : f32
        %broadcast_in_dim3A_98 = vector.broadcast %broadcast_in_dim3A : f32 to vector<16xf32>
        %and3A_99 = arith.andi %and3A_84, %and3A : vector<16xi1>
        %sub3A_100 = arith.constant 1.000000e+00 : f32
        %sub3A_101 = vector.broadcast %sub3A_100 : f32 to vector<16xf32>
        %sub3A_102 = arith.subf %sub3A_101, %sub3A_59 : vector<16xf32>
        %sub3A_103 = arith.constant 1.000000e+00 : f32
        %sub3A_104 = vector.broadcast %sub3A_103 : f32 to vector<16xf32>
        %sub3A_105 = arith.subf %sub3A_104, %sub3A_60 : vector<16xf32>
        %mul3A_106 = arith.mulf %sub3A_102, %sub3A_105 : vector<16xf32>
        %select_n3A_107 = arith.select %and3A_99, %mul3A_106, %broadcast_in_dim3A_98 : vector<16xi1>, vector<16xf32>
        %and3A_108 = arith.andi %and3A_97, %and3A : vector<16xi1>
        %sub3A_109 = arith.constant 1.000000e+00 : f32
        %sub3A_110 = vector.broadcast %sub3A_109 : f32 to vector<16xf32>
        %sub3A_111 = arith.subf %sub3A_110, %sub3A_59 : vector<16xf32>
        %mul3A_112 = arith.mulf %sub3A_111, %sub3A_60 : vector<16xf32>
        %select_n3A_113 = arith.select %and3A_108, %mul3A_112, %broadcast_in_dim3A_98 : vector<16xi1>, vector<16xf32>
        %and3A_114 = arith.andi %and3A_84, %and3A_77 : vector<16xi1>
        %sub3A_115 = arith.constant 1.000000e+00 : f32
        %sub3A_116 = vector.broadcast %sub3A_115 : f32 to vector<16xf32>
        %sub3A_117 = arith.subf %sub3A_116, %sub3A_60 : vector<16xf32>
        %mul3A_118 = arith.mulf %sub3A_59, %sub3A_117 : vector<16xf32>
        %select_n3A_119 = arith.select %and3A_114, %mul3A_118, %broadcast_in_dim3A_98 : vector<16xi1>, vector<16xf32>
        %and3A_120 = arith.andi %and3A_97, %and3A_77 : vector<16xi1>
        %mul3A_121 = arith.mulf %sub3A_59, %sub3A_60 : vector<16xf32>
        %select_n3A_122 = arith.select %and3A_120, %mul3A_121, %broadcast_in_dim3A_98 : vector<16xi1>, vector<16xf32>
        %jit3A_123 = arith.constant 0 : i32
        %jit3A_124 = arith.constant 31 : i32
        %max3A_125 = vector.broadcast %jit3A_123 : i32 to vector<16xi32>
        %max3A_126 = arith.maxsi %max3A_125, %select_n3A_46 : vector<16xi32>
        %min3A_127 = vector.broadcast %jit3A_124 : i32 to vector<16xi32>
        %min3A_128 = arith.minsi %min3A_127, %max3A_126 : vector<16xi32>
        %add3A_129 = arith.constant 1 : i32
        %add3A_130 = vector.broadcast %add3A_129 : i32 to vector<16xi32>
        %add3A_131 = arith.addi %select_n3A_46, %add3A_130 : vector<16xi32>
        %jit3A_132 = arith.constant 0 : i32
        %jit3A_133 = arith.constant 31 : i32
        %max3A_134 = vector.broadcast %jit3A_132 : i32 to vector<16xi32>
        %max3A_135 = arith.maxsi %max3A_134, %add3A_131 : vector<16xi32>
        %min3A_136 = vector.broadcast %jit3A_133 : i32 to vector<16xi32>
        %min3A_137 = arith.minsi %min3A_136, %max3A_135 : vector<16xi32>
        %jit3A_138 = arith.constant 0 : i32
        %jit3A_139 = arith.constant 31 : i32
        %max3A_140 = vector.broadcast %jit3A_138 : i32 to vector<16xi32>
        %max3A_141 = arith.maxsi %max3A_140, %select_n3A_58 : vector<16xi32>
        %min3A_142 = vector.broadcast %jit3A_139 : i32 to vector<16xi32>
        %min3A_143 = arith.minsi %min3A_142, %max3A_141 : vector<16xi32>
        %add3A_144 = arith.constant 1 : i32
        %add3A_145 = vector.broadcast %add3A_144 : i32 to vector<16xi32>
        %add3A_146 = arith.addi %select_n3A_58, %add3A_145 : vector<16xi32>
        %jit3A_147 = arith.constant 0 : i32
        %jit3A_148 = arith.constant 31 : i32
        %max3A_149 = vector.broadcast %jit3A_147 : i32 to vector<16xi32>
        %max3A_150 = arith.maxsi %max3A_149, %add3A_146 : vector<16xi32>
        %min3A_151 = vector.broadcast %jit3A_148 : i32 to vector<16xi32>
        %min3A_152 = arith.minsi %min3A_151, %max3A_150 : vector<16xi32>
        %mul3A_153 = arith.constant 32 : i32
        %mul3A_154 = vector.broadcast %mul3A_153 : i32 to vector<16xi32>
        %mul3A_155 = arith.muli %min3A_128, %mul3A_154 : vector<16xi32>
        %add3A_156 = arith.addi %mul3A_155, %min3A_143 : vector<16xi32>
        %mul3A_157 = arith.constant 32 : i32
        %mul3A_158 = vector.broadcast %mul3A_157 : i32 to vector<16xi32>
        %mul3A_159 = arith.muli %min3A_137, %mul3A_158 : vector<16xi32>
        %add3A_160 = arith.addi %mul3A_159, %min3A_143 : vector<16xi32>
        %mul3A_161 = arith.constant 32 : i32
        %mul3A_162 = vector.broadcast %mul3A_161 : i32 to vector<16xi32>
        %mul3A_163 = arith.muli %min3A_128, %mul3A_162 : vector<16xi32>
        %add3A_164 = arith.addi %mul3A_163, %min3A_152 : vector<16xi32>
        %mul3A_165 = arith.constant 32 : i32
        %mul3A_166 = vector.broadcast %mul3A_165 : i32 to vector<16xi32>
        %mul3A_167 = arith.muli %min3A_137, %mul3A_166 : vector<16xi32>
        %add3A_168 = arith.addi %mul3A_167, %min3A_152 : vector<16xi32>
        %get3A_169 = arith.constant 1 : i32
        %get3A_170 = arith.index_cast %get3A_169 : i32 to index
        %get3A_171 = arith.index_cast %mul3A_22 : i32 to index
        %get3A_172 = tpu.vector_load %arg8[%get3A_170, %get3A_171] {strides = array<i32>} : memref<8x256xf32, #tpu.memory_space<vmem>>, vector<16xf32>,
        %get3A_173 = arith.constant 1 : i32
        %get3A_174 = arith.index_cast %get3A_173 : i32 to index
        %get3A_175 = arith.index_cast %mul3A_22 : i32 to index
        %get3A_176 = tpu.vector_load %arg9[%get3A_174, %get3A_175] {strides = array<i32>} : memref<8x256xf32, #tpu.memory_space<vmem>>, vector<16xf32>,
        %jit3A_177 = arith.constant -4.000000e+01 : f32
        %jit3A_178 = arith.constant 4.000000e+01 : f32
        %max3A_179 = vector.broadcast %jit3A_177 : f32 to vector<16xf32>
        %max3A_180 = arith.maximumf %max3A_179, %get3A_172 : vector<16xf32>
        %min3A_181 = vector.broadcast %jit3A_178 : f32 to vector<16xf32>
        %min3A_182 = arith.minimumf %min3A_181, %max3A_180 : vector<16xf32>
        %jit3A_183 = arith.constant -4.000000e+01 : f32
        %jit3A_184 = arith.constant 4.000000e+01 : f32
        %max3A_185 = vector.broadcast %jit3A_183 : f32 to vector<16xf32>
        %max3A_186 = arith.maximumf %max3A_185, %get3A_176 : vector<16xf32>
        %min3A_187 = vector.broadcast %jit3A_184 : f32 to vector<16xf32>
        %min3A_188 = arith.minimumf %min3A_187, %max3A_186 : vector<16xf32>
        %convert_element_type3A_189 = arith.fptosi %min3A_182 : vector<16xf32> to vector<16xi32>
        %convert_element_type3A_190 = arith.sitofp %convert_element_type3A_189 : vector<16xi32> to vector<16xf32>
        %gt3A_191 = arith.cmpf ogt, %convert_element_type3A_190, %min3A_182 : vector<16xf32>
        %sub3A_192 = arith.constant 1.000000e+00 : f32
        %sub3A_193 = vector.broadcast %sub3A_192 : f32 to vector<16xf32>
        %sub3A_194 = arith.subf %convert_element_type3A_190, %sub3A_193 : vector<16xf32>
        %select_n3A_195 = arith.select %gt3A_191, %sub3A_194, %convert_element_type3A_190 : vector<16xi1>, vector<16xf32>
        %gt3A_196 = arith.cmpf ogt, %convert_element_type3A_190, %min3A_182 : vector<16xf32>
        %sub3A_197 = arith.constant 1 : i32
        %sub3A_198 = vector.broadcast %sub3A_197 : i32 to vector<16xi32>
        %sub3A_199 = arith.subi %convert_element_type3A_189, %sub3A_198 : vector<16xi32>
        %select_n3A_200 = arith.select %gt3A_196, %sub3A_199, %convert_element_type3A_189 : vector<16xi1>, vector<16xi32>
        %convert_element_type3A_201 = arith.fptosi %min3A_188 : vector<16xf32> to vector<16xi32>
        %convert_element_type3A_202 = arith.sitofp %convert_element_type3A_201 : vector<16xi32> to vector<16xf32>
        %gt3A_203 = arith.cmpf ogt, %convert_element_type3A_202, %min3A_188 : vector<16xf32>
        %sub3A_204 = arith.constant 1.000000e+00 : f32
        %sub3A_205 = vector.broadcast %sub3A_204 : f32 to vector<16xf32>
        %sub3A_206 = arith.subf %convert_element_type3A_202, %sub3A_205 : vector<16xf32>
        %select_n3A_207 = arith.select %gt3A_203, %sub3A_206, %convert_element_type3A_202 : vector<16xi1>, vector<16xf32>
        %gt3A_208 = arith.cmpf ogt, %convert_element_type3A_202, %min3A_188 : vector<16xf32>
        %sub3A_209 = arith.constant 1 : i32
        %sub3A_210 = vector.broadcast %sub3A_209 : i32 to vector<16xi32>
        %sub3A_211 = arith.subi %convert_element_type3A_201, %sub3A_210 : vector<16xi32>
        %select_n3A_212 = arith.select %gt3A_208, %sub3A_211, %convert_element_type3A_201 : vector<16xi1>, vector<16xi32>
        %sub3A_213 = arith.subf %min3A_182, %select_n3A_195 : vector<16xf32>
        %sub3A_214 = arith.subf %min3A_188, %select_n3A_207 : vector<16xf32>
        %ge3A_215 = arith.constant 0.000000e+00 : f32
        %ge3A_216 = vector.broadcast %ge3A_215 : f32 to vector<16xf32>
        %ge3A_217 = arith.cmpf oge, %select_n3A_195, %ge3A_216 : vector<16xf32>
        %le3A_218 = arith.constant 3.100000e+01 : f32
        %le3A_219 = vector.broadcast %le3A_218 : f32 to vector<16xf32>
        %le3A_220 = arith.cmpf ole, %select_n3A_195, %le3A_219 : vector<16xf32>
        %and3A_221 = arith.andi %ge3A_217, %le3A_220 : vector<16xi1>
        %add3A_222 = arith.constant 1.000000e+00 : f32
        %add3A_223 = vector.broadcast %add3A_222 : f32 to vector<16xf32>
        %add3A_224 = arith.addf %select_n3A_195, %add3A_223 : vector<16xf32>
        %ge3A_225 = arith.constant 0.000000e+00 : f32
        %ge3A_226 = vector.broadcast %ge3A_225 : f32 to vector<16xf32>
        %ge3A_227 = arith.cmpf oge, %add3A_224, %ge3A_226 : vector<16xf32>
        %add3A_228 = arith.constant 1.000000e+00 : f32
        %add3A_229 = vector.broadcast %add3A_228 : f32 to vector<16xf32>
        %add3A_230 = arith.addf %select_n3A_195, %add3A_229 : vector<16xf32>
        %le3A_231 = arith.constant 3.100000e+01 : f32
        %le3A_232 = vector.broadcast %le3A_231 : f32 to vector<16xf32>
        %le3A_233 = arith.cmpf ole, %add3A_230, %le3A_232 : vector<16xf32>
        %and3A_234 = arith.andi %ge3A_227, %le3A_233 : vector<16xi1>
        %ge3A_235 = arith.constant 0.000000e+00 : f32
        %ge3A_236 = vector.broadcast %ge3A_235 : f32 to vector<16xf32>
        %ge3A_237 = arith.cmpf oge, %select_n3A_207, %ge3A_236 : vector<16xf32>
        %le3A_238 = arith.constant 3.100000e+01 : f32
        %le3A_239 = vector.broadcast %le3A_238 : f32 to vector<16xf32>
        %le3A_240 = arith.cmpf ole, %select_n3A_207, %le3A_239 : vector<16xf32>
        %and3A_241 = arith.andi %ge3A_237, %le3A_240 : vector<16xi1>
        %add3A_242 = arith.constant 1.000000e+00 : f32
        %add3A_243 = vector.broadcast %add3A_242 : f32 to vector<16xf32>
        %add3A_244 = arith.addf %select_n3A_207, %add3A_243 : vector<16xf32>
        %ge3A_245 = arith.constant 0.000000e+00 : f32
        %ge3A_246 = vector.broadcast %ge3A_245 : f32 to vector<16xf32>
        %ge3A_247 = arith.cmpf oge, %add3A_244, %ge3A_246 : vector<16xf32>
        %add3A_248 = arith.constant 1.000000e+00 : f32
        %add3A_249 = vector.broadcast %add3A_248 : f32 to vector<16xf32>
        %add3A_250 = arith.addf %select_n3A_207, %add3A_249 : vector<16xf32>
        %le3A_251 = arith.constant 3.100000e+01 : f32
        %le3A_252 = vector.broadcast %le3A_251 : f32 to vector<16xf32>
        %le3A_253 = arith.cmpf ole, %add3A_250, %le3A_252 : vector<16xf32>
        %and3A_254 = arith.andi %ge3A_247, %le3A_253 : vector<16xi1>
        %broadcast_in_dim3A_255 = arith.constant 0.000000e+00 : f32
        %broadcast_in_dim3A_256 = vector.broadcast %broadcast_in_dim3A_255 : f32 to vector<16xf32>
        %and3A_257 = arith.andi %and3A_241, %and3A_221 : vector<16xi1>
        %sub3A_258 = arith.constant 1.000000e+00 : f32
        %sub3A_259 = vector.broadcast %sub3A_258 : f32 to vector<16xf32>
        %sub3A_260 = arith.subf %sub3A_259, %sub3A_213 : vector<16xf32>
        %sub3A_261 = arith.constant 1.000000e+00 : f32
        %sub3A_262 = vector.broadcast %sub3A_261 : f32 to vector<16xf32>
        %sub3A_263 = arith.subf %sub3A_262, %sub3A_214 : vector<16xf32>
        %mul3A_264 = arith.mulf %sub3A_260, %sub3A_263 : vector<16xf32>
        %select_n3A_265 = arith.select %and3A_257, %mul3A_264, %broadcast_in_dim3A_256 : vector<16xi1>, vector<16xf32>
        %and3A_266 = arith.andi %and3A_254, %and3A_221 : vector<16xi1>
        %sub3A_267 = arith.constant 1.000000e+00 : f32
        %sub3A_268 = vector.broadcast %sub3A_267 : f32 to vector<16xf32>
        %sub3A_269 = arith.subf %sub3A_268, %sub3A_213 : vector<16xf32>
        %mul3A_270 = arith.mulf %sub3A_269, %sub3A_214 : vector<16xf32>
        %select_n3A_271 = arith.select %and3A_266, %mul3A_270, %broadcast_in_dim3A_256 : vector<16xi1>, vector<16xf32>
        %and3A_272 = arith.andi %and3A_241, %and3A_234 : vector<16xi1>
        %sub3A_273 = arith.constant 1.000000e+00 : f32
        %sub3A_274 = vector.broadcast %sub3A_273 : f32 to vector<16xf32>
        %sub3A_275 = arith.subf %sub3A_274, %sub3A_214 : vector<16xf32>
        %mul3A_276 = arith.mulf %sub3A_213, %sub3A_275 : vector<16xf32>
        %select_n3A_277 = arith.select %and3A_272, %mul3A_276, %broadcast_in_dim3A_256 : vector<16xi1>, vector<16xf32>
        %and3A_278 = arith.andi %and3A_254, %and3A_234 : vector<16xi1>
        %mul3A_279 = arith.mulf %sub3A_213, %sub3A_214 : vector<16xf32>
        %select_n3A_280 = arith.select %and3A_278, %mul3A_279, %broadcast_in_dim3A_256 : vector<16xi1>, vector<16xf32>
        %jit3A_281 = arith.constant 0 : i32
        %jit3A_282 = arith.constant 31 : i32
        %max3A_283 = vector.broadcast %jit3A_281 : i32 to vector<16xi32>
        %max3A_284 = arith.maxsi %max3A_283, %select_n3A_200 : vector<16xi32>
        %min3A_285 = vector.broadcast %jit3A_282 : i32 to vector<16xi32>
        %min3A_286 = arith.minsi %min3A_285, %max3A_284 : vector<16xi32>
        %add3A_287 = arith.constant 1 : i32
        %add3A_288 = vector.broadcast %add3A_287 : i32 to vector<16xi32>
        %add3A_289 = arith.addi %select_n3A_200, %add3A_288 : vector<16xi32>
        %jit3A_290 = arith.constant 0 : i32
        %jit3A_291 = arith.constant 31 : i32
        %max3A_292 = vector.broadcast %jit3A_290 : i32 to vector<16xi32>
        %max3A_293 = arith.maxsi %max3A_292, %add3A_289 : vector<16xi32>
        %min3A_294 = vector.broadcast %jit3A_291 : i32 to vector<16xi32>
        %min3A_295 = arith.minsi %min3A_294, %max3A_293 : vector<16xi32>
        %jit3A_296 = arith.constant 0 : i32
        %jit3A_297 = arith.constant 31 : i32
        %max3A_298 = vector.broadcast %jit3A_296 : i32 to vector<16xi32>
        %max3A_299 = arith.maxsi %max3A_298, %select_n3A_212 : vector<16xi32>
        %min3A_300 = vector.broadcast %jit3A_297 : i32 to vector<16xi32>
        %min3A_301 = arith.minsi %min3A_300, %max3A_299 : vector<16xi32>
        %add3A_302 = arith.constant 1 : i32
        %add3A_303 = vector.broadcast %add3A_302 : i32 to vector<16xi32>
        %add3A_304 = arith.addi %select_n3A_212, %add3A_303 : vector<16xi32>
        %jit3A_305 = arith.constant 0 : i32
        %jit3A_306 = arith.constant 31 : i32
        %max3A_307 = vector.broadcast %jit3A_305 : i32 to vector<16xi32>
        %max3A_308 = arith.maxsi %max3A_307, %add3A_304 : vector<16xi32>
        %min3A_309 = vector.broadcast %jit3A_306 : i32 to vector<16xi32>
        %min3A_310 = arith.minsi %min3A_309, %max3A_308 : vector<16xi32>
        %mul3A_311 = arith.constant 32 : i32
        %mul3A_312 = vector.broadcast %mul3A_311 : i32 to vector<16xi32>
        %mul3A_313 = arith.muli %min3A_286, %mul3A_312 : vector<16xi32>
        %add3A_314 = arith.addi %mul3A_313, %min3A_301 : vector<16xi32>
        %mul3A_315 = arith.constant 32 : i32
        %mul3A_316 = vector.broadcast %mul3A_315 : i32 to vector<16xi32>
        %mul3A_317 = arith.muli %min3A_295, %mul3A_316 : vector<16xi32>
        %add3A_318 = arith.addi %mul3A_317, %min3A_301 : vector<16xi32>
        %mul3A_319 = arith.constant 32 : i32
        %mul3A_320 = vector.broadcast %mul3A_319 : i32 to vector<16xi32>
        %mul3A_321 = arith.muli %min3A_286, %mul3A_320 : vector<16xi32>
        %add3A_322 = arith.addi %mul3A_321, %min3A_310 : vector<16xi32>
        %mul3A_323 = arith.constant 32 : i32
        %mul3A_324 = vector.broadcast %mul3A_323 : i32 to vector<16xi32>
        %mul3A_325 = arith.muli %min3A_295, %mul3A_324 : vector<16xi32>
        %add3A_326 = arith.addi %mul3A_325, %min3A_310 : vector<16xi32>
        %get3A_327 = arith.constant 2 : i32
        %get3A_328 = arith.index_cast %get3A_327 : i32 to index
        %get3A_329 = arith.index_cast %mul3A_22 : i32 to index
        %get3A_330 = tpu.vector_load %arg8[%get3A_328, %get3A_329] {strides = array<i32>} : memref<8x256xf32, #tpu.memory_space<vmem>>, vector<16xf32>,
        %get3A_331 = arith.constant 2 : i32
        %get3A_332 = arith.index_cast %get3A_331 : i32 to index
        %get3A_333 = arith.index_cast %mul3A_22 : i32 to index
        %get3A_334 = tpu.vector_load %arg9[%get3A_332, %get3A_333] {strides = array<i32>} : memref<8x256xf32, #tpu.memory_space<vmem>>, vector<16xf32>,
        %jit3A_335 = arith.constant -4.000000e+01 : f32
        %jit3A_336 = arith.constant 4.000000e+01 : f32
        %max3A_337 = vector.broadcast %jit3A_335 : f32 to vector<16xf32>
        %max3A_338 = arith.maximumf %max3A_337, %get3A_330 : vector<16xf32>
        %min3A_339 = vector.broadcast %jit3A_336 : f32 to vector<16xf32>
        %min3A_340 = arith.minimumf %min3A_339, %max3A_338 : vector<16xf32>
        %jit3A_341 = arith.constant -4.000000e+01 : f32
        %jit3A_342 = arith.constant 4.000000e+01 : f32
        %max3A_343 = vector.broadcast %jit3A_341 : f32 to vector<16xf32>
        %max3A_344 = arith.maximumf %max3A_343, %get3A_334 : vector<16xf32>
        %min3A_345 = vector.broadcast %jit3A_342 : f32 to vector<16xf32>
        %min3A_346 = arith.minimumf %min3A_345, %max3A_344 : vector<16xf32>
        %convert_element_type3A_347 = arith.fptosi %min3A_340 : vector<16xf32> to vector<16xi32>
        %convert_element_type3A_348 = arith.sitofp %convert_element_type3A_347 : vector<16xi32> to vector<16xf32>
        %gt3A_349 = arith.cmpf ogt, %convert_element_type3A_348, %min3A_340 : vector<16xf32>
        %sub3A_350 = arith.constant 1.000000e+00 : f32
        %sub3A_351 = vector.broadcast %sub3A_350 : f32 to vector<16xf32>
        %sub3A_352 = arith.subf %convert_element_type3A_348, %sub3A_351 : vector<16xf32>
        %select_n3A_353 = arith.select %gt3A_349, %sub3A_352, %convert_element_type3A_348 : vector<16xi1>, vector<16xf32>
        %gt3A_354 = arith.cmpf ogt, %convert_element_type3A_348, %min3A_340 : vector<16xf32>
        %sub3A_355 = arith.constant 1 : i32
        %sub3A_356 = vector.broadcast %sub3A_355 : i32 to vector<16xi32>
        %sub3A_357 = arith.subi %convert_element_type3A_347, %sub3A_356 : vector<16xi32>
        %select_n3A_358 = arith.select %gt3A_354, %sub3A_357, %convert_element_type3A_347 : vector<16xi1>, vector<16xi32>
        %convert_element_type3A_359 = arith.fptosi %min3A_346 : vector<16xf32> to vector<16xi32>
        %convert_element_type3A_360 = arith.sitofp %convert_element_type3A_359 : vector<16xi32> to vector<16xf32>
        %gt3A_361 = arith.cmpf ogt, %convert_element_type3A_360, %min3A_346 : vector<16xf32>
        %sub3A_362 = arith.constant 1.000000e+00 : f32
        %sub3A_363 = vector.broadcast %sub3A_362 : f32 to vector<16xf32>
        %sub3A_364 = arith.subf %convert_element_type3A_360, %sub3A_363 : vector<16xf32>
        %select_n3A_365 = arith.select %gt3A_361, %sub3A_364, %convert_element_type3A_360 : vector<16xi1>, vector<16xf32>
        %gt3A_366 = arith.cmpf ogt, %convert_element_type3A_360, %min3A_346 : vector<16xf32>
        %sub3A_367 = arith.constant 1 : i32
        %sub3A_368 = vector.broadcast %sub3A_367 : i32 to vector<16xi32>
        %sub3A_369 = arith.subi %convert_element_type3A_359, %sub3A_368 : vector<16xi32>
        %select_n3A_370 = arith.select %gt3A_366, %sub3A_369, %convert_element_type3A_359 : vector<16xi1>, vector<16xi32>
        %sub3A_371 = arith.subf %min3A_340, %select_n3A_353 : vector<16xf32>
        %sub3A_372 = arith.subf %min3A_346, %select_n3A_365 : vector<16xf32>
        %ge3A_373 = arith.constant 0.000000e+00 : f32
        %ge3A_374 = vector.broadcast %ge3A_373 : f32 to vector<16xf32>
        %ge3A_375 = arith.cmpf oge, %select_n3A_353, %ge3A_374 : vector<16xf32>
        %le3A_376 = arith.constant 3.100000e+01 : f32
        %le3A_377 = vector.broadcast %le3A_376 : f32 to vector<16xf32>
        %le3A_378 = arith.cmpf ole, %select_n3A_353, %le3A_377 : vector<16xf32>
        %and3A_379 = arith.andi %ge3A_375, %le3A_378 : vector<16xi1>
        %add3A_380 = arith.constant 1.000000e+00 : f32
        %add3A_381 = vector.broadcast %add3A_380 : f32 to vector<16xf32>
        %add3A_382 = arith.addf %select_n3A_353, %add3A_381 : vector<16xf32>
        %ge3A_383 = arith.constant 0.000000e+00 : f32
        %ge3A_384 = vector.broadcast %ge3A_383 : f32 to vector<16xf32>
        %ge3A_385 = arith.cmpf oge, %add3A_382, %ge3A_384 : vector<16xf32>
        %add3A_386 = arith.constant 1.000000e+00 : f32
        %add3A_387 = vector.broadcast %add3A_386 : f32 to vector<16xf32>
        %add3A_388 = arith.addf %select_n3A_353, %add3A_387 : vector<16xf32>
        %le3A_389 = arith.constant 3.100000e+01 : f32
        %le3A_390 = vector.broadcast %le3A_389 : f32 to vector<16xf32>
        %le3A_391 = arith.cmpf ole, %add3A_388, %le3A_390 : vector<16xf32>
        %and3A_392 = arith.andi %ge3A_385, %le3A_391 : vector<16xi1>
        %ge3A_393 = arith.constant 0.000000e+00 : f32
        %ge3A_394 = vector.broadcast %ge3A_393 : f32 to vector<16xf32>
        %ge3A_395 = arith.cmpf oge, %select_n3A_365, %ge3A_394 : vector<16xf32>
        %le3A_396 = arith.constant 3.100000e+01 : f32
        %le3A_397 = vector.broadcast %le3A_396 : f32 to vector<16xf32>
        %le3A_398 = arith.cmpf ole, %select_n3A_365, %le3A_397 : vector<16xf32>
        %and3A_399 = arith.andi %ge3A_395, %le3A_398 : vector<16xi1>
        %add3A_400 = arith.constant 1.000000e+00 : f32
        %add3A_401 = vector.broadcast %add3A_400 : f32 to vector<16xf32>
        %add3A_402 = arith.addf %select_n3A_365, %add3A_401 : vector<16xf32>
        %ge3A_403 = arith.constant 0.000000e+00 : f32
        %ge3A_404 = vector.broadcast %ge3A_403 : f32 to vector<16xf32>
        %ge3A_405 = arith.cmpf oge, %add3A_402, %ge3A_404 : vector<16xf32>
        %add3A_406 = arith.constant 1.000000e+00 : f32
        %add3A_407 = vector.broadcast %add3A_406 : f32 to vector<16xf32>
        %add3A_408 = arith.addf %select_n3A_365, %add3A_407 : vector<16xf32>
        %le3A_409 = arith.constant 3.100000e+01 : f32
        %le3A_410 = vector.broadcast %le3A_409 : f32 to vector<16xf32>
        %le3A_411 = arith.cmpf ole, %add3A_408, %le3A_410 : vector<16xf32>
        %and3A_412 = arith.andi %ge3A_405, %le3A_411 : vector<16xi1>
        %broadcast_in_dim3A_413 = arith.constant 0.000000e+00 : f32
        %broadcast_in_dim3A_414 = vector.broadcast %broadcast_in_dim3A_413 : f32 to vector<16xf32>
        %and3A_415 = arith.andi %and3A_399, %and3A_379 : vector<16xi1>
        %sub3A_416 = arith.constant 1.000000e+00 : f32
        %sub3A_417 = vector.broadcast %sub3A_416 : f32 to vector<16xf32>
        %sub3A_418 = arith.subf %sub3A_417, %sub3A_371 : vector<16xf32>
        %sub3A_419 = arith.constant 1.000000e+00 : f32
        %sub3A_420 = vector.broadcast %sub3A_419 : f32 to vector<16xf32>
        %sub3A_421 = arith.subf %sub3A_420, %sub3A_372 : vector<16xf32>
        %mul3A_422 = arith.mulf %sub3A_418, %sub3A_421 : vector<16xf32>
        %select_n3A_423 = arith.select %and3A_415, %mul3A_422, %broadcast_in_dim3A_414 : vector<16xi1>, vector<16xf32>
        %and3A_424 = arith.andi %and3A_412, %and3A_379 : vector<16xi1>
        %sub3A_425 = arith.constant 1.000000e+00 : f32
        %sub3A_426 = vector.broadcast %sub3A_425 : f32 to vector<16xf32>
        %sub3A_427 = arith.subf %sub3A_426, %sub3A_371 : vector<16xf32>
        %mul3A_428 = arith.mulf %sub3A_427, %sub3A_372 : vector<16xf32>
        %select_n3A_429 = arith.select %and3A_424, %mul3A_428, %broadcast_in_dim3A_414 : vector<16xi1>, vector<16xf32>
        %and3A_430 = arith.andi %and3A_399, %and3A_392 : vector<16xi1>
        %sub3A_431 = arith.constant 1.000000e+00 : f32
        %sub3A_432 = vector.broadcast %sub3A_431 : f32 to vector<16xf32>
        %sub3A_433 = arith.subf %sub3A_432, %sub3A_372 : vector<16xf32>
        %mul3A_434 = arith.mulf %sub3A_371, %sub3A_433 : vector<16xf32>
        %select_n3A_435 = arith.select %and3A_430, %mul3A_434, %broadcast_in_dim3A_414 : vector<16xi1>, vector<16xf32>
        %and3A_436 = arith.andi %and3A_412, %and3A_392 : vector<16xi1>
        %mul3A_437 = arith.mulf %sub3A_371, %sub3A_372 : vector<16xf32>
        %select_n3A_438 = arith.select %and3A_436, %mul3A_437, %broadcast_in_dim3A_414 : vector<16xi1>, vector<16xf32>
        %jit3A_439 = arith.constant 0 : i32
        %jit3A_440 = arith.constant 31 : i32
        %max3A_441 = vector.broadcast %jit3A_439 : i32 to vector<16xi32>
        %max3A_442 = arith.maxsi %max3A_441, %select_n3A_358 : vector<16xi32>
        %min3A_443 = vector.broadcast %jit3A_440 : i32 to vector<16xi32>
        %min3A_444 = arith.minsi %min3A_443, %max3A_442 : vector<16xi32>
        %add3A_445 = arith.constant 1 : i32
        %add3A_446 = vector.broadcast %add3A_445 : i32 to vector<16xi32>
        %add3A_447 = arith.addi %select_n3A_358, %add3A_446 : vector<16xi32>
        %jit3A_448 = arith.constant 0 : i32
        %jit3A_449 = arith.constant 31 : i32
        %max3A_450 = vector.broadcast %jit3A_448 : i32 to vector<16xi32>
        %max3A_451 = arith.maxsi %max3A_450, %add3A_447 : vector<16xi32>
        %min3A_452 = vector.broadcast %jit3A_449 : i32 to vector<16xi32>
        %min3A_453 = arith.minsi %min3A_452, %max3A_451 : vector<16xi32>
        %jit3A_454 = arith.constant 0 : i32
        %jit3A_455 = arith.constant 31 : i32
        %max3A_456 = vector.broadcast %jit3A_454 : i32 to vector<16xi32>
        %max3A_457 = arith.maxsi %max3A_456, %select_n3A_370 : vector<16xi32>
        %min3A_458 = vector.broadcast %jit3A_455 : i32 to vector<16xi32>
        %min3A_459 = arith.minsi %min3A_458, %max3A_457 : vector<16xi32>
        %add3A_460 = arith.constant 1 : i32
        %add3A_461 = vector.broadcast %add3A_460 : i32 to vector<16xi32>
        %add3A_462 = arith.addi %select_n3A_370, %add3A_461 : vector<16xi32>
        %jit3A_463 = arith.constant 0 : i32
        %jit3A_464 = arith.constant 31 : i32
        %max3A_465 = vector.broadcast %jit3A_463 : i32 to vector<16xi32>
        %max3A_466 = arith.maxsi %max3A_465, %add3A_462 : vector<16xi32>
        %min3A_467 = vector.broadcast %jit3A_464 : i32 to vector<16xi32>
        %min3A_468 = arith.minsi %min3A_467, %max3A_466 : vector<16xi32>
        %mul3A_469 = arith.constant 32 : i32
        %mul3A_470 = vector.broadcast %mul3A_469 : i32 to vector<16xi32>
        %mul3A_471 = arith.muli %min3A_444, %mul3A_470 : vector<16xi32>
        %add3A_472 = arith.addi %mul3A_471, %min3A_459 : vector<16xi32>
        %mul3A_473 = arith.constant 32 : i32
        %mul3A_474 = vector.broadcast %mul3A_473 : i32 to vector<16xi32>
        %mul3A_475 = arith.muli %min3A_453, %mul3A_474 : vector<16xi32>
        %add3A_476 = arith.addi %mul3A_475, %min3A_459 : vector<16xi32>
        %mul3A_477 = arith.constant 32 : i32
        %mul3A_478 = vector.broadcast %mul3A_477 : i32 to vector<16xi32>
        %mul3A_479 = arith.muli %min3A_444, %mul3A_478 : vector<16xi32>
        %add3A_480 = arith.addi %mul3A_479, %min3A_468 : vector<16xi32>
        %mul3A_481 = arith.constant 32 : i32
        %mul3A_482 = vector.broadcast %mul3A_481 : i32 to vector<16xi32>
        %mul3A_483 = arith.muli %min3A_453, %mul3A_482 : vector<16xi32>
        %add3A_484 = arith.addi %mul3A_483, %min3A_468 : vector<16xi32>
        %get3A_485 = arith.constant 3 : i32
        %get3A_486 = arith.index_cast %get3A_485 : i32 to index
        %get3A_487 = arith.index_cast %mul3A_22 : i32 to index
        %get3A_488 = tpu.vector_load %arg8[%get3A_486, %get3A_487] {strides = array<i32>} : memref<8x256xf32, #tpu.memory_space<vmem>>, vector<16xf32>,
        %get3A_489 = arith.constant 3 : i32
        %get3A_490 = arith.index_cast %get3A_489 : i32 to index
        %get3A_491 = arith.index_cast %mul3A_22 : i32 to index
        %get3A_492 = tpu.vector_load %arg9[%get3A_490, %get3A_491] {strides = array<i32>} : memref<8x256xf32, #tpu.memory_space<vmem>>, vector<16xf32>,
        %jit3A_493 = arith.constant -4.000000e+01 : f32
        %jit3A_494 = arith.constant 4.000000e+01 : f32
        %max3A_495 = vector.broadcast %jit3A_493 : f32 to vector<16xf32>
        %max3A_496 = arith.maximumf %max3A_495, %get3A_488 : vector<16xf32>
        %min3A_497 = vector.broadcast %jit3A_494 : f32 to vector<16xf32>
        %min3A_498 = arith.minimumf %min3A_497, %max3A_496 : vector<16xf32>
        %jit3A_499 = arith.constant -4.000000e+01 : f32
        %jit3A_500 = arith.constant 4.000000e+01 : f32
        %max3A_501 = vector.broadcast %jit3A_499 : f32 to vector<16xf32>
        %max3A_502 = arith.maximumf %max3A_501, %get3A_492 : vector<16xf32>
        %min3A_503 = vector.broadcast %jit3A_500 : f32 to vector<16xf32>
        %min3A_504 = arith.minimumf %min3A_503, %max3A_502 : vector<16xf32>
        %convert_element_type3A_505 = arith.fptosi %min3A_498 : vector<16xf32> to vector<16xi32>
        %convert_element_type3A_506 = arith.sitofp %convert_element_type3A_505 : vector<16xi32> to vector<16xf32>
        %gt3A_507 = arith.cmpf ogt, %convert_element_type3A_506, %min3A_498 : vector<16xf32>
        %sub3A_508 = arith.constant 1.000000e+00 : f32
        %sub3A_509 = vector.broadcast %sub3A_508 : f32 to vector<16xf32>
        %sub3A_510 = arith.subf %convert_element_type3A_506, %sub3A_509 : vector<16xf32>
        %select_n3A_511 = arith.select %gt3A_507, %sub3A_510, %convert_element_type3A_506 : vector<16xi1>, vector<16xf32>
        %gt3A_512 = arith.cmpf ogt, %convert_element_type3A_506, %min3A_498 : vector<16xf32>
        %sub3A_513 = arith.constant 1 : i32
        %sub3A_514 = vector.broadcast %sub3A_513 : i32 to vector<16xi32>
        %sub3A_515 = arith.subi %convert_element_type3A_505, %sub3A_514 : vector<16xi32>
        %select_n3A_516 = arith.select %gt3A_512, %sub3A_515, %convert_element_type3A_505 : vector<16xi1>, vector<16xi32>
        %convert_element_type3A_517 = arith.fptosi %min3A_504 : vector<16xf32> to vector<16xi32>
        %convert_element_type3A_518 = arith.sitofp %convert_element_type3A_517 : vector<16xi32> to vector<16xf32>
        %gt3A_519 = arith.cmpf ogt, %convert_element_type3A_518, %min3A_504 : vector<16xf32>
        %sub3A_520 = arith.constant 1.000000e+00 : f32
        %sub3A_521 = vector.broadcast %sub3A_520 : f32 to vector<16xf32>
        %sub3A_522 = arith.subf %convert_element_type3A_518, %sub3A_521 : vector<16xf32>
        %select_n3A_523 = arith.select %gt3A_519, %sub3A_522, %convert_element_type3A_518 : vector<16xi1>, vector<16xf32>
        %gt3A_524 = arith.cmpf ogt, %convert_element_type3A_518, %min3A_504 : vector<16xf32>
        %sub3A_525 = arith.constant 1 : i32
        %sub3A_526 = vector.broadcast %sub3A_525 : i32 to vector<16xi32>
        %sub3A_527 = arith.subi %convert_element_type3A_517, %sub3A_526 : vector<16xi32>
        %select_n3A_528 = arith.select %gt3A_524, %sub3A_527, %convert_element_type3A_517 : vector<16xi1>, vector<16xi32>
        %sub3A_529 = arith.subf %min3A_498, %select_n3A_511 : vector<16xf32>
        %sub3A_530 = arith.subf %min3A_504, %select_n3A_523 : vector<16xf32>
        %ge3A_531 = arith.constant 0.000000e+00 : f32
        %ge3A_532 = vector.broadcast %ge3A_531 : f32 to vector<16xf32>
        %ge3A_533 = arith.cmpf oge, %select_n3A_511, %ge3A_532 : vector<16xf32>
        %le3A_534 = arith.constant 3.100000e+01 : f32
        %le3A_535 = vector.broadcast %le3A_534 : f32 to vector<16xf32>
        %le3A_536 = arith.cmpf ole, %select_n3A_511, %le3A_535 : vector<16xf32>
        %and3A_537 = arith.andi %ge3A_533, %le3A_536 : vector<16xi1>
        %add3A_538 = arith.constant 1.000000e+00 : f32
        %add3A_539 = vector.broadcast %add3A_538 : f32 to vector<16xf32>
        %add3A_540 = arith.addf %select_n3A_511, %add3A_539 : vector<16xf32>
        %ge3A_541 = arith.constant 0.000000e+00 : f32
        %ge3A_542 = vector.broadcast %ge3A_541 : f32 to vector<16xf32>
        %ge3A_543 = arith.cmpf oge, %add3A_540, %ge3A_542 : vector<16xf32>
        %add3A_544 = arith.constant 1.000000e+00 : f32
        %add3A_545 = vector.broadcast %add3A_544 : f32 to vector<16xf32>
        %add3A_546 = arith.addf %select_n3A_511, %add3A_545 : vector<16xf32>
        %le3A_547 = arith.constant 3.100000e+01 : f32
        %le3A_548 = vector.broadcast %le3A_547 : f32 to vector<16xf32>
        %le3A_549 = arith.cmpf ole, %add3A_546, %le3A_548 : vector<16xf32>
        %and3A_550 = arith.andi %ge3A_543, %le3A_549 : vector<16xi1>
        %ge3A_551 = arith.constant 0.000000e+00 : f32
        %ge3A_552 = vector.broadcast %ge3A_551 : f32 to vector<16xf32>
        %ge3A_553 = arith.cmpf oge, %select_n3A_523, %ge3A_552 : vector<16xf32>
        %le3A_554 = arith.constant 3.100000e+01 : f32
        %le3A_555 = vector.broadcast %le3A_554 : f32 to vector<16xf32>
        %le3A_556 = arith.cmpf ole, %select_n3A_523, %le3A_555 : vector<16xf32>
        %and3A_557 = arith.andi %ge3A_553, %le3A_556 : vector<16xi1>
        %add3A_558 = arith.constant 1.000000e+00 : f32
        %add3A_559 = vector.broadcast %add3A_558 : f32 to vector<16xf32>
        %add3A_560 = arith.addf %select_n3A_523, %add3A_559 : vector<16xf32>
        %ge3A_561 = arith.constant 0.000000e+00 : f32
        %ge3A_562 = vector.broadcast %ge3A_561 : f32 to vector<16xf32>
        %ge3A_563 = arith.cmpf oge, %add3A_560, %ge3A_562 : vector<16xf32>
        %add3A_564 = arith.constant 1.000000e+00 : f32
        %add3A_565 = vector.broadcast %add3A_564 : f32 to vector<16xf32>
        %add3A_566 = arith.addf %select_n3A_523, %add3A_565 : vector<16xf32>
        %le3A_567 = arith.constant 3.100000e+01 : f32
        %le3A_568 = vector.broadcast %le3A_567 : f32 to vector<16xf32>
        %le3A_569 = arith.cmpf ole, %add3A_566, %le3A_568 : vector<16xf32>
        %and3A_570 = arith.andi %ge3A_563, %le3A_569 : vector<16xi1>
        %broadcast_in_dim3A_571 = arith.constant 0.000000e+00 : f32
        %broadcast_in_dim3A_572 = vector.broadcast %broadcast_in_dim3A_571 : f32 to vector<16xf32>
        %and3A_573 = arith.andi %and3A_557, %and3A_537 : vector<16xi1>
        %sub3A_574 = arith.constant 1.000000e+00 : f32
        %sub3A_575 = vector.broadcast %sub3A_574 : f32 to vector<16xf32>
        %sub3A_576 = arith.subf %sub3A_575, %sub3A_529 : vector<16xf32>
        %sub3A_577 = arith.constant 1.000000e+00 : f32
        %sub3A_578 = vector.broadcast %sub3A_577 : f32 to vector<16xf32>
        %sub3A_579 = arith.subf %sub3A_578, %sub3A_530 : vector<16xf32>
        %mul3A_580 = arith.mulf %sub3A_576, %sub3A_579 : vector<16xf32>
        %select_n3A_581 = arith.select %and3A_573, %mul3A_580, %broadcast_in_dim3A_572 : vector<16xi1>, vector<16xf32>
        %and3A_582 = arith.andi %and3A_570, %and3A_537 : vector<16xi1>
        %sub3A_583 = arith.constant 1.000000e+00 : f32
        %sub3A_584 = vector.broadcast %sub3A_583 : f32 to vector<16xf32>
        %sub3A_585 = arith.subf %sub3A_584, %sub3A_529 : vector<16xf32>
        %mul3A_586 = arith.mulf %sub3A_585, %sub3A_530 : vector<16xf32>
        %select_n3A_587 = arith.select %and3A_582, %mul3A_586, %broadcast_in_dim3A_572 : vector<16xi1>, vector<16xf32>
        %and3A_588 = arith.andi %and3A_557, %and3A_550 : vector<16xi1>
        %sub3A_589 = arith.constant 1.000000e+00 : f32
        %sub3A_590 = vector.broadcast %sub3A_589 : f32 to vector<16xf32>
        %sub3A_591 = arith.subf %sub3A_590, %sub3A_530 : vector<16xf32>
        %mul3A_592 = arith.mulf %sub3A_529, %sub3A_591 : vector<16xf32>
        %select_n3A_593 = arith.select %and3A_588, %mul3A_592, %broadcast_in_dim3A_572 : vector<16xi1>, vector<16xf32>
        %and3A_594 = arith.andi %and3A_570, %and3A_550 : vector<16xi1>
        %mul3A_595 = arith.mulf %sub3A_529, %sub3A_530 : vector<16xf32>
        %select_n3A_596 = arith.select %and3A_594, %mul3A_595, %broadcast_in_dim3A_572 : vector<16xi1>, vector<16xf32>
        %jit3A_597 = arith.constant 0 : i32
        %jit3A_598 = arith.constant 31 : i32
        %max3A_599 = vector.broadcast %jit3A_597 : i32 to vector<16xi32>
        %max3A_600 = arith.maxsi %max3A_599, %select_n3A_516 : vector<16xi32>
        %min3A_601 = vector.broadcast %jit3A_598 : i32 to vector<16xi32>
        %min3A_602 = arith.minsi %min3A_601, %max3A_600 : vector<16xi32>
        %add3A_603 = arith.constant 1 : i32
        %add3A_604 = vector.broadcast %add3A_603 : i32 to vector<16xi32>
        %add3A_605 = arith.addi %select_n3A_516, %add3A_604 : vector<16xi32>
        %jit3A_606 = arith.constant 0 : i32
        %jit3A_607 = arith.constant 31 : i32
        %max3A_608 = vector.broadcast %jit3A_606 : i32 to vector<16xi32>
        %max3A_609 = arith.maxsi %max3A_608, %add3A_605 : vector<16xi32>
        %min3A_610 = vector.broadcast %jit3A_607 : i32 to vector<16xi32>
        %min3A_611 = arith.minsi %min3A_610, %max3A_609 : vector<16xi32>
        %jit3A_612 = arith.constant 0 : i32
        %jit3A_613 = arith.constant 31 : i32
        %max3A_614 = vector.broadcast %jit3A_612 : i32 to vector<16xi32>
        %max3A_615 = arith.maxsi %max3A_614, %select_n3A_528 : vector<16xi32>
        %min3A_616 = vector.broadcast %jit3A_613 : i32 to vector<16xi32>
        %min3A_617 = arith.minsi %min3A_616, %max3A_615 : vector<16xi32>
        %add3A_618 = arith.constant 1 : i32
        %add3A_619 = vector.broadcast %add3A_618 : i32 to vector<16xi32>
        %add3A_620 = arith.addi %select_n3A_528, %add3A_619 : vector<16xi32>
        %jit3A_621 = arith.constant 0 : i32
        %jit3A_622 = arith.constant 31 : i32
        %max3A_623 = vector.broadcast %jit3A_621 : i32 to vector<16xi32>
        %max3A_624 = arith.maxsi %max3A_623, %add3A_620 : vector<16xi32>
        %min3A_625 = vector.broadcast %jit3A_622 : i32 to vector<16xi32>
        %min3A_626 = arith.minsi %min3A_625, %max3A_624 : vector<16xi32>
        %mul3A_627 = arith.constant 32 : i32
        %mul3A_628 = vector.broadcast %mul3A_627 : i32 to vector<16xi32>
        %mul3A_629 = arith.muli %min3A_602, %mul3A_628 : vector<16xi32>
        %add3A_630 = arith.addi %mul3A_629, %min3A_617 : vector<16xi32>
        %mul3A_631 = arith.constant 32 : i32
        %mul3A_632 = vector.broadcast %mul3A_631 : i32 to vector<16xi32>
        %mul3A_633 = arith.muli %min3A_611, %mul3A_632 : vector<16xi32>
        %add3A_634 = arith.addi %mul3A_633, %min3A_617 : vector<16xi32>
        %mul3A_635 = arith.constant 32 : i32
        %mul3A_636 = vector.broadcast %mul3A_635 : i32 to vector<16xi32>
        %mul3A_637 = arith.muli %min3A_602, %mul3A_636 : vector<16xi32>
        %add3A_638 = arith.addi %mul3A_637, %min3A_626 : vector<16xi32>
        %mul3A_639 = arith.constant 32 : i32
        %mul3A_640 = vector.broadcast %mul3A_639 : i32 to vector<16xi32>
        %mul3A_641 = arith.muli %min3A_611, %mul3A_640 : vector<16xi32>
        %add3A_642 = arith.addi %mul3A_641, %min3A_626 : vector<16xi32>
        %broadcast_in_dim3A_643 = arith.constant 0.000000e+00 : f32
        %broadcast_in_dim3A_644 = vector.broadcast %broadcast_in_dim3A_643 : f32 to vector<16xf32>
        %parallel_loop3A = arith.constant 0 : i32
        %parallel_loop3A_645 = arith.constant 24 : i32
        %parallel_loop3A_646 = arith.constant 1 : i32
        %parallel_loop3A_647:4 = scf.for %parallel_loop3A_1353 = %parallel_loop3A to %parallel_loop3A_645 step %parallel_loop3A_646 iter_args(%parallel_loop3A_1354 = %broadcast_in_dim3A_644, %parallel_loop3A_1355 = %broadcast_in_dim3A_644, %parallel_loop3A_1356 = %broadcast_in_dim3A_644, %parallel_loop3A_1357 = %broadcast_in_dim3A_644) -> (vector<16xf32>, vector<16xf32>, vector<16xf32>, vector<16xf32>)  : i32 {
          %parallel_loop3A_1358 = arith.constant 1024 : i32
          %parallel_loop3A_1359 = arith.muli %parallel_loop3A_1353, %parallel_loop3A_1358 : i32
          %parallel_loop3A_1360 = arith.constant 2 : i32
          %parallel_loop3A_1361 = arith.muli %parallel_loop3A_1360, %parallel_loop3A_1353 : i32
          %parallel_loop3A_1362 = arith.index_cast %parallel_loop3A_1361 : i32 to index
          %parallel_loop3A_1363 = arith.index_cast %mul3A_22 : i32 to index
          %parallel_loop3A_1364 = tpu.vector_load %arg10[%parallel_loop3A_1362, %parallel_loop3A_1363] {strides = array<i32>} : memref<48x256xf32, #tpu.memory_space<vmem>>, vector<16xf32>,
          %parallel_loop3A_1365 = arith.constant 2 : i32
          %parallel_loop3A_1366 = arith.muli %parallel_loop3A_1365, %parallel_loop3A_1353 : i32
          %parallel_loop3A_1367 = arith.constant 1 : i32
          %parallel_loop3A_1368 = arith.addi %parallel_loop3A_1366, %parallel_loop3A_1367 : i32
          %parallel_loop3A_1369 = arith.index_cast %parallel_loop3A_1368 : i32 to index
          %parallel_loop3A_1370 = arith.index_cast %mul3A_22 : i32 to index
          %parallel_loop3A_1371 = tpu.vector_load %arg10[%parallel_loop3A_1369, %parallel_loop3A_1370] {strides = array<i32>} : memref<48x256xf32, #tpu.memory_space<vmem>>, vector<16xf32>,
          %parallel_loop3A_1372 = vector.broadcast %parallel_loop3A_1359 : i32 to vector<16xi32>
          %parallel_loop3A_1373 = arith.addi %add3A_156, %parallel_loop3A_1372 : vector<16xi32>
          %parallel_loop3A_1374 = tpu.vector_load_idx %arg7[%parallel_loop3A_1373] : memref<24576xi32, #tpu.memory_space<vmem>>[vector<16xi32>], vector<16xi32>,
          %parallel_loop3A_1375 = vector.broadcast %parallel_loop3A_1359 : i32 to vector<16xi32>
          %parallel_loop3A_1376 = arith.addi %add3A_160, %parallel_loop3A_1375 : vector<16xi32>
          %parallel_loop3A_1377 = tpu.vector_load_idx %arg7[%parallel_loop3A_1376] : memref<24576xi32, #tpu.memory_space<vmem>>[vector<16xi32>], vector<16xi32>,
          %parallel_loop3A_1378 = vector.broadcast %parallel_loop3A_1359 : i32 to vector<16xi32>
          %parallel_loop3A_1379 = arith.addi %add3A_164, %parallel_loop3A_1378 : vector<16xi32>
          %parallel_loop3A_1380 = tpu.vector_load_idx %arg7[%parallel_loop3A_1379] : memref<24576xi32, #tpu.memory_space<vmem>>[vector<16xi32>], vector<16xi32>,
          %parallel_loop3A_1381 = vector.broadcast %parallel_loop3A_1359 : i32 to vector<16xi32>
          %parallel_loop3A_1382 = arith.addi %add3A_168, %parallel_loop3A_1381 : vector<16xi32>
          %parallel_loop3A_1383 = tpu.vector_load_idx %arg7[%parallel_loop3A_1382] : memref<24576xi32, #tpu.memory_space<vmem>>[vector<16xi32>], vector<16xi32>,
          %parallel_loop3A_1384 = arith.constant 16 : i32
          %parallel_loop3A_1385 = vector.broadcast %parallel_loop3A_1384 : i32 to vector<16xi32>
          %parallel_loop3A_1386 = arith.shli %parallel_loop3A_1374, %parallel_loop3A_1385 : vector<16xi32>
          %parallel_loop3A_1387 = vector.bitcast %parallel_loop3A_1386 : vector<16xi32> to vector<16xf32>
          %parallel_loop3A_1388 = arith.mulf %select_n3A_107, %parallel_loop3A_1387 : vector<16xf32>
          %parallel_loop3A_1389 = arith.constant 16 : i32
          %parallel_loop3A_1390 = vector.broadcast %parallel_loop3A_1389 : i32 to vector<16xi32>
          %parallel_loop3A_1391 = arith.shli %parallel_loop3A_1377, %parallel_loop3A_1390 : vector<16xi32>
          %parallel_loop3A_1392 = vector.bitcast %parallel_loop3A_1391 : vector<16xi32> to vector<16xf32>
          %parallel_loop3A_1393 = arith.mulf %select_n3A_119, %parallel_loop3A_1392 : vector<16xf32>
          %parallel_loop3A_1394 = arith.addf %parallel_loop3A_1388, %parallel_loop3A_1393 : vector<16xf32>
          %parallel_loop3A_1395 = arith.constant 16 : i32
          %parallel_loop3A_1396 = vector.broadcast %parallel_loop3A_1395 : i32 to vector<16xi32>
          %parallel_loop3A_1397 = arith.shli %parallel_loop3A_1380, %parallel_loop3A_1396 : vector<16xi32>
          %parallel_loop3A_1398 = vector.bitcast %parallel_loop3A_1397 : vector<16xi32> to vector<16xf32>
          %parallel_loop3A_1399 = arith.mulf %select_n3A_113, %parallel_loop3A_1398 : vector<16xf32>
          %parallel_loop3A_1400 = arith.addf %parallel_loop3A_1394, %parallel_loop3A_1399 : vector<16xf32>
          %parallel_loop3A_1401 = arith.constant 16 : i32
          %parallel_loop3A_1402 = vector.broadcast %parallel_loop3A_1401 : i32 to vector<16xi32>
          %parallel_loop3A_1403 = arith.shli %parallel_loop3A_1383, %parallel_loop3A_1402 : vector<16xi32>
          %parallel_loop3A_1404 = vector.bitcast %parallel_loop3A_1403 : vector<16xi32> to vector<16xf32>
          %parallel_loop3A_1405 = arith.mulf %select_n3A_122, %parallel_loop3A_1404 : vector<16xf32>
          %parallel_loop3A_1406 = arith.addf %parallel_loop3A_1400, %parallel_loop3A_1405 : vector<16xf32>
          %parallel_loop3A_1407 = vector.bitcast %parallel_loop3A_1374 : vector<16xi32> to vector<16xf32>
          %parallel_loop3A_1408 = arith.mulf %select_n3A_107, %parallel_loop3A_1407 : vector<16xf32>
          %parallel_loop3A_1409 = vector.bitcast %parallel_loop3A_1377 : vector<16xi32> to vector<16xf32>
          %parallel_loop3A_1410 = arith.mulf %select_n3A_119, %parallel_loop3A_1409 : vector<16xf32>
          %parallel_loop3A_1411 = arith.addf %parallel_loop3A_1408, %parallel_loop3A_1410 : vector<16xf32>
          %parallel_loop3A_1412 = vector.bitcast %parallel_loop3A_1380 : vector<16xi32> to vector<16xf32>
          %parallel_loop3A_1413 = arith.mulf %select_n3A_113, %parallel_loop3A_1412 : vector<16xf32>
          %parallel_loop3A_1414 = arith.addf %parallel_loop3A_1411, %parallel_loop3A_1413 : vector<16xf32>
          %parallel_loop3A_1415 = vector.bitcast %parallel_loop3A_1383 : vector<16xi32> to vector<16xf32>
          %parallel_loop3A_1416 = arith.mulf %select_n3A_122, %parallel_loop3A_1415 : vector<16xf32>
          %parallel_loop3A_1417 = arith.addf %parallel_loop3A_1414, %parallel_loop3A_1416 : vector<16xf32>
          %parallel_loop3A_1418 = arith.constant 32 : i32
          %parallel_loop3A_1419 = arith.muli %parallel_loop3A_1418, %parallel_loop3A_1353 : i32
          %parallel_loop3A_1420 = arith.constant 0 : i32
          %parallel_loop3A_1421 = arith.index_cast %parallel_loop3A_1420 : i32 to index
          %parallel_loop3A_1422 = arith.index_cast %parallel_loop3A_1419 : i32 to index
          %parallel_loop3A_1423 = tpu.vector_load %arg12[%parallel_loop3A_1421, %parallel_loop3A_1422] {strides = array<i32>} : memref<8x768xf32, #tpu.memory_space<vmem>>, vector<16xf32>,
          tpu.vector_store %arg12[%parallel_loop3A_1421, %parallel_loop3A_1422], %parallel_loop3A_1406 {strides = array<i32>} : memref<8x768xf32, #tpu.memory_space<vmem>>, vector<16xf32>,
          %parallel_loop3A_1424 = arith.constant 32 : i32
          %parallel_loop3A_1425 = arith.muli %parallel_loop3A_1424, %parallel_loop3A_1353 : i32
          %parallel_loop3A_1426 = arith.constant 16 : i32
          %parallel_loop3A_1427 = arith.addi %parallel_loop3A_1425, %parallel_loop3A_1426 : i32
          %parallel_loop3A_1428 = arith.constant 0 : i32
          %parallel_loop3A_1429 = arith.index_cast %parallel_loop3A_1428 : i32 to index
          %parallel_loop3A_1430 = arith.index_cast %parallel_loop3A_1427 : i32 to index
          %parallel_loop3A_1431 = tpu.vector_load %arg12[%parallel_loop3A_1429, %parallel_loop3A_1430] {strides = array<i32>} : memref<8x768xf32, #tpu.memory_space<vmem>>, vector<16xf32>,
          tpu.vector_store %arg12[%parallel_loop3A_1429, %parallel_loop3A_1430], %parallel_loop3A_1417 {strides = array<i32>} : memref<8x768xf32, #tpu.memory_space<vmem>>, vector<16xf32>,
          %parallel_loop3A_1432 = arith.mulf %parallel_loop3A_1364, %parallel_loop3A_1406 : vector<16xf32>
          %parallel_loop3A_1433 = arith.addf %parallel_loop3A_1354, %parallel_loop3A_1432 : vector<16xf32>
          %parallel_loop3A_1434 = arith.mulf %parallel_loop3A_1371, %parallel_loop3A_1417 : vector<16xf32>
          %parallel_loop3A_1435 = arith.addf %parallel_loop3A_1433, %parallel_loop3A_1434 : vector<16xf32>
          %parallel_loop3A_1436 = vector.broadcast %parallel_loop3A_1359 : i32 to vector<16xi32>
          %parallel_loop3A_1437 = arith.addi %add3A_314, %parallel_loop3A_1436 : vector<16xi32>
          %parallel_loop3A_1438 = tpu.vector_load_idx %arg7[%parallel_loop3A_1437] : memref<24576xi32, #tpu.memory_space<vmem>>[vector<16xi32>], vector<16xi32>,
          %parallel_loop3A_1439 = vector.broadcast %parallel_loop3A_1359 : i32 to vector<16xi32>
          %parallel_loop3A_1440 = arith.addi %add3A_318, %parallel_loop3A_1439 : vector<16xi32>
          %parallel_loop3A_1441 = tpu.vector_load_idx %arg7[%parallel_loop3A_1440] : memref<24576xi32, #tpu.memory_space<vmem>>[vector<16xi32>], vector<16xi32>,
          %parallel_loop3A_1442 = vector.broadcast %parallel_loop3A_1359 : i32 to vector<16xi32>
          %parallel_loop3A_1443 = arith.addi %add3A_322, %parallel_loop3A_1442 : vector<16xi32>
          %parallel_loop3A_1444 = tpu.vector_load_idx %arg7[%parallel_loop3A_1443] : memref<24576xi32, #tpu.memory_space<vmem>>[vector<16xi32>], vector<16xi32>,
          %parallel_loop3A_1445 = vector.broadcast %parallel_loop3A_1359 : i32 to vector<16xi32>
          %parallel_loop3A_1446 = arith.addi %add3A_326, %parallel_loop3A_1445 : vector<16xi32>
          %parallel_loop3A_1447 = tpu.vector_load_idx %arg7[%parallel_loop3A_1446] : memref<24576xi32, #tpu.memory_space<vmem>>[vector<16xi32>], vector<16xi32>,
          %parallel_loop3A_1448 = arith.constant 16 : i32
          %parallel_loop3A_1449 = vector.broadcast %parallel_loop3A_1448 : i32 to vector<16xi32>
          %parallel_loop3A_1450 = arith.shli %parallel_loop3A_1438, %parallel_loop3A_1449 : vector<16xi32>
          %parallel_loop3A_1451 = vector.bitcast %parallel_loop3A_1450 : vector<16xi32> to vector<16xf32>
          %parallel_loop3A_1452 = arith.mulf %select_n3A_265, %parallel_loop3A_1451 : vector<16xf32>
          %parallel_loop3A_1453 = arith.constant 16 : i32
          %parallel_loop3A_1454 = vector.broadcast %parallel_loop3A_1453 : i32 to vector<16xi32>
          %parallel_loop3A_1455 = arith.shli %parallel_loop3A_1441, %parallel_loop3A_1454 : vector<16xi32>
          %parallel_loop3A_1456 = vector.bitcast %parallel_loop3A_1455 : vector<16xi32> to vector<16xf32>
          %parallel_loop3A_1457 = arith.mulf %select_n3A_277, %parallel_loop3A_1456 : vector<16xf32>
          %parallel_loop3A_1458 = arith.addf %parallel_loop3A_1452, %parallel_loop3A_1457 : vector<16xf32>
          %parallel_loop3A_1459 = arith.constant 16 : i32
          %parallel_loop3A_1460 = vector.broadcast %parallel_loop3A_1459 : i32 to vector<16xi32>
          %parallel_loop3A_1461 = arith.shli %parallel_loop3A_1444, %parallel_loop3A_1460 : vector<16xi32>
          %parallel_loop3A_1462 = vector.bitcast %parallel_loop3A_1461 : vector<16xi32> to vector<16xf32>
          %parallel_loop3A_1463 = arith.mulf %select_n3A_271, %parallel_loop3A_1462 : vector<16xf32>
          %parallel_loop3A_1464 = arith.addf %parallel_loop3A_1458, %parallel_loop3A_1463 : vector<16xf32>
          %parallel_loop3A_1465 = arith.constant 16 : i32
          %parallel_loop3A_1466 = vector.broadcast %parallel_loop3A_1465 : i32 to vector<16xi32>
          %parallel_loop3A_1467 = arith.shli %parallel_loop3A_1447, %parallel_loop3A_1466 : vector<16xi32>
          %parallel_loop3A_1468 = vector.bitcast %parallel_loop3A_1467 : vector<16xi32> to vector<16xf32>
          %parallel_loop3A_1469 = arith.mulf %select_n3A_280, %parallel_loop3A_1468 : vector<16xf32>
          %parallel_loop3A_1470 = arith.addf %parallel_loop3A_1464, %parallel_loop3A_1469 : vector<16xf32>
          %parallel_loop3A_1471 = vector.bitcast %parallel_loop3A_1438 : vector<16xi32> to vector<16xf32>
          %parallel_loop3A_1472 = arith.mulf %select_n3A_265, %parallel_loop3A_1471 : vector<16xf32>
          %parallel_loop3A_1473 = vector.bitcast %parallel_loop3A_1441 : vector<16xi32> to vector<16xf32>
          %parallel_loop3A_1474 = arith.mulf %select_n3A_277, %parallel_loop3A_1473 : vector<16xf32>
          %parallel_loop3A_1475 = arith.addf %parallel_loop3A_1472, %parallel_loop3A_1474 : vector<16xf32>
          %parallel_loop3A_1476 = vector.bitcast %parallel_loop3A_1444 : vector<16xi32> to vector<16xf32>
          %parallel_loop3A_1477 = arith.mulf %select_n3A_271, %parallel_loop3A_1476 : vector<16xf32>
          %parallel_loop3A_1478 = arith.addf %parallel_loop3A_1475, %parallel_loop3A_1477 : vector<16xf32>
          %parallel_loop3A_1479 = vector.bitcast %parallel_loop3A_1447 : vector<16xi32> to vector<16xf32>
          %parallel_loop3A_1480 = arith.mulf %select_n3A_280, %parallel_loop3A_1479 : vector<16xf32>
          %parallel_loop3A_1481 = arith.addf %parallel_loop3A_1478, %parallel_loop3A_1480 : vector<16xf32>
          %parallel_loop3A_1482 = arith.constant 32 : i32
          %parallel_loop3A_1483 = arith.muli %parallel_loop3A_1482, %parallel_loop3A_1353 : i32
          %parallel_loop3A_1484 = arith.constant 1 : i32
          %parallel_loop3A_1485 = arith.index_cast %parallel_loop3A_1484 : i32 to index
          %parallel_loop3A_1486 = arith.index_cast %parallel_loop3A_1483 : i32 to index
          %parallel_loop3A_1487 = tpu.vector_load %arg12[%parallel_loop3A_1485, %parallel_loop3A_1486] {strides = array<i32>} : memref<8x768xf32, #tpu.memory_space<vmem>>, vector<16xf32>,
          tpu.vector_store %arg12[%parallel_loop3A_1485, %parallel_loop3A_1486], %parallel_loop3A_1470 {strides = array<i32>} : memref<8x768xf32, #tpu.memory_space<vmem>>, vector<16xf32>,
          %parallel_loop3A_1488 = arith.constant 32 : i32
          %parallel_loop3A_1489 = arith.muli %parallel_loop3A_1488, %parallel_loop3A_1353 : i32
          %parallel_loop3A_1490 = arith.constant 16 : i32
          %parallel_loop3A_1491 = arith.addi %parallel_loop3A_1489, %parallel_loop3A_1490 : i32
          %parallel_loop3A_1492 = arith.constant 1 : i32
          %parallel_loop3A_1493 = arith.index_cast %parallel_loop3A_1492 : i32 to index
          %parallel_loop3A_1494 = arith.index_cast %parallel_loop3A_1491 : i32 to index
          %parallel_loop3A_1495 = tpu.vector_load %arg12[%parallel_loop3A_1493, %parallel_loop3A_1494] {strides = array<i32>} : memref<8x768xf32, #tpu.memory_space<vmem>>, vector<16xf32>,
          tpu.vector_store %arg12[%parallel_loop3A_1493, %parallel_loop3A_1494], %parallel_loop3A_1481 {strides = array<i32>} : memref<8x768xf32, #tpu.memory_space<vmem>>, vector<16xf32>,
          %parallel_loop3A_1496 = arith.mulf %parallel_loop3A_1364, %parallel_loop3A_1470 : vector<16xf32>
          %parallel_loop3A_1497 = arith.addf %parallel_loop3A_1355, %parallel_loop3A_1496 : vector<16xf32>
          %parallel_loop3A_1498 = arith.mulf %parallel_loop3A_1371, %parallel_loop3A_1481 : vector<16xf32>
          %parallel_loop3A_1499 = arith.addf %parallel_loop3A_1497, %parallel_loop3A_1498 : vector<16xf32>
          %parallel_loop3A_1500 = vector.broadcast %parallel_loop3A_1359 : i32 to vector<16xi32>
          %parallel_loop3A_1501 = arith.addi %add3A_472, %parallel_loop3A_1500 : vector<16xi32>
          %parallel_loop3A_1502 = tpu.vector_load_idx %arg7[%parallel_loop3A_1501] : memref<24576xi32, #tpu.memory_space<vmem>>[vector<16xi32>], vector<16xi32>,
          %parallel_loop3A_1503 = vector.broadcast %parallel_loop3A_1359 : i32 to vector<16xi32>
          %parallel_loop3A_1504 = arith.addi %add3A_476, %parallel_loop3A_1503 : vector<16xi32>
          %parallel_loop3A_1505 = tpu.vector_load_idx %arg7[%parallel_loop3A_1504] : memref<24576xi32, #tpu.memory_space<vmem>>[vector<16xi32>], vector<16xi32>,
          %parallel_loop3A_1506 = vector.broadcast %parallel_loop3A_1359 : i32 to vector<16xi32>
          %parallel_loop3A_1507 = arith.addi %add3A_480, %parallel_loop3A_1506 : vector<16xi32>
          %parallel_loop3A_1508 = tpu.vector_load_idx %arg7[%parallel_loop3A_1507] : memref<24576xi32, #tpu.memory_space<vmem>>[vector<16xi32>], vector<16xi32>,
          %parallel_loop3A_1509 = vector.broadcast %parallel_loop3A_1359 : i32 to vector<16xi32>
          %parallel_loop3A_1510 = arith.addi %add3A_484, %parallel_loop3A_1509 : vector<16xi32>
          %parallel_loop3A_1511 = tpu.vector_load_idx %arg7[%parallel_loop3A_1510] : memref<24576xi32, #tpu.memory_space<vmem>>[vector<16xi32>], vector<16xi32>,
          %parallel_loop3A_1512 = arith.constant 16 : i32
          %parallel_loop3A_1513 = vector.broadcast %parallel_loop3A_1512 : i32 to vector<16xi32>
          %parallel_loop3A_1514 = arith.shli %parallel_loop3A_1502, %parallel_loop3A_1513 : vector<16xi32>
          %parallel_loop3A_1515 = vector.bitcast %parallel_loop3A_1514 : vector<16xi32> to vector<16xf32>
          %parallel_loop3A_1516 = arith.mulf %select_n3A_423, %parallel_loop3A_1515 : vector<16xf32>
          %parallel_loop3A_1517 = arith.constant 16 : i32
          %parallel_loop3A_1518 = vector.broadcast %parallel_loop3A_1517 : i32 to vector<16xi32>
          %parallel_loop3A_1519 = arith.shli %parallel_loop3A_1505, %parallel_loop3A_1518 : vector<16xi32>
          %parallel_loop3A_1520 = vector.bitcast %parallel_loop3A_1519 : vector<16xi32> to vector<16xf32>
          %parallel_loop3A_1521 = arith.mulf %select_n3A_435, %parallel_loop3A_1520 : vector<16xf32>
          %parallel_loop3A_1522 = arith.addf %parallel_loop3A_1516, %parallel_loop3A_1521 : vector<16xf32>
          %parallel_loop3A_1523 = arith.constant 16 : i32
          %parallel_loop3A_1524 = vector.broadcast %parallel_loop3A_1523 : i32 to vector<16xi32>
          %parallel_loop3A_1525 = arith.shli %parallel_loop3A_1508, %parallel_loop3A_1524 : vector<16xi32>
          %parallel_loop3A_1526 = vector.bitcast %parallel_loop3A_1525 : vector<16xi32> to vector<16xf32>
          %parallel_loop3A_1527 = arith.mulf %select_n3A_429, %parallel_loop3A_1526 : vector<16xf32>
          %parallel_loop3A_1528 = arith.addf %parallel_loop3A_1522, %parallel_loop3A_1527 : vector<16xf32>
          %parallel_loop3A_1529 = arith.constant 16 : i32
          %parallel_loop3A_1530 = vector.broadcast %parallel_loop3A_1529 : i32 to vector<16xi32>
          %parallel_loop3A_1531 = arith.shli %parallel_loop3A_1511, %parallel_loop3A_1530 : vector<16xi32>
          %parallel_loop3A_1532 = vector.bitcast %parallel_loop3A_1531 : vector<16xi32> to vector<16xf32>
          %parallel_loop3A_1533 = arith.mulf %select_n3A_438, %parallel_loop3A_1532 : vector<16xf32>
          %parallel_loop3A_1534 = arith.addf %parallel_loop3A_1528, %parallel_loop3A_1533 : vector<16xf32>
          %parallel_loop3A_1535 = vector.bitcast %parallel_loop3A_1502 : vector<16xi32> to vector<16xf32>
          %parallel_loop3A_1536 = arith.mulf %select_n3A_423, %parallel_loop3A_1535 : vector<16xf32>
          %parallel_loop3A_1537 = vector.bitcast %parallel_loop3A_1505 : vector<16xi32> to vector<16xf32>
          %parallel_loop3A_1538 = arith.mulf %select_n3A_435, %parallel_loop3A_1537 : vector<16xf32>
          %parallel_loop3A_1539 = arith.addf %parallel_loop3A_1536, %parallel_loop3A_1538 : vector<16xf32>
          %parallel_loop3A_1540 = vector.bitcast %parallel_loop3A_1508 : vector<16xi32> to vector<16xf32>
          %parallel_loop3A_1541 = arith.mulf %select_n3A_429, %parallel_loop3A_1540 : vector<16xf32>
          %parallel_loop3A_1542 = arith.addf %parallel_loop3A_1539, %parallel_loop3A_1541 : vector<16xf32>
          %parallel_loop3A_1543 = vector.bitcast %parallel_loop3A_1511 : vector<16xi32> to vector<16xf32>
          %parallel_loop3A_1544 = arith.mulf %select_n3A_438, %parallel_loop3A_1543 : vector<16xf32>
          %parallel_loop3A_1545 = arith.addf %parallel_loop3A_1542, %parallel_loop3A_1544 : vector<16xf32>
          %parallel_loop3A_1546 = arith.constant 32 : i32
          %parallel_loop3A_1547 = arith.muli %parallel_loop3A_1546, %parallel_loop3A_1353 : i32
          %parallel_loop3A_1548 = arith.constant 2 : i32
          %parallel_loop3A_1549 = arith.index_cast %parallel_loop3A_1548 : i32 to index
          %parallel_loop3A_1550 = arith.index_cast %parallel_loop3A_1547 : i32 to index
          %parallel_loop3A_1551 = tpu.vector_load %arg12[%parallel_loop3A_1549, %parallel_loop3A_1550] {strides = array<i32>} : memref<8x768xf32, #tpu.memory_space<vmem>>, vector<16xf32>,
          tpu.vector_store %arg12[%parallel_loop3A_1549, %parallel_loop3A_1550], %parallel_loop3A_1534 {strides = array<i32>} : memref<8x768xf32, #tpu.memory_space<vmem>>, vector<16xf32>,
          %parallel_loop3A_1552 = arith.constant 32 : i32
          %parallel_loop3A_1553 = arith.muli %parallel_loop3A_1552, %parallel_loop3A_1353 : i32
          %parallel_loop3A_1554 = arith.constant 16 : i32
          %parallel_loop3A_1555 = arith.addi %parallel_loop3A_1553, %parallel_loop3A_1554 : i32
          %parallel_loop3A_1556 = arith.constant 2 : i32
          %parallel_loop3A_1557 = arith.index_cast %parallel_loop3A_1556 : i32 to index
          %parallel_loop3A_1558 = arith.index_cast %parallel_loop3A_1555 : i32 to index
          %parallel_loop3A_1559 = tpu.vector_load %arg12[%parallel_loop3A_1557, %parallel_loop3A_1558] {strides = array<i32>} : memref<8x768xf32, #tpu.memory_space<vmem>>, vector<16xf32>,
          tpu.vector_store %arg12[%parallel_loop3A_1557, %parallel_loop3A_1558], %parallel_loop3A_1545 {strides = array<i32>} : memref<8x768xf32, #tpu.memory_space<vmem>>, vector<16xf32>,
          %parallel_loop3A_1560 = arith.mulf %parallel_loop3A_1364, %parallel_loop3A_1534 : vector<16xf32>
          %parallel_loop3A_1561 = arith.addf %parallel_loop3A_1356, %parallel_loop3A_1560 : vector<16xf32>
          %parallel_loop3A_1562 = arith.mulf %parallel_loop3A_1371, %parallel_loop3A_1545 : vector<16xf32>
          %parallel_loop3A_1563 = arith.addf %parallel_loop3A_1561, %parallel_loop3A_1562 : vector<16xf32>
          %parallel_loop3A_1564 = vector.broadcast %parallel_loop3A_1359 : i32 to vector<16xi32>
          %parallel_loop3A_1565 = arith.addi %add3A_630, %parallel_loop3A_1564 : vector<16xi32>
          %parallel_loop3A_1566 = tpu.vector_load_idx %arg7[%parallel_loop3A_1565] : memref<24576xi32, #tpu.memory_space<vmem>>[vector<16xi32>], vector<16xi32>,
          %parallel_loop3A_1567 = vector.broadcast %parallel_loop3A_1359 : i32 to vector<16xi32>
          %parallel_loop3A_1568 = arith.addi %add3A_634, %parallel_loop3A_1567 : vector<16xi32>
          %parallel_loop3A_1569 = tpu.vector_load_idx %arg7[%parallel_loop3A_1568] : memref<24576xi32, #tpu.memory_space<vmem>>[vector<16xi32>], vector<16xi32>,
          %parallel_loop3A_1570 = vector.broadcast %parallel_loop3A_1359 : i32 to vector<16xi32>
          %parallel_loop3A_1571 = arith.addi %add3A_638, %parallel_loop3A_1570 : vector<16xi32>
          %parallel_loop3A_1572 = tpu.vector_load_idx %arg7[%parallel_loop3A_1571] : memref<24576xi32, #tpu.memory_space<vmem>>[vector<16xi32>], vector<16xi32>,
          %parallel_loop3A_1573 = vector.broadcast %parallel_loop3A_1359 : i32 to vector<16xi32>
          %parallel_loop3A_1574 = arith.addi %add3A_642, %parallel_loop3A_1573 : vector<16xi32>
          %parallel_loop3A_1575 = tpu.vector_load_idx %arg7[%parallel_loop3A_1574] : memref<24576xi32, #tpu.memory_space<vmem>>[vector<16xi32>], vector<16xi32>,
          %parallel_loop3A_1576 = arith.constant 16 : i32
          %parallel_loop3A_1577 = vector.broadcast %parallel_loop3A_1576 : i32 to vector<16xi32>
          %parallel_loop3A_1578 = arith.shli %parallel_loop3A_1566, %parallel_loop3A_1577 : vector<16xi32>
          %parallel_loop3A_1579 = vector.bitcast %parallel_loop3A_1578 : vector<16xi32> to vector<16xf32>
          %parallel_loop3A_1580 = arith.mulf %select_n3A_581, %parallel_loop3A_1579 : vector<16xf32>
          %parallel_loop3A_1581 = arith.constant 16 : i32
          %parallel_loop3A_1582 = vector.broadcast %parallel_loop3A_1581 : i32 to vector<16xi32>
          %parallel_loop3A_1583 = arith.shli %parallel_loop3A_1569, %parallel_loop3A_1582 : vector<16xi32>
          %parallel_loop3A_1584 = vector.bitcast %parallel_loop3A_1583 : vector<16xi32> to vector<16xf32>
          %parallel_loop3A_1585 = arith.mulf %select_n3A_593, %parallel_loop3A_1584 : vector<16xf32>
          %parallel_loop3A_1586 = arith.addf %parallel_loop3A_1580, %parallel_loop3A_1585 : vector<16xf32>
          %parallel_loop3A_1587 = arith.constant 16 : i32
          %parallel_loop3A_1588 = vector.broadcast %parallel_loop3A_1587 : i32 to vector<16xi32>
          %parallel_loop3A_1589 = arith.shli %parallel_loop3A_1572, %parallel_loop3A_1588 : vector<16xi32>
          %parallel_loop3A_1590 = vector.bitcast %parallel_loop3A_1589 : vector<16xi32> to vector<16xf32>
          %parallel_loop3A_1591 = arith.mulf %select_n3A_587, %parallel_loop3A_1590 : vector<16xf32>
          %parallel_loop3A_1592 = arith.addf %parallel_loop3A_1586, %parallel_loop3A_1591 : vector<16xf32>
          %parallel_loop3A_1593 = arith.constant 16 : i32
          %parallel_loop3A_1594 = vector.broadcast %parallel_loop3A_1593 : i32 to vector<16xi32>
          %parallel_loop3A_1595 = arith.shli %parallel_loop3A_1575, %parallel_loop3A_1594 : vector<16xi32>
          %parallel_loop3A_1596 = vector.bitcast %parallel_loop3A_1595 : vector<16xi32> to vector<16xf32>
          %parallel_loop3A_1597 = arith.mulf %select_n3A_596, %parallel_loop3A_1596 : vector<16xf32>
          %parallel_loop3A_1598 = arith.addf %parallel_loop3A_1592, %parallel_loop3A_1597 : vector<16xf32>
          %parallel_loop3A_1599 = vector.bitcast %parallel_loop3A_1566 : vector<16xi32> to vector<16xf32>
          %parallel_loop3A_1600 = arith.mulf %select_n3A_581, %parallel_loop3A_1599 : vector<16xf32>
          %parallel_loop3A_1601 = vector.bitcast %parallel_loop3A_1569 : vector<16xi32> to vector<16xf32>
          %parallel_loop3A_1602 = arith.mulf %select_n3A_593, %parallel_loop3A_1601 : vector<16xf32>
          %parallel_loop3A_1603 = arith.addf %parallel_loop3A_1600, %parallel_loop3A_1602 : vector<16xf32>
          %parallel_loop3A_1604 = vector.bitcast %parallel_loop3A_1572 : vector<16xi32> to vector<16xf32>
          %parallel_loop3A_1605 = arith.mulf %select_n3A_587, %parallel_loop3A_1604 : vector<16xf32>
          %parallel_loop3A_1606 = arith.addf %parallel_loop3A_1603, %parallel_loop3A_1605 : vector<16xf32>
          %parallel_loop3A_1607 = vector.bitcast %parallel_loop3A_1575 : vector<16xi32> to vector<16xf32>
          %parallel_loop3A_1608 = arith.mulf %select_n3A_596, %parallel_loop3A_1607 : vector<16xf32>
          %parallel_loop3A_1609 = arith.addf %parallel_loop3A_1606, %parallel_loop3A_1608 : vector<16xf32>
          %parallel_loop3A_1610 = arith.constant 32 : i32
          %parallel_loop3A_1611 = arith.muli %parallel_loop3A_1610, %parallel_loop3A_1353 : i32
          %parallel_loop3A_1612 = arith.constant 3 : i32
          %parallel_loop3A_1613 = arith.index_cast %parallel_loop3A_1612 : i32 to index
          %parallel_loop3A_1614 = arith.index_cast %parallel_loop3A_1611 : i32 to index
          %parallel_loop3A_1615 = tpu.vector_load %arg12[%parallel_loop3A_1613, %parallel_loop3A_1614] {strides = array<i32>} : memref<8x768xf32, #tpu.memory_space<vmem>>, vector<16xf32>,
          tpu.vector_store %arg12[%parallel_loop3A_1613, %parallel_loop3A_1614], %parallel_loop3A_1598 {strides = array<i32>} : memref<8x768xf32, #tpu.memory_space<vmem>>, vector<16xf32>,
          %parallel_loop3A_1616 = arith.constant 32 : i32
          %parallel_loop3A_1617 = arith.muli %parallel_loop3A_1616, %parallel_loop3A_1353 : i32
          %parallel_loop3A_1618 = arith.constant 16 : i32
          %parallel_loop3A_1619 = arith.addi %parallel_loop3A_1617, %parallel_loop3A_1618 : i32
          %parallel_loop3A_1620 = arith.constant 3 : i32
          %parallel_loop3A_1621 = arith.index_cast %parallel_loop3A_1620 : i32 to index
          %parallel_loop3A_1622 = arith.index_cast %parallel_loop3A_1619 : i32 to index
          %parallel_loop3A_1623 = tpu.vector_load %arg12[%parallel_loop3A_1621, %parallel_loop3A_1622] {strides = array<i32>} : memref<8x768xf32, #tpu.memory_space<vmem>>, vector<16xf32>,
          tpu.vector_store %arg12[%parallel_loop3A_1621, %parallel_loop3A_1622], %parallel_loop3A_1609 {strides = array<i32>} : memref<8x768xf32, #tpu.memory_space<vmem>>, vector<16xf32>,
          %parallel_loop3A_1624 = arith.mulf %parallel_loop3A_1364, %parallel_loop3A_1598 : vector<16xf32>
          %parallel_loop3A_1625 = arith.addf %parallel_loop3A_1357, %parallel_loop3A_1624 : vector<16xf32>
          %parallel_loop3A_1626 = arith.mulf %parallel_loop3A_1371, %parallel_loop3A_1609 : vector<16xf32>
          %parallel_loop3A_1627 = arith.addf %parallel_loop3A_1625, %parallel_loop3A_1626 : vector<16xf32>
          scf.yield %parallel_loop3A_1435, %parallel_loop3A_1499, %parallel_loop3A_1563, %parallel_loop3A_1627 : vector<16xf32>, vector<16xf32>, vector<16xf32>, vector<16xf32>
        } {sc.loop_unroll_factor = 8 : i64, sc.parallel_access}
        %mul3A_648 = arith.constant 0.144337565 : f32
        %mul3A_649 = vector.broadcast %mul3A_648 : f32 to vector<16xf32>
        %mul3A_650 = arith.mulf %parallel_loop3A_647#0, %mul3A_649 : vector<16xf32>
        %mul3A_651 = arith.constant 0.144337565 : f32
        %mul3A_652 = vector.broadcast %mul3A_651 : f32 to vector<16xf32>
        %mul3A_653 = arith.mulf %parallel_loop3A_647#1, %mul3A_652 : vector<16xf32>
        %mul3A_654 = arith.constant 0.144337565 : f32
        %mul3A_655 = vector.broadcast %mul3A_654 : f32 to vector<16xf32>
        %mul3A_656 = arith.mulf %parallel_loop3A_647#2, %mul3A_655 : vector<16xf32>
        %mul3A_657 = arith.constant 0.144337565 : f32
        %mul3A_658 = vector.broadcast %mul3A_657 : f32 to vector<16xf32>
        %mul3A_659 = arith.mulf %parallel_loop3A_647#3, %mul3A_658 : vector<16xf32>
        %get3A_660 = arith.constant 4 : i32
        %get3A_661 = arith.index_cast %get3A_660 : i32 to index
        %get3A_662 = arith.index_cast %mul3A_22 : i32 to index
        %get3A_663 = tpu.vector_load %arg8[%get3A_661, %get3A_662] {strides = array<i32>} : memref<8x256xf32, #tpu.memory_space<vmem>>, vector<16xf32>,
        %get3A_664 = arith.constant 4 : i32
        %get3A_665 = arith.index_cast %get3A_664 : i32 to index
        %get3A_666 = arith.index_cast %mul3A_22 : i32 to index
        %get3A_667 = tpu.vector_load %arg9[%get3A_665, %get3A_666] {strides = array<i32>} : memref<8x256xf32, #tpu.memory_space<vmem>>, vector<16xf32>,
        %jit3A_668 = arith.constant -4.000000e+01 : f32
        %jit3A_669 = arith.constant 4.000000e+01 : f32
        %max3A_670 = vector.broadcast %jit3A_668 : f32 to vector<16xf32>
        %max3A_671 = arith.maximumf %max3A_670, %get3A_663 : vector<16xf32>
        %min3A_672 = vector.broadcast %jit3A_669 : f32 to vector<16xf32>
        %min3A_673 = arith.minimumf %min3A_672, %max3A_671 : vector<16xf32>
        %jit3A_674 = arith.constant -4.000000e+01 : f32
        %jit3A_675 = arith.constant 4.000000e+01 : f32
        %max3A_676 = vector.broadcast %jit3A_674 : f32 to vector<16xf32>
        %max3A_677 = arith.maximumf %max3A_676, %get3A_667 : vector<16xf32>
        %min3A_678 = vector.broadcast %jit3A_675 : f32 to vector<16xf32>
        %min3A_679 = arith.minimumf %min3A_678, %max3A_677 : vector<16xf32>
        %convert_element_type3A_680 = arith.fptosi %min3A_673 : vector<16xf32> to vector<16xi32>
        %convert_element_type3A_681 = arith.sitofp %convert_element_type3A_680 : vector<16xi32> to vector<16xf32>
        %gt3A_682 = arith.cmpf ogt, %convert_element_type3A_681, %min3A_673 : vector<16xf32>
        %sub3A_683 = arith.constant 1.000000e+00 : f32
        %sub3A_684 = vector.broadcast %sub3A_683 : f32 to vector<16xf32>
        %sub3A_685 = arith.subf %convert_element_type3A_681, %sub3A_684 : vector<16xf32>
        %select_n3A_686 = arith.select %gt3A_682, %sub3A_685, %convert_element_type3A_681 : vector<16xi1>, vector<16xf32>
        %gt3A_687 = arith.cmpf ogt, %convert_element_type3A_681, %min3A_673 : vector<16xf32>
        %sub3A_688 = arith.constant 1 : i32
        %sub3A_689 = vector.broadcast %sub3A_688 : i32 to vector<16xi32>
        %sub3A_690 = arith.subi %convert_element_type3A_680, %sub3A_689 : vector<16xi32>
        %select_n3A_691 = arith.select %gt3A_687, %sub3A_690, %convert_element_type3A_680 : vector<16xi1>, vector<16xi32>
        %convert_element_type3A_692 = arith.fptosi %min3A_679 : vector<16xf32> to vector<16xi32>
        %convert_element_type3A_693 = arith.sitofp %convert_element_type3A_692 : vector<16xi32> to vector<16xf32>
        %gt3A_694 = arith.cmpf ogt, %convert_element_type3A_693, %min3A_679 : vector<16xf32>
        %sub3A_695 = arith.constant 1.000000e+00 : f32
        %sub3A_696 = vector.broadcast %sub3A_695 : f32 to vector<16xf32>
        %sub3A_697 = arith.subf %convert_element_type3A_693, %sub3A_696 : vector<16xf32>
        %select_n3A_698 = arith.select %gt3A_694, %sub3A_697, %convert_element_type3A_693 : vector<16xi1>, vector<16xf32>
        %gt3A_699 = arith.cmpf ogt, %convert_element_type3A_693, %min3A_679 : vector<16xf32>
        %sub3A_700 = arith.constant 1 : i32
        %sub3A_701 = vector.broadcast %sub3A_700 : i32 to vector<16xi32>
        %sub3A_702 = arith.subi %convert_element_type3A_692, %sub3A_701 : vector<16xi32>
        %select_n3A_703 = arith.select %gt3A_699, %sub3A_702, %convert_element_type3A_692 : vector<16xi1>, vector<16xi32>
        %sub3A_704 = arith.subf %min3A_673, %select_n3A_686 : vector<16xf32>
        %sub3A_705 = arith.subf %min3A_679, %select_n3A_698 : vector<16xf32>
        %ge3A_706 = arith.constant 0.000000e+00 : f32
        %ge3A_707 = vector.broadcast %ge3A_706 : f32 to vector<16xf32>
        %ge3A_708 = arith.cmpf oge, %select_n3A_686, %ge3A_707 : vector<16xf32>
        %le3A_709 = arith.constant 3.100000e+01 : f32
        %le3A_710 = vector.broadcast %le3A_709 : f32 to vector<16xf32>
        %le3A_711 = arith.cmpf ole, %select_n3A_686, %le3A_710 : vector<16xf32>
        %and3A_712 = arith.andi %ge3A_708, %le3A_711 : vector<16xi1>
        %add3A_713 = arith.constant 1.000000e+00 : f32
        %add3A_714 = vector.broadcast %add3A_713 : f32 to vector<16xf32>
        %add3A_715 = arith.addf %select_n3A_686, %add3A_714 : vector<16xf32>
        %ge3A_716 = arith.constant 0.000000e+00 : f32
        %ge3A_717 = vector.broadcast %ge3A_716 : f32 to vector<16xf32>
        %ge3A_718 = arith.cmpf oge, %add3A_715, %ge3A_717 : vector<16xf32>
        %add3A_719 = arith.constant 1.000000e+00 : f32
        %add3A_720 = vector.broadcast %add3A_719 : f32 to vector<16xf32>
        %add3A_721 = arith.addf %select_n3A_686, %add3A_720 : vector<16xf32>
        %le3A_722 = arith.constant 3.100000e+01 : f32
        %le3A_723 = vector.broadcast %le3A_722 : f32 to vector<16xf32>
        %le3A_724 = arith.cmpf ole, %add3A_721, %le3A_723 : vector<16xf32>
        %and3A_725 = arith.andi %ge3A_718, %le3A_724 : vector<16xi1>
        %ge3A_726 = arith.constant 0.000000e+00 : f32
        %ge3A_727 = vector.broadcast %ge3A_726 : f32 to vector<16xf32>
        %ge3A_728 = arith.cmpf oge, %select_n3A_698, %ge3A_727 : vector<16xf32>
        %le3A_729 = arith.constant 3.100000e+01 : f32
        %le3A_730 = vector.broadcast %le3A_729 : f32 to vector<16xf32>
        %le3A_731 = arith.cmpf ole, %select_n3A_698, %le3A_730 : vector<16xf32>
        %and3A_732 = arith.andi %ge3A_728, %le3A_731 : vector<16xi1>
        %add3A_733 = arith.constant 1.000000e+00 : f32
        %add3A_734 = vector.broadcast %add3A_733 : f32 to vector<16xf32>
        %add3A_735 = arith.addf %select_n3A_698, %add3A_734 : vector<16xf32>
        %ge3A_736 = arith.constant 0.000000e+00 : f32
        %ge3A_737 = vector.broadcast %ge3A_736 : f32 to vector<16xf32>
        %ge3A_738 = arith.cmpf oge, %add3A_735, %ge3A_737 : vector<16xf32>
        %add3A_739 = arith.constant 1.000000e+00 : f32
        %add3A_740 = vector.broadcast %add3A_739 : f32 to vector<16xf32>
        %add3A_741 = arith.addf %select_n3A_698, %add3A_740 : vector<16xf32>
        %le3A_742 = arith.constant 3.100000e+01 : f32
        %le3A_743 = vector.broadcast %le3A_742 : f32 to vector<16xf32>
        %le3A_744 = arith.cmpf ole, %add3A_741, %le3A_743 : vector<16xf32>
        %and3A_745 = arith.andi %ge3A_738, %le3A_744 : vector<16xi1>
        %broadcast_in_dim3A_746 = arith.constant 0.000000e+00 : f32
        %broadcast_in_dim3A_747 = vector.broadcast %broadcast_in_dim3A_746 : f32 to vector<16xf32>
        %and3A_748 = arith.andi %and3A_732, %and3A_712 : vector<16xi1>
        %sub3A_749 = arith.constant 1.000000e+00 : f32
        %sub3A_750 = vector.broadcast %sub3A_749 : f32 to vector<16xf32>
        %sub3A_751 = arith.subf %sub3A_750, %sub3A_704 : vector<16xf32>
        %sub3A_752 = arith.constant 1.000000e+00 : f32
        %sub3A_753 = vector.broadcast %sub3A_752 : f32 to vector<16xf32>
        %sub3A_754 = arith.subf %sub3A_753, %sub3A_705 : vector<16xf32>
        %mul3A_755 = arith.mulf %sub3A_751, %sub3A_754 : vector<16xf32>
        %select_n3A_756 = arith.select %and3A_748, %mul3A_755, %broadcast_in_dim3A_747 : vector<16xi1>, vector<16xf32>
        %and3A_757 = arith.andi %and3A_745, %and3A_712 : vector<16xi1>
        %sub3A_758 = arith.constant 1.000000e+00 : f32
        %sub3A_759 = vector.broadcast %sub3A_758 : f32 to vector<16xf32>
        %sub3A_760 = arith.subf %sub3A_759, %sub3A_704 : vector<16xf32>
        %mul3A_761 = arith.mulf %sub3A_760, %sub3A_705 : vector<16xf32>
        %select_n3A_762 = arith.select %and3A_757, %mul3A_761, %broadcast_in_dim3A_747 : vector<16xi1>, vector<16xf32>
        %and3A_763 = arith.andi %and3A_732, %and3A_725 : vector<16xi1>
        %sub3A_764 = arith.constant 1.000000e+00 : f32
        %sub3A_765 = vector.broadcast %sub3A_764 : f32 to vector<16xf32>
        %sub3A_766 = arith.subf %sub3A_765, %sub3A_705 : vector<16xf32>
        %mul3A_767 = arith.mulf %sub3A_704, %sub3A_766 : vector<16xf32>
        %select_n3A_768 = arith.select %and3A_763, %mul3A_767, %broadcast_in_dim3A_747 : vector<16xi1>, vector<16xf32>
        %and3A_769 = arith.andi %and3A_745, %and3A_725 : vector<16xi1>
        %mul3A_770 = arith.mulf %sub3A_704, %sub3A_705 : vector<16xf32>
        %select_n3A_771 = arith.select %and3A_769, %mul3A_770, %broadcast_in_dim3A_747 : vector<16xi1>, vector<16xf32>
        %jit3A_772 = arith.constant 0 : i32
        %jit3A_773 = arith.constant 31 : i32
        %max3A_774 = vector.broadcast %jit3A_772 : i32 to vector<16xi32>
        %max3A_775 = arith.maxsi %max3A_774, %select_n3A_691 : vector<16xi32>
        %min3A_776 = vector.broadcast %jit3A_773 : i32 to vector<16xi32>
        %min3A_777 = arith.minsi %min3A_776, %max3A_775 : vector<16xi32>
        %add3A_778 = arith.constant 1 : i32
        %add3A_779 = vector.broadcast %add3A_778 : i32 to vector<16xi32>
        %add3A_780 = arith.addi %select_n3A_691, %add3A_779 : vector<16xi32>
        %jit3A_781 = arith.constant 0 : i32
        %jit3A_782 = arith.constant 31 : i32
        %max3A_783 = vector.broadcast %jit3A_781 : i32 to vector<16xi32>
        %max3A_784 = arith.maxsi %max3A_783, %add3A_780 : vector<16xi32>
        %min3A_785 = vector.broadcast %jit3A_782 : i32 to vector<16xi32>
        %min3A_786 = arith.minsi %min3A_785, %max3A_784 : vector<16xi32>
        %jit3A_787 = arith.constant 0 : i32
        %jit3A_788 = arith.constant 31 : i32
        %max3A_789 = vector.broadcast %jit3A_787 : i32 to vector<16xi32>
        %max3A_790 = arith.maxsi %max3A_789, %select_n3A_703 : vector<16xi32>
        %min3A_791 = vector.broadcast %jit3A_788 : i32 to vector<16xi32>
        %min3A_792 = arith.minsi %min3A_791, %max3A_790 : vector<16xi32>
        %add3A_793 = arith.constant 1 : i32
        %add3A_794 = vector.broadcast %add3A_793 : i32 to vector<16xi32>
        %add3A_795 = arith.addi %select_n3A_703, %add3A_794 : vector<16xi32>
        %jit3A_796 = arith.constant 0 : i32
        %jit3A_797 = arith.constant 31 : i32
        %max3A_798 = vector.broadcast %jit3A_796 : i32 to vector<16xi32>
        %max3A_799 = arith.maxsi %max3A_798, %add3A_795 : vector<16xi32>
        %min3A_800 = vector.broadcast %jit3A_797 : i32 to vector<16xi32>
        %min3A_801 = arith.minsi %min3A_800, %max3A_799 : vector<16xi32>
        %mul3A_802 = arith.constant 32 : i32
        %mul3A_803 = vector.broadcast %mul3A_802 : i32 to vector<16xi32>
        %mul3A_804 = arith.muli %min3A_777, %mul3A_803 : vector<16xi32>
        %add3A_805 = arith.addi %mul3A_804, %min3A_792 : vector<16xi32>
        %mul3A_806 = arith.constant 32 : i32
        %mul3A_807 = vector.broadcast %mul3A_806 : i32 to vector<16xi32>
        %mul3A_808 = arith.muli %min3A_786, %mul3A_807 : vector<16xi32>
        %add3A_809 = arith.addi %mul3A_808, %min3A_792 : vector<16xi32>
        %mul3A_810 = arith.constant 32 : i32
        %mul3A_811 = vector.broadcast %mul3A_810 : i32 to vector<16xi32>
        %mul3A_812 = arith.muli %min3A_777, %mul3A_811 : vector<16xi32>
        %add3A_813 = arith.addi %mul3A_812, %min3A_801 : vector<16xi32>
        %mul3A_814 = arith.constant 32 : i32
        %mul3A_815 = vector.broadcast %mul3A_814 : i32 to vector<16xi32>
        %mul3A_816 = arith.muli %min3A_786, %mul3A_815 : vector<16xi32>
        %add3A_817 = arith.addi %mul3A_816, %min3A_801 : vector<16xi32>
        %get3A_818 = arith.constant 5 : i32
        %get3A_819 = arith.index_cast %get3A_818 : i32 to index
        %get3A_820 = arith.index_cast %mul3A_22 : i32 to index
        %get3A_821 = tpu.vector_load %arg8[%get3A_819, %get3A_820] {strides = array<i32>} : memref<8x256xf32, #tpu.memory_space<vmem>>, vector<16xf32>,
        %get3A_822 = arith.constant 5 : i32
        %get3A_823 = arith.index_cast %get3A_822 : i32 to index
        %get3A_824 = arith.index_cast %mul3A_22 : i32 to index
        %get3A_825 = tpu.vector_load %arg9[%get3A_823, %get3A_824] {strides = array<i32>} : memref<8x256xf32, #tpu.memory_space<vmem>>, vector<16xf32>,
        %jit3A_826 = arith.constant -4.000000e+01 : f32
        %jit3A_827 = arith.constant 4.000000e+01 : f32
        %max3A_828 = vector.broadcast %jit3A_826 : f32 to vector<16xf32>
        %max3A_829 = arith.maximumf %max3A_828, %get3A_821 : vector<16xf32>
        %min3A_830 = vector.broadcast %jit3A_827 : f32 to vector<16xf32>
        %min3A_831 = arith.minimumf %min3A_830, %max3A_829 : vector<16xf32>
        %jit3A_832 = arith.constant -4.000000e+01 : f32
        %jit3A_833 = arith.constant 4.000000e+01 : f32
        %max3A_834 = vector.broadcast %jit3A_832 : f32 to vector<16xf32>
        %max3A_835 = arith.maximumf %max3A_834, %get3A_825 : vector<16xf32>
        %min3A_836 = vector.broadcast %jit3A_833 : f32 to vector<16xf32>
        %min3A_837 = arith.minimumf %min3A_836, %max3A_835 : vector<16xf32>
        %convert_element_type3A_838 = arith.fptosi %min3A_831 : vector<16xf32> to vector<16xi32>
        %convert_element_type3A_839 = arith.sitofp %convert_element_type3A_838 : vector<16xi32> to vector<16xf32>
        %gt3A_840 = arith.cmpf ogt, %convert_element_type3A_839, %min3A_831 : vector<16xf32>
        %sub3A_841 = arith.constant 1.000000e+00 : f32
        %sub3A_842 = vector.broadcast %sub3A_841 : f32 to vector<16xf32>
        %sub3A_843 = arith.subf %convert_element_type3A_839, %sub3A_842 : vector<16xf32>
        %select_n3A_844 = arith.select %gt3A_840, %sub3A_843, %convert_element_type3A_839 : vector<16xi1>, vector<16xf32>
        %gt3A_845 = arith.cmpf ogt, %convert_element_type3A_839, %min3A_831 : vector<16xf32>
        %sub3A_846 = arith.constant 1 : i32
        %sub3A_847 = vector.broadcast %sub3A_846 : i32 to vector<16xi32>
        %sub3A_848 = arith.subi %convert_element_type3A_838, %sub3A_847 : vector<16xi32>
        %select_n3A_849 = arith.select %gt3A_845, %sub3A_848, %convert_element_type3A_838 : vector<16xi1>, vector<16xi32>
        %convert_element_type3A_850 = arith.fptosi %min3A_837 : vector<16xf32> to vector<16xi32>
        %convert_element_type3A_851 = arith.sitofp %convert_element_type3A_850 : vector<16xi32> to vector<16xf32>
        %gt3A_852 = arith.cmpf ogt, %convert_element_type3A_851, %min3A_837 : vector<16xf32>
        %sub3A_853 = arith.constant 1.000000e+00 : f32
        %sub3A_854 = vector.broadcast %sub3A_853 : f32 to vector<16xf32>
        %sub3A_855 = arith.subf %convert_element_type3A_851, %sub3A_854 : vector<16xf32>
        %select_n3A_856 = arith.select %gt3A_852, %sub3A_855, %convert_element_type3A_851 : vector<16xi1>, vector<16xf32>
        %gt3A_857 = arith.cmpf ogt, %convert_element_type3A_851, %min3A_837 : vector<16xf32>
        %sub3A_858 = arith.constant 1 : i32
        %sub3A_859 = vector.broadcast %sub3A_858 : i32 to vector<16xi32>
        %sub3A_860 = arith.subi %convert_element_type3A_850, %sub3A_859 : vector<16xi32>
        %select_n3A_861 = arith.select %gt3A_857, %sub3A_860, %convert_element_type3A_850 : vector<16xi1>, vector<16xi32>
        %sub3A_862 = arith.subf %min3A_831, %select_n3A_844 : vector<16xf32>
        %sub3A_863 = arith.subf %min3A_837, %select_n3A_856 : vector<16xf32>
        %ge3A_864 = arith.constant 0.000000e+00 : f32
        %ge3A_865 = vector.broadcast %ge3A_864 : f32 to vector<16xf32>
        %ge3A_866 = arith.cmpf oge, %select_n3A_844, %ge3A_865 : vector<16xf32>
        %le3A_867 = arith.constant 3.100000e+01 : f32
        %le3A_868 = vector.broadcast %le3A_867 : f32 to vector<16xf32>
        %le3A_869 = arith.cmpf ole, %select_n3A_844, %le3A_868 : vector<16xf32>
        %and3A_870 = arith.andi %ge3A_866, %le3A_869 : vector<16xi1>
        %add3A_871 = arith.constant 1.000000e+00 : f32
        %add3A_872 = vector.broadcast %add3A_871 : f32 to vector<16xf32>
        %add3A_873 = arith.addf %select_n3A_844, %add3A_872 : vector<16xf32>
        %ge3A_874 = arith.constant 0.000000e+00 : f32
        %ge3A_875 = vector.broadcast %ge3A_874 : f32 to vector<16xf32>
        %ge3A_876 = arith.cmpf oge, %add3A_873, %ge3A_875 : vector<16xf32>
        %add3A_877 = arith.constant 1.000000e+00 : f32
        %add3A_878 = vector.broadcast %add3A_877 : f32 to vector<16xf32>
        %add3A_879 = arith.addf %select_n3A_844, %add3A_878 : vector<16xf32>
        %le3A_880 = arith.constant 3.100000e+01 : f32
        %le3A_881 = vector.broadcast %le3A_880 : f32 to vector<16xf32>
        %le3A_882 = arith.cmpf ole, %add3A_879, %le3A_881 : vector<16xf32>
        %and3A_883 = arith.andi %ge3A_876, %le3A_882 : vector<16xi1>
        %ge3A_884 = arith.constant 0.000000e+00 : f32
        %ge3A_885 = vector.broadcast %ge3A_884 : f32 to vector<16xf32>
        %ge3A_886 = arith.cmpf oge, %select_n3A_856, %ge3A_885 : vector<16xf32>
        %le3A_887 = arith.constant 3.100000e+01 : f32
        %le3A_888 = vector.broadcast %le3A_887 : f32 to vector<16xf32>
        %le3A_889 = arith.cmpf ole, %select_n3A_856, %le3A_888 : vector<16xf32>
        %and3A_890 = arith.andi %ge3A_886, %le3A_889 : vector<16xi1>
        %add3A_891 = arith.constant 1.000000e+00 : f32
        %add3A_892 = vector.broadcast %add3A_891 : f32 to vector<16xf32>
        %add3A_893 = arith.addf %select_n3A_856, %add3A_892 : vector<16xf32>
        %ge3A_894 = arith.constant 0.000000e+00 : f32
        %ge3A_895 = vector.broadcast %ge3A_894 : f32 to vector<16xf32>
        %ge3A_896 = arith.cmpf oge, %add3A_893, %ge3A_895 : vector<16xf32>
        %add3A_897 = arith.constant 1.000000e+00 : f32
        %add3A_898 = vector.broadcast %add3A_897 : f32 to vector<16xf32>
        %add3A_899 = arith.addf %select_n3A_856, %add3A_898 : vector<16xf32>
        %le3A_900 = arith.constant 3.100000e+01 : f32
        %le3A_901 = vector.broadcast %le3A_900 : f32 to vector<16xf32>
        %le3A_902 = arith.cmpf ole, %add3A_899, %le3A_901 : vector<16xf32>
        %and3A_903 = arith.andi %ge3A_896, %le3A_902 : vector<16xi1>
        %broadcast_in_dim3A_904 = arith.constant 0.000000e+00 : f32
        %broadcast_in_dim3A_905 = vector.broadcast %broadcast_in_dim3A_904 : f32 to vector<16xf32>
        %and3A_906 = arith.andi %and3A_890, %and3A_870 : vector<16xi1>
        %sub3A_907 = arith.constant 1.000000e+00 : f32
        %sub3A_908 = vector.broadcast %sub3A_907 : f32 to vector<16xf32>
        %sub3A_909 = arith.subf %sub3A_908, %sub3A_862 : vector<16xf32>
        %sub3A_910 = arith.constant 1.000000e+00 : f32
        %sub3A_911 = vector.broadcast %sub3A_910 : f32 to vector<16xf32>
        %sub3A_912 = arith.subf %sub3A_911, %sub3A_863 : vector<16xf32>
        %mul3A_913 = arith.mulf %sub3A_909, %sub3A_912 : vector<16xf32>
        %select_n3A_914 = arith.select %and3A_906, %mul3A_913, %broadcast_in_dim3A_905 : vector<16xi1>, vector<16xf32>
        %and3A_915 = arith.andi %and3A_903, %and3A_870 : vector<16xi1>
        %sub3A_916 = arith.constant 1.000000e+00 : f32
        %sub3A_917 = vector.broadcast %sub3A_916 : f32 to vector<16xf32>
        %sub3A_918 = arith.subf %sub3A_917, %sub3A_862 : vector<16xf32>
        %mul3A_919 = arith.mulf %sub3A_918, %sub3A_863 : vector<16xf32>
        %select_n3A_920 = arith.select %and3A_915, %mul3A_919, %broadcast_in_dim3A_905 : vector<16xi1>, vector<16xf32>
        %and3A_921 = arith.andi %and3A_890, %and3A_883 : vector<16xi1>
        %sub3A_922 = arith.constant 1.000000e+00 : f32
        %sub3A_923 = vector.broadcast %sub3A_922 : f32 to vector<16xf32>
        %sub3A_924 = arith.subf %sub3A_923, %sub3A_863 : vector<16xf32>
        %mul3A_925 = arith.mulf %sub3A_862, %sub3A_924 : vector<16xf32>
        %select_n3A_926 = arith.select %and3A_921, %mul3A_925, %broadcast_in_dim3A_905 : vector<16xi1>, vector<16xf32>
        %and3A_927 = arith.andi %and3A_903, %and3A_883 : vector<16xi1>
        %mul3A_928 = arith.mulf %sub3A_862, %sub3A_863 : vector<16xf32>
        %select_n3A_929 = arith.select %and3A_927, %mul3A_928, %broadcast_in_dim3A_905 : vector<16xi1>, vector<16xf32>
        %jit3A_930 = arith.constant 0 : i32
        %jit3A_931 = arith.constant 31 : i32
        %max3A_932 = vector.broadcast %jit3A_930 : i32 to vector<16xi32>
        %max3A_933 = arith.maxsi %max3A_932, %select_n3A_849 : vector<16xi32>
        %min3A_934 = vector.broadcast %jit3A_931 : i32 to vector<16xi32>
        %min3A_935 = arith.minsi %min3A_934, %max3A_933 : vector<16xi32>
        %add3A_936 = arith.constant 1 : i32
        %add3A_937 = vector.broadcast %add3A_936 : i32 to vector<16xi32>
        %add3A_938 = arith.addi %select_n3A_849, %add3A_937 : vector<16xi32>
        %jit3A_939 = arith.constant 0 : i32
        %jit3A_940 = arith.constant 31 : i32
        %max3A_941 = vector.broadcast %jit3A_939 : i32 to vector<16xi32>
        %max3A_942 = arith.maxsi %max3A_941, %add3A_938 : vector<16xi32>
        %min3A_943 = vector.broadcast %jit3A_940 : i32 to vector<16xi32>
        %min3A_944 = arith.minsi %min3A_943, %max3A_942 : vector<16xi32>
        %jit3A_945 = arith.constant 0 : i32
        %jit3A_946 = arith.constant 31 : i32
        %max3A_947 = vector.broadcast %jit3A_945 : i32 to vector<16xi32>
        %max3A_948 = arith.maxsi %max3A_947, %select_n3A_861 : vector<16xi32>
        %min3A_949 = vector.broadcast %jit3A_946 : i32 to vector<16xi32>
        %min3A_950 = arith.minsi %min3A_949, %max3A_948 : vector<16xi32>
        %add3A_951 = arith.constant 1 : i32
        %add3A_952 = vector.broadcast %add3A_951 : i32 to vector<16xi32>
        %add3A_953 = arith.addi %select_n3A_861, %add3A_952 : vector<16xi32>
        %jit3A_954 = arith.constant 0 : i32
        %jit3A_955 = arith.constant 31 : i32
        %max3A_956 = vector.broadcast %jit3A_954 : i32 to vector<16xi32>
        %max3A_957 = arith.maxsi %max3A_956, %add3A_953 : vector<16xi32>
        %min3A_958 = vector.broadcast %jit3A_955 : i32 to vector<16xi32>
        %min3A_959 = arith.minsi %min3A_958, %max3A_957 : vector<16xi32>
        %mul3A_960 = arith.constant 32 : i32
        %mul3A_961 = vector.broadcast %mul3A_960 : i32 to vector<16xi32>
        %mul3A_962 = arith.muli %min3A_935, %mul3A_961 : vector<16xi32>
        %add3A_963 = arith.addi %mul3A_962, %min3A_950 : vector<16xi32>
        %mul3A_964 = arith.constant 32 : i32
        %mul3A_965 = vector.broadcast %mul3A_964 : i32 to vector<16xi32>
        %mul3A_966 = arith.muli %min3A_944, %mul3A_965 : vector<16xi32>
        %add3A_967 = arith.addi %mul3A_966, %min3A_950 : vector<16xi32>
        %mul3A_968 = arith.constant 32 : i32
        %mul3A_969 = vector.broadcast %mul3A_968 : i32 to vector<16xi32>
        %mul3A_970 = arith.muli %min3A_935, %mul3A_969 : vector<16xi32>
        %add3A_971 = arith.addi %mul3A_970, %min3A_959 : vector<16xi32>
        %mul3A_972 = arith.constant 32 : i32
        %mul3A_973 = vector.broadcast %mul3A_972 : i32 to vector<16xi32>
        %mul3A_974 = arith.muli %min3A_944, %mul3A_973 : vector<16xi32>
        %add3A_975 = arith.addi %mul3A_974, %min3A_959 : vector<16xi32>
        %get3A_976 = arith.constant 6 : i32
        %get3A_977 = arith.index_cast %get3A_976 : i32 to index
        %get3A_978 = arith.index_cast %mul3A_22 : i32 to index
        %get3A_979 = tpu.vector_load %arg8[%get3A_977, %get3A_978] {strides = array<i32>} : memref<8x256xf32, #tpu.memory_space<vmem>>, vector<16xf32>,
        %get3A_980 = arith.constant 6 : i32
        %get3A_981 = arith.index_cast %get3A_980 : i32 to index
        %get3A_982 = arith.index_cast %mul3A_22 : i32 to index
        %get3A_983 = tpu.vector_load %arg9[%get3A_981, %get3A_982] {strides = array<i32>} : memref<8x256xf32, #tpu.memory_space<vmem>>, vector<16xf32>,
        %jit3A_984 = arith.constant -4.000000e+01 : f32
        %jit3A_985 = arith.constant 4.000000e+01 : f32
        %max3A_986 = vector.broadcast %jit3A_984 : f32 to vector<16xf32>
        %max3A_987 = arith.maximumf %max3A_986, %get3A_979 : vector<16xf32>
        %min3A_988 = vector.broadcast %jit3A_985 : f32 to vector<16xf32>
        %min3A_989 = arith.minimumf %min3A_988, %max3A_987 : vector<16xf32>
        %jit3A_990 = arith.constant -4.000000e+01 : f32
        %jit3A_991 = arith.constant 4.000000e+01 : f32
        %max3A_992 = vector.broadcast %jit3A_990 : f32 to vector<16xf32>
        %max3A_993 = arith.maximumf %max3A_992, %get3A_983 : vector<16xf32>
        %min3A_994 = vector.broadcast %jit3A_991 : f32 to vector<16xf32>
        %min3A_995 = arith.minimumf %min3A_994, %max3A_993 : vector<16xf32>
        %convert_element_type3A_996 = arith.fptosi %min3A_989 : vector<16xf32> to vector<16xi32>
        %convert_element_type3A_997 = arith.sitofp %convert_element_type3A_996 : vector<16xi32> to vector<16xf32>
        %gt3A_998 = arith.cmpf ogt, %convert_element_type3A_997, %min3A_989 : vector<16xf32>
        %sub3A_999 = arith.constant 1.000000e+00 : f32
        %sub3A_1000 = vector.broadcast %sub3A_999 : f32 to vector<16xf32>
        %sub3A_1001 = arith.subf %convert_element_type3A_997, %sub3A_1000 : vector<16xf32>
        %select_n3A_1002 = arith.select %gt3A_998, %sub3A_1001, %convert_element_type3A_997 : vector<16xi1>, vector<16xf32>
        %gt3A_1003 = arith.cmpf ogt, %convert_element_type3A_997, %min3A_989 : vector<16xf32>
        %sub3A_1004 = arith.constant 1 : i32
        %sub3A_1005 = vector.broadcast %sub3A_1004 : i32 to vector<16xi32>
        %sub3A_1006 = arith.subi %convert_element_type3A_996, %sub3A_1005 : vector<16xi32>
        %select_n3A_1007 = arith.select %gt3A_1003, %sub3A_1006, %convert_element_type3A_996 : vector<16xi1>, vector<16xi32>
        %convert_element_type3A_1008 = arith.fptosi %min3A_995 : vector<16xf32> to vector<16xi32>
        %convert_element_type3A_1009 = arith.sitofp %convert_element_type3A_1008 : vector<16xi32> to vector<16xf32>
        %gt3A_1010 = arith.cmpf ogt, %convert_element_type3A_1009, %min3A_995 : vector<16xf32>
        %sub3A_1011 = arith.constant 1.000000e+00 : f32
        %sub3A_1012 = vector.broadcast %sub3A_1011 : f32 to vector<16xf32>
        %sub3A_1013 = arith.subf %convert_element_type3A_1009, %sub3A_1012 : vector<16xf32>
        %select_n3A_1014 = arith.select %gt3A_1010, %sub3A_1013, %convert_element_type3A_1009 : vector<16xi1>, vector<16xf32>
        %gt3A_1015 = arith.cmpf ogt, %convert_element_type3A_1009, %min3A_995 : vector<16xf32>
        %sub3A_1016 = arith.constant 1 : i32
        %sub3A_1017 = vector.broadcast %sub3A_1016 : i32 to vector<16xi32>
        %sub3A_1018 = arith.subi %convert_element_type3A_1008, %sub3A_1017 : vector<16xi32>
        %select_n3A_1019 = arith.select %gt3A_1015, %sub3A_1018, %convert_element_type3A_1008 : vector<16xi1>, vector<16xi32>
        %sub3A_1020 = arith.subf %min3A_989, %select_n3A_1002 : vector<16xf32>
        %sub3A_1021 = arith.subf %min3A_995, %select_n3A_1014 : vector<16xf32>
        %ge3A_1022 = arith.constant 0.000000e+00 : f32
        %ge3A_1023 = vector.broadcast %ge3A_1022 : f32 to vector<16xf32>
        %ge3A_1024 = arith.cmpf oge, %select_n3A_1002, %ge3A_1023 : vector<16xf32>
        %le3A_1025 = arith.constant 3.100000e+01 : f32
        %le3A_1026 = vector.broadcast %le3A_1025 : f32 to vector<16xf32>
        %le3A_1027 = arith.cmpf ole, %select_n3A_1002, %le3A_1026 : vector<16xf32>
        %and3A_1028 = arith.andi %ge3A_1024, %le3A_1027 : vector<16xi1>
        %add3A_1029 = arith.constant 1.000000e+00 : f32
        %add3A_1030 = vector.broadcast %add3A_1029 : f32 to vector<16xf32>
        %add3A_1031 = arith.addf %select_n3A_1002, %add3A_1030 : vector<16xf32>
        %ge3A_1032 = arith.constant 0.000000e+00 : f32
        %ge3A_1033 = vector.broadcast %ge3A_1032 : f32 to vector<16xf32>
        %ge3A_1034 = arith.cmpf oge, %add3A_1031, %ge3A_1033 : vector<16xf32>
        %add3A_1035 = arith.constant 1.000000e+00 : f32
        %add3A_1036 = vector.broadcast %add3A_1035 : f32 to vector<16xf32>
        %add3A_1037 = arith.addf %select_n3A_1002, %add3A_1036 : vector<16xf32>
        %le3A_1038 = arith.constant 3.100000e+01 : f32
        %le3A_1039 = vector.broadcast %le3A_1038 : f32 to vector<16xf32>
        %le3A_1040 = arith.cmpf ole, %add3A_1037, %le3A_1039 : vector<16xf32>
        %and3A_1041 = arith.andi %ge3A_1034, %le3A_1040 : vector<16xi1>
        %ge3A_1042 = arith.constant 0.000000e+00 : f32
        %ge3A_1043 = vector.broadcast %ge3A_1042 : f32 to vector<16xf32>
        %ge3A_1044 = arith.cmpf oge, %select_n3A_1014, %ge3A_1043 : vector<16xf32>
        %le3A_1045 = arith.constant 3.100000e+01 : f32
        %le3A_1046 = vector.broadcast %le3A_1045 : f32 to vector<16xf32>
        %le3A_1047 = arith.cmpf ole, %select_n3A_1014, %le3A_1046 : vector<16xf32>
        %and3A_1048 = arith.andi %ge3A_1044, %le3A_1047 : vector<16xi1>
        %add3A_1049 = arith.constant 1.000000e+00 : f32
        %add3A_1050 = vector.broadcast %add3A_1049 : f32 to vector<16xf32>
        %add3A_1051 = arith.addf %select_n3A_1014, %add3A_1050 : vector<16xf32>
        %ge3A_1052 = arith.constant 0.000000e+00 : f32
        %ge3A_1053 = vector.broadcast %ge3A_1052 : f32 to vector<16xf32>
        %ge3A_1054 = arith.cmpf oge, %add3A_1051, %ge3A_1053 : vector<16xf32>
        %add3A_1055 = arith.constant 1.000000e+00 : f32
        %add3A_1056 = vector.broadcast %add3A_1055 : f32 to vector<16xf32>
        %add3A_1057 = arith.addf %select_n3A_1014, %add3A_1056 : vector<16xf32>
        %le3A_1058 = arith.constant 3.100000e+01 : f32
        %le3A_1059 = vector.broadcast %le3A_1058 : f32 to vector<16xf32>
        %le3A_1060 = arith.cmpf ole, %add3A_1057, %le3A_1059 : vector<16xf32>
        %and3A_1061 = arith.andi %ge3A_1054, %le3A_1060 : vector<16xi1>
        %broadcast_in_dim3A_1062 = arith.constant 0.000000e+00 : f32
        %broadcast_in_dim3A_1063 = vector.broadcast %broadcast_in_dim3A_1062 : f32 to vector<16xf32>
        %and3A_1064 = arith.andi %and3A_1048, %and3A_1028 : vector<16xi1>
        %sub3A_1065 = arith.constant 1.000000e+00 : f32
        %sub3A_1066 = vector.broadcast %sub3A_1065 : f32 to vector<16xf32>
        %sub3A_1067 = arith.subf %sub3A_1066, %sub3A_1020 : vector<16xf32>
        %sub3A_1068 = arith.constant 1.000000e+00 : f32
        %sub3A_1069 = vector.broadcast %sub3A_1068 : f32 to vector<16xf32>
        %sub3A_1070 = arith.subf %sub3A_1069, %sub3A_1021 : vector<16xf32>
        %mul3A_1071 = arith.mulf %sub3A_1067, %sub3A_1070 : vector<16xf32>
        %select_n3A_1072 = arith.select %and3A_1064, %mul3A_1071, %broadcast_in_dim3A_1063 : vector<16xi1>, vector<16xf32>
        %and3A_1073 = arith.andi %and3A_1061, %and3A_1028 : vector<16xi1>
        %sub3A_1074 = arith.constant 1.000000e+00 : f32
        %sub3A_1075 = vector.broadcast %sub3A_1074 : f32 to vector<16xf32>
        %sub3A_1076 = arith.subf %sub3A_1075, %sub3A_1020 : vector<16xf32>
        %mul3A_1077 = arith.mulf %sub3A_1076, %sub3A_1021 : vector<16xf32>
        %select_n3A_1078 = arith.select %and3A_1073, %mul3A_1077, %broadcast_in_dim3A_1063 : vector<16xi1>, vector<16xf32>
        %and3A_1079 = arith.andi %and3A_1048, %and3A_1041 : vector<16xi1>
        %sub3A_1080 = arith.constant 1.000000e+00 : f32
        %sub3A_1081 = vector.broadcast %sub3A_1080 : f32 to vector<16xf32>
        %sub3A_1082 = arith.subf %sub3A_1081, %sub3A_1021 : vector<16xf32>
        %mul3A_1083 = arith.mulf %sub3A_1020, %sub3A_1082 : vector<16xf32>
        %select_n3A_1084 = arith.select %and3A_1079, %mul3A_1083, %broadcast_in_dim3A_1063 : vector<16xi1>, vector<16xf32>
        %and3A_1085 = arith.andi %and3A_1061, %and3A_1041 : vector<16xi1>
        %mul3A_1086 = arith.mulf %sub3A_1020, %sub3A_1021 : vector<16xf32>
        %select_n3A_1087 = arith.select %and3A_1085, %mul3A_1086, %broadcast_in_dim3A_1063 : vector<16xi1>, vector<16xf32>
        %jit3A_1088 = arith.constant 0 : i32
        %jit3A_1089 = arith.constant 31 : i32
        %max3A_1090 = vector.broadcast %jit3A_1088 : i32 to vector<16xi32>
        %max3A_1091 = arith.maxsi %max3A_1090, %select_n3A_1007 : vector<16xi32>
        %min3A_1092 = vector.broadcast %jit3A_1089 : i32 to vector<16xi32>
        %min3A_1093 = arith.minsi %min3A_1092, %max3A_1091 : vector<16xi32>
        %add3A_1094 = arith.constant 1 : i32
        %add3A_1095 = vector.broadcast %add3A_1094 : i32 to vector<16xi32>
        %add3A_1096 = arith.addi %select_n3A_1007, %add3A_1095 : vector<16xi32>
        %jit3A_1097 = arith.constant 0 : i32
        %jit3A_1098 = arith.constant 31 : i32
        %max3A_1099 = vector.broadcast %jit3A_1097 : i32 to vector<16xi32>
        %max3A_1100 = arith.maxsi %max3A_1099, %add3A_1096 : vector<16xi32>
        %min3A_1101 = vector.broadcast %jit3A_1098 : i32 to vector<16xi32>
        %min3A_1102 = arith.minsi %min3A_1101, %max3A_1100 : vector<16xi32>
        %jit3A_1103 = arith.constant 0 : i32
        %jit3A_1104 = arith.constant 31 : i32
        %max3A_1105 = vector.broadcast %jit3A_1103 : i32 to vector<16xi32>
        %max3A_1106 = arith.maxsi %max3A_1105, %select_n3A_1019 : vector<16xi32>
        %min3A_1107 = vector.broadcast %jit3A_1104 : i32 to vector<16xi32>
        %min3A_1108 = arith.minsi %min3A_1107, %max3A_1106 : vector<16xi32>
        %add3A_1109 = arith.constant 1 : i32
        %add3A_1110 = vector.broadcast %add3A_1109 : i32 to vector<16xi32>
        %add3A_1111 = arith.addi %select_n3A_1019, %add3A_1110 : vector<16xi32>
        %jit3A_1112 = arith.constant 0 : i32
        %jit3A_1113 = arith.constant 31 : i32
        %max3A_1114 = vector.broadcast %jit3A_1112 : i32 to vector<16xi32>
        %max3A_1115 = arith.maxsi %max3A_1114, %add3A_1111 : vector<16xi32>
        %min3A_1116 = vector.broadcast %jit3A_1113 : i32 to vector<16xi32>
        %min3A_1117 = arith.minsi %min3A_1116, %max3A_1115 : vector<16xi32>
        %mul3A_1118 = arith.constant 32 : i32
        %mul3A_1119 = vector.broadcast %mul3A_1118 : i32 to vector<16xi32>
        %mul3A_1120 = arith.muli %min3A_1093, %mul3A_1119 : vector<16xi32>
        %add3A_1121 = arith.addi %mul3A_1120, %min3A_1108 : vector<16xi32>
        %mul3A_1122 = arith.constant 32 : i32
        %mul3A_1123 = vector.broadcast %mul3A_1122 : i32 to vector<16xi32>
        %mul3A_1124 = arith.muli %min3A_1102, %mul3A_1123 : vector<16xi32>
        %add3A_1125 = arith.addi %mul3A_1124, %min3A_1108 : vector<16xi32>
        %mul3A_1126 = arith.constant 32 : i32
        %mul3A_1127 = vector.broadcast %mul3A_1126 : i32 to vector<16xi32>
        %mul3A_1128 = arith.muli %min3A_1093, %mul3A_1127 : vector<16xi32>
        %add3A_1129 = arith.addi %mul3A_1128, %min3A_1117 : vector<16xi32>
        %mul3A_1130 = arith.constant 32 : i32
        %mul3A_1131 = vector.broadcast %mul3A_1130 : i32 to vector<16xi32>
        %mul3A_1132 = arith.muli %min3A_1102, %mul3A_1131 : vector<16xi32>
        %add3A_1133 = arith.addi %mul3A_1132, %min3A_1117 : vector<16xi32>
        %get3A_1134 = arith.constant 7 : i32
        %get3A_1135 = arith.index_cast %get3A_1134 : i32 to index
        %get3A_1136 = arith.index_cast %mul3A_22 : i32 to index
        %get3A_1137 = tpu.vector_load %arg8[%get3A_1135, %get3A_1136] {strides = array<i32>} : memref<8x256xf32, #tpu.memory_space<vmem>>, vector<16xf32>,
        %get3A_1138 = arith.constant 7 : i32
        %get3A_1139 = arith.index_cast %get3A_1138 : i32 to index
        %get3A_1140 = arith.index_cast %mul3A_22 : i32 to index
        %get3A_1141 = tpu.vector_load %arg9[%get3A_1139, %get3A_1140] {strides = array<i32>} : memref<8x256xf32, #tpu.memory_space<vmem>>, vector<16xf32>,
        %jit3A_1142 = arith.constant -4.000000e+01 : f32
        %jit3A_1143 = arith.constant 4.000000e+01 : f32
        %max3A_1144 = vector.broadcast %jit3A_1142 : f32 to vector<16xf32>
        %max3A_1145 = arith.maximumf %max3A_1144, %get3A_1137 : vector<16xf32>
        %min3A_1146 = vector.broadcast %jit3A_1143 : f32 to vector<16xf32>
        %min3A_1147 = arith.minimumf %min3A_1146, %max3A_1145 : vector<16xf32>
        %jit3A_1148 = arith.constant -4.000000e+01 : f32
        %jit3A_1149 = arith.constant 4.000000e+01 : f32
        %max3A_1150 = vector.broadcast %jit3A_1148 : f32 to vector<16xf32>
        %max3A_1151 = arith.maximumf %max3A_1150, %get3A_1141 : vector<16xf32>
        %min3A_1152 = vector.broadcast %jit3A_1149 : f32 to vector<16xf32>
        %min3A_1153 = arith.minimumf %min3A_1152, %max3A_1151 : vector<16xf32>
        %convert_element_type3A_1154 = arith.fptosi %min3A_1147 : vector<16xf32> to vector<16xi32>
        %convert_element_type3A_1155 = arith.sitofp %convert_element_type3A_1154 : vector<16xi32> to vector<16xf32>
        %gt3A_1156 = arith.cmpf ogt, %convert_element_type3A_1155, %min3A_1147 : vector<16xf32>
        %sub3A_1157 = arith.constant 1.000000e+00 : f32
        %sub3A_1158 = vector.broadcast %sub3A_1157 : f32 to vector<16xf32>
        %sub3A_1159 = arith.subf %convert_element_type3A_1155, %sub3A_1158 : vector<16xf32>
        %select_n3A_1160 = arith.select %gt3A_1156, %sub3A_1159, %convert_element_type3A_1155 : vector<16xi1>, vector<16xf32>
        %gt3A_1161 = arith.cmpf ogt, %convert_element_type3A_1155, %min3A_1147 : vector<16xf32>
        %sub3A_1162 = arith.constant 1 : i32
        %sub3A_1163 = vector.broadcast %sub3A_1162 : i32 to vector<16xi32>
        %sub3A_1164 = arith.subi %convert_element_type3A_1154, %sub3A_1163 : vector<16xi32>
        %select_n3A_1165 = arith.select %gt3A_1161, %sub3A_1164, %convert_element_type3A_1154 : vector<16xi1>, vector<16xi32>
        %convert_element_type3A_1166 = arith.fptosi %min3A_1153 : vector<16xf32> to vector<16xi32>
        %convert_element_type3A_1167 = arith.sitofp %convert_element_type3A_1166 : vector<16xi32> to vector<16xf32>
        %gt3A_1168 = arith.cmpf ogt, %convert_element_type3A_1167, %min3A_1153 : vector<16xf32>
        %sub3A_1169 = arith.constant 1.000000e+00 : f32
        %sub3A_1170 = vector.broadcast %sub3A_1169 : f32 to vector<16xf32>
        %sub3A_1171 = arith.subf %convert_element_type3A_1167, %sub3A_1170 : vector<16xf32>
        %select_n3A_1172 = arith.select %gt3A_1168, %sub3A_1171, %convert_element_type3A_1167 : vector<16xi1>, vector<16xf32>
        %gt3A_1173 = arith.cmpf ogt, %convert_element_type3A_1167, %min3A_1153 : vector<16xf32>
        %sub3A_1174 = arith.constant 1 : i32
        %sub3A_1175 = vector.broadcast %sub3A_1174 : i32 to vector<16xi32>
        %sub3A_1176 = arith.subi %convert_element_type3A_1166, %sub3A_1175 : vector<16xi32>
        %select_n3A_1177 = arith.select %gt3A_1173, %sub3A_1176, %convert_element_type3A_1166 : vector<16xi1>, vector<16xi32>
        %sub3A_1178 = arith.subf %min3A_1147, %select_n3A_1160 : vector<16xf32>
        %sub3A_1179 = arith.subf %min3A_1153, %select_n3A_1172 : vector<16xf32>
        %ge3A_1180 = arith.constant 0.000000e+00 : f32
        %ge3A_1181 = vector.broadcast %ge3A_1180 : f32 to vector<16xf32>
        %ge3A_1182 = arith.cmpf oge, %select_n3A_1160, %ge3A_1181 : vector<16xf32>
        %le3A_1183 = arith.constant 3.100000e+01 : f32
        %le3A_1184 = vector.broadcast %le3A_1183 : f32 to vector<16xf32>
        %le3A_1185 = arith.cmpf ole, %select_n3A_1160, %le3A_1184 : vector<16xf32>
        %and3A_1186 = arith.andi %ge3A_1182, %le3A_1185 : vector<16xi1>
        %add3A_1187 = arith.constant 1.000000e+00 : f32
        %add3A_1188 = vector.broadcast %add3A_1187 : f32 to vector<16xf32>
        %add3A_1189 = arith.addf %select_n3A_1160, %add3A_1188 : vector<16xf32>
        %ge3A_1190 = arith.constant 0.000000e+00 : f32
        %ge3A_1191 = vector.broadcast %ge3A_1190 : f32 to vector<16xf32>
        %ge3A_1192 = arith.cmpf oge, %add3A_1189, %ge3A_1191 : vector<16xf32>
        %add3A_1193 = arith.constant 1.000000e+00 : f32
        %add3A_1194 = vector.broadcast %add3A_1193 : f32 to vector<16xf32>
        %add3A_1195 = arith.addf %select_n3A_1160, %add3A_1194 : vector<16xf32>
        %le3A_1196 = arith.constant 3.100000e+01 : f32
        %le3A_1197 = vector.broadcast %le3A_1196 : f32 to vector<16xf32>
        %le3A_1198 = arith.cmpf ole, %add3A_1195, %le3A_1197 : vector<16xf32>
        %and3A_1199 = arith.andi %ge3A_1192, %le3A_1198 : vector<16xi1>
        %ge3A_1200 = arith.constant 0.000000e+00 : f32
        %ge3A_1201 = vector.broadcast %ge3A_1200 : f32 to vector<16xf32>
        %ge3A_1202 = arith.cmpf oge, %select_n3A_1172, %ge3A_1201 : vector<16xf32>
        %le3A_1203 = arith.constant 3.100000e+01 : f32
        %le3A_1204 = vector.broadcast %le3A_1203 : f32 to vector<16xf32>
        %le3A_1205 = arith.cmpf ole, %select_n3A_1172, %le3A_1204 : vector<16xf32>
        %and3A_1206 = arith.andi %ge3A_1202, %le3A_1205 : vector<16xi1>
        %add3A_1207 = arith.constant 1.000000e+00 : f32
        %add3A_1208 = vector.broadcast %add3A_1207 : f32 to vector<16xf32>
        %add3A_1209 = arith.addf %select_n3A_1172, %add3A_1208 : vector<16xf32>
        %ge3A_1210 = arith.constant 0.000000e+00 : f32
        %ge3A_1211 = vector.broadcast %ge3A_1210 : f32 to vector<16xf32>
        %ge3A_1212 = arith.cmpf oge, %add3A_1209, %ge3A_1211 : vector<16xf32>
        %add3A_1213 = arith.constant 1.000000e+00 : f32
        %add3A_1214 = vector.broadcast %add3A_1213 : f32 to vector<16xf32>
        %add3A_1215 = arith.addf %select_n3A_1172, %add3A_1214 : vector<16xf32>
        %le3A_1216 = arith.constant 3.100000e+01 : f32
        %le3A_1217 = vector.broadcast %le3A_1216 : f32 to vector<16xf32>
        %le3A_1218 = arith.cmpf ole, %add3A_1215, %le3A_1217 : vector<16xf32>
        %and3A_1219 = arith.andi %ge3A_1212, %le3A_1218 : vector<16xi1>
        %broadcast_in_dim3A_1220 = arith.constant 0.000000e+00 : f32
        %broadcast_in_dim3A_1221 = vector.broadcast %broadcast_in_dim3A_1220 : f32 to vector<16xf32>
        %and3A_1222 = arith.andi %and3A_1206, %and3A_1186 : vector<16xi1>
        %sub3A_1223 = arith.constant 1.000000e+00 : f32
        %sub3A_1224 = vector.broadcast %sub3A_1223 : f32 to vector<16xf32>
        %sub3A_1225 = arith.subf %sub3A_1224, %sub3A_1178 : vector<16xf32>
        %sub3A_1226 = arith.constant 1.000000e+00 : f32
        %sub3A_1227 = vector.broadcast %sub3A_1226 : f32 to vector<16xf32>
        %sub3A_1228 = arith.subf %sub3A_1227, %sub3A_1179 : vector<16xf32>
        %mul3A_1229 = arith.mulf %sub3A_1225, %sub3A_1228 : vector<16xf32>
        %select_n3A_1230 = arith.select %and3A_1222, %mul3A_1229, %broadcast_in_dim3A_1221 : vector<16xi1>, vector<16xf32>
        %and3A_1231 = arith.andi %and3A_1219, %and3A_1186 : vector<16xi1>
        %sub3A_1232 = arith.constant 1.000000e+00 : f32
        %sub3A_1233 = vector.broadcast %sub3A_1232 : f32 to vector<16xf32>
        %sub3A_1234 = arith.subf %sub3A_1233, %sub3A_1178 : vector<16xf32>
        %mul3A_1235 = arith.mulf %sub3A_1234, %sub3A_1179 : vector<16xf32>
        %select_n3A_1236 = arith.select %and3A_1231, %mul3A_1235, %broadcast_in_dim3A_1221 : vector<16xi1>, vector<16xf32>
        %and3A_1237 = arith.andi %and3A_1206, %and3A_1199 : vector<16xi1>
        %sub3A_1238 = arith.constant 1.000000e+00 : f32
        %sub3A_1239 = vector.broadcast %sub3A_1238 : f32 to vector<16xf32>
        %sub3A_1240 = arith.subf %sub3A_1239, %sub3A_1179 : vector<16xf32>
        %mul3A_1241 = arith.mulf %sub3A_1178, %sub3A_1240 : vector<16xf32>
        %select_n3A_1242 = arith.select %and3A_1237, %mul3A_1241, %broadcast_in_dim3A_1221 : vector<16xi1>, vector<16xf32>
        %and3A_1243 = arith.andi %and3A_1219, %and3A_1199 : vector<16xi1>
        %mul3A_1244 = arith.mulf %sub3A_1178, %sub3A_1179 : vector<16xf32>
        %select_n3A_1245 = arith.select %and3A_1243, %mul3A_1244, %broadcast_in_dim3A_1221 : vector<16xi1>, vector<16xf32>
        %jit3A_1246 = arith.constant 0 : i32
        %jit3A_1247 = arith.constant 31 : i32
        %max3A_1248 = vector.broadcast %jit3A_1246 : i32 to vector<16xi32>
        %max3A_1249 = arith.maxsi %max3A_1248, %select_n3A_1165 : vector<16xi32>
        %min3A_1250 = vector.broadcast %jit3A_1247 : i32 to vector<16xi32>
        %min3A_1251 = arith.minsi %min3A_1250, %max3A_1249 : vector<16xi32>
        %add3A_1252 = arith.constant 1 : i32
        %add3A_1253 = vector.broadcast %add3A_1252 : i32 to vector<16xi32>
        %add3A_1254 = arith.addi %select_n3A_1165, %add3A_1253 : vector<16xi32>
        %jit3A_1255 = arith.constant 0 : i32
        %jit3A_1256 = arith.constant 31 : i32
        %max3A_1257 = vector.broadcast %jit3A_1255 : i32 to vector<16xi32>
        %max3A_1258 = arith.maxsi %max3A_1257, %add3A_1254 : vector<16xi32>
        %min3A_1259 = vector.broadcast %jit3A_1256 : i32 to vector<16xi32>
        %min3A_1260 = arith.minsi %min3A_1259, %max3A_1258 : vector<16xi32>
        %jit3A_1261 = arith.constant 0 : i32
        %jit3A_1262 = arith.constant 31 : i32
        %max3A_1263 = vector.broadcast %jit3A_1261 : i32 to vector<16xi32>
        %max3A_1264 = arith.maxsi %max3A_1263, %select_n3A_1177 : vector<16xi32>
        %min3A_1265 = vector.broadcast %jit3A_1262 : i32 to vector<16xi32>
        %min3A_1266 = arith.minsi %min3A_1265, %max3A_1264 : vector<16xi32>
        %add3A_1267 = arith.constant 1 : i32
        %add3A_1268 = vector.broadcast %add3A_1267 : i32 to vector<16xi32>
        %add3A_1269 = arith.addi %select_n3A_1177, %add3A_1268 : vector<16xi32>
        %jit3A_1270 = arith.constant 0 : i32
        %jit3A_1271 = arith.constant 31 : i32
        %max3A_1272 = vector.broadcast %jit3A_1270 : i32 to vector<16xi32>
        %max3A_1273 = arith.maxsi %max3A_1272, %add3A_1269 : vector<16xi32>
        %min3A_1274 = vector.broadcast %jit3A_1271 : i32 to vector<16xi32>
        %min3A_1275 = arith.minsi %min3A_1274, %max3A_1273 : vector<16xi32>
        %mul3A_1276 = arith.constant 32 : i32
        %mul3A_1277 = vector.broadcast %mul3A_1276 : i32 to vector<16xi32>
        %mul3A_1278 = arith.muli %min3A_1251, %mul3A_1277 : vector<16xi32>
        %add3A_1279 = arith.addi %mul3A_1278, %min3A_1266 : vector<16xi32>
        %mul3A_1280 = arith.constant 32 : i32
        %mul3A_1281 = vector.broadcast %mul3A_1280 : i32 to vector<16xi32>
        %mul3A_1282 = arith.muli %min3A_1260, %mul3A_1281 : vector<16xi32>
        %add3A_1283 = arith.addi %mul3A_1282, %min3A_1266 : vector<16xi32>
        %mul3A_1284 = arith.constant 32 : i32
        %mul3A_1285 = vector.broadcast %mul3A_1284 : i32 to vector<16xi32>
        %mul3A_1286 = arith.muli %min3A_1251, %mul3A_1285 : vector<16xi32>
        %add3A_1287 = arith.addi %mul3A_1286, %min3A_1275 : vector<16xi32>
        %mul3A_1288 = arith.constant 32 : i32
        %mul3A_1289 = vector.broadcast %mul3A_1288 : i32 to vector<16xi32>
        %mul3A_1290 = arith.muli %min3A_1260, %mul3A_1289 : vector<16xi32>
        %add3A_1291 = arith.addi %mul3A_1290, %min3A_1275 : vector<16xi32>
        %broadcast_in_dim3A_1292 = arith.constant 0.000000e+00 : f32
        %broadcast_in_dim3A_1293 = vector.broadcast %broadcast_in_dim3A_1292 : f32 to vector<16xf32>
        %parallel_loop3A_1294 = arith.constant 0 : i32
        %parallel_loop3A_1295 = arith.constant 24 : i32
        %parallel_loop3A_1296 = arith.constant 1 : i32
        %parallel_loop3A_1297:4 = scf.for %parallel_loop3A_1353 = %parallel_loop3A_1294 to %parallel_loop3A_1295 step %parallel_loop3A_1296 iter_args(%parallel_loop3A_1354 = %broadcast_in_dim3A_1293, %parallel_loop3A_1355 = %broadcast_in_dim3A_1293, %parallel_loop3A_1356 = %broadcast_in_dim3A_1293, %parallel_loop3A_1357 = %broadcast_in_dim3A_1293) -> (vector<16xf32>, vector<16xf32>, vector<16xf32>, vector<16xf32>)  : i32 {
          %parallel_loop3A_1358 = arith.constant 1024 : i32
          %parallel_loop3A_1359 = arith.muli %parallel_loop3A_1353, %parallel_loop3A_1358 : i32
          %parallel_loop3A_1360 = arith.constant 2 : i32
          %parallel_loop3A_1361 = arith.muli %parallel_loop3A_1360, %parallel_loop3A_1353 : i32
          %parallel_loop3A_1362 = arith.index_cast %parallel_loop3A_1361 : i32 to index
          %parallel_loop3A_1363 = arith.index_cast %mul3A_22 : i32 to index
          %parallel_loop3A_1364 = tpu.vector_load %arg10[%parallel_loop3A_1362, %parallel_loop3A_1363] {strides = array<i32>} : memref<48x256xf32, #tpu.memory_space<vmem>>, vector<16xf32>,
          %parallel_loop3A_1365 = arith.constant 2 : i32
          %parallel_loop3A_1366 = arith.muli %parallel_loop3A_1365, %parallel_loop3A_1353 : i32
          %parallel_loop3A_1367 = arith.constant 1 : i32
          %parallel_loop3A_1368 = arith.addi %parallel_loop3A_1366, %parallel_loop3A_1367 : i32
          %parallel_loop3A_1369 = arith.index_cast %parallel_loop3A_1368 : i32 to index
          %parallel_loop3A_1370 = arith.index_cast %mul3A_22 : i32 to index
          %parallel_loop3A_1371 = tpu.vector_load %arg10[%parallel_loop3A_1369, %parallel_loop3A_1370] {strides = array<i32>} : memref<48x256xf32, #tpu.memory_space<vmem>>, vector<16xf32>,
          %parallel_loop3A_1372 = vector.broadcast %parallel_loop3A_1359 : i32 to vector<16xi32>
          %parallel_loop3A_1373 = arith.addi %add3A_805, %parallel_loop3A_1372 : vector<16xi32>
          %parallel_loop3A_1374 = tpu.vector_load_idx %arg7[%parallel_loop3A_1373] : memref<24576xi32, #tpu.memory_space<vmem>>[vector<16xi32>], vector<16xi32>,
          %parallel_loop3A_1375 = vector.broadcast %parallel_loop3A_1359 : i32 to vector<16xi32>
          %parallel_loop3A_1376 = arith.addi %add3A_809, %parallel_loop3A_1375 : vector<16xi32>
          %parallel_loop3A_1377 = tpu.vector_load_idx %arg7[%parallel_loop3A_1376] : memref<24576xi32, #tpu.memory_space<vmem>>[vector<16xi32>], vector<16xi32>,
          %parallel_loop3A_1378 = vector.broadcast %parallel_loop3A_1359 : i32 to vector<16xi32>
          %parallel_loop3A_1379 = arith.addi %add3A_813, %parallel_loop3A_1378 : vector<16xi32>
          %parallel_loop3A_1380 = tpu.vector_load_idx %arg7[%parallel_loop3A_1379] : memref<24576xi32, #tpu.memory_space<vmem>>[vector<16xi32>], vector<16xi32>,
          %parallel_loop3A_1381 = vector.broadcast %parallel_loop3A_1359 : i32 to vector<16xi32>
          %parallel_loop3A_1382 = arith.addi %add3A_817, %parallel_loop3A_1381 : vector<16xi32>
          %parallel_loop3A_1383 = tpu.vector_load_idx %arg7[%parallel_loop3A_1382] : memref<24576xi32, #tpu.memory_space<vmem>>[vector<16xi32>], vector<16xi32>,
          %parallel_loop3A_1384 = arith.constant 16 : i32
          %parallel_loop3A_1385 = vector.broadcast %parallel_loop3A_1384 : i32 to vector<16xi32>
          %parallel_loop3A_1386 = arith.shli %parallel_loop3A_1374, %parallel_loop3A_1385 : vector<16xi32>
          %parallel_loop3A_1387 = vector.bitcast %parallel_loop3A_1386 : vector<16xi32> to vector<16xf32>
          %parallel_loop3A_1388 = arith.mulf %select_n3A_756, %parallel_loop3A_1387 : vector<16xf32>
          %parallel_loop3A_1389 = arith.constant 16 : i32
          %parallel_loop3A_1390 = vector.broadcast %parallel_loop3A_1389 : i32 to vector<16xi32>
          %parallel_loop3A_1391 = arith.shli %parallel_loop3A_1377, %parallel_loop3A_1390 : vector<16xi32>
          %parallel_loop3A_1392 = vector.bitcast %parallel_loop3A_1391 : vector<16xi32> to vector<16xf32>
          %parallel_loop3A_1393 = arith.mulf %select_n3A_768, %parallel_loop3A_1392 : vector<16xf32>
          %parallel_loop3A_1394 = arith.addf %parallel_loop3A_1388, %parallel_loop3A_1393 : vector<16xf32>
          %parallel_loop3A_1395 = arith.constant 16 : i32
          %parallel_loop3A_1396 = vector.broadcast %parallel_loop3A_1395 : i32 to vector<16xi32>
          %parallel_loop3A_1397 = arith.shli %parallel_loop3A_1380, %parallel_loop3A_1396 : vector<16xi32>
          %parallel_loop3A_1398 = vector.bitcast %parallel_loop3A_1397 : vector<16xi32> to vector<16xf32>
          %parallel_loop3A_1399 = arith.mulf %select_n3A_762, %parallel_loop3A_1398 : vector<16xf32>
          %parallel_loop3A_1400 = arith.addf %parallel_loop3A_1394, %parallel_loop3A_1399 : vector<16xf32>
          %parallel_loop3A_1401 = arith.constant 16 : i32
          %parallel_loop3A_1402 = vector.broadcast %parallel_loop3A_1401 : i32 to vector<16xi32>
          %parallel_loop3A_1403 = arith.shli %parallel_loop3A_1383, %parallel_loop3A_1402 : vector<16xi32>
          %parallel_loop3A_1404 = vector.bitcast %parallel_loop3A_1403 : vector<16xi32> to vector<16xf32>
          %parallel_loop3A_1405 = arith.mulf %select_n3A_771, %parallel_loop3A_1404 : vector<16xf32>
          %parallel_loop3A_1406 = arith.addf %parallel_loop3A_1400, %parallel_loop3A_1405 : vector<16xf32>
          %parallel_loop3A_1407 = vector.bitcast %parallel_loop3A_1374 : vector<16xi32> to vector<16xf32>
          %parallel_loop3A_1408 = arith.mulf %select_n3A_756, %parallel_loop3A_1407 : vector<16xf32>
          %parallel_loop3A_1409 = vector.bitcast %parallel_loop3A_1377 : vector<16xi32> to vector<16xf32>
          %parallel_loop3A_1410 = arith.mulf %select_n3A_768, %parallel_loop3A_1409 : vector<16xf32>
          %parallel_loop3A_1411 = arith.addf %parallel_loop3A_1408, %parallel_loop3A_1410 : vector<16xf32>
          %parallel_loop3A_1412 = vector.bitcast %parallel_loop3A_1380 : vector<16xi32> to vector<16xf32>
          %parallel_loop3A_1413 = arith.mulf %select_n3A_762, %parallel_loop3A_1412 : vector<16xf32>
          %parallel_loop3A_1414 = arith.addf %parallel_loop3A_1411, %parallel_loop3A_1413 : vector<16xf32>
          %parallel_loop3A_1415 = vector.bitcast %parallel_loop3A_1383 : vector<16xi32> to vector<16xf32>
          %parallel_loop3A_1416 = arith.mulf %select_n3A_771, %parallel_loop3A_1415 : vector<16xf32>
          %parallel_loop3A_1417 = arith.addf %parallel_loop3A_1414, %parallel_loop3A_1416 : vector<16xf32>
          %parallel_loop3A_1418 = arith.constant 32 : i32
          %parallel_loop3A_1419 = arith.muli %parallel_loop3A_1418, %parallel_loop3A_1353 : i32
          %parallel_loop3A_1420 = arith.constant 4 : i32
          %parallel_loop3A_1421 = arith.index_cast %parallel_loop3A_1420 : i32 to index
          %parallel_loop3A_1422 = arith.index_cast %parallel_loop3A_1419 : i32 to index
          %parallel_loop3A_1423 = tpu.vector_load %arg12[%parallel_loop3A_1421, %parallel_loop3A_1422] {strides = array<i32>} : memref<8x768xf32, #tpu.memory_space<vmem>>, vector<16xf32>,
          tpu.vector_store %arg12[%parallel_loop3A_1421, %parallel_loop3A_1422], %parallel_loop3A_1406 {strides = array<i32>} : memref<8x768xf32, #tpu.memory_space<vmem>>, vector<16xf32>,
          %parallel_loop3A_1424 = arith.constant 32 : i32
          %parallel_loop3A_1425 = arith.muli %parallel_loop3A_1424, %parallel_loop3A_1353 : i32
          %parallel_loop3A_1426 = arith.constant 16 : i32
          %parallel_loop3A_1427 = arith.addi %parallel_loop3A_1425, %parallel_loop3A_1426 : i32
          %parallel_loop3A_1428 = arith.constant 4 : i32
          %parallel_loop3A_1429 = arith.index_cast %parallel_loop3A_1428 : i32 to index
          %parallel_loop3A_1430 = arith.index_cast %parallel_loop3A_1427 : i32 to index
          %parallel_loop3A_1431 = tpu.vector_load %arg12[%parallel_loop3A_1429, %parallel_loop3A_1430] {strides = array<i32>} : memref<8x768xf32, #tpu.memory_space<vmem>>, vector<16xf32>,
          tpu.vector_store %arg12[%parallel_loop3A_1429, %parallel_loop3A_1430], %parallel_loop3A_1417 {strides = array<i32>} : memref<8x768xf32, #tpu.memory_space<vmem>>, vector<16xf32>,
          %parallel_loop3A_1432 = arith.mulf %parallel_loop3A_1364, %parallel_loop3A_1406 : vector<16xf32>
          %parallel_loop3A_1433 = arith.addf %parallel_loop3A_1354, %parallel_loop3A_1432 : vector<16xf32>
          %parallel_loop3A_1434 = arith.mulf %parallel_loop3A_1371, %parallel_loop3A_1417 : vector<16xf32>
          %parallel_loop3A_1435 = arith.addf %parallel_loop3A_1433, %parallel_loop3A_1434 : vector<16xf32>
          %parallel_loop3A_1436 = vector.broadcast %parallel_loop3A_1359 : i32 to vector<16xi32>
          %parallel_loop3A_1437 = arith.addi %add3A_963, %parallel_loop3A_1436 : vector<16xi32>
          %parallel_loop3A_1438 = tpu.vector_load_idx %arg7[%parallel_loop3A_1437] : memref<24576xi32, #tpu.memory_space<vmem>>[vector<16xi32>], vector<16xi32>,
          %parallel_loop3A_1439 = vector.broadcast %parallel_loop3A_1359 : i32 to vector<16xi32>
          %parallel_loop3A_1440 = arith.addi %add3A_967, %parallel_loop3A_1439 : vector<16xi32>
          %parallel_loop3A_1441 = tpu.vector_load_idx %arg7[%parallel_loop3A_1440] : memref<24576xi32, #tpu.memory_space<vmem>>[vector<16xi32>], vector<16xi32>,
          %parallel_loop3A_1442 = vector.broadcast %parallel_loop3A_1359 : i32 to vector<16xi32>
          %parallel_loop3A_1443 = arith.addi %add3A_971, %parallel_loop3A_1442 : vector<16xi32>
          %parallel_loop3A_1444 = tpu.vector_load_idx %arg7[%parallel_loop3A_1443] : memref<24576xi32, #tpu.memory_space<vmem>>[vector<16xi32>], vector<16xi32>,
          %parallel_loop3A_1445 = vector.broadcast %parallel_loop3A_1359 : i32 to vector<16xi32>
          %parallel_loop3A_1446 = arith.addi %add3A_975, %parallel_loop3A_1445 : vector<16xi32>
          %parallel_loop3A_1447 = tpu.vector_load_idx %arg7[%parallel_loop3A_1446] : memref<24576xi32, #tpu.memory_space<vmem>>[vector<16xi32>], vector<16xi32>,
          %parallel_loop3A_1448 = arith.constant 16 : i32
          %parallel_loop3A_1449 = vector.broadcast %parallel_loop3A_1448 : i32 to vector<16xi32>
          %parallel_loop3A_1450 = arith.shli %parallel_loop3A_1438, %parallel_loop3A_1449 : vector<16xi32>
          %parallel_loop3A_1451 = vector.bitcast %parallel_loop3A_1450 : vector<16xi32> to vector<16xf32>
          %parallel_loop3A_1452 = arith.mulf %select_n3A_914, %parallel_loop3A_1451 : vector<16xf32>
          %parallel_loop3A_1453 = arith.constant 16 : i32
          %parallel_loop3A_1454 = vector.broadcast %parallel_loop3A_1453 : i32 to vector<16xi32>
          %parallel_loop3A_1455 = arith.shli %parallel_loop3A_1441, %parallel_loop3A_1454 : vector<16xi32>
          %parallel_loop3A_1456 = vector.bitcast %parallel_loop3A_1455 : vector<16xi32> to vector<16xf32>
          %parallel_loop3A_1457 = arith.mulf %select_n3A_926, %parallel_loop3A_1456 : vector<16xf32>
          %parallel_loop3A_1458 = arith.addf %parallel_loop3A_1452, %parallel_loop3A_1457 : vector<16xf32>
          %parallel_loop3A_1459 = arith.constant 16 : i32
          %parallel_loop3A_1460 = vector.broadcast %parallel_loop3A_1459 : i32 to vector<16xi32>
          %parallel_loop3A_1461 = arith.shli %parallel_loop3A_1444, %parallel_loop3A_1460 : vector<16xi32>
          %parallel_loop3A_1462 = vector.bitcast %parallel_loop3A_1461 : vector<16xi32> to vector<16xf32>
          %parallel_loop3A_1463 = arith.mulf %select_n3A_920, %parallel_loop3A_1462 : vector<16xf32>
          %parallel_loop3A_1464 = arith.addf %parallel_loop3A_1458, %parallel_loop3A_1463 : vector<16xf32>
          %parallel_loop3A_1465 = arith.constant 16 : i32
          %parallel_loop3A_1466 = vector.broadcast %parallel_loop3A_1465 : i32 to vector<16xi32>
          %parallel_loop3A_1467 = arith.shli %parallel_loop3A_1447, %parallel_loop3A_1466 : vector<16xi32>
          %parallel_loop3A_1468 = vector.bitcast %parallel_loop3A_1467 : vector<16xi32> to vector<16xf32>
          %parallel_loop3A_1469 = arith.mulf %select_n3A_929, %parallel_loop3A_1468 : vector<16xf32>
          %parallel_loop3A_1470 = arith.addf %parallel_loop3A_1464, %parallel_loop3A_1469 : vector<16xf32>
          %parallel_loop3A_1471 = vector.bitcast %parallel_loop3A_1438 : vector<16xi32> to vector<16xf32>
          %parallel_loop3A_1472 = arith.mulf %select_n3A_914, %parallel_loop3A_1471 : vector<16xf32>
          %parallel_loop3A_1473 = vector.bitcast %parallel_loop3A_1441 : vector<16xi32> to vector<16xf32>
          %parallel_loop3A_1474 = arith.mulf %select_n3A_926, %parallel_loop3A_1473 : vector<16xf32>
          %parallel_loop3A_1475 = arith.addf %parallel_loop3A_1472, %parallel_loop3A_1474 : vector<16xf32>
          %parallel_loop3A_1476 = vector.bitcast %parallel_loop3A_1444 : vector<16xi32> to vector<16xf32>
          %parallel_loop3A_1477 = arith.mulf %select_n3A_920, %parallel_loop3A_1476 : vector<16xf32>
          %parallel_loop3A_1478 = arith.addf %parallel_loop3A_1475, %parallel_loop3A_1477 : vector<16xf32>
          %parallel_loop3A_1479 = vector.bitcast %parallel_loop3A_1447 : vector<16xi32> to vector<16xf32>
          %parallel_loop3A_1480 = arith.mulf %select_n3A_929, %parallel_loop3A_1479 : vector<16xf32>
          %parallel_loop3A_1481 = arith.addf %parallel_loop3A_1478, %parallel_loop3A_1480 : vector<16xf32>
          %parallel_loop3A_1482 = arith.constant 32 : i32
          %parallel_loop3A_1483 = arith.muli %parallel_loop3A_1482, %parallel_loop3A_1353 : i32
          %parallel_loop3A_1484 = arith.constant 5 : i32
          %parallel_loop3A_1485 = arith.index_cast %parallel_loop3A_1484 : i32 to index
          %parallel_loop3A_1486 = arith.index_cast %parallel_loop3A_1483 : i32 to index
          %parallel_loop3A_1487 = tpu.vector_load %arg12[%parallel_loop3A_1485, %parallel_loop3A_1486] {strides = array<i32>} : memref<8x768xf32, #tpu.memory_space<vmem>>, vector<16xf32>,
          tpu.vector_store %arg12[%parallel_loop3A_1485, %parallel_loop3A_1486], %parallel_loop3A_1470 {strides = array<i32>} : memref<8x768xf32, #tpu.memory_space<vmem>>, vector<16xf32>,
          %parallel_loop3A_1488 = arith.constant 32 : i32
          %parallel_loop3A_1489 = arith.muli %parallel_loop3A_1488, %parallel_loop3A_1353 : i32
          %parallel_loop3A_1490 = arith.constant 16 : i32
          %parallel_loop3A_1491 = arith.addi %parallel_loop3A_1489, %parallel_loop3A_1490 : i32
          %parallel_loop3A_1492 = arith.constant 5 : i32
          %parallel_loop3A_1493 = arith.index_cast %parallel_loop3A_1492 : i32 to index
          %parallel_loop3A_1494 = arith.index_cast %parallel_loop3A_1491 : i32 to index
          %parallel_loop3A_1495 = tpu.vector_load %arg12[%parallel_loop3A_1493, %parallel_loop3A_1494] {strides = array<i32>} : memref<8x768xf32, #tpu.memory_space<vmem>>, vector<16xf32>,
          tpu.vector_store %arg12[%parallel_loop3A_1493, %parallel_loop3A_1494], %parallel_loop3A_1481 {strides = array<i32>} : memref<8x768xf32, #tpu.memory_space<vmem>>, vector<16xf32>,
          %parallel_loop3A_1496 = arith.mulf %parallel_loop3A_1364, %parallel_loop3A_1470 : vector<16xf32>
          %parallel_loop3A_1497 = arith.addf %parallel_loop3A_1355, %parallel_loop3A_1496 : vector<16xf32>
          %parallel_loop3A_1498 = arith.mulf %parallel_loop3A_1371, %parallel_loop3A_1481 : vector<16xf32>
          %parallel_loop3A_1499 = arith.addf %parallel_loop3A_1497, %parallel_loop3A_1498 : vector<16xf32>
          %parallel_loop3A_1500 = vector.broadcast %parallel_loop3A_1359 : i32 to vector<16xi32>
          %parallel_loop3A_1501 = arith.addi %add3A_1121, %parallel_loop3A_1500 : vector<16xi32>
          %parallel_loop3A_1502 = tpu.vector_load_idx %arg7[%parallel_loop3A_1501] : memref<24576xi32, #tpu.memory_space<vmem>>[vector<16xi32>], vector<16xi32>,
          %parallel_loop3A_1503 = vector.broadcast %parallel_loop3A_1359 : i32 to vector<16xi32>
          %parallel_loop3A_1504 = arith.addi %add3A_1125, %parallel_loop3A_1503 : vector<16xi32>
          %parallel_loop3A_1505 = tpu.vector_load_idx %arg7[%parallel_loop3A_1504] : memref<24576xi32, #tpu.memory_space<vmem>>[vector<16xi32>], vector<16xi32>,
          %parallel_loop3A_1506 = vector.broadcast %parallel_loop3A_1359 : i32 to vector<16xi32>
          %parallel_loop3A_1507 = arith.addi %add3A_1129, %parallel_loop3A_1506 : vector<16xi32>
          %parallel_loop3A_1508 = tpu.vector_load_idx %arg7[%parallel_loop3A_1507] : memref<24576xi32, #tpu.memory_space<vmem>>[vector<16xi32>], vector<16xi32>,
          %parallel_loop3A_1509 = vector.broadcast %parallel_loop3A_1359 : i32 to vector<16xi32>
          %parallel_loop3A_1510 = arith.addi %add3A_1133, %parallel_loop3A_1509 : vector<16xi32>
          %parallel_loop3A_1511 = tpu.vector_load_idx %arg7[%parallel_loop3A_1510] : memref<24576xi32, #tpu.memory_space<vmem>>[vector<16xi32>], vector<16xi32>,
          %parallel_loop3A_1512 = arith.constant 16 : i32
          %parallel_loop3A_1513 = vector.broadcast %parallel_loop3A_1512 : i32 to vector<16xi32>
          %parallel_loop3A_1514 = arith.shli %parallel_loop3A_1502, %parallel_loop3A_1513 : vector<16xi32>
          %parallel_loop3A_1515 = vector.bitcast %parallel_loop3A_1514 : vector<16xi32> to vector<16xf32>
          %parallel_loop3A_1516 = arith.mulf %select_n3A_1072, %parallel_loop3A_1515 : vector<16xf32>
          %parallel_loop3A_1517 = arith.constant 16 : i32
          %parallel_loop3A_1518 = vector.broadcast %parallel_loop3A_1517 : i32 to vector<16xi32>
          %parallel_loop3A_1519 = arith.shli %parallel_loop3A_1505, %parallel_loop3A_1518 : vector<16xi32>
          %parallel_loop3A_1520 = vector.bitcast %parallel_loop3A_1519 : vector<16xi32> to vector<16xf32>
          %parallel_loop3A_1521 = arith.mulf %select_n3A_1084, %parallel_loop3A_1520 : vector<16xf32>
          %parallel_loop3A_1522 = arith.addf %parallel_loop3A_1516, %parallel_loop3A_1521 : vector<16xf32>
          %parallel_loop3A_1523 = arith.constant 16 : i32
          %parallel_loop3A_1524 = vector.broadcast %parallel_loop3A_1523 : i32 to vector<16xi32>
          %parallel_loop3A_1525 = arith.shli %parallel_loop3A_1508, %parallel_loop3A_1524 : vector<16xi32>
          %parallel_loop3A_1526 = vector.bitcast %parallel_loop3A_1525 : vector<16xi32> to vector<16xf32>
          %parallel_loop3A_1527 = arith.mulf %select_n3A_1078, %parallel_loop3A_1526 : vector<16xf32>
          %parallel_loop3A_1528 = arith.addf %parallel_loop3A_1522, %parallel_loop3A_1527 : vector<16xf32>
          %parallel_loop3A_1529 = arith.constant 16 : i32
          %parallel_loop3A_1530 = vector.broadcast %parallel_loop3A_1529 : i32 to vector<16xi32>
          %parallel_loop3A_1531 = arith.shli %parallel_loop3A_1511, %parallel_loop3A_1530 : vector<16xi32>
          %parallel_loop3A_1532 = vector.bitcast %parallel_loop3A_1531 : vector<16xi32> to vector<16xf32>
          %parallel_loop3A_1533 = arith.mulf %select_n3A_1087, %parallel_loop3A_1532 : vector<16xf32>
          %parallel_loop3A_1534 = arith.addf %parallel_loop3A_1528, %parallel_loop3A_1533 : vector<16xf32>
          %parallel_loop3A_1535 = vector.bitcast %parallel_loop3A_1502 : vector<16xi32> to vector<16xf32>
          %parallel_loop3A_1536 = arith.mulf %select_n3A_1072, %parallel_loop3A_1535 : vector<16xf32>
          %parallel_loop3A_1537 = vector.bitcast %parallel_loop3A_1505 : vector<16xi32> to vector<16xf32>
          %parallel_loop3A_1538 = arith.mulf %select_n3A_1084, %parallel_loop3A_1537 : vector<16xf32>
          %parallel_loop3A_1539 = arith.addf %parallel_loop3A_1536, %parallel_loop3A_1538 : vector<16xf32>
          %parallel_loop3A_1540 = vector.bitcast %parallel_loop3A_1508 : vector<16xi32> to vector<16xf32>
          %parallel_loop3A_1541 = arith.mulf %select_n3A_1078, %parallel_loop3A_1540 : vector<16xf32>
          %parallel_loop3A_1542 = arith.addf %parallel_loop3A_1539, %parallel_loop3A_1541 : vector<16xf32>
          %parallel_loop3A_1543 = vector.bitcast %parallel_loop3A_1511 : vector<16xi32> to vector<16xf32>
          %parallel_loop3A_1544 = arith.mulf %select_n3A_1087, %parallel_loop3A_1543 : vector<16xf32>
          %parallel_loop3A_1545 = arith.addf %parallel_loop3A_1542, %parallel_loop3A_1544 : vector<16xf32>
          %parallel_loop3A_1546 = arith.constant 32 : i32
          %parallel_loop3A_1547 = arith.muli %parallel_loop3A_1546, %parallel_loop3A_1353 : i32
          %parallel_loop3A_1548 = arith.constant 6 : i32
          %parallel_loop3A_1549 = arith.index_cast %parallel_loop3A_1548 : i32 to index
          %parallel_loop3A_1550 = arith.index_cast %parallel_loop3A_1547 : i32 to index
          %parallel_loop3A_1551 = tpu.vector_load %arg12[%parallel_loop3A_1549, %parallel_loop3A_1550] {strides = array<i32>} : memref<8x768xf32, #tpu.memory_space<vmem>>, vector<16xf32>,
          tpu.vector_store %arg12[%parallel_loop3A_1549, %parallel_loop3A_1550], %parallel_loop3A_1534 {strides = array<i32>} : memref<8x768xf32, #tpu.memory_space<vmem>>, vector<16xf32>,
          %parallel_loop3A_1552 = arith.constant 32 : i32
          %parallel_loop3A_1553 = arith.muli %parallel_loop3A_1552, %parallel_loop3A_1353 : i32
          %parallel_loop3A_1554 = arith.constant 16 : i32
          %parallel_loop3A_1555 = arith.addi %parallel_loop3A_1553, %parallel_loop3A_1554 : i32
          %parallel_loop3A_1556 = arith.constant 6 : i32
          %parallel_loop3A_1557 = arith.index_cast %parallel_loop3A_1556 : i32 to index
          %parallel_loop3A_1558 = arith.index_cast %parallel_loop3A_1555 : i32 to index
          %parallel_loop3A_1559 = tpu.vector_load %arg12[%parallel_loop3A_1557, %parallel_loop3A_1558] {strides = array<i32>} : memref<8x768xf32, #tpu.memory_space<vmem>>, vector<16xf32>,
          tpu.vector_store %arg12[%parallel_loop3A_1557, %parallel_loop3A_1558], %parallel_loop3A_1545 {strides = array<i32>} : memref<8x768xf32, #tpu.memory_space<vmem>>, vector<16xf32>,
          %parallel_loop3A_1560 = arith.mulf %parallel_loop3A_1364, %parallel_loop3A_1534 : vector<16xf32>
          %parallel_loop3A_1561 = arith.addf %parallel_loop3A_1356, %parallel_loop3A_1560 : vector<16xf32>
          %parallel_loop3A_1562 = arith.mulf %parallel_loop3A_1371, %parallel_loop3A_1545 : vector<16xf32>
          %parallel_loop3A_1563 = arith.addf %parallel_loop3A_1561, %parallel_loop3A_1562 : vector<16xf32>
          %parallel_loop3A_1564 = vector.broadcast %parallel_loop3A_1359 : i32 to vector<16xi32>
          %parallel_loop3A_1565 = arith.addi %add3A_1279, %parallel_loop3A_1564 : vector<16xi32>
          %parallel_loop3A_1566 = tpu.vector_load_idx %arg7[%parallel_loop3A_1565] : memref<24576xi32, #tpu.memory_space<vmem>>[vector<16xi32>], vector<16xi32>,
          %parallel_loop3A_1567 = vector.broadcast %parallel_loop3A_1359 : i32 to vector<16xi32>
          %parallel_loop3A_1568 = arith.addi %add3A_1283, %parallel_loop3A_1567 : vector<16xi32>
          %parallel_loop3A_1569 = tpu.vector_load_idx %arg7[%parallel_loop3A_1568] : memref<24576xi32, #tpu.memory_space<vmem>>[vector<16xi32>], vector<16xi32>,
          %parallel_loop3A_1570 = vector.broadcast %parallel_loop3A_1359 : i32 to vector<16xi32>
          %parallel_loop3A_1571 = arith.addi %add3A_1287, %parallel_loop3A_1570 : vector<16xi32>
          %parallel_loop3A_1572 = tpu.vector_load_idx %arg7[%parallel_loop3A_1571] : memref<24576xi32, #tpu.memory_space<vmem>>[vector<16xi32>], vector<16xi32>,
          %parallel_loop3A_1573 = vector.broadcast %parallel_loop3A_1359 : i32 to vector<16xi32>
          %parallel_loop3A_1574 = arith.addi %add3A_1291, %parallel_loop3A_1573 : vector<16xi32>
          %parallel_loop3A_1575 = tpu.vector_load_idx %arg7[%parallel_loop3A_1574] : memref<24576xi32, #tpu.memory_space<vmem>>[vector<16xi32>], vector<16xi32>,
          %parallel_loop3A_1576 = arith.constant 16 : i32
          %parallel_loop3A_1577 = vector.broadcast %parallel_loop3A_1576 : i32 to vector<16xi32>
          %parallel_loop3A_1578 = arith.shli %parallel_loop3A_1566, %parallel_loop3A_1577 : vector<16xi32>
          %parallel_loop3A_1579 = vector.bitcast %parallel_loop3A_1578 : vector<16xi32> to vector<16xf32>
          %parallel_loop3A_1580 = arith.mulf %select_n3A_1230, %parallel_loop3A_1579 : vector<16xf32>
          %parallel_loop3A_1581 = arith.constant 16 : i32
          %parallel_loop3A_1582 = vector.broadcast %parallel_loop3A_1581 : i32 to vector<16xi32>
          %parallel_loop3A_1583 = arith.shli %parallel_loop3A_1569, %parallel_loop3A_1582 : vector<16xi32>
          %parallel_loop3A_1584 = vector.bitcast %parallel_loop3A_1583 : vector<16xi32> to vector<16xf32>
          %parallel_loop3A_1585 = arith.mulf %select_n3A_1242, %parallel_loop3A_1584 : vector<16xf32>
          %parallel_loop3A_1586 = arith.addf %parallel_loop3A_1580, %parallel_loop3A_1585 : vector<16xf32>
          %parallel_loop3A_1587 = arith.constant 16 : i32
          %parallel_loop3A_1588 = vector.broadcast %parallel_loop3A_1587 : i32 to vector<16xi32>
          %parallel_loop3A_1589 = arith.shli %parallel_loop3A_1572, %parallel_loop3A_1588 : vector<16xi32>
          %parallel_loop3A_1590 = vector.bitcast %parallel_loop3A_1589 : vector<16xi32> to vector<16xf32>
          %parallel_loop3A_1591 = arith.mulf %select_n3A_1236, %parallel_loop3A_1590 : vector<16xf32>
          %parallel_loop3A_1592 = arith.addf %parallel_loop3A_1586, %parallel_loop3A_1591 : vector<16xf32>
          %parallel_loop3A_1593 = arith.constant 16 : i32
          %parallel_loop3A_1594 = vector.broadcast %parallel_loop3A_1593 : i32 to vector<16xi32>
          %parallel_loop3A_1595 = arith.shli %parallel_loop3A_1575, %parallel_loop3A_1594 : vector<16xi32>
          %parallel_loop3A_1596 = vector.bitcast %parallel_loop3A_1595 : vector<16xi32> to vector<16xf32>
          %parallel_loop3A_1597 = arith.mulf %select_n3A_1245, %parallel_loop3A_1596 : vector<16xf32>
          %parallel_loop3A_1598 = arith.addf %parallel_loop3A_1592, %parallel_loop3A_1597 : vector<16xf32>
          %parallel_loop3A_1599 = vector.bitcast %parallel_loop3A_1566 : vector<16xi32> to vector<16xf32>
          %parallel_loop3A_1600 = arith.mulf %select_n3A_1230, %parallel_loop3A_1599 : vector<16xf32>
          %parallel_loop3A_1601 = vector.bitcast %parallel_loop3A_1569 : vector<16xi32> to vector<16xf32>
          %parallel_loop3A_1602 = arith.mulf %select_n3A_1242, %parallel_loop3A_1601 : vector<16xf32>
          %parallel_loop3A_1603 = arith.addf %parallel_loop3A_1600, %parallel_loop3A_1602 : vector<16xf32>
          %parallel_loop3A_1604 = vector.bitcast %parallel_loop3A_1572 : vector<16xi32> to vector<16xf32>
          %parallel_loop3A_1605 = arith.mulf %select_n3A_1236, %parallel_loop3A_1604 : vector<16xf32>
          %parallel_loop3A_1606 = arith.addf %parallel_loop3A_1603, %parallel_loop3A_1605 : vector<16xf32>
          %parallel_loop3A_1607 = vector.bitcast %parallel_loop3A_1575 : vector<16xi32> to vector<16xf32>
          %parallel_loop3A_1608 = arith.mulf %select_n3A_1245, %parallel_loop3A_1607 : vector<16xf32>
          %parallel_loop3A_1609 = arith.addf %parallel_loop3A_1606, %parallel_loop3A_1608 : vector<16xf32>
          %parallel_loop3A_1610 = arith.constant 32 : i32
          %parallel_loop3A_1611 = arith.muli %parallel_loop3A_1610, %parallel_loop3A_1353 : i32
          %parallel_loop3A_1612 = arith.constant 7 : i32
          %parallel_loop3A_1613 = arith.index_cast %parallel_loop3A_1612 : i32 to index
          %parallel_loop3A_1614 = arith.index_cast %parallel_loop3A_1611 : i32 to index
          %parallel_loop3A_1615 = tpu.vector_load %arg12[%parallel_loop3A_1613, %parallel_loop3A_1614] {strides = array<i32>} : memref<8x768xf32, #tpu.memory_space<vmem>>, vector<16xf32>,
          tpu.vector_store %arg12[%parallel_loop3A_1613, %parallel_loop3A_1614], %parallel_loop3A_1598 {strides = array<i32>} : memref<8x768xf32, #tpu.memory_space<vmem>>, vector<16xf32>,
          %parallel_loop3A_1616 = arith.constant 32 : i32
          %parallel_loop3A_1617 = arith.muli %parallel_loop3A_1616, %parallel_loop3A_1353 : i32
          %parallel_loop3A_1618 = arith.constant 16 : i32
          %parallel_loop3A_1619 = arith.addi %parallel_loop3A_1617, %parallel_loop3A_1618 : i32
          %parallel_loop3A_1620 = arith.constant 7 : i32
          %parallel_loop3A_1621 = arith.index_cast %parallel_loop3A_1620 : i32 to index
          %parallel_loop3A_1622 = arith.index_cast %parallel_loop3A_1619 : i32 to index
          %parallel_loop3A_1623 = tpu.vector_load %arg12[%parallel_loop3A_1621, %parallel_loop3A_1622] {strides = array<i32>} : memref<8x768xf32, #tpu.memory_space<vmem>>, vector<16xf32>,
          tpu.vector_store %arg12[%parallel_loop3A_1621, %parallel_loop3A_1622], %parallel_loop3A_1609 {strides = array<i32>} : memref<8x768xf32, #tpu.memory_space<vmem>>, vector<16xf32>,
          %parallel_loop3A_1624 = arith.mulf %parallel_loop3A_1364, %parallel_loop3A_1598 : vector<16xf32>
          %parallel_loop3A_1625 = arith.addf %parallel_loop3A_1357, %parallel_loop3A_1624 : vector<16xf32>
          %parallel_loop3A_1626 = arith.mulf %parallel_loop3A_1371, %parallel_loop3A_1609 : vector<16xf32>
          %parallel_loop3A_1627 = arith.addf %parallel_loop3A_1625, %parallel_loop3A_1626 : vector<16xf32>
          scf.yield %parallel_loop3A_1435, %parallel_loop3A_1499, %parallel_loop3A_1563, %parallel_loop3A_1627 : vector<16xf32>, vector<16xf32>, vector<16xf32>, vector<16xf32>
        } {sc.loop_unroll_factor = 8 : i64, sc.parallel_access}
        %mul3A_1298 = arith.constant 0.144337565 : f32
        %mul3A_1299 = vector.broadcast %mul3A_1298 : f32 to vector<16xf32>
        %mul3A_1300 = arith.mulf %parallel_loop3A_1297#0, %mul3A_1299 : vector<16xf32>
        %mul3A_1301 = arith.constant 0.144337565 : f32
        %mul3A_1302 = vector.broadcast %mul3A_1301 : f32 to vector<16xf32>
        %mul3A_1303 = arith.mulf %parallel_loop3A_1297#1, %mul3A_1302 : vector<16xf32>
        %mul3A_1304 = arith.constant 0.144337565 : f32
        %mul3A_1305 = vector.broadcast %mul3A_1304 : f32 to vector<16xf32>
        %mul3A_1306 = arith.mulf %parallel_loop3A_1297#2, %mul3A_1305 : vector<16xf32>
        %mul3A_1307 = arith.constant 0.144337565 : f32
        %mul3A_1308 = vector.broadcast %mul3A_1307 : f32 to vector<16xf32>
        %mul3A_1309 = arith.mulf %parallel_loop3A_1297#3, %mul3A_1308 : vector<16xf32>
        %max3A_1310 = arith.maximumf %mul3A_650, %mul3A_653 : vector<16xf32>
        %max3A_1311 = arith.maximumf %max3A_1310, %mul3A_656 : vector<16xf32>
        %max3A_1312 = arith.maximumf %max3A_1311, %mul3A_659 : vector<16xf32>
        %max3A_1313 = arith.maximumf %max3A_1312, %mul3A_1300 : vector<16xf32>
        %max3A_1314 = arith.maximumf %max3A_1313, %mul3A_1303 : vector<16xf32>
        %max3A_1315 = arith.maximumf %max3A_1314, %mul3A_1306 : vector<16xf32>
        %max3A_1316 = arith.maximumf %max3A_1315, %mul3A_1309 : vector<16xf32>
        %sub3A_1317 = arith.subf %mul3A_650, %max3A_1316 : vector<16xf32>
        %exp3A = math.exp %sub3A_1317 : vector<16xf32>
        %sub3A_1318 = arith.subf %mul3A_653, %max3A_1316 : vector<16xf32>
        %exp3A_1319 = math.exp %sub3A_1318 : vector<16xf32>
        %sub3A_1320 = arith.subf %mul3A_656, %max3A_1316 : vector<16xf32>
        %exp3A_1321 = math.exp %sub3A_1320 : vector<16xf32>
        %sub3A_1322 = arith.subf %mul3A_659, %max3A_1316 : vector<16xf32>
        %exp3A_1323 = math.exp %sub3A_1322 : vector<16xf32>
        %sub3A_1324 = arith.subf %mul3A_1300, %max3A_1316 : vector<16xf32>
        %exp3A_1325 = math.exp %sub3A_1324 : vector<16xf32>
        %sub3A_1326 = arith.subf %mul3A_1303, %max3A_1316 : vector<16xf32>
        %exp3A_1327 = math.exp %sub3A_1326 : vector<16xf32>
        %sub3A_1328 = arith.subf %mul3A_1306, %max3A_1316 : vector<16xf32>
        %exp3A_1329 = math.exp %sub3A_1328 : vector<16xf32>
        %sub3A_1330 = arith.subf %mul3A_1309, %max3A_1316 : vector<16xf32>
        %exp3A_1331 = math.exp %sub3A_1330 : vector<16xf32>
        %add3A_1332 = arith.addf %exp3A, %exp3A_1319 : vector<16xf32>
        %add3A_1333 = arith.addf %add3A_1332, %exp3A_1321 : vector<16xf32>
        %add3A_1334 = arith.addf %add3A_1333, %exp3A_1323 : vector<16xf32>
        %add3A_1335 = arith.addf %add3A_1334, %exp3A_1325 : vector<16xf32>
        %add3A_1336 = arith.addf %add3A_1335, %exp3A_1327 : vector<16xf32>
        %add3A_1337 = arith.addf %add3A_1336, %exp3A_1329 : vector<16xf32>
        %add3A_1338 = arith.addf %add3A_1337, %exp3A_1331 : vector<16xf32>
        %div3A = arith.constant 1.000000e+00 : f32
        %div3A_1339 = vector.broadcast %div3A : f32 to vector<16xf32>
        %div3A_1340 = arith.divf %div3A_1339, %add3A_1338 : vector<16xf32>
        %mul3A_1341 = arith.mulf %exp3A, %div3A_1340 : vector<16xf32>
        %mul3A_1342 = arith.mulf %exp3A_1319, %div3A_1340 : vector<16xf32>
        %mul3A_1343 = arith.mulf %exp3A_1321, %div3A_1340 : vector<16xf32>
        %mul3A_1344 = arith.mulf %exp3A_1323, %div3A_1340 : vector<16xf32>
        %mul3A_1345 = arith.mulf %exp3A_1325, %div3A_1340 : vector<16xf32>
        %mul3A_1346 = arith.mulf %exp3A_1327, %div3A_1340 : vector<16xf32>
        %mul3A_1347 = arith.mulf %exp3A_1329, %div3A_1340 : vector<16xf32>
        %mul3A_1348 = arith.mulf %exp3A_1331, %div3A_1340 : vector<16xf32>
        %parallel_loop3A_1349 = arith.constant 0 : i32
        %parallel_loop3A_1350 = arith.constant 48 : i32
        %parallel_loop3A_1351 = arith.constant 1 : i32
        scf.for %parallel_loop3A_1353 = %parallel_loop3A_1349 to %parallel_loop3A_1350 step %parallel_loop3A_1351  : i32 {
          %parallel_loop3A_1354 = arith.constant 16 : i32
          %parallel_loop3A_1355 = arith.muli %parallel_loop3A_1353, %parallel_loop3A_1354 : i32
          %parallel_loop3A_1356 = arith.constant 0 : i32
          %parallel_loop3A_1357 = arith.index_cast %parallel_loop3A_1356 : i32 to index
          %parallel_loop3A_1358 = arith.index_cast %parallel_loop3A_1355 : i32 to index
          %parallel_loop3A_1359 = tpu.vector_load %arg12[%parallel_loop3A_1357, %parallel_loop3A_1358] {strides = array<i32>} : memref<8x768xf32, #tpu.memory_space<vmem>>, vector<16xf32>,
          %parallel_loop3A_1360 = arith.mulf %mul3A_1341, %parallel_loop3A_1359 : vector<16xf32>
          %parallel_loop3A_1361 = arith.constant 16 : i32
          %parallel_loop3A_1362 = arith.muli %parallel_loop3A_1353, %parallel_loop3A_1361 : i32
          %parallel_loop3A_1363 = arith.constant 1 : i32
          %parallel_loop3A_1364 = arith.index_cast %parallel_loop3A_1363 : i32 to index
          %parallel_loop3A_1365 = arith.index_cast %parallel_loop3A_1362 : i32 to index
          %parallel_loop3A_1366 = tpu.vector_load %arg12[%parallel_loop3A_1364, %parallel_loop3A_1365] {strides = array<i32>} : memref<8x768xf32, #tpu.memory_space<vmem>>, vector<16xf32>,
          %parallel_loop3A_1367 = arith.mulf %mul3A_1342, %parallel_loop3A_1366 : vector<16xf32>
          %parallel_loop3A_1368 = arith.addf %parallel_loop3A_1360, %parallel_loop3A_1367 : vector<16xf32>
          %parallel_loop3A_1369 = arith.constant 16 : i32
          %parallel_loop3A_1370 = arith.muli %parallel_loop3A_1353, %parallel_loop3A_1369 : i32
          %parallel_loop3A_1371 = arith.constant 2 : i32
          %parallel_loop3A_1372 = arith.index_cast %parallel_loop3A_1371 : i32 to index
          %parallel_loop3A_1373 = arith.index_cast %parallel_loop3A_1370 : i32 to index
          %parallel_loop3A_1374 = tpu.vector_load %arg12[%parallel_loop3A_1372, %parallel_loop3A_1373] {strides = array<i32>} : memref<8x768xf32, #tpu.memory_space<vmem>>, vector<16xf32>,
          %parallel_loop3A_1375 = arith.mulf %mul3A_1343, %parallel_loop3A_1374 : vector<16xf32>
          %parallel_loop3A_1376 = arith.addf %parallel_loop3A_1368, %parallel_loop3A_1375 : vector<16xf32>
          %parallel_loop3A_1377 = arith.constant 16 : i32
          %parallel_loop3A_1378 = arith.muli %parallel_loop3A_1353, %parallel_loop3A_1377 : i32
          %parallel_loop3A_1379 = arith.constant 3 : i32
          %parallel_loop3A_1380 = arith.index_cast %parallel_loop3A_1379 : i32 to index
          %parallel_loop3A_1381 = arith.index_cast %parallel_loop3A_1378 : i32 to index
          %parallel_loop3A_1382 = tpu.vector_load %arg12[%parallel_loop3A_1380, %parallel_loop3A_1381] {strides = array<i32>} : memref<8x768xf32, #tpu.memory_space<vmem>>, vector<16xf32>,
          %parallel_loop3A_1383 = arith.mulf %mul3A_1344, %parallel_loop3A_1382 : vector<16xf32>
          %parallel_loop3A_1384 = arith.addf %parallel_loop3A_1376, %parallel_loop3A_1383 : vector<16xf32>
          %parallel_loop3A_1385 = arith.constant 16 : i32
          %parallel_loop3A_1386 = arith.muli %parallel_loop3A_1353, %parallel_loop3A_1385 : i32
          %parallel_loop3A_1387 = arith.constant 4 : i32
          %parallel_loop3A_1388 = arith.index_cast %parallel_loop3A_1387 : i32 to index
          %parallel_loop3A_1389 = arith.index_cast %parallel_loop3A_1386 : i32 to index
          %parallel_loop3A_1390 = tpu.vector_load %arg12[%parallel_loop3A_1388, %parallel_loop3A_1389] {strides = array<i32>} : memref<8x768xf32, #tpu.memory_space<vmem>>, vector<16xf32>,
          %parallel_loop3A_1391 = arith.mulf %mul3A_1345, %parallel_loop3A_1390 : vector<16xf32>
          %parallel_loop3A_1392 = arith.addf %parallel_loop3A_1384, %parallel_loop3A_1391 : vector<16xf32>
          %parallel_loop3A_1393 = arith.constant 16 : i32
          %parallel_loop3A_1394 = arith.muli %parallel_loop3A_1353, %parallel_loop3A_1393 : i32
          %parallel_loop3A_1395 = arith.constant 5 : i32
          %parallel_loop3A_1396 = arith.index_cast %parallel_loop3A_1395 : i32 to index
          %parallel_loop3A_1397 = arith.index_cast %parallel_loop3A_1394 : i32 to index
          %parallel_loop3A_1398 = tpu.vector_load %arg12[%parallel_loop3A_1396, %parallel_loop3A_1397] {strides = array<i32>} : memref<8x768xf32, #tpu.memory_space<vmem>>, vector<16xf32>,
          %parallel_loop3A_1399 = arith.mulf %mul3A_1346, %parallel_loop3A_1398 : vector<16xf32>
          %parallel_loop3A_1400 = arith.addf %parallel_loop3A_1392, %parallel_loop3A_1399 : vector<16xf32>
          %parallel_loop3A_1401 = arith.constant 16 : i32
          %parallel_loop3A_1402 = arith.muli %parallel_loop3A_1353, %parallel_loop3A_1401 : i32
          %parallel_loop3A_1403 = arith.constant 6 : i32
          %parallel_loop3A_1404 = arith.index_cast %parallel_loop3A_1403 : i32 to index
          %parallel_loop3A_1405 = arith.index_cast %parallel_loop3A_1402 : i32 to index
          %parallel_loop3A_1406 = tpu.vector_load %arg12[%parallel_loop3A_1404, %parallel_loop3A_1405] {strides = array<i32>} : memref<8x768xf32, #tpu.memory_space<vmem>>, vector<16xf32>,
          %parallel_loop3A_1407 = arith.mulf %mul3A_1347, %parallel_loop3A_1406 : vector<16xf32>
          %parallel_loop3A_1408 = arith.addf %parallel_loop3A_1400, %parallel_loop3A_1407 : vector<16xf32>
          %parallel_loop3A_1409 = arith.constant 16 : i32
          %parallel_loop3A_1410 = arith.muli %parallel_loop3A_1353, %parallel_loop3A_1409 : i32
          %parallel_loop3A_1411 = arith.constant 7 : i32
          %parallel_loop3A_1412 = arith.index_cast %parallel_loop3A_1411 : i32 to index
          %parallel_loop3A_1413 = arith.index_cast %parallel_loop3A_1410 : i32 to index
          %parallel_loop3A_1414 = tpu.vector_load %arg12[%parallel_loop3A_1412, %parallel_loop3A_1413] {strides = array<i32>} : memref<8x768xf32, #tpu.memory_space<vmem>>, vector<16xf32>,
          %parallel_loop3A_1415 = arith.mulf %mul3A_1348, %parallel_loop3A_1414 : vector<16xf32>
          %parallel_loop3A_1416 = arith.addf %parallel_loop3A_1408, %parallel_loop3A_1415 : vector<16xf32>
          %parallel_loop3A_1417 = arith.index_cast %parallel_loop3A_1353 : i32 to index
          %parallel_loop3A_1418 = arith.index_cast %mul3A_22 : i32 to index
          %parallel_loop3A_1419 = tpu.vector_load %arg11[%parallel_loop3A_1417, %parallel_loop3A_1418] {strides = array<i32>} : memref<48x256xf32, #tpu.memory_space<vmem>>, vector<16xf32>,
          tpu.vector_store %arg11[%parallel_loop3A_1417, %parallel_loop3A_1418], %parallel_loop3A_1416 {strides = array<i32>} : memref<48x256xf32, #tpu.memory_space<vmem>>, vector<16xf32>,
        } {sc.loop_unroll_factor = 8 : i64, sc.parallel_access}
        %scan3A_1352 = arith.constant 0 : i32
        scf.yield %scan3A_1352 : i32
      }
      %scan3A_17 = arith.constant 16 : i32
      "tpu.region"() ({
        %run_scoped3A = tpu.sem_alloc : memref<!tpu.dma_semaphore, #tpu.memory_space<semaphore_mem>>
        %dma_start3A = arith.constant 0 : i32
        %dma_start3A_19 = tpu.memref_slice %arg6[%add3A, %dma_start3A, %mul3A_10] : memref<32x48x1024xf32, #tpu.memory_space<hbm>> -> memref<1x48x256xf32, #tpu.memory_space<hbm>>
        %dma_start3A_20 = tpu.memref_squeeze %dma_start3A_19 : memref<1x48x256xf32, #tpu.memory_space<hbm>> -> memref<48x256xf32, #tpu.memory_space<hbm>>
        %dma_start3A_21 = arith.constant 0 : i32
        %dma_start3A_22 = tpu.memref_slice %arg6[%add3A, %dma_start3A_21, %mul3A_10] : memref<32x48x1024xf32, #tpu.memory_space<hbm>> -> memref<1x48x256xf32, #tpu.memory_space<hbm>>
        %dma_start3A_23 = tpu.memref_squeeze %dma_start3A_22 : memref<1x48x256xf32, #tpu.memory_space<hbm>> -> memref<48x256xf32, #tpu.memory_space<hbm>>
        tpu.enqueue_dma source(%arg11 : memref<48x256xf32, #tpu.memory_space<vmem>>) target(%dma_start3A_23 : memref<48x256xf32, #tpu.memory_space<hbm>>) target_semaphore(%run_scoped3A : memref<!tpu.dma_semaphore, #tpu.memory_space<semaphore_mem>>)
        %dma_wait3A = arith.constant 0 : i32
        %dma_wait3A_24 = tpu.memref_slice %arg6[%add3A, %dma_wait3A, %mul3A_10] : memref<32x48x1024xf32, #tpu.memory_space<hbm>> -> memref<1x48x256xf32, #tpu.memory_space<hbm>>
        %dma_wait3A_25 = tpu.memref_squeeze %dma_wait3A_24 : memref<1x48x256xf32, #tpu.memory_space<hbm>> -> memref<48x256xf32, #tpu.memory_space<hbm>>
        %dma_wait3A_26 = arith.constant 0 : i32
        %dma_wait3A_27 = tpu.memref_slice %arg6[%add3A, %dma_wait3A_26, %mul3A_10] : memref<32x48x1024xf32, #tpu.memory_space<hbm>> -> memref<1x48x256xf32, #tpu.memory_space<hbm>>
        %dma_wait3A_28 = tpu.memref_squeeze %dma_wait3A_27 : memref<1x48x256xf32, #tpu.memory_space<hbm>> -> memref<48x256xf32, #tpu.memory_space<hbm>>
        tpu.wait_dma2 semaphore(%run_scoped3A : memref<!tpu.dma_semaphore, #tpu.memory_space<semaphore_mem>>) src(%arg11 : memref<48x256xf32, #tpu.memory_space<vmem>>) dst(%dma_wait3A_28 : memref<48x256xf32, #tpu.memory_space<hbm>>)
        tpu.yield
      }) : () -> ()
      %scan3A_18 = arith.constant 0 : i32
      scf.yield %scan3A_18 : i32
    }
    %scan3A_6 = arith.constant 4 : i32
    return
  }
}

module attributes {stable_mosaic.version = 14 : i64} {
  func.func @_proj_body(%arg0: i32, %arg1: memref<512x384xf32, #tpu.memory_space<vmem>>, %arg2: memref<384x384xf32, #tpu.memory_space<vmem>>, %arg3: memref<384xf32, #tpu.memory_space<vmem>>, %arg4: memref<384x64xf32, #tpu.memory_space<vmem>>, %arg5: memref<64xf32, #tpu.memory_space<vmem>>, %arg6: memref<384x64xf32, #tpu.memory_space<vmem>>, %arg7: memref<64xf32, #tpu.memory_space<vmem>>, %arg8: memref<4x24x1024xf32, #tpu.memory_space<vmem>>, %arg9: memref<4x24x1024xf32, #tpu.memory_space<vmem>>, %arg10: memref<384x512xf32, #tpu.memory_space<vmem>>, %arg11: memref<512x64xf32, #tpu.memory_space<vmem>>, %arg12: memref<512x64xf32, #tpu.memory_space<vmem>>, %arg13: memref<4x24x1024xi32, #tpu.memory_space<vmem>>) attributes {dimension_semantics = [#tpu.dimension_semantics<arbitrary>], iteration_bounds = array<i64: 8>, scalar_prefetch = 0 : i64, scratch_operands = 0 : i64, tpu.core_type = #tpu.core_type<tc>, window_params = [{transform_indices = @transform_0, window_bounds = array<i64: 512, 384>}, {pipeline_mode = #tpu.pipeline_mode<synchronous>, transform_indices = @transform_1, window_bounds = array<i64: 384, 384>}, {pipeline_mode = #tpu.pipeline_mode<synchronous>, transform_indices = @transform_2, window_bounds = array<i64: 384>}, {pipeline_mode = #tpu.pipeline_mode<synchronous>, transform_indices = @transform_3, window_bounds = array<i64: 384, 64>}, {pipeline_mode = #tpu.pipeline_mode<synchronous>, transform_indices = @transform_4, window_bounds = array<i64: 64>}, {pipeline_mode = #tpu.pipeline_mode<synchronous>, transform_indices = @transform_5, window_bounds = array<i64: 384, 64>}, {pipeline_mode = #tpu.pipeline_mode<synchronous>, transform_indices = @transform_6, window_bounds = array<i64: 64>}, {transform_indices = @transform_7, window_bounds = array<i64: 4, 24, 1024>}, {transform_indices = @transform_8, window_bounds = array<i64: 4, 24, 1024>}, {transform_indices = @transform_9, window_bounds = array<i64: 384, 512>}, {transform_indices = @transform_10, window_bounds = array<i64: 512, 64>}, {transform_indices = @transform_11, window_bounds = array<i64: 512, 64>}, {transform_indices = @transform_12, window_bounds = array<i64: 4, 24, 1024>}]} {
    %get3A = arith.constant 0 : index
    %get3A_0 = arith.constant 0 : index
    %get3A_1 = vector.load %arg1[%get3A, %get3A_0] : memref<512x384xf32, #tpu.memory_space<vmem>>, vector<512x384xf32>
    %get3A_2 = arith.constant 0 : index
    %get3A_3 = arith.constant 0 : index
    %get3A_4 = vector.load %arg2[%get3A_2, %get3A_3] : memref<384x384xf32, #tpu.memory_space<vmem>>, vector<384x384xf32>
    %dot_general3A = arith.constant dense<0.000000e+00> : vector<512x384xf32>
    %dot_general3A_5 = tpu.matmul %get3A_1, %get3A_4, %dot_general3A {dimension_numbers = #tpu.dot_dimension_numbers<[1], [0], [0], [1], [0, 0, 1, 1], [], []>, transpose_lhs_hint = false} : vector<512x384xf32>, vector<384x384xf32>, vector<512x384xf32> -> vector<512x384xf32>
    %get3A_6 = arith.constant 0 : index
    %get3A_7 = vector.load %arg3[%get3A_6] : memref<384xf32, #tpu.memory_space<vmem>>, vector<384xf32>
    %broadcast_in_dim3A = vector.shape_cast %get3A_7 : vector<384xf32> to vector<1x384xf32>
    %add3A = vector.broadcast %broadcast_in_dim3A : vector<1x384xf32> to vector<512x384xf32>
    %add3A_8 = arith.addf %dot_general3A_5, %add3A : vector<512x384xf32>
    %transpose3A = tpu.transpose %add3A_8, [1, 0] : vector<512x384xf32> -> vector<384x512xf32>
    %swap3A = arith.constant 0 : index
    %swap3A_9 = arith.constant 0 : index
    %swap3A_10 = vector.load %arg10[%swap3A, %swap3A_9] : memref<384x512xf32, #tpu.memory_space<vmem>>, vector<384x512xf32>
    tpu.vector_store %arg10[%swap3A, %swap3A_9], %transpose3A {strides = array<i32>} : memref<384x512xf32, #tpu.memory_space<vmem>>, vector<384x512xf32>,
    %get3A_11 = arith.constant 0 : index
    %get3A_12 = arith.constant 0 : index
    %get3A_13 = vector.load %arg4[%get3A_11, %get3A_12] : memref<384x64xf32, #tpu.memory_space<vmem>>, vector<384x64xf32>
    %dot_general3A_14 = arith.constant dense<0.000000e+00> : vector<512x64xf32>
    %dot_general3A_15 = tpu.matmul %get3A_1, %get3A_13, %dot_general3A_14 {dimension_numbers = #tpu.dot_dimension_numbers<[1], [0], [0], [1], [0, 0, 1, 1], [], []>, transpose_lhs_hint = false} : vector<512x384xf32>, vector<384x64xf32>, vector<512x64xf32> -> vector<512x64xf32>
    %get3A_16 = arith.constant 0 : index
    %get3A_17 = vector.load %arg5[%get3A_16] : memref<64xf32, #tpu.memory_space<vmem>>, vector<64xf32>
    %broadcast_in_dim3A_18 = vector.shape_cast %get3A_17 : vector<64xf32> to vector<1x64xf32>
    %add3A_19 = vector.broadcast %broadcast_in_dim3A_18 : vector<1x64xf32> to vector<512x64xf32>
    %add3A_20 = arith.addf %dot_general3A_15, %add3A_19 : vector<512x64xf32>
    %get3A_21 = arith.constant 0 : index
    %get3A_22 = arith.constant 0 : index
    %get3A_23 = vector.load %arg6[%get3A_21, %get3A_22] : memref<384x64xf32, #tpu.memory_space<vmem>>, vector<384x64xf32>
    %dot_general3A_24 = arith.constant dense<0.000000e+00> : vector<512x64xf32>
    %dot_general3A_25 = tpu.matmul %get3A_1, %get3A_23, %dot_general3A_24 {dimension_numbers = #tpu.dot_dimension_numbers<[1], [0], [0], [1], [0, 0, 1, 1], [], []>, transpose_lhs_hint = false} : vector<512x384xf32>, vector<384x64xf32>, vector<512x64xf32> -> vector<512x64xf32>
    %get3A_26 = arith.constant 0 : index
    %get3A_27 = vector.load %arg7[%get3A_26] : memref<64xf32, #tpu.memory_space<vmem>>, vector<64xf32>
    %broadcast_in_dim3A_28 = vector.shape_cast %get3A_27 : vector<64xf32> to vector<1x64xf32>
    %add3A_29 = vector.broadcast %broadcast_in_dim3A_28 : vector<1x64xf32> to vector<512x64xf32>
    %add3A_30 = arith.addf %dot_general3A_25, %add3A_29 : vector<512x64xf32>
    %mul3A = arith.constant 512 : i32
    %mul3A_31 = arith.muli %arg0, %mul3A : i32
    %iota3A = tpu.iota {dimensions = array<i32: 0>} : vector<512x64xi32>
    %add3A_32 = vector.broadcast %mul3A_31 : i32 to vector<512x64xi32>
    %add3A_33 = arith.addi %add3A_32, %iota3A : vector<512x64xi32>
    %jit3A = arith.constant 1024 : i32
    %eq3A = arith.constant 0 : i32
    %eq3A_34 = arith.cmpi eq, %jit3A, %eq3A : i32
    %jit3A_35 = arith.constant 1 : i32
    %select_n3A = arith.select %eq3A_34, %jit3A_35, %jit3A : i32
    %rem3A = vector.broadcast %select_n3A : i32 to vector<512x64xi32>
    %rem3A_36 = arith.remsi %add3A_33, %rem3A : vector<512x64xi32>
    %ne3A = arith.constant 0 : i32
    %ne3A_37 = vector.broadcast %ne3A : i32 to vector<512x64xi32>
    %ne3A_38 = arith.cmpi ne, %rem3A_36, %ne3A_37 : vector<512x64xi32>
    %lt3A = arith.constant 0 : i32
    %lt3A_39 = vector.broadcast %lt3A : i32 to vector<512x64xi32>
    %lt3A_40 = arith.cmpi slt, %rem3A_36, %lt3A_39 : vector<512x64xi32>
    %lt3A_41 = arith.constant 0 : i32
    %lt3A_42 = arith.cmpi slt, %select_n3A, %lt3A_41 : i32
    %ne3A_43 = vector.broadcast %lt3A_42 : i1 to vector<512x64xi1>
    %ne3A_44 = vector.broadcast %ne3A_43 : vector<512x64xi1> to vector<512x64xi1>
    %ne3A_45 = arith.xori %lt3A_40, %ne3A_44 : vector<512x64xi1>
    %and3A = arith.andi %ne3A_45, %ne3A_38 : vector<512x64xi1>
    %add3A_46 = vector.broadcast %select_n3A : i32 to vector<512x64xi32>
    %add3A_47 = arith.addi %rem3A_36, %add3A_46 : vector<512x64xi32>
    %select_n3A_48 = arith.select %and3A, %add3A_47, %rem3A_36 : vector<512x64xi1>, vector<512x64xi32>
    %jit3A_49 = arith.constant 32 : i32
    %div3A = vector.broadcast %jit3A_49 : i32 to vector<512x64xi32>
    %div3A_50 = arith.divsi %select_n3A_48, %div3A : vector<512x64xi32>
    %sign3A = arith.constant 0 : i32
    %sign3A_51 = vector.broadcast %sign3A : i32 to vector<512x64xi32>
    %sign3A_52 = arith.cmpi sgt, %select_n3A_48, %sign3A_51 : vector<512x64xi32>
    %sign3A_53 = arith.extui %sign3A_52 : vector<512x64xi1> to vector<512x64xi32>
    %sign3A_54 = arith.constant 0 : i32
    %sign3A_55 = vector.broadcast %sign3A_54 : i32 to vector<512x64xi32>
    %sign3A_56 = arith.cmpi slt, %select_n3A_48, %sign3A_55 : vector<512x64xi32>
    %sign3A_57 = arith.extui %sign3A_56 : vector<512x64xi1> to vector<512x64xi32>
    %sign3A_58 = arith.subi %sign3A_53, %sign3A_57 : vector<512x64xi32>
    %sign3A_59 = arith.constant 0 : i32
    %sign3A_60 = arith.cmpi sgt, %jit3A_49, %sign3A_59 : i32
    %sign3A_61 = arith.extui %sign3A_60 : i1 to i32
    %sign3A_62 = arith.constant 0 : i32
    %sign3A_63 = arith.cmpi slt, %jit3A_49, %sign3A_62 : i32
    %sign3A_64 = arith.extui %sign3A_63 : i1 to i32
    %sign3A_65 = arith.subi %sign3A_61, %sign3A_64 : i32
    %ne3A_66 = vector.broadcast %sign3A_65 : i32 to vector<512x64xi32>
    %ne3A_67 = arith.cmpi ne, %sign3A_58, %ne3A_66 : vector<512x64xi32>
    %rem3A_68 = vector.broadcast %jit3A_49 : i32 to vector<512x64xi32>
    %rem3A_69 = arith.remsi %select_n3A_48, %rem3A_68 : vector<512x64xi32>
    %ne3A_70 = arith.constant 0 : i32
    %ne3A_71 = vector.broadcast %ne3A_70 : i32 to vector<512x64xi32>
    %ne3A_72 = arith.cmpi ne, %rem3A_69, %ne3A_71 : vector<512x64xi32>
    %and3A_73 = arith.andi %ne3A_67, %ne3A_72 : vector<512x64xi1>
    %sub3A = arith.constant 1 : i32
    %sub3A_74 = vector.broadcast %sub3A : i32 to vector<512x64xi32>
    %sub3A_75 = arith.subi %div3A_50, %sub3A_74 : vector<512x64xi32>
    %select_n3A_76 = arith.select %and3A_73, %sub3A_75, %div3A_50 : vector<512x64xi1>, vector<512x64xi32>
    %convert_element_type3A = arith.sitofp %select_n3A_76 : vector<512x64xi32> to vector<512x64xf32>
    %jit3A_77 = arith.constant 32 : i32
    %eq3A_78 = arith.constant 0 : i32
    %eq3A_79 = arith.cmpi eq, %jit3A_77, %eq3A_78 : i32
    %jit3A_80 = arith.constant 1 : i32
    %select_n3A_81 = arith.select %eq3A_79, %jit3A_80, %jit3A_77 : i32
    %rem3A_82 = vector.broadcast %select_n3A_81 : i32 to vector<512x64xi32>
    %rem3A_83 = arith.remsi %select_n3A_48, %rem3A_82 : vector<512x64xi32>
    %ne3A_84 = arith.constant 0 : i32
    %ne3A_85 = vector.broadcast %ne3A_84 : i32 to vector<512x64xi32>
    %ne3A_86 = arith.cmpi ne, %rem3A_83, %ne3A_85 : vector<512x64xi32>
    %lt3A_87 = arith.constant 0 : i32
    %lt3A_88 = vector.broadcast %lt3A_87 : i32 to vector<512x64xi32>
    %lt3A_89 = arith.cmpi slt, %rem3A_83, %lt3A_88 : vector<512x64xi32>
    %lt3A_90 = arith.constant 0 : i32
    %lt3A_91 = arith.cmpi slt, %select_n3A_81, %lt3A_90 : i32
    %ne3A_92 = vector.broadcast %lt3A_91 : i1 to vector<512x64xi1>
    %ne3A_93 = vector.broadcast %ne3A_92 : vector<512x64xi1> to vector<512x64xi1>
    %ne3A_94 = arith.xori %lt3A_89, %ne3A_93 : vector<512x64xi1>
    %and3A_95 = arith.andi %ne3A_94, %ne3A_86 : vector<512x64xi1>
    %add3A_96 = vector.broadcast %select_n3A_81 : i32 to vector<512x64xi32>
    %add3A_97 = arith.addi %rem3A_83, %add3A_96 : vector<512x64xi32>
    %select_n3A_98 = arith.select %and3A_95, %add3A_97, %rem3A_83 : vector<512x64xi1>, vector<512x64xi32>
    %convert_element_type3A_99 = arith.sitofp %select_n3A_98 : vector<512x64xi32> to vector<512x64xf32>
    %add3A_100 = arith.addf %convert_element_type3A, %add3A_20 : vector<512x64xf32>
    %swap3A_101 = arith.constant 0 : index
    %swap3A_102 = arith.constant 0 : index
    %swap3A_103 = vector.load %arg11[%swap3A_101, %swap3A_102] : memref<512x64xf32, #tpu.memory_space<vmem>>, vector<512x64xf32>
    tpu.vector_store %arg11[%swap3A_101, %swap3A_102], %add3A_100 {strides = array<i32>} : memref<512x64xf32, #tpu.memory_space<vmem>>, vector<512x64xf32>,
    %add3A_104 = arith.addf %convert_element_type3A_99, %add3A_30 : vector<512x64xf32>
    %swap3A_105 = arith.constant 0 : index
    %swap3A_106 = arith.constant 0 : index
    %swap3A_107 = vector.load %arg12[%swap3A_105, %swap3A_106] : memref<512x64xf32, #tpu.memory_space<vmem>>, vector<512x64xf32>
    tpu.vector_store %arg12[%swap3A_105, %swap3A_106], %add3A_104 {strides = array<i32>} : memref<512x64xf32, #tpu.memory_space<vmem>>, vector<512x64xf32>,
    %get3A_108 = arith.constant 0 : index
    %get3A_109 = arith.constant 0 : index
    %get3A_110 = arith.constant 0 : index
    %get3A_111 = vector.load %arg8[%get3A_108, %get3A_109, %get3A_110] : memref<4x24x1024xf32, #tpu.memory_space<vmem>>, vector<4x24x1024xf32>
    %convert_element_type3A_112 = arith.truncf %get3A_111 : vector<4x24x1024xf32> to vector<4x24x1024xbf16>
    %bitcast_convert_type3A = tpu.bitcast %convert_element_type3A_112 : vector<4x24x1024xbf16> -> vector<4x24x1024xi16>
    %get3A_113 = arith.constant 0 : index
    %get3A_114 = arith.constant 0 : index
    %get3A_115 = arith.constant 0 : index
    %get3A_116 = vector.load %arg9[%get3A_113, %get3A_114, %get3A_115] : memref<4x24x1024xf32, #tpu.memory_space<vmem>>, vector<4x24x1024xf32>
    %convert_element_type3A_117 = arith.truncf %get3A_116 : vector<4x24x1024xf32> to vector<4x24x1024xbf16>
    %bitcast_convert_type3A_118 = tpu.bitcast %convert_element_type3A_117 : vector<4x24x1024xbf16> -> vector<4x24x1024xi16>
    %convert_element_type3A_119 = arith.extui %bitcast_convert_type3A : vector<4x24x1024xi16> to vector<4x24x1024xi32>
    %convert_element_type3A_120 = arith.extui %bitcast_convert_type3A_118 : vector<4x24x1024xi16> to vector<4x24x1024xi32>
    %shift_left3A = arith.constant 16 : i32
    %shift_left3A_121 = vector.broadcast %shift_left3A : i32 to vector<4x24x1024xi32>
    %shift_left3A_122 = arith.shli %convert_element_type3A_120, %shift_left3A_121 : vector<4x24x1024xi32>
    %or3A = arith.ori %convert_element_type3A_119, %shift_left3A_122 : vector<4x24x1024xi32>
    %swap3A_123 = arith.constant 0 : index
    %swap3A_124 = arith.constant 0 : index
    %swap3A_125 = arith.constant 0 : index
    %swap3A_126 = vector.load %arg13[%swap3A_123, %swap3A_124, %swap3A_125] : memref<4x24x1024xi32, #tpu.memory_space<vmem>>, vector<4x24x1024xi32>
    tpu.vector_store %arg13[%swap3A_123, %swap3A_124, %swap3A_125], %or3A {strides = array<i32>} : memref<4x24x1024xi32, #tpu.memory_space<vmem>>, vector<4x24x1024xi32>,
    return
  }
  func.func @transform_0(%arg0: i32) -> (i32, i32) {
    %c0_i32 = arith.constant 0 : i32
    %c0_i32_0 = arith.constant 0 : i32
    return %arg0, %c0_i32 : i32, i32
  }
  func.func @transform_1(%arg0: i32) -> (i32, i32) {
    %c0_i32 = arith.constant 0 : i32
    %c0_i32_0 = arith.constant 0 : i32
    %c0_i32_1 = arith.constant 0 : i32
    return %c0_i32, %c0_i32_0 : i32, i32
  }
  func.func @transform_2(%arg0: i32) -> i32 {
    %c0_i32 = arith.constant 0 : i32
    %c0_i32_0 = arith.constant 0 : i32
    return %c0_i32 : i32
  }
  func.func @transform_3(%arg0: i32) -> (i32, i32) {
    %c0_i32 = arith.constant 0 : i32
    %c0_i32_0 = arith.constant 0 : i32
    %c0_i32_1 = arith.constant 0 : i32
    return %c0_i32, %c0_i32_0 : i32, i32
  }
  func.func @transform_4(%arg0: i32) -> i32 {
    %c0_i32 = arith.constant 0 : i32
    %c0_i32_0 = arith.constant 0 : i32
    return %c0_i32 : i32
  }
  func.func @transform_5(%arg0: i32) -> (i32, i32) {
    %c0_i32 = arith.constant 0 : i32
    %c0_i32_0 = arith.constant 0 : i32
    %c0_i32_1 = arith.constant 0 : i32
    return %c0_i32, %c0_i32_0 : i32, i32
  }
  func.func @transform_6(%arg0: i32) -> i32 {
    %c0_i32 = arith.constant 0 : i32
    %c0_i32_0 = arith.constant 0 : i32
    return %c0_i32 : i32
  }
  func.func @transform_7(%arg0: i32) -> (i32, i32, i32) {
    %c0_i32 = arith.constant 0 : i32
    %c0_i32_0 = arith.constant 0 : i32
    %c0_i32_1 = arith.constant 0 : i32
    return %arg0, %c0_i32, %c0_i32_0 : i32, i32, i32
  }
  func.func @transform_8(%arg0: i32) -> (i32, i32, i32) {
    %c0_i32 = arith.constant 0 : i32
    %c0_i32_0 = arith.constant 0 : i32
    %c0_i32_1 = arith.constant 0 : i32
    return %arg0, %c0_i32, %c0_i32_0 : i32, i32, i32
  }
  func.func @transform_9(%arg0: i32) -> (i32, i32) {
    %jit3A = arith.constant 2 : i32
    %div3A = arith.divsi %arg0, %jit3A : i32
    %sign3A = arith.constant 0 : i32
    %sign3A_0 = arith.cmpi sgt, %arg0, %sign3A : i32
    %sign3A_1 = arith.extui %sign3A_0 : i1 to i32
    %sign3A_2 = arith.constant 0 : i32
    %sign3A_3 = arith.cmpi slt, %arg0, %sign3A_2 : i32
    %sign3A_4 = arith.extui %sign3A_3 : i1 to i32
    %sign3A_5 = arith.subi %sign3A_1, %sign3A_4 : i32
    %sign3A_6 = arith.constant 0 : i32
    %sign3A_7 = arith.cmpi sgt, %jit3A, %sign3A_6 : i32
    %sign3A_8 = arith.extui %sign3A_7 : i1 to i32
    %sign3A_9 = arith.constant 0 : i32
    %sign3A_10 = arith.cmpi slt, %jit3A, %sign3A_9 : i32
    %sign3A_11 = arith.extui %sign3A_10 : i1 to i32
    %sign3A_12 = arith.subi %sign3A_8, %sign3A_11 : i32
    %ne3A = arith.cmpi ne, %sign3A_5, %sign3A_12 : i32
    %rem3A = arith.remsi %arg0, %jit3A : i32
    %ne3A_13 = arith.constant 0 : i32
    %ne3A_14 = arith.cmpi ne, %rem3A, %ne3A_13 : i32
    %and3A = arith.andi %ne3A, %ne3A_14 : i1
    %sub3A = arith.constant 1 : i32
    %sub3A_15 = arith.subi %div3A, %sub3A : i32
    %select_n3A = arith.select %and3A, %sub3A_15, %div3A : i32
    %jit3A_16 = arith.constant 2 : i32
    %eq3A = arith.constant 0 : i32
    %eq3A_17 = arith.cmpi eq, %jit3A_16, %eq3A : i32
    %jit3A_18 = arith.constant 1 : i32
    %select_n3A_19 = arith.select %eq3A_17, %jit3A_18, %jit3A_16 : i32
    %rem3A_20 = arith.remsi %arg0, %select_n3A_19 : i32
    %ne3A_21 = arith.constant 0 : i32
    %ne3A_22 = arith.cmpi ne, %rem3A_20, %ne3A_21 : i32
    %lt3A = arith.constant 0 : i32
    %lt3A_23 = arith.cmpi slt, %rem3A_20, %lt3A : i32
    %lt3A_24 = arith.constant 0 : i32
    %lt3A_25 = arith.cmpi slt, %select_n3A_19, %lt3A_24 : i32
    %ne3A_26 = arith.xori %lt3A_23, %lt3A_25 : i1
    %and3A_27 = arith.andi %ne3A_26, %ne3A_22 : i1
    %add3A = arith.addi %rem3A_20, %select_n3A_19 : i32
    %select_n3A_28 = arith.select %and3A_27, %add3A, %rem3A_20 : i32
    %c0_i32 = arith.constant 0 : i32
    return %select_n3A, %select_n3A_28 : i32, i32
  }
  func.func @transform_10(%arg0: i32) -> (i32, i32) {
    %c0_i32 = arith.constant 0 : i32
    %c0_i32_0 = arith.constant 0 : i32
    return %arg0, %c0_i32 : i32, i32
  }
  func.func @transform_11(%arg0: i32) -> (i32, i32) {
    %c0_i32 = arith.constant 0 : i32
    %c0_i32_0 = arith.constant 0 : i32
    return %arg0, %c0_i32 : i32, i32
  }
  func.func @transform_12(%arg0: i32) -> (i32, i32, i32) {
    %c0_i32 = arith.constant 0 : i32
    %c0_i32_0 = arith.constant 0 : i32
    %c0_i32_1 = arith.constant 0 : i32
    return %arg0, %c0_i32, %c0_i32_0 : i32, i32, i32
  }
}

module attributes {stable_mosaic.version = 14 : i64} {
  func.func @_out_body(%arg0: i32, %arg1: memref<384x512xf32, #tpu.memory_space<vmem>>, %arg2: memref<384x384xf32, #tpu.memory_space<vmem>>, %arg3: memref<384xf32, #tpu.memory_space<vmem>>, %arg4: memref<512x384xf32, #tpu.memory_space<vmem>>) attributes {dimension_semantics = [#tpu.dimension_semantics<arbitrary>], iteration_bounds = array<i64: 8>, scalar_prefetch = 0 : i64, scratch_operands = 0 : i64, tpu.core_type = #tpu.core_type<tc>, window_params = [{transform_indices = @transform_0, window_bounds = array<i64: 384, 512>}, {pipeline_mode = #tpu.pipeline_mode<synchronous>, transform_indices = @transform_1, window_bounds = array<i64: 384, 384>}, {pipeline_mode = #tpu.pipeline_mode<synchronous>, transform_indices = @transform_2, window_bounds = array<i64: 384>}, {transform_indices = @transform_3, window_bounds = array<i64: 512, 384>}]} {
    %get3A = arith.constant 0 : index
    %get3A_0 = arith.constant 0 : index
    %get3A_1 = vector.load %arg1[%get3A, %get3A_0] : memref<384x512xf32, #tpu.memory_space<vmem>>, vector<384x512xf32>
    %get3A_2 = arith.constant 0 : index
    %get3A_3 = arith.constant 0 : index
    %get3A_4 = vector.load %arg2[%get3A_2, %get3A_3] : memref<384x384xf32, #tpu.memory_space<vmem>>, vector<384x384xf32>
    %dot_general3A = arith.constant dense<0.000000e+00> : vector<512x384xf32>
    %dot_general3A_5 = tpu.matmul %get3A_1, %get3A_4, %dot_general3A {dimension_numbers = #tpu.dot_dimension_numbers<[0], [0], [1], [1], [0, 1, 1, 1], [], []>, transpose_lhs_hint = false} : vector<384x512xf32>, vector<384x384xf32>, vector<512x384xf32> -> vector<512x384xf32>
    %get3A_6 = arith.constant 0 : index
    %get3A_7 = vector.load %arg3[%get3A_6] : memref<384xf32, #tpu.memory_space<vmem>>, vector<384xf32>
    %broadcast_in_dim3A = vector.shape_cast %get3A_7 : vector<384xf32> to vector<1x384xf32>
    %add3A = vector.broadcast %broadcast_in_dim3A : vector<1x384xf32> to vector<512x384xf32>
    %add3A_8 = arith.addf %dot_general3A_5, %add3A : vector<512x384xf32>
    %swap3A = arith.constant 0 : index
    %swap3A_9 = arith.constant 0 : index
    %swap3A_10 = vector.load %arg4[%swap3A, %swap3A_9] : memref<512x384xf32, #tpu.memory_space<vmem>>, vector<512x384xf32>
    tpu.vector_store %arg4[%swap3A, %swap3A_9], %add3A_8 {strides = array<i32>} : memref<512x384xf32, #tpu.memory_space<vmem>>, vector<512x384xf32>,
    return
  }
  func.func @transform_0(%arg0: i32) -> (i32, i32) {
    %jit3A = arith.constant 2 : i32
    %div3A = arith.divsi %arg0, %jit3A : i32
    %sign3A = arith.constant 0 : i32
    %sign3A_0 = arith.cmpi sgt, %arg0, %sign3A : i32
    %sign3A_1 = arith.extui %sign3A_0 : i1 to i32
    %sign3A_2 = arith.constant 0 : i32
    %sign3A_3 = arith.cmpi slt, %arg0, %sign3A_2 : i32
    %sign3A_4 = arith.extui %sign3A_3 : i1 to i32
    %sign3A_5 = arith.subi %sign3A_1, %sign3A_4 : i32
    %sign3A_6 = arith.constant 0 : i32
    %sign3A_7 = arith.cmpi sgt, %jit3A, %sign3A_6 : i32
    %sign3A_8 = arith.extui %sign3A_7 : i1 to i32
    %sign3A_9 = arith.constant 0 : i32
    %sign3A_10 = arith.cmpi slt, %jit3A, %sign3A_9 : i32
    %sign3A_11 = arith.extui %sign3A_10 : i1 to i32
    %sign3A_12 = arith.subi %sign3A_8, %sign3A_11 : i32
    %ne3A = arith.cmpi ne, %sign3A_5, %sign3A_12 : i32
    %rem3A = arith.remsi %arg0, %jit3A : i32
    %ne3A_13 = arith.constant 0 : i32
    %ne3A_14 = arith.cmpi ne, %rem3A, %ne3A_13 : i32
    %and3A = arith.andi %ne3A, %ne3A_14 : i1
    %sub3A = arith.constant 1 : i32
    %sub3A_15 = arith.subi %div3A, %sub3A : i32
    %select_n3A = arith.select %and3A, %sub3A_15, %div3A : i32
    %jit3A_16 = arith.constant 2 : i32
    %eq3A = arith.constant 0 : i32
    %eq3A_17 = arith.cmpi eq, %jit3A_16, %eq3A : i32
    %jit3A_18 = arith.constant 1 : i32
    %select_n3A_19 = arith.select %eq3A_17, %jit3A_18, %jit3A_16 : i32
    %rem3A_20 = arith.remsi %arg0, %select_n3A_19 : i32
    %ne3A_21 = arith.constant 0 : i32
    %ne3A_22 = arith.cmpi ne, %rem3A_20, %ne3A_21 : i32
    %lt3A = arith.constant 0 : i32
    %lt3A_23 = arith.cmpi slt, %rem3A_20, %lt3A : i32
    %lt3A_24 = arith.constant 0 : i32
    %lt3A_25 = arith.cmpi slt, %select_n3A_19, %lt3A_24 : i32
    %ne3A_26 = arith.xori %lt3A_23, %lt3A_25 : i1
    %and3A_27 = arith.andi %ne3A_26, %ne3A_22 : i1
    %add3A = arith.addi %rem3A_20, %select_n3A_19 : i32
    %select_n3A_28 = arith.select %and3A_27, %add3A, %rem3A_20 : i32
    %c0_i32 = arith.constant 0 : i32
    return %select_n3A, %select_n3A_28 : i32, i32
  }
  func.func @transform_1(%arg0: i32) -> (i32, i32) {
    %c0_i32 = arith.constant 0 : i32
    %c0_i32_0 = arith.constant 0 : i32
    %c0_i32_1 = arith.constant 0 : i32
    return %c0_i32, %c0_i32_0 : i32, i32
  }
  func.func @transform_2(%arg0: i32) -> i32 {
    %c0_i32 = arith.constant 0 : i32
    %c0_i32_0 = arith.constant 0 : i32
    return %c0_i32 : i32
  }
  func.func @transform_3(%arg0: i32) -> (i32, i32) {
    %c0_i32 = arith.constant 0 : i32
    %c0_i32_0 = arith.constant 0 : i32
    return %arg0, %c0_i32 : i32, i32
  }
}

</mosaic_0001>

<sc_bundles>
// kernel: kernel.5.cloned.1.call-start
scs
__scs_entry_jumppad:
0x0: {  	(pc) =	sbr.rel $0x88, $3  }
0x1: {  	(tag) =	ssettag $0x0;
	lr =	simm.s32 $0x1  }
0x2: {  	[smem:$0x3F99] =	sst lr;
	_ =	strace $0xD0000000  }
0x3: {  	_ = 	snop  }
0x4: {  	_ = 	snop  }
0x5: {  	_ = 	snop  }
0x6: {  	_ = 	snop  }
0x7: {  	_ = 	snop  }
__scs_overlays_trampoline_lowered:
0x8: {  	[smem:$0x3FA8] =	sst s0  }
0x9: {  	[smem:$0x3FA9] =	sst s1  }
0xa: {  	[smem:$0x3FAA] =	sst s2  }
0xb: {  	[smem:$0x3FAB] =	sst s3  }
0xc: {  	[smem:$0x3FAC] =	sst s4  }
0xd: {  	[smem:$0x3FAD] =	sst s5  }
0xe: {  	[smem:$0x3FAE] =	sst s6  }
0xf: {  	[smem:$0x3FAF] =	sst s7  }
0x10: {  	[smem:$0x3FB0] =	sst s8  }
0x11: {  	[smem:$0x3FB1] =	sst s9;
	s0 =	simm.s32 @!p0 $0x0  }
0x12: {  	s1 =	sld [smem:$0x3F97];
	s0 =	simm.s32 @p0 $0x1  }
0x13: {  	[smem:$0x3FB2] =	sst s0;
	s0 =	simm.s32 @!p1 $0x0  }
0x14: {  	s2 =	sld [smem:$0x3F96];
	s0 =	simm.s32 @p1 $0x1  }
0x15: {  	[smem:$0x3FB3] =	sst s0;
	s0 =	simm.s32 @!p2 $0x0  }
0x16: {  	s3 =	sld [smem:$0x3FDB];
	s0 =	simm.s32 @p2 $0x1  }
0x17: {  	s4 =	simm.s32 $0x1BF5;
	[smem:$0x3FB5] =	sst s0  }
0x18: {  	s0 =	sld [smem:$0x3F98];
	_ =	swait.ge [sflag:s4], $0x0  }
0x19: {  	s7 =	sld [smem:$0x3F99]  }
0x1a: {  	s8 =	sadd.s32 $0xFFFFE003, lr  }
0x1b: {  	s9 =	sadd.s32 $0xFFFFFEF7, lr;
	s5 =	simm.s32 $0xFFFFFFFF;
	p2 =	slt.u32 s8, $0xFFFFF086  }
0x1c: {  	p1 =	slt.u32 s9, $0xF7A;
	s5 =	simm.s32 @!p2 $0x0  }
0x1d: {  	s5 =	simm.s32 @p1 $0x1;
	p0 =	seq.s32 s7, s2  }
0x1e: {  	s7 =	smul.u32 @!p0 $0xF7A, s2;
	p2 =	seq.s32 @!p0 s5, $0x0  }
0x1f: {  	s9 =	smul.u32 $0xF7A, s1;
	s8 =	simm.s32 @!p0 $0x1BF5;
	p2 =	por !p2, p0  }
0x20: {  	[sflag:s8] =	ssyncset.s32 @!p0 $0xFFFFF086;
	s6 =	sadd.s32 @!p0 s3, s7;
	s7 =	simm.s32 @!p0 $0x108  }
0x21: {  	s3 =	sadd.s32 s3, s9;
	s6 =	sadd.s32 @!p0 $0x88, s6;
	s7 =	simm.s32 @p2 $0x1082  }
0x22: {  	[simem:s7], [sflag:s8] =	dma.local @!p0 [hbm:s6], $0xF7A  }
0x23: {  	s9 =	sor.u32 $0xD0000000, s2;
	s6 =	simm.s32 $0x108;
	_ =	swait.ge @!p0 [sflag:s8], $0x0  }
0x24: {  	s3 =	sadd.s32 $0x88, s3;
	s6 =	simm.s32 @!p1 $0x1082;
	[sflag:s4] =	ssyncset.s32 $0xFFFFF086  }
0x25: {  	[simem:s6], [sflag:s4] =	dma.local [hbm:s3], $0xF7A  }
0x26: {  	[smem:$0x3F99] =	sst s1;
	(tag) =	ssettag s2;
	_ =	strace s9  }
0x27: {  	s1 =	sld [smem:$0x3FA9]  }
0x28: {  	s2 =	sld [smem:$0x3FAA]  }
0x29: {  	s4 =	sld [smem:$0x3FAC]  }
0x2a: {  	p0 =	seq.s32 s5, $0x0;
	s5 =	sld [smem:$0x3FAD]  }
0x2b: {  	s6 =	sld [smem:$0x3FAE]  }
0x2c: {  	s7 =	sld [smem:$0x3FAF]  }
0x2d: {  	s3 =	simm.s32 $0x108;
	s8 =	sld [smem:$0x3FB0]  }
0x2e: {  	s3 =	simm.s32 @!p0 $0x1082;
	s9 =	sld [smem:$0x3FB1]  }
0x2f: {  	lr =	sadd.s32 s0, s3;
	s0 =	sld [smem:$0x3FA8]  }
0x30: {  	s3 =	sld [smem:$0x3FAB]  }
0x31: {  	[smem:$0x3FB4] =	sst s10  }
0x32: {  	s10 =	sld [smem:$0x3FB2];
	_ =	sdelay $0x3  }
0x33: {  	p0 =	seq.s32 s10, $0x1;
	s10 =	sld [smem:$0x3FB4];
	_ =	sdelay $0x3  }
0x34: {  	[smem:$0x3FB4] =	sst s10  }
0x35: {  	s10 =	sld [smem:$0x3FB3];
	_ =	sdelay $0x3  }
0x36: {  	p1 =	seq.s32 s10, $0x1;
	s10 =	sld [smem:$0x3FB4];
	_ =	sdelay $0x3  }
0x37: {  	[smem:$0x3FB4] =	sst s10  }
0x38: {  	s10 =	sld [smem:$0x3FB5]  }
0x39: {  	_ = 	snop;
	(pc) =	sbr.ind lr, $3  }
0x3a: {  	_ = 	snop  }
0x3b: {  	_ = 	snop  }
0x3c: {  	p2 =	seq.s32 s10, $0x1;
	s10 =	sld [smem:$0x3FB4]  }
0x3d: {  	_ =	shalt  }
0x3e: {  	_ =	shalt  }
0x3f: {  	_ =	shalt  }
0x40: {  	_ =	shalt  }
0x41: {  	_ =	shalt  }
0x42: {  	_ =	shalt  }
0x43: {  	_ =	shalt  }
0x44: {  	_ =	shalt  }
0x45: {  	_ =	shalt  }
0x46: {  	_ =	shalt  }
0x47: {  	_ =	shalt  }
0x48: {  	_ =	shalt  }
0x49: {  	_ =	shalt  }
0x4a: {  	_ =	shalt  }
0x4b: {  	_ =	shalt  }
0x4c: {  	_ =	shalt  }
0x4d: {  	_ =	shalt  }
0x4e: {  	_ =	shalt  }
0x4f: {  	_ =	shalt  }
0x50: {  	_ =	shalt  }
0x51: {  	_ =	shalt  }
0x52: {  	_ =	shalt  }
0x53: {  	_ =	shalt  }
0x54: {  	_ =	shalt  }
0x55: {  	_ =	shalt  }
0x56: {  	_ =	shalt  }
0x57: {  	_ =	shalt  }
0x58: {  	_ =	shalt  }
0x59: {  	_ =	shalt  }
0x5a: {  	_ =	shalt  }
0x5b: {  	_ =	shalt  }
0x5c: {  	_ =	shalt  }
0x5d: {  	_ =	shalt  }
0x5e: {  	_ =	shalt  }
0x5f: {  	_ =	shalt  }
0x60: {  	_ =	shalt  }
0x61: {  	_ =	shalt  }
0x62: {  	_ =	shalt  }
0x63: {  	_ =	shalt  }
0x64: {  	_ =	shalt  }
0x65: {  	_ =	shalt  }
0x66: {  	_ =	shalt  }
0x67: {  	_ =	shalt  }
0x68: {  	_ =	shalt  }
0x69: {  	_ =	shalt  }
0x6a: {  	_ =	shalt  }
0x6b: {  	_ =	shalt  }
0x6c: {  	_ =	shalt  }
0x6d: {  	_ =	shalt  }
0x6e: {  	_ =	shalt  }
0x6f: {  	_ =	shalt  }
0x70: {  	_ =	shalt  }
0x71: {  	_ =	shalt  }
0x72: {  	_ =	shalt  }
0x73: {  	_ =	shalt  }
0x74: {  	_ =	shalt  }
0x75: {  	_ =	shalt  }
0x76: {  	_ =	shalt  }
0x77: {  	_ =	shalt  }
0x78: {  	_ =	shalt  }
0x79: {  	_ =	shalt  }
0x7a: {  	_ =	shalt  }
0x7b: {  	_ =	shalt  }
0x7c: {  	_ =	shalt  }
0x7d: {  	_ =	shalt  }
0x7e: {  	_ =	shalt  }
0x7f: {  	_ =	shalt  }
0x80: {  	_ =	shalt  }
0x81: {  	_ =	shalt  }
0x82: {  	_ =	shalt  }
0x83: {  	_ =	shalt  }
0x84: {  	_ =	shalt  }
0x85: {  	_ =	shalt  }
0x86: {  	_ =	shalt  }
0x87: {  	_ =	shalt  }
.Lfunc_end0:
.L_simem_size_0:
called_computation_lowered:
.L_overlay_start_0:
0x88: {  	s2 =	sld [smem:$0x3FD9]  }
0x89: {  	s3 =	sld [smem:$0x3FFE];
	_ =	sdelay $0x1  }
0x8a: {  	s1 =	srdreg.scid  }
0x8b: {  	s0 =	sand.u32 $0x1, s1  }
0x8c: {  	s17 =	sshll.u32 s0, $0xA;
	s2 =	sadd.s32 s3, s2  }
0x8d: {  	s2 =	sadd.s32 s2, s17  }
0x8e: {  	[smem:$0x3FC0] =	sst s2  }
0x8f: {  	_ = 	snop  }
0x90: {  	s2 =	sld [smem:$0x3FD0];
	(tm) =	ssettm $0x1  }
0x91: {  	s18 =	sld [smem:$0x3FFB];
	_ =	sdelay $0x3  }
0x92: {  	_ =	strace s18  }
0x93: {  	s3 =	sld [smem:$0x3FFC];
	_ =	sdelay $0x3  }
0x94: {  	_ =	strace s3  }
0x95: {  	s3 =	sld [smem:$0x3FFD];
	_ =	sdelay $0x3  }
0x96: {  	_ =	strace s3  }
0x97: {  	_ =	strace $0x8FFFFFFF  }
0x98: {  	s19 =	sld [smem:$0x3FDB];
	_ =	sdelay $0x1  }
0x99: {  	s4 =	simm.s32 $_scs_section_size  }
0x9a: {  	s5 =	simm.s32 $_size__tile_overlayer_lowered;
	s6 =	simm.s32 $_tile_overlayer_lowered  }
0x9b: {  	s22 =	simm.s32 $0x1BFF;
	s21 =	sshll.u32 s6, $0x1;
	s3 =	sadd.s32 s4, s19  }
0x9c: {  	s7 =	simm.s32 $0x0;
	s20 =	sshll.u32 s5, $0x1;
	s5 =	sadd.s32 s21, s3  }
0x9d: {  	[timem:s7], [sflag:s22] =	dma.local [hbm:s5], s20  }
0x9e: {  	_ =	swait.ge [sflag:s22], s20  }
0x9f: {  	s4 =	ssub.s32 $0x0, s20;
	[sflag:s22] =	ssyncset.done $0x0  }
0xa0: {  	[sflag:s22] =	ssyncadd.s32 s4;
	_ =	sdelay $0x1  }
0xa1: {  	s23 =	simm.s32 $0x1B8B  }
0xa2: {  	_ =	swait.ge [sflag:s23], $0x1  }
0xa3: {  	[sflag:s23] =	ssyncset.done $0x0  }
0xa4: {  	s25 =	simm.s32 $0x1B8E;
	s24 =	sld [smem:$0x3FFE];
	[sflag:s23] =	ssyncadd.s32 $0xFFFFFFFF  }
0xa5: {  	s26 =	simm.s32 $execute0_lowered;
	[smem:$0x3FD2] =	sst s25  }
0xa6: {  	s5 =	sshll.u32 s26, $0x1;
	_ =	strace $0x80000046;
	[dreg:$0x1] =	wrdreg $0xFFFFFFFF  }
0xa7: {  	s28 =	simm.s32 $_size_execute0_lowered;
	s3 =	sadd.s32 s3, s5;
	[dreg:$0x0] =	wrdreg $0x0  }
0xa8: {  	s5 =	sshll.u32 s28, $0x1;
	[dreg:$0x2] =	wrdreg s3  }
0xa9: {  	[dreg:$0x3] =	wrdreg s5  }
0xaa: {  	[dreg:$0x4] =	wrdreg $0xC0  }
0xab: {  	_ =	task [dreg:s7], $0x5FFFF  }
0xac: {  	[dreg:$0x1] =	wrdreg $0xFFFFFFFF  }
0xad: {  	[dreg:$0x0] =	wrdreg $0x60  }
0xae: {  	[dreg:$0x2] =	wrdreg s24  }
0xaf: {  	[dreg:$0x3] =	wrdreg s2  }
0xb0: {  	[dreg:$0x4] =	wrdreg $0x9  }
0xb1: {  	_ =	task.clear_ibuf [dreg:s7], $0x5FFFF;
	_ =	strace $0x90000046  }
0xb2: {  	s29 =	simm.s32 $0x9;
	_ =	strace $0x80000048  }
0xb3: {  	_ =	swait.ge [sflag:s29], $0x1  }
0xb4: {  	[sflag:s29] =	ssyncadd.s32 $0xFFFFFFFF  }
0xb5: {  	_ =	strace $0x90000048  }
0xb6: {  	_ =	sfence  }
0xb7: {  	s30 =	sld [smem:$0x0];
	_ =	sdelay $0x2  }
0xb8: {  	s31 =	sshll.u32 s1, $0xD;
	s1 =	sshrl.u32 s1, $0x2  }
0xb9: {  	s3 =	sand.u32 $0x4000, s31;
	s1 =	sadd.s32 s1, s30  }
0xba: {  	s0 =	sor.u32 s3, s0;
	s1 =	sshll.u32 s1, $0x11  }
0xbb: {  	s0 =	sor.u32 s1, s0  }
0xbc: {  	s0 =	sadd.s32 $0x8F2B, s0  }
0xbd: {  	[sflag:s0] =	ssyncadd.remote.s32 $0x1  }
0xbe: {  	_ =	sfence.sel $0xFFFF  }
0xbf: {  	[dreg:$0x0] =	wrdreg $0xFFFFFFFF;
	(pc) =	sbr.abs _section_cstart, $3  }
0xc0: {  	[dreg:$0x1] =	wrdreg $0xFFFFFFFF  }
0xc1: {  	_ =	task.clear_ibuf [dreg:s7], $0x2FFFF;
	_ =	strace $0x9FFFFFFF  }
0xc2: {  	(tm) =	ssettm $0x7FFFFFFF  }
0xc3: {  	_ =	shalt  }
tec
execute0_lowered:
.L_overlay_start_1:
0x0: {  	(tag) =	ssettag $0x1  }
0x1: {  	s0 =	srdreg.scid  }
0x2: {  	s3 =	stileid.u32;
	s2 =	rddreg [dreg:$0x0]  }
0x3: {  	s13 =	simm.s32 $0x1;
	s14 =	simm.s32 $0x800;
	s15 =	simm.s32 $0x2000  }
0x4: {  	s16 =	simm.s32 $0x7000;
	s17 =	simm.s32 $0x6000;
	s18 =	simm.s32 $0x6800  }
0x5: {  	s19 =	simm.s32 $0xA000;
	s0 =	sand.u32 $0x1, s0;
	s1 =	sshll.u32 s3, $0x1  }
0x6: {  	s3 =	sshrl.u32 s3, $0x2;
	s6 =	sadd.s32 $0x2A000, s2;
	s1 =	sor.u32 s0, s1  }
0x7: {  	s4 =	smul.u32 $0x30000, s3;
	s3 =	simm.s32 $0x0;
	s5 =	sshll.u32 s1, $0x7  }
0x8: {  	s0 =	ssub.s32 $0x2, s0;
	[smem:$0x7FF] =	sst s3;
	s5 =	sand.u32 $0x380, s5  }
0x9: {  	s30 =	sshrl.u32 s0, $0x1;
	s8 =	smul.u32 $0xC000, s1;
	s4 =	sor.u32 s4, s5  }
0xa: {  	s9 =	sshll.u32 s1, $0xD;
	s0 =	ssub.s32 s0, s30;
	s4 =	sshrl.u32 s4, $0x3  }
0xb: {  	s1 =	simm.s32 $0x0;
	s0 =	smax.u32 s0, $0x1;
	s7 =	sadd.s32 s4, s2  }
0xc: {  	_ =	strace $0x80000047;
	[dreg:$0x4] =	wrdreg s0;
	s31 =	sadd.s32 $0x2000, s7  }
0xd: {  	s5 =	sadd.s32 $0x22000, s2;
	s4 =	sadd.s32 $0x1A000, s2;
	[dreg:$0x3] =	wrdreg s31  }
.LBB2_1:
0xe: {  	[dreg:$0x5] =	wrdreg s1  }
0xf: {  	s0 =	rddreg [dreg:$0x3];
	s31 =	simm.s32 $0x80;
	s2 =	simm.s32 $0x400  }
0x10: {  	[tilespmem:s3], [sflag:$0x1] =	stream.strided.gather [hbm4b:s0+s31], $0x6000, s2, s31, $0x38;
	[tilespmem:$0xE800] =	vst v63  }
0x11: {  	_ =	swait.ge [sflag:s13], $0x6000  }
0x12: {  	[sflag:s13] =	ssyncset.done $0x0  }
0x13: {  	s21 =	simm.s32 $0x0;
	[sflag:s13] =	ssyncadd.s32 $0xFFFFA000  }
.LBB2_2:
0x14: {  	s0 =	sshll.u32 s21, $0xB  }
0x15: {  	s1 =	sadd.s32 s8, s0  }
0x16: {  	s30 =	rddreg [dreg:$0x1];
	s22 =	sshrl.u32 s1, $0x3  }
0x17: {  	s1 =	sadd.s32 s30, s22  }
0x18: {  	[tilespmem:s16], [sflag:$0x1] =	stream.strided.gather [hbm4b:s1+s14], $0x3000, s15, s14, $0x38;
	[tilespmem:$0xE800] =	vst v63  }
0x19: {  	s0 =	sadd.s32 s9, s0;
	_ =	swait.ge [sflag:s13], $0x3000  }
0x1a: {  	s0 =	sshrl.u32 s0, $0x3;
	[sflag:s13] =	ssyncset.done $0x0  }
0x1b: {  	s23 =	simm.s32 $0x0;
	s31 =	sadd.s32 s4, s0;
	[sflag:s13] =	ssyncadd.s32 $0xFFFFD000  }
0x1c: {  	[tilespmem:s17], [sflag:$0x1] =	stream.linear.gather [hbm4b:s31+s23], $0x800, $0x38;
	[tilespmem:$0xE800] =	vst v63  }
0x1d: {  	_ =	swait.ge [sflag:s13], $0x800  }
0x1e: {  	[sflag:s13] =	ssyncset.done $0x0  }
0x1f: {  	s0 =	sadd.s32 s5, s0;
	[sflag:s13] =	ssyncadd.s32 $0xFFFFF800  }
0x20: {  	[tilespmem:s18], [sflag:$0x1] =	stream.linear.gather [hbm4b:s0+s23], $0x800, $0x38;
	[tilespmem:$0xE800] =	vst v63  }
0x21: {  	_ =	swait.ge [sflag:s13], $0x800  }
0x22: {  	[sflag:s13] =	ssyncset.done $0x0  }
0x23: {  	s24 =	simm.s32 $0x0;
	s25 =	simm.s32 $0x0;
	[sflag:s13] =	ssyncadd.s32 $0xFFFFF800  }
.LBB2_3:
0x24: {  	s29 =	sshll.u32 s25, $0x4;
	s30 =	sshll.u32 s25, $0x7  }
0x25: {  	s0 =	sand.u32 $0x70, s29;
	s1 =	sand.u32 $0x400, s30  }
0x26: {  	s31 =	sor.u32 s0, s1  }
0x27: {  	s1 =	sor.u32 s29, s1;
	v1 =	vld [tilespmem:s31+$0x6000]  }
0x28: {  	v2 =	vld [tilespmem:s31+$0x6800];
	s12 =	sor.u32 $0x80, s1  }
0x29: {  	v10 =	vld [tilespmem:s12+$0x6800];
	_ =	sdelay $0x2  }
0x2a: {  	v1 =	vmax.f32 v1, $-4.000000000e+01  }
0x2b: {  	v2 =	vmax.f32 v2, $-4.000000000e+01;
	v1 =	vmin.f32 v1, $4.000000000e+01  }
0x2c: {  	v2 =	vmin.f32 v2, $4.000000000e+01;
	v10 =	vmax.f32 v10, $-4.000000000e+01;
	v3 =	vtrunc.f32 v1  }
0x2d: {  	v4 =	vtrunc.f32 v2;
	v14 =	vmin.f32 v10, $4.000000000e+01;
	v3 =	vcvt.f32.s32 v3  }
0x2e: {  	v4 =	vcvt.f32.s32 v4;
	v10 =	vtrunc.f32 v14  }
0x2f: {  	v16 =	vcvt.f32.s32 v10;
	v5 =	vcvt.s32.f32 v3  }
0x30: {  	v28 =	vld [tilespmem:s12+$0x6000];
	v6 =	vcvt.s32.f32 v4  }
0x31: {  	v0 =	vimm.s32 $0x0;
	v18 =	vcvt.s32.f32 v16;
	v7 =	vadd.f32 $-1.000000000e+00, v5  }
0x32: {  	vm0 =	vlt.f32 v1, v5;
	v9 =	vadd.f32 $-1.000000000e+00, v6;
	vm10 =	vlt.f32 v2, v6  }
0x33: {  	v8 =	vsel vm0, $0xFFFFFFFF, v0;
	v19 =	vadd.f32 $-1.000000000e+00, v18;
	v5 =	vsel vm0, v7, v5  }
0x34: {  	v3 =	vadd.s32 v3, v8;
	v6 =	vsel vm10, v9, v6;
	v7 =	vsel vm10, $0xFFFFFFFF, v0  }
0x35: {  	v9 =	vmax.f32 v28, $-4.000000000e+01;
	v27 =	vsub.f32 v1, v5;
	v4 =	vadd.s32 v4, v7  }
0x36: {  	v2 =	vsub.f32 v2, v6;
	v7 =	vadd.f32 $1.000000000e+00, v5;
	vm11 =	vge.f32 v5, $0.0e+00  }
0x37: {  	vm1 =	vle.f32 v5, $3.100000000e+01;
	vm13 =	vge.f32 v6, $0.0e+00;
	v5 =	vadd.f32 $1.000000000e+00, v6  }
0x38: {  	vm3 =	vle.f32 v6, $3.100000000e+01;
	v11 =	vadd.s32 $0x1, v3;
	vm9 =	vgt.s32 v3, $0x0  }
0x39: {  	v13 =	vmin.f32 v9, $4.000000000e+01;
	vm0 =	vmand vm11, vm1;
	vm10 =	vgt.s32 v11, $0x0  }
0x3a: {  	vm11 =	vgt.s32 v4, $0x0;
	v9 =	vtrunc.f32 v13;
	vm12 =	vge.f32 v7, $0.0e+00  }
0x3b: {  	vm2 =	vle.f32 v7, $3.100000000e+01;
	v6 =	vsub.f32 $1.000000000e+00, v27;
	v7 =	vsub.f32 $1.000000000e+00, v2  }
0x3c: {  	vm14 =	vge.f32 v5, $0.0e+00;
	vm4 =	vle.f32 v5, $3.100000000e+01;
	v29 =	vnsel vm11, $0x0, v4  }
0x3d: {  	v4 =	vadd.s32 $0x1, v4;
	v15 =	vcvt.f32.s32 v9;
	vm1 =	vmand vm12, vm2  }
0x3e: {  	vm2 =	vmand vm13, vm3;
	vm3 =	vmand vm14, vm4;
	vm12 =	vgt.s32 v4, $0x0  }
0x3f: {  	v30 =	vmin.u32 v29, $0x1F;
	vm14 =	vlt.f32 v14, v18;
	v5 =	vmul.f32 v7, v6  }
0x40: {  	v6 =	vmul.f32 v2, v6;
	vm15 =	vmand vm0, vm2;
	vm0 =	vmand vm0, vm3  }
0x41: {  	s20 =	sor.u32 $0x180, s1;
	v7 =	vmul.f32 v7, v27;
	vm7 =	vmand vm2, vm1;
	v2 =	vmul.f32 v2, v27  }
0x42: {  	vm8 =	vmand vm1, vm3;
	v4 =	vnsel vm12, $0x0, v4;
	v17 =	vcvt.s32.f32 v15;
	v27 =	vld [tilespmem:s20+$0x6000]  }
0x43: {  	v33 =	vsel vm14, $0xFFFFFFFF, v0;
	v4 =	vmin.u32 v4, $0x1F;
	v2 =	vnsel vm8, $0x0, v2  }
0x44: {  	v38 =	vld [tilespmem:s31+$0x6100];
	v5 =	vnsel vm15, $0x0, v5;
	vm13 =	vlt.f32 v13, v17;
	[tilespmem:$0x1FE30] =	vst v2;
	v2 =	vnsel vm9, $0x0, v3  }
0x45: {  	[tilespmem:$0x1FE00] =	vst v5;
	v5 =	vnsel vm0, $0x0, v6;
	v3 =	vnsel vm10, $0x0, v11;
	v2 =	vmin.u32 v2, $0x1F  }
0x46: {  	[tilespmem:$0x1FE10] =	vst v5;
	v5 =	vnsel vm7, $0x0, v7;
	v3 =	vmin.u32 v3, $0x1F;
	v2 =	vshll.u32 v2, $0x5  }
0x47: {  	v3 =	vshll.u32 v3, $0x5;
	v53 =	vmax.f32 v27, $-4.000000000e+01;
	v31 =	vor.u32 v30, v2  }
0x48: {  	v32 =	vor.u32 v30, v3;
	v2 =	vor.u32 v2, v4;
	v3 =	vor.u32 v4, v3  }
0x49: {  	v4 =	vsel vm14, v19, v18;
	v19 =	vmax.f32 v38, $-4.000000000e+01;
	[tilespmem:$0x1FE60] =	vst v2;
	v2 =	vadd.f32 $-1.000000000e+00, v17  }
0x4a: {  	[tilespmem:$0x1FE70] =	vst v3;
	v3 =	vsel vm13, $0xFFFFFFFF, v0;
	v18 =	vsub.f32 v14, v4;
	vm6 =	vge.f32 v4, $0.0e+00  }
0x4b: {  	vm7 =	vle.f32 v4, $3.100000000e+01;
	v21 =	vmin.f32 v19, $4.000000000e+01;
	v3 =	vadd.s32 v15, v3  }
0x4c: {  	vm2 =	vmand vm6, vm7;
	v42 =	vtrunc.f32 v21;
	v2 =	vsel vm13, v2, v17  }
0x4d: {  	v35 =	vsub.f32 $1.000000000e+00, v18;
	vm12 =	vgt.s32 v3, $0x0;
	v40 =	vadd.s32 $0x1, v3  }
0x4e: {  	v23 =	vcvt.f32.s32 v42;
	v17 =	vsub.f32 v13, v2;
	v34 =	vadd.f32 $1.000000000e+00, v2  }
0x4f: {  	vm0 =	vge.f32 v2, $0.0e+00;
	vm15 =	vle.f32 v2, $3.100000000e+01;
	v2 =	vadd.f32 $1.000000000e+00, v4  }
0x50: {  	v3 =	vnsel vm12, $0x0, v3;
	vm13 =	vgt.s32 v40, $0x0;
	vm0 =	vmand vm0, vm15  }
0x51: {  	v3 =	vmin.u32 v3, $0x1F;
	v25 =	vcvt.s32.f32 v23;
	vm4 =	vge.f32 v34, $0.0e+00  }
0x52: {  	vm5 =	vle.f32 v34, $3.100000000e+01;
	v4 =	vsub.f32 $1.000000000e+00, v17;
	vm8 =	vge.f32 v2, $0.0e+00  }
0x53: {  	vm9 =	vle.f32 v2, $3.100000000e+01;
	v2 =	vadd.s32 v16, v33;
	vm10 =	vmand vm0, vm2  }
0x54: {  	v39 =	vld [tilespmem:s31+$0x6900];
	v37 =	vmul.f32 v35, v17;
	v3 =	vshll.u32 v3, $0x5;
	vm1 =	vmand vm4, vm5  }
0x55: {  	vm3 =	vmand vm8, vm9;
	v36 =	vmul.f32 v35, v4;
	v4 =	vmul.f32 v18, v4  }
0x56: {  	vm14 =	vgt.s32 v2, $0x0;
	vm0 =	vmand vm0, vm3;
	vm2 =	vmand vm2, vm1  }
0x57: {  	v41 =	vnsel vm14, $0x0, v2;
	v2 =	vadd.s32 $0x1, v2;
	v4 =	vnsel vm0, $0x0, v4  }
0x58: {  	vm11 =	vmand vm1, vm3;
	vm15 =	vgt.s32 v2, $0x0;
	[tilespmem:$0x1FE90] =	vst v4;
	v4 =	vnsel vm2, $0x0, v37  }
0x59: {  	v2 =	vnsel vm15, $0x0, v2;
	[tilespmem:$0x1FEA0] =	vst v4;
	v4 =	vmul.f32 v18, v17;
	v17 =	vmax.f32 v39, $-4.000000000e+01  }
0x5a: {  	v2 =	vmin.u32 v2, $0x1F;
	v18 =	vmin.u32 v41, $0x1F;
	v22 =	vmin.f32 v17, $4.000000000e+01  }
0x5b: {  	v44 =	vor.u32 v18, v3;
	v3 =	vor.u32 v3, v2;
	v43 =	vtrunc.f32 v22  }
0x5c: {  	v4 =	vnsel vm11, $0x0, v4;
	[tilespmem:$0x1FEE0] =	vst v3;
	v3 =	vadd.f32 $-1.000000000e+00, v25;
	v24 =	vcvt.f32.s32 v43  }
0x5d: {  	v29 =	vmin.f32 v53, $4.000000000e+01;
	vm4 =	vlt.f32 v21, v25;
	[tilespmem:$0x1FEB0] =	vst v4;
	v4 =	vnsel vm13, $0x0, v40  }
0x5e: {  	v4 =	vmin.u32 v4, $0x1F;
	v3 =	vsel vm4, v3, v25;
	v26 =	vcvt.s32.f32 v24  }
0x5f: {  	[tilespmem:$0x1FE20] =	vst v5;
	v5 =	vnsel vm10, $0x0, v36;
	v4 =	vshll.u32 v4, $0x5;
	v25 =	vadd.f32 $1.000000000e+00, v3  }
0x60: {  	v45 =	vor.u32 v18, v4;
	v2 =	vor.u32 v2, v4;
	v4 =	vadd.f32 $-1.000000000e+00, v26  }
0x61: {  	vm6 =	vge.f32 v3, $0.0e+00;
	vm7 =	vle.f32 v3, $3.100000000e+01;
	vm5 =	vlt.f32 v22, v26  }
0x62: {  	v47 =	vsub.f32 v21, v3;
	vm0 =	vmand vm6, vm7;
	v4 =	vsel vm5, v4, v26  }
0x63: {  	vm8 =	vge.f32 v25, $0.0e+00;
	vm9 =	vle.f32 v25, $3.100000000e+01;
	v3 =	vsub.f32 v22, v4  }
0x64: {  	vm1 =	vmand vm8, vm9;
	vm10 =	vge.f32 v4, $0.0e+00;
	v48 =	vadd.f32 $1.000000000e+00, v4  }
0x65: {  	vm11 =	vle.f32 v4, $3.100000000e+01;
	v4 =	vsub.f32 $1.000000000e+00, v47;
	v22 =	vsub.f32 $1.000000000e+00, v3  }
0x66: {  	vm12 =	vmand vm10, vm11;
	vm13 =	vge.f32 v48, $0.0e+00;
	vm14 =	vle.f32 v48, $3.100000000e+01  }
0x67: {  	vm3 =	vmand vm13, vm14;
	v50 =	vmul.f32 v22, v4;
	v4 =	vmul.f32 v3, v4  }
0x68: {  	vm15 =	vmand vm0, vm12;
	v51 =	vmul.f32 v22, v47;
	vm0 =	vmand vm0, vm3  }
0x69: {  	[tilespmem:$0x1FEF0] =	vst v2;
	v2 =	vsel vm4, $0xFFFFFFFF, v0;
	vm2 =	vmand vm12, vm1;
	v4 =	vnsel vm0, $0x0, v4  }
0x6a: {  	v2 =	vadd.s32 v23, v2;
	v46 =	vsel vm5, $0xFFFFFFFF, v0;
	[tilespmem:$0x1FF10] =	vst v4;
	v4 =	vnsel vm2, $0x0, v51  }
0x6b: {  	v49 =	vadd.s32 v24, v46;
	vm8 =	vgt.s32 v2, $0x0;
	v52 =	vadd.s32 $0x1, v2;
	[tilespmem:$0x1FF20] =	vst v4;
	v4 =	vld [tilespmem:s20+$0x6800]  }
0x6c: {  	v26 =	vtrunc.f32 v29;
	v2 =	vnsel vm8, $0x0, v2;
	vm9 =	vgt.s32 v52, $0x0  }
0x6d: {  	v25 =	vadd.s32 $0x1, v49;
	v30 =	vcvt.f32.s32 v26;
	vm10 =	vgt.s32 v49, $0x0  }
0x6e: {  	v2 =	vmin.u32 v2, $0x1F;
	vm11 =	vgt.s32 v25, $0x0;
	v54 =	vnsel vm10, $0x0, v49  }
0x6f: {  	[tilespmem:$0x1FE50] =	vst v32;
	v25 =	vnsel vm11, $0x0, v25;
	v2 =	vshll.u32 v2, $0x5;
	v32 =	vcvt.s32.f32 v30  }
0x70: {  	v27 =	vmin.u32 v54, $0x1F;
	v3 =	vmul.f32 v3, v47;
	v4 =	vmax.f32 v4, $-4.000000000e+01  }
0x71: {  	v28 =	vmin.u32 v25, $0x1F;
	vm1 =	vmand vm1, vm3;
	v4 =	vmin.f32 v4, $4.000000000e+01  }
0x72: {  	[tilespmem:$0x1FE40] =	vst v31;
	v56 =	vor.u32 v27, v2;
	v3 =	vnsel vm1, $0x0, v3;
	v55 =	vtrunc.f32 v4  }
0x73: {  	v2 =	vor.u32 v2, v28;
	[tilespmem:$0x1FF30] =	vst v3;
	v3 =	vnsel vm9, $0x0, v52;
	v31 =	vcvt.f32.s32 v55  }
0x74: {  	[tilespmem:$0x1FF60] =	vst v2;
	v2 =	vadd.f32 $-1.000000000e+00, v32;
	v3 =	vmin.u32 v3, $0x1F  }
0x75: {  	vm12 =	vlt.f32 v29, v32;
	v3 =	vshll.u32 v3, $0x5;
	v33 =	vcvt.s32.f32 v31  }
0x76: {  	v2 =	vsel vm12, v2, v32;
	v57 =	vor.u32 v27, v3;
	v3 =	vor.u32 v28, v3  }
0x77: {  	v58 =	vsel vm12, $0xFFFFFFFF, v0;
	v61 =	vadd.f32 $1.000000000e+00, v2;
	[tilespmem:$0x1FF70] =	vst v3;
	v3 =	vadd.f32 $-1.000000000e+00, v33  }
0x78: {  	[tilespmem:$0x1FE80] =	vst v5;
	v5 =	vnsel vm15, $0x0, v50;
	vm14 =	vge.f32 v2, $0.0e+00;
	vm13 =	vlt.f32 v4, v33  }
0x79: {  	vm15 =	vle.f32 v2, $3.100000000e+01;
	vm4 =	vge.f32 v61, $0.0e+00;
	v3 =	vsel vm13, v3, v33  }
0x7a: {  	v59 =	vsel vm13, $0xFFFFFFFF, v0;
	v0 =	vsub.f32 v29, v2;
	v4 =	vsub.f32 v4, v3  }
0x7b: {  	vm5 =	vle.f32 v61, $3.100000000e+01;
	vm6 =	vge.f32 v3, $0.0e+00;
	v2 =	vadd.f32 $1.000000000e+00, v3  }
0x7c: {  	vm7 =	vle.f32 v3, $3.100000000e+01;
	v3 =	vsub.f32 $1.000000000e+00, v0;
	v62 =	vsub.f32 $1.000000000e+00, v4  }
0x7d: {  	vm0 =	vmand vm14, vm15;
	vm1 =	vmand vm4, vm5;
	vm2 =	vmand vm6, vm7  }
0x7e: {  	vm8 =	vge.f32 v2, $0.0e+00;
	vm9 =	vle.f32 v2, $3.100000000e+01;
	v2 =	vmul.f32 v62, v3  }
0x7f: {  	vm10 =	vmand vm0, vm2;
	vm3 =	vmand vm8, vm9;
	v3 =	vmul.f32 v4, v3  }
0x80: {  	[tilespmem:$0x1FEC0] =	vst v44;
	vm0 =	vmand vm0, vm3;
	v63 =	vmul.f32 v62, v0;
	v2 =	vnsel vm10, $0x0, v2  }
0x81: {  	v60 =	vadd.s32 v31, v59;
	vm11 =	vmand vm2, vm1;
	[tilespmem:$0x1FF80] =	vst v2;
	v2 =	vnsel vm0, $0x0, v3  }
0x82: {  	v32 =	vadd.s32 v30, v58;
	vm14 =	vgt.s32 v60, $0x0;
	[tilespmem:$0x1FF90] =	vst v2;
	v2 =	vnsel vm11, $0x0, v63  }
0x83: {  	vm12 =	vgt.s32 v32, $0x0;
	v33 =	vnsel vm14, $0x0, v60;
	[tilespmem:$0x1FFA0] =	vst v2;
	v2 =	vmul.f32 v4, v0  }
0x84: {  	[tilespmem:$0x1FF00] =	vst v5;
	v5 =	vmin.u32 v33, $0x1F;
	vm1 =	vmand vm1, vm3;
	v4 =	vadd.s32 $0x1, v32  }
0x85: {  	[tilespmem:$0x1FED0] =	vst v45;
	v3 =	vnsel vm12, $0x0, v32;
	vm13 =	vgt.s32 v4, $0x0;
	v0 =	vnsel vm1, $0x0, v2  }
0x86: {  	[tilespmem:$0x1FF40] =	vst v56;
	v2 =	vmin.u32 v3, $0x1F;
	v3 =	vnsel vm13, $0x0, v4;
	v4 =	vadd.s32 $0x1, v60  }
0x87: {  	s26 =	sshll.u32 s24, $0x2;
	s2 =	sand.u32 $0x7, s23;
	[tilespmem:$0x1FF50] =	vst v57;
	v3 =	vmin.u32 v3, $0x1F;
	vm15 =	vgt.s32 v4, $0x0;
	v2 =	vshll.u32 v2, $0x5  }
0x88: {  	s2 =	sshll.u32 s2, $0x6;
	s0 =	sand.u32 $0xFFFFF000, s26;
	[tilespmem:$0x1FFB0] =	vst v0;
	v4 =	vnsel vm15, $0x0, v4;
	v0 =	vor.u32 v5, v2;
	v3 =	vshll.u32 v3, $0x5  }
0x89: {  	s0 =	sor.u32 s2, s0;
	v4 =	vmin.u32 v4, $0x1F;
	[tilespmem:$0x1FFC0] =	vst v0;
	v0 =	vor.u32 v5, v3  }
0x8a: {  	s0 =	sshrl.u32 s0, $0x2;
	[tilespmem:$0x1FFD0] =	vst v0;
	v0 =	vor.u32 v2, v4  }
0x8b: {  	s11 =	simm.s32 $0x1C00;
	s12 =	simm.s32 $0x500;
	s7 =	sadd.s32 $0x7800, s0;
	v1 =	vimm.f32 $0.0e+00;
	[tilespmem:$0x1FFE0] =	vst v0;
	v0 =	vor.u32 v4, v3  }
0x8c: {  	s26 =	sadd.s32 $0xA200, s0;
	s0 =	simm.s32 $0xFFFFFFF8;
	s28 =	smov.u32 s7;
	v3 =	vimm.f32 $0.0e+00;
	v4 =	vimm.f32 $0.0e+00;
	[tilespmem:$0x1FFF0] =	vst v0;
	v0 =	vimm.f32 $0.0e+00  }
.LBB2_4:
0x8d: {  	v28 =	vld [tilespmem:$0x1FE40]  }
0x8e: {  	v27 =	vld [tilespmem:$0x1FE50]  }
0x8f: {  	v25 =	vld [tilespmem:$0x1FE70];
	_ =	sdelay $0x1  }
0x90: {  	s2 =	sadd.s32 $0xFFFFE400, s11;
	v26 =	vld [tilespmem:$0x1FE60]  }
0x91: {  	v37 =	vor.u32 s2, v28  }
0x92: {  	v38 =	vor.u32 s2, v27  }
0x93: {  	v6 =	vld [tilespmem:$0x1FE00];
	v40 =	vor.u32 s2, v25  }
0x94: {  	v8 =	vld [tilespmem:$0x1FE20]  }
0x95: {  	v7 =	vld [tilespmem:$0x1FE10];
	v39 =	vor.u32 s2, v26  }
0x96: {  	v37 =	vld.idx.msk [tilespmem:v37+s3+$0x0], $0xffff  }
0x97: {  	v38 =	vld.idx.msk [tilespmem:v38+s3+$0x0], $0xffff  }
0x98: {  	v40 =	vld.idx.msk [tilespmem:v40+s3+$0x0], $0xffff  }
0x99: {  	v13 =	vld [tilespmem:$0x1FE30]  }
0x9a: {  	v39 =	vld.idx.msk [tilespmem:v39+s3+$0x0], $0xffff  }
0x9b: {  	v33 =	vld [tilespmem:$0x1FED0]  }
0x9c: {  	v5 =	vld [tilespmem:$0x1FEE0];
	v41 =	vshll.u32 v37, $0x10;
	v42 =	vshll.u32 v38, $0x10;
	v37 =	vmul.f32 v37, v6  }
0x9d: {  	v20 =	vld [tilespmem:$0x1FEF0];
	v38 =	vmul.f32 v38, v8;
	v35 =	vshll.u32 v40, $0x10;
	v41 =	vmul.f32 v41, v6  }
0x9e: {  	v42 =	vmul.f32 v42, v8;
	v47 =	vmul.f32 v35, v13;
	v35 =	vld [tilespmem:$0x1FEC0]  }
0x9f: {  	v14 =	vld [tilespmem:$0x1FE80];
	v43 =	vshll.u32 v39, $0x10;
	v45 =	vmul.f32 v39, v7;
	v37 =	vadd.f32 v38, v37  }
0xa0: {  	s20 =	sadd.s32 $0xFFFFE800, s11;
	v16 =	vld [tilespmem:$0x1FEA0];
	v34 =	vmul.f32 v43, v7;
	v41 =	vadd.f32 v42, v41  }
0xa1: {  	v15 =	vld [tilespmem:$0x1FE90];
	v55 =	vor.u32 s20, v25;
	v48 =	vmul.f32 v40, v13;
	v37 =	vadd.f32 v45, v37  }
0xa2: {  	v19 =	vld [tilespmem:$0x1FF40];
	v50 =	vor.u32 s2, v33;
	v46 =	vadd.f32 v34, v41  }
0xa3: {  	v18 =	vld [tilespmem:$0x1FF50];
	v49 =	vor.u32 s2, v35;
	v44 =	vadd.f32 v48, v37  }
0xa4: {  	s10 =	sshra.s32 s11, $0x2;
	v40 =	vld [tilespmem:s28+$0xFFFFF800];
	v45 =	vor.u32 s20, v28;
	v43 =	vadd.f32 v47, v46  }
0xa5: {  	v51 =	vor.u32 s2, v5;
	v39 =	vld [tilespmem:s28+$0xFFFFF880];
	[tilespmem:s10+$0xC910] =	vst v44  }
0xa6: {  	v63 =	vld.idx.msk [tilespmem:v55+s3+$0x0], $0xffff;
	[tilespmem:s10+$0xC900] =	vst v43  }
0xa7: {  	v53 =	vor.u32 s2, v20;
	v41 =	vld.idx.msk [tilespmem:v50+s3+$0x0], $0xffff  }
0xa8: {  	v46 =	vor.u32 s20, v27;
	v52 =	vld.idx.msk [tilespmem:v49+s3+$0x0], $0xffff  }
0xa9: {  	v45 =	vld.idx.msk [tilespmem:v45+s3+$0x0], $0xffff  }
0xaa: {  	v37 =	vld.idx.msk [tilespmem:v51+s3+$0x0], $0xffff;
	v49 =	vor.u32 s20, v26  }
0xab: {  	v21 =	vld [tilespmem:$0x1FEB0];
	v60 =	vor.u32 s2, v19  }
0xac: {  	v62 =	vor.u32 s2, v18;
	v23 =	vshll.u32 v63, $0x10;
	v42 =	vld.idx.msk [tilespmem:v53+s3+$0x0], $0xffff;
	v48 =	vshll.u32 v41, $0x10  }
0xad: {  	v56 =	vld.idx.msk [tilespmem:v46+s3+$0x0], $0xffff;
	v41 =	vmul.f32 v41, v16;
	v47 =	vshll.u32 v52, $0x10;
	v38 =	vmul.f32 v52, v14  }
0xae: {  	v17 =	vld [tilespmem:$0x1FF60];
	v10 =	vshll.u32 v45, $0x10;
	v48 =	vmul.f32 v48, v16;
	v47 =	vmul.f32 v47, v14  }
0xaf: {  	v50 =	vshll.u32 v37, $0x10;
	v37 =	vmul.f32 v37, v15;
	v61 =	vld.idx.msk [tilespmem:v49+s3+$0x0], $0xffff;
	v38 =	vadd.f32 v41, v38  }
0xb0: {  	v45 =	vmul.f32 v45, v6;
	v54 =	vmul.f32 v50, v15;
	v47 =	vadd.f32 v48, v47  }
0xb1: {  	v51 =	vshll.u32 v42, $0x10;
	v59 =	vmul.f32 v42, v21;
	v37 =	vadd.f32 v37, v38  }
0xb2: {  	v58 =	vmul.f32 v51, v21;
	v41 =	vmul.f32 v56, v8;
	v57 =	vadd.f32 v54, v47  }
0xb3: {  	v12 =	vld [tilespmem:$0x1FF70];
	v9 =	vor.u32 s2, v17;
	v30 =	vmul.f32 v23, v13;
	v49 =	vadd.f32 v59, v37  }
0xb4: {  	v23 =	vld [tilespmem:$0x1FF10];
	v41 =	vadd.f32 v41, v45;
	v24 =	vmul.f32 v61, v7;
	v46 =	vadd.f32 v58, v57  }
0xb5: {  	v50 =	vmul.f32 v10, v6;
	v10 =	vld [tilespmem:$0x1FFD0];
	v11 =	vshll.u32 v56, $0x10;
	[tilespmem:s10+$0xC990] =	vst v49  }
0xb6: {  	v51 =	vmul.f32 v11, v8;
	v41 =	vadd.f32 v24, v41;
	v24 =	vld [tilespmem:$0x1FF20];
	[tilespmem:s10+$0xC980] =	vst v46  }
0xb7: {  	v53 =	vshll.u32 v61, $0x10;
	v42 =	vld.idx.msk [tilespmem:v60+s3+$0x0], $0xffff  }
0xb8: {  	v52 =	vor.u32 s2, v12;
	v50 =	vadd.f32 v51, v50;
	v22 =	vmul.f32 v53, v7;
	v47 =	vld.idx.msk [tilespmem:v62+s3+$0x0], $0xffff  }
0xb9: {  	v29 =	vld.idx.msk [tilespmem:v9+s3+$0x0], $0xffff  }
0xba: {  	v31 =	vmul.f32 v63, v13;
	v50 =	vadd.f32 v22, v50;
	v22 =	vld [tilespmem:$0x1FF00]  }
0xbb: {  	v32 =	vor.u32 s20, v35;
	v38 =	vld [tilespmem:s28+$0xFFFFF900]  }
0xbc: {  	v34 =	vor.u32 s20, v33;
	v43 =	vmul.f32 v43, v40;
	v37 =	vld [tilespmem:s28+$0xFFFFF980];
	v41 =	vadd.f32 v31, v41  }
0xbd: {  	v61 =	vor.u32 s20, v5;
	v52 =	vld.idx.msk [tilespmem:v52+s3+$0x0], $0xffff;
	v50 =	vadd.f32 v30, v50;
	v54 =	vshll.u32 v42, $0x10  }
0xbe: {  	[tilespmem:s10+$0xC930] =	vst v41;
	v55 =	vshll.u32 v47, $0x10;
	v56 =	vshll.u32 v29, $0x10;
	v11 =	vmul.f32 v29, v23;
	v29 =	vld [tilespmem:$0x1FF30]  }
0xbf: {  	v9 =	vld [tilespmem:$0x1FFC0];
	[tilespmem:s10+$0xC920] =	vst v50;
	v36 =	vmul.f32 v54, v22;
	v60 =	vmul.f32 v55, v24  }
0xc0: {  	v63 =	vor.u32 s20, v20;
	v53 =	vld.idx.msk [tilespmem:v32+s3+$0x0], $0xffff;
	v42 =	vmul.f32 v42, v22;
	v47 =	vmul.f32 v47, v24  }
0xc1: {  	v44 =	vmul.f32 v44, v39;
	v48 =	vld.idx.msk [tilespmem:v34+s3+$0x0], $0xffff;
	v62 =	vmul.f32 v56, v23;
	v45 =	vadd.f32 v60, v36  }
0xc2: {  	v2 =	vld [tilespmem:$0x1FFF0];
	v4 =	vadd.f32 v43, v4;
	v57 =	vshll.u32 v52, $0x10;
	v42 =	vadd.f32 v47, v42  }
0xc3: {  	v49 =	vmul.f32 v49, v39;
	v54 =	vld.idx.msk [tilespmem:v61+s3+$0x0], $0xffff;
	v45 =	vadd.f32 v62, v45;
	v30 =	vmul.f32 v57, v29  }
0xc4: {  	v32 =	vor.u32 s2, v9;
	v36 =	vld [tilespmem:$0x1FFE0];
	v42 =	vadd.f32 v11, v42;
	v31 =	vmul.f32 v52, v29  }
0xc5: {  	v46 =	vmul.f32 v46, v40;
	v34 =	vor.u32 s2, v10;
	v47 =	vld.idx.msk [tilespmem:v63+s3+$0x0], $0xffff;
	v45 =	vadd.f32 v30, v45  }
0xc6: {  	v61 =	vshll.u32 v53, $0x10;
	v62 =	vshll.u32 v48, $0x10;
	v42 =	vadd.f32 v31, v42  }
0xc7: {  	v58 =	vor.u32 s2, v2;
	v63 =	vmul.f32 v61, v14;
	v11 =	vmul.f32 v62, v16;
	[tilespmem:s10+$0xCA00] =	vst v45  }
0xc8: {  	v53 =	vmul.f32 v53, v14;
	v48 =	vmul.f32 v48, v16;
	v30 =	vshll.u32 v54, $0x10;
	[tilespmem:s10+$0xCA10] =	vst v42  }
0xc9: {  	v60 =	vor.u32 s2, v36;
	v43 =	vadd.f32 v11, v63;
	v31 =	vmul.f32 v30, v15;
	v52 =	vld.idx.msk [tilespmem:v32+s3+$0x0], $0xffff  }
0xca: {  	v48 =	vadd.f32 v48, v53;
	v51 =	vld.idx.msk [tilespmem:v34+s3+$0x0], $0xffff;
	v32 =	vshll.u32 v47, $0x10;
	v34 =	vmul.f32 v54, v15  }
0xcb: {  	v3 =	vadd.f32 v46, v3;
	v30 =	vld [tilespmem:$0x1FF80];
	v43 =	vadd.f32 v31, v43;
	v59 =	vmul.f32 v32, v21  }
0xcc: {  	v53 =	vor.u32 s20, v19;
	v47 =	vmul.f32 v47, v21;
	v32 =	vld [tilespmem:$0x1FFA0];
	v48 =	vadd.f32 v34, v48  }
0xcd: {  	v4 =	vadd.f32 v4, v44;
	v54 =	vor.u32 s20, v18;
	v55 =	vld.idx.msk [tilespmem:v58+s3+$0x0], $0xffff;
	v43 =	vadd.f32 v59, v43  }
0xce: {  	v41 =	vmul.f32 v41, v37;
	v49 =	vadd.f32 v3, v49;
	v46 =	vld.idx.msk [tilespmem:v60+s3+$0x0], $0xffff;
	v58 =	vadd.f32 v47, v48  }
0xcf: {  	v11 =	vor.u32 s20, v17;
	v45 =	vmul.f32 v45, v40;
	v42 =	vmul.f32 v42, v39;
	v31 =	vld [tilespmem:$0x1FF90];
	[tilespmem:s10+$0xC9A0] =	vst v43  }
0xd0: {  	s2 =	sadd.s32 $0xFFFFEC00, s11;
	v34 =	vld [tilespmem:$0x1FFB0];
	v60 =	vshll.u32 v52, $0x10;
	v61 =	vshll.u32 v51, $0x10;
	v43 =	vmul.f32 v43, v38;
	[tilespmem:s10+$0xC9B0] =	vst v58  }
0xd1: {  	v56 =	vor.u32 s2, v26;
	v62 =	vmul.f32 v60, v30;
	v63 =	vmul.f32 v61, v32;
	v47 =	vld.idx.msk [tilespmem:v53+s3+$0x0], $0xffff  }
0xd2: {  	v45 =	vadd.f32 v45, v0;
	v60 =	vmul.f32 v52, v30;
	v51 =	vmul.f32 v51, v32;
	v52 =	vld.idx.msk [tilespmem:v54+s3+$0x0], $0xffff  }
0xd3: {  	v61 =	vor.u32 s20, v12;
	v59 =	vshll.u32 v46, $0x10;
	v3 =	vadd.f32 v63, v62  }
0xd4: {  	v62 =	vshll.u32 v55, $0x10;
	v48 =	vadd.f32 v51, v60;
	v51 =	vld.idx.msk [tilespmem:v11+s3+$0x0], $0xffff;
	v44 =	vmul.f32 v59, v31  }
0xd5: {  	v46 =	vmul.f32 v46, v31;
	v63 =	vor.u32 s2, v28;
	v11 =	vmul.f32 v55, v34  }
0xd6: {  	v3 =	vadd.f32 v44, v3;
	v44 =	vmul.f32 v62, v34;
	v57 =	vshll.u32 v47, $0x10  }
0xd7: {  	v59 =	vshll.u32 v52, $0x10;
	v47 =	vmul.f32 v47, v22;
	v52 =	vmul.f32 v52, v24  }
0xd8: {  	v0 =	vadd.f32 v44, v3;
	v3 =	vadd.f32 v46, v48;
	v44 =	vor.u32 s2, v27  }
0xd9: {  	v48 =	vld.idx.msk [tilespmem:v61+s3+$0x0], $0xffff;
	v53 =	vmul.f32 v57, v22;
	v55 =	vmul.f32 v59, v24;
	v60 =	vshll.u32 v51, $0x10  }
0xda: {  	v54 =	vld.idx.msk [tilespmem:v63+s3+$0x0], $0xffff;
	v63 =	vmul.f32 v51, v23;
	v61 =	vmul.f32 v60, v23;
	v62 =	vadd.f32 v52, v47  }
0xdb: {  	v53 =	vadd.f32 v55, v53;
	v3 =	vadd.f32 v11, v3;
	v40 =	vmul.f32 v0, v40  }
0xdc: {  	v57 =	vor.u32 s2, v25;
	v51 =	vor.u32 s20, v10;
	v46 =	vadd.f32 v63, v62  }
0xdd: {  	v11 =	vadd.f32 v61, v53;
	v1 =	vadd.f32 v40, v1;
	v53 =	vmul.f32 v3, v39;
	v44 =	vld.idx.msk [tilespmem:v44+s3+$0x0], $0xffff  }
0xde: {  	v39 =	vmul.f32 v50, v38;
	v61 =	vor.u32 s20, v9;
	v59 =	vshll.u32 v48, $0x10  }
0xdf: {  	v60 =	vmul.f32 v48, v29;
	v48 =	vld.idx.msk [tilespmem:v56+s3+$0x0], $0xffff;
	v62 =	vshll.u32 v54, $0x10;
	v52 =	vmul.f32 v59, v29  }
0xe0: {  	v54 =	vmul.f32 v54, v6;
	v56 =	vadd.f32 v45, v42;
	v45 =	vadd.f32 v43, v49  }
0xe1: {  	v47 =	vld.idx.msk [tilespmem:v57+s3+$0x0], $0xffff;
	v59 =	vor.u32 s20, v2;
	v46 =	vadd.f32 v60, v46;
	v50 =	vadd.f32 v52, v11  }
0xe2: {  	[tilespmem:$0x1FDB0] =	vst v3;
	v11 =	vor.u32 s20, v36;
	v63 =	vshll.u32 v44, $0x10;
	v44 =	vmul.f32 v44, v8  }
0xe3: {  	v4 =	vadd.f32 v39, v4;
	v52 =	vmul.f32 v62, v6;
	[tilespmem:s10+$0xCA30] =	vst v46;
	v55 =	vmul.f32 v63, v8  }
0xe4: {  	v3 =	vmovc v36;
	[tilespmem:s10+$0xCA20] =	vst v50;
	v36 =	vshll.u32 v48, $0x10;
	v48 =	vmul.f32 v48, v7;
	v44 =	vadd.f32 v44, v54  }
0xe5: {  	v42 =	vadd.f32 v4, v41;
	v60 =	vmul.f32 v36, v7;
	v57 =	vld.idx.msk [tilespmem:v61+s3+$0x0], $0xffff;
	v52 =	vadd.f32 v55, v52  }
0xe6: {  	v61 =	vshll.u32 v47, $0x10;
	v51 =	vld.idx.msk [tilespmem:v51+s3+$0x0], $0xffff;
	v47 =	vmul.f32 v47, v13;
	v44 =	vadd.f32 v48, v44  }
0xe7: {  	v63 =	vmul.f32 v61, v13;
	v54 =	vld.idx.msk [tilespmem:v11+s3+$0x0], $0xffff;
	v11 =	vor.u32 s2, v35;
	v62 =	vadd.f32 v60, v52  }
0xe8: {  	v40 =	vld [tilespmem:s28+$0xFFFFFA00];
	v61 =	vmul.f32 v50, v38;
	v52 =	vor.u32 s2, v33;
	v47 =	vadd.f32 v47, v44  }
0xe9: {  	v39 =	vld [tilespmem:s28+$0xFFFFFA80];
	v44 =	vadd.f32 v1, v53;
	v1 =	vor.u32 s2, v5;
	v48 =	vadd.f32 v63, v62  }
0xea: {  	v4 =	vld.idx.msk [tilespmem:v59+s3+$0x0], $0xffff;
	v49 =	vadd.f32 v61, v56;
	v60 =	vmul.f32 v58, v37;
	[tilespmem:s10+$0xC950] =	vst v47  }
0xeb: {  	v58 =	vor.u32 s2, v20;
	v62 =	vshll.u32 v57, $0x10;
	v63 =	vshll.u32 v51, $0x10;
	[tilespmem:s10+$0xC940] =	vst v48  }
0xec: {  	v45 =	vadd.f32 v45, v60;
	v51 =	vmul.f32 v51, v32;
	v59 =	vmul.f32 v63, v32;
	v55 =	vld.idx.msk [tilespmem:v11+s3+$0x0], $0xffff  }
0xed: {  	s20 =	sadd.s32 $0xFFFFF000, s11;
	v60 =	vshll.u32 v54, $0x10;
	v63 =	vmul.f32 v57, v30;
	v11 =	vmul.f32 v62, v30;
	v50 =	vld.idx.msk [tilespmem:v52+s3+$0x0], $0xffff  }
0xee: {  	v57 =	vor.u32 s20, v27;
	v54 =	vmul.f32 v54, v31;
	v52 =	vmul.f32 v46, v37;
	v1 =	vld.idx.msk [tilespmem:v1+s3+$0x0], $0xffff  }
0xef: {  	v62 =	vshll.u32 v4, $0x10;
	v41 =	vadd.f32 v59, v11;
	v11 =	vor.u32 s20, v28  }
0xf0: {  	v61 =	vmul.f32 v60, v31;
	v51 =	vadd.f32 v51, v63;
	v43 =	vmul.f32 v62, v34  }
0xf1: {  	v46 =	vld.idx.msk [tilespmem:v58+s3+$0x0], $0xffff;
	v59 =	vor.u32 s20, v26;
	v49 =	vadd.f32 v49, v52;
	v62 =	vshll.u32 v55, $0x10  }
0xf2: {  	v63 =	vshll.u32 v50, $0x10;
	v55 =	vmul.f32 v55, v14;
	v50 =	vmul.f32 v50, v16  }
0xf3: {  	v53 =	vmul.f32 v62, v14;
	v58 =	vmul.f32 v63, v16;
	v60 =	vshll.u32 v1, $0x10  }
0xf4: {  	v1 =	vmul.f32 v1, v15;
	v56 =	vld.idx.msk [tilespmem:v11+s3+$0x0], $0xffff;
	v11 =	vor.u32 s20, v25;
	v50 =	vadd.f32 v50, v55  }
0xf5: {  	v41 =	vadd.f32 v61, v41;
	v55 =	vld.idx.msk [tilespmem:v57+s3+$0x0], $0xffff;
	v53 =	vadd.f32 v58, v53;
	v58 =	vmul.f32 v60, v15  }
0xf6: {  	v61 =	vshll.u32 v46, $0x10;
	v46 =	vmul.f32 v46, v21;
	v50 =	vadd.f32 v1, v50  }
0xf7: {  	v63 =	vmul.f32 v61, v21;
	v59 =	vld.idx.msk [tilespmem:v59+s3+$0x0], $0xffff;
	v53 =	vadd.f32 v58, v53;
	v58 =	vor.u32 s2, v19  }
0xf8: {  	[tilespmem:$0x1FDA0] =	vst v0;
	v0 =	vadd.f32 v43, v41;
	v41 =	vor.u32 s2, v18;
	v50 =	vadd.f32 v46, v50  }
0xf9: {  	v4 =	vmul.f32 v4, v34;
	v43 =	vadd.f32 v54, v51;
	v53 =	vadd.f32 v63, v53;
	v46 =	vld.idx.msk [tilespmem:v11+s3+$0x0], $0xffff  }
0xfa: {  	v51 =	vor.u32 s2, v17;
	v54 =	vshll.u32 v56, $0x10;
	v11 =	vshll.u32 v55, $0x10;
	[tilespmem:s10+$0xC9D0] =	vst v50  }
0xfb: {  	v60 =	vor.u32 s2, v12;
	v54 =	vmul.f32 v54, v6;
	v57 =	vmul.f32 v11, v8;
	[tilespmem:s10+$0xC9C0] =	vst v53  }
0xfc: {  	v56 =	vmul.f32 v56, v6;
	v55 =	vmul.f32 v55, v8;
	v11 =	vshll.u32 v59, $0x10;
	v58 =	vld.idx.msk [tilespmem:v58+s3+$0x0], $0xffff  }
0xfd: {  	v38 =	vmul.f32 v0, v38;
	v63 =	vmul.f32 v11, v7;
	v62 =	vld.idx.msk [tilespmem:v41+s3+$0x0], $0xffff;
	v41 =	vadd.f32 v57, v54  }
0xfe: {  	v61 =	vmul.f32 v59, v7;
	v55 =	vadd.f32 v55, v56;
	v11 =	vshll.u32 v46, $0x10  }
0xff: {  	v1 =	vadd.f32 v4, v43;
	v51 =	vld.idx.msk [tilespmem:v51+s3+$0x0], $0xffff;
	v41 =	vadd.f32 v63, v41;
	v63 =	vmul.f32 v11, v13  }
0x100: {  	v57 =	vor.u32 s20, v35;
	v55 =	vadd.f32 v61, v55;
	v56 =	vmul.f32 v46, v13  }
0x101: {  	v43 =	vld [tilespmem:s28+$0xFFFFFB80];
	v38 =	vadd.f32 v38, v44;
	v59 =	vor.u32 s20, v33;
	v46 =	vadd.f32 v63, v41  }
0x102: {  	v36 =	vmovc v33;
	v54 =	vld.idx.msk [tilespmem:v60+s3+$0x0], $0xffff;
	v11 =	vshll.u32 v58, $0x10;
	v33 =	vshll.u32 v62, $0x10;
	v41 =	vadd.f32 v56, v55  }
0x103: {  	v44 =	vld [tilespmem:s28+$0xFFFFFB00];
	v60 =	vor.u32 s20, v5;
	v55 =	vmul.f32 v11, v22;
	v11 =	vmul.f32 v33, v24;
	[tilespmem:s10+$0xC960] =	vst v46  }
0x104: {  	v58 =	vmul.f32 v58, v22;
	v62 =	vmul.f32 v62, v24;
	v33 =	vshll.u32 v51, $0x10;
	[tilespmem:s10+$0xC970] =	vst v41  }
0x105: {  	[tilespmem:$0x1FDC0] =	vst v0;
	v55 =	vadd.f32 v11, v55;
	v11 =	vmul.f32 v33, v23;
	v57 =	vld.idx.msk [tilespmem:v57+s3+$0x0], $0xffff;
	v33 =	vor.u32 s20, v20  }
0x106: {  	v0 =	vmul.f32 v47, v39;
	v51 =	vmul.f32 v51, v23;
	v58 =	vadd.f32 v62, v58;
	v59 =	vld.idx.msk [tilespmem:v59+s3+$0x0], $0xffff  }
0x107: {  	v37 =	vmul.f32 v1, v37;
	v63 =	vshll.u32 v54, $0x10;
	v54 =	vmul.f32 v54, v29  }
0x108: {  	v60 =	vld.idx.msk [tilespmem:v60+s3+$0x0], $0xffff;
	v51 =	vadd.f32 v51, v58;
	v55 =	vadd.f32 v11, v55;
	v11 =	vmul.f32 v63, v29  }
0x109: {  	v56 =	vadd.f32 v38, v37;
	v37 =	vmul.f32 v48, v40;
	v62 =	vor.u32 s2, v2  }
0x10a: {  	v58 =	vor.u32 s2, v9;
	v38 =	vadd.f32 v54, v51;
	v52 =	vadd.f32 v11, v55;
	v48 =	vld.idx.msk [tilespmem:v33+s3+$0x0], $0xffff  }
0x10b: {  	v55 =	vor.u32 s2, v10;
	v20 =	vshll.u32 v57, $0x10;
	v33 =	vshll.u32 v59, $0x10  }
0x10c: {  	v51 =	vor.u32 s2, v3;
	v54 =	vmul.f32 v20, v14;
	v61 =	vmul.f32 v33, v16  }
0x10d: {  	[tilespmem:s10+$0xCA50] =	vst v38;
	v57 =	vmul.f32 v57, v14;
	v59 =	vmul.f32 v59, v16;
	v20 =	vshll.u32 v60, $0x10  }
0x10e: {  	v50 =	vmul.f32 v50, v39;
	[tilespmem:s10+$0xCA40] =	vst v52;
	v47 =	vadd.f32 v61, v54;
	v54 =	vmul.f32 v20, v15  }
0x10f: {  	v58 =	vld.idx.msk [tilespmem:v58+s3+$0x0], $0xffff;
	v57 =	vadd.f32 v59, v57;
	v20 =	vmul.f32 v60, v15;
	v33 =	vshll.u32 v48, $0x10  }
0x110: {  	v53 =	vmul.f32 v53, v40;
	v55 =	vld.idx.msk [tilespmem:v55+s3+$0x0], $0xffff;
	v47 =	vadd.f32 v54, v47;
	v33 =	vmul.f32 v33, v21  }
0x111: {  	v59 =	vor.u32 s20, v19;
	v51 =	vld.idx.msk [tilespmem:v51+s3+$0x0], $0xffff;
	v57 =	vadd.f32 v20, v57;
	v48 =	vmul.f32 v48, v21  }
0x112: {  	v4 =	vmovc v18;
	v37 =	vadd.f32 v37, v42;
	v60 =	vld.idx.msk [tilespmem:v62+s3+$0x0], $0xffff;
	v54 =	vor.u32 s20, v18;
	v62 =	vadd.f32 v33, v47  }
0x113: {  	v5 =	vmovc v2;
	v45 =	vadd.f32 v53, v45;
	v18 =	vmul.f32 v52, v40;
	v47 =	vadd.f32 v48, v57  }
0x114: {  	v2 =	vmovc v19;
	v0 =	vadd.f32 v37, v0;
	v38 =	vmul.f32 v38, v39;
	v19 =	vshll.u32 v58, $0x10;
	[tilespmem:s10+$0xC9E0] =	vst v62  }
0x115: {  	v49 =	vadd.f32 v18, v49;
	v48 =	vor.u32 s20, v17;
	v20 =	vshll.u32 v55, $0x10;
	[tilespmem:s10+$0xC9F0] =	vst v47  }
0x116: {  	s2 =	sadd.s32 $0xFFFFF400, s11;
	v33 =	vmul.f32 v19, v30;
	v63 =	vshll.u32 v51, $0x10;
	v61 =	vmul.f32 v20, v32;
	v57 =	vld.idx.msk [tilespmem:v59+s3+$0x0], $0xffff  }
0x117: {  	v53 =	vmul.f32 v63, v31;
	v63 =	vadd.f32 v45, v50;
	v50 =	vor.u32 s2, v27;
	v45 =	vld.idx.msk [tilespmem:v54+s3+$0x0], $0xffff  }
0x118: {  	v19 =	vmul.f32 v58, v30;
	v59 =	vor.u32 s20, v12;
	v42 =	vadd.f32 v61, v33  }
0x119: {  	v58 =	vmul.f32 v55, v32;
	v20 =	vmovc v12;
	v12 =	vshll.u32 v60, $0x10;
	v61 =	vor.u32 s2, v28  }
0x11a: {  	v51 =	vmul.f32 v51, v31;
	v37 =	vmul.f32 v12, v34;
	v48 =	vld.idx.msk [tilespmem:v48+s3+$0x0], $0xffff;
	v42 =	vadd.f32 v53, v42  }
0x11b: {  	v33 =	vmovc v34;
	v12 =	vadd.f32 v58, v19;
	v58 =	vor.u32 s2, v26;
	v34 =	vmul.f32 v60, v34  }
0x11c: {  	[tilespmem:$0x1FDD0] =	vst v1;
	v50 =	vld.idx.msk [tilespmem:v50+s3+$0x0], $0xffff;
	v1 =	vadd.f32 v37, v42;
	v18 =	vshll.u32 v57, $0x10;
	v19 =	vshll.u32 v45, $0x10  }
0x11d: {  	v52 =	vld.idx.msk [tilespmem:v59+s3+$0x0], $0xffff;
	v57 =	vmul.f32 v57, v22;
	v45 =	vmul.f32 v45, v24;
	v42 =	vadd.f32 v51, v12  }
0x11e: {  	v53 =	vmul.f32 v18, v22;
	v55 =	vmul.f32 v19, v24;
	v54 =	vld.idx.msk [tilespmem:v61+s3+$0x0], $0xffff;
	v61 =	vor.u32 s2, v25  }
0x11f: {  	v37 =	vshll.u32 v48, $0x10;
	v45 =	vadd.f32 v45, v57;
	v48 =	vmul.f32 v48, v23  }
0x120: {  	v59 =	vadd.f32 v49, v38;
	v12 =	vadd.f32 v55, v53;
	v18 =	vmul.f32 v37, v23  }
0x121: {  	v11 =	vmov v3;
	v3 =	vadd.f32 v34, v42;
	v55 =	vld.idx.msk [tilespmem:v58+s3+$0x0], $0xffff;
	v45 =	vadd.f32 v48, v45  }
0x122: {  	v19 =	vshll.u32 v52, $0x10;
	v51 =	vadd.f32 v18, v12;
	v60 =	vmul.f32 v52, v29  }
0x123: {  	v12 =	vshll.u32 v50, $0x10;
	v50 =	vmul.f32 v50, v8;
	v37 =	vmul.f32 v19, v29;
	v49 =	vld.idx.msk [tilespmem:v61+s3+$0x0], $0xffff  }
0x124: {  	v61 =	vshll.u32 v54, $0x10;
	v54 =	vmul.f32 v54, v6;
	v48 =	vadd.f32 v60, v45  }
0x125: {  	v45 =	vmul.f32 v61, v6;
	v42 =	vadd.f32 v37, v51;
	v51 =	vmul.f32 v12, v8  }
0x126: {  	v18 =	vor.u32 s20, v9;
	v19 =	vshll.u32 v55, $0x10;
	v50 =	vadd.f32 v50, v54  }
0x127: {  	v60 =	vmul.f32 v55, v7;
	v34 =	vmul.f32 v19, v7;
	v45 =	vadd.f32 v51, v45  }
0x128: {  	v38 =	vmovc v10;
	v57 =	vor.u32 s20, v10;
	v10 =	vor.u32 s20, v5;
	v58 =	vshll.u32 v49, $0x10  }
0x129: {  	v49 =	vmul.f32 v49, v13;
	v19 =	vmovc v5;
	v5 =	vld [tilespmem:$0x1FEE0];
	v45 =	vadd.f32 v34, v45;
	v34 =	vadd.f32 v60, v50  }
0x12a: {  	v61 =	vmul.f32 v46, v44;
	v46 =	vld [tilespmem:s28+$0x0];
	[tilespmem:s10+$0xCA70] =	vst v48;
	v12 =	vmul.f32 v58, v13  }
0x12b: {  	[tilespmem:s10+$0xCA60] =	vst v42;
	v58 =	vor.u32 s2, v35;
	v49 =	vadd.f32 v49, v34;
	v34 =	vld [tilespmem:$0x1FEF0]  }
0x12c: {  	v40 =	vmul.f32 v1, v40;
	v51 =	vor.u32 s2, v36;
	v52 =	vld.idx.msk [tilespmem:v18+s3+$0x0], $0xffff;
	v50 =	vadd.f32 v12, v45  }
0x12d: {  	v41 =	vmul.f32 v41, v43;
	[tilespmem:$0x1FDE0] =	vst v1;
	v1 =	vld.idx.msk [tilespmem:v57+s3+$0x0], $0xffff  }
0x12e: {  	v40 =	vadd.f32 v40, v56;
	v39 =	vmul.f32 v3, v39;
	v45 =	vld [tilespmem:s28+$0x80];
	[tilespmem:s10+$0xCD00] =	vst v50;
	v55 =	vor.u32 s2, v5  }
0x12f: {  	v0 =	vadd.f32 v61, v0;
	v37 =	vmovc v9;
	v9 =	vor.u32 s20, v11;
	v18 =	vmov v11;
	[tilespmem:s10+$0xCD10] =	vst v49  }
0x130: {  	s20 =	sadd.s32 $0xFFFFF800, s11;
	v57 =	vor.u32 s2, v37;
	v54 =	vor.u32 s2, v18;
	v12 =	vld.idx.msk [tilespmem:v58+s3+$0x0], $0xffff;
	v11 =	vor.u32 s2, v34  }
0x131: {  	v37 =	vor.u32 s2, v19;
	v19 =	vor.u32 s20, v27;
	v60 =	vshll.u32 v52, $0x10;
	v51 =	vld.idx.msk [tilespmem:v51+s3+$0x0], $0xffff  }
0x132: {  	v18 =	vshll.u32 v1, $0x10;
	v58 =	vmul.f32 v62, v44;
	v62 =	vor.u32 s20, v28  }
0x133: {  	v27 =	vadd.f32 v40, v39;
	v39 =	vmul.f32 v60, v30;
	v18 =	vmul.f32 v18, v32;
	v55 =	vld.idx.msk [tilespmem:v55+s3+$0x0], $0xffff  }
0x134: {  	[tilespmem:$0x1FDF0] =	vst v3;
	v3 =	vor.u32 s2, v4;
	v4 =	vor.u32 s2, v17;
	v60 =	vadd.f32 v0, v41  }
0x135: {  	v17 =	vor.u32 s2, v20;
	v58 =	vadd.f32 v58, v63;
	v18 =	vadd.f32 v18, v39;
	v0 =	vld.idx.msk [tilespmem:v11+s3+$0x0], $0xffff  }
0x136: {  	v9 =	vld.idx.msk [tilespmem:v9+s3+$0x0], $0xffff;
	v63 =	vshll.u32 v12, $0x10;
	v20 =	vshll.u32 v51, $0x10;
	v11 =	vor.u32 s20, v26  }
0x137: {  	v41 =	vld.idx.msk [tilespmem:v62+s3+$0x0], $0xffff;
	v62 =	vor.u32 s20, v25;
	v39 =	vmul.f32 v63, v14;
	v40 =	vmul.f32 v20, v16  }
0x138: {  	v12 =	vmul.f32 v12, v14;
	v51 =	vmul.f32 v51, v16;
	v63 =	vshll.u32 v55, $0x10  }
0x139: {  	v61 =	vor.u32 s2, v2;
	v19 =	vld.idx.msk [tilespmem:v19+s3+$0x0], $0xffff;
	v39 =	vadd.f32 v40, v39;
	v40 =	vmul.f32 v63, v15  }
0x13a: {  	v12 =	vadd.f32 v51, v12;
	v51 =	vmul.f32 v55, v15;
	v63 =	vshll.u32 v0, $0x10  }
0x13b: {  	v55 =	vshll.u32 v9, $0x10;
	v11 =	vld.idx.msk [tilespmem:v11+s3+$0x0], $0xffff;
	v39 =	vadd.f32 v40, v39;
	v63 =	vmul.f32 v63, v21  }
0x13c: {  	v20 =	vmul.f32 v42, v44;
	v42 =	vmul.f32 v55, v31;
	v12 =	vadd.f32 v51, v12  }
0x13d: {  	v55 =	vld.idx.msk [tilespmem:v62+s3+$0x0], $0xffff;
	v0 =	vmul.f32 v0, v21;
	v40 =	vmul.f32 v41, v6;
	v62 =	vadd.f32 v63, v39  }
0x13e: {  	v39 =	vshll.u32 v41, $0x10;
	v63 =	vshll.u32 v19, $0x10;
	v19 =	vmul.f32 v19, v8  }
0x13f: {  	v10 =	vld.idx.msk [tilespmem:v10+s3+$0x0], $0xffff;
	v51 =	vadd.f32 v0, v12;
	v0 =	vmul.f32 v39, v6;
	v12 =	vmul.f32 v63, v8  }
0x140: {  	v63 =	vshll.u32 v11, $0x10;
	v19 =	vadd.f32 v19, v40;
	v11 =	vmul.f32 v11, v7  }
0x141: {  	v0 =	vadd.f32 v12, v0;
	v12 =	vmul.f32 v63, v7  }
0x142: {  	v18 =	vadd.f32 v42, v18;
	[tilespmem:s10+$0xCD90] =	vst v51;
	v63 =	vshll.u32 v55, $0x10;
	v11 =	vadd.f32 v11, v19  }
0x143: {  	v42 =	vld [tilespmem:s28+$0x100];
	[tilespmem:s10+$0xCD80] =	vst v62;
	v19 =	vmul.f32 v55, v13;
	v0 =	vadd.f32 v12, v0;
	v12 =	vmul.f32 v63, v13  }
0x144: {  	v53 =	vmovc v2;
	v40 =	vshll.u32 v10, $0x10;
	v2 =	vld.idx.msk [tilespmem:v61+s3+$0x0], $0xffff;
	v63 =	vor.u32 s20, v35;
	v35 =	vmul.f32 v52, v30  }
0x145: {  	v3 =	vld.idx.msk [tilespmem:v3+s3+$0x0], $0xffff;
	v52 =	vadd.f32 v19, v11;
	v55 =	vadd.f32 v12, v0;
	v0 =	vor.u32 s20, v36  }
0x146: {  	v56 =	vor.u32 s2, v38;
	v41 =	vld [tilespmem:s28+$0x180];
	v61 =	vmul.f32 v40, v33  }
0x147: {  	v1 =	vmul.f32 v1, v32;
	v9 =	vmul.f32 v9, v31;
	v4 =	vld.idx.msk [tilespmem:v4+s3+$0x0], $0xffff;
	v36 =	vor.u32 s20, v5;
	[tilespmem:s10+$0xCD30] =	vst v52  }
0x148: {  	v10 =	vmul.f32 v10, v33;
	v17 =	vld.idx.msk [tilespmem:v17+s3+$0x0], $0xffff;
	v40 =	vor.u32 s20, v34;
	v39 =	vadd.f32 v61, v18;
	[tilespmem:s10+$0xCD20] =	vst v55  }
0x149: {  	v11 =	vadd.f32 v20, v59;
	v1 =	vadd.f32 v1, v35;
	v59 =	vshll.u32 v2, $0x10;
	v20 =	vld.idx.msk [tilespmem:v63+s3+$0x0], $0xffff  }
0x14a: {  	v61 =	vshll.u32 v3, $0x10;
	v2 =	vmul.f32 v2, v22;
	v3 =	vmul.f32 v3, v24;
	v0 =	vld.idx.msk [tilespmem:v0+s3+$0x0], $0xffff  }
0x14b: {  	v12 =	vmul.f32 v59, v22;
	v19 =	vmul.f32 v61, v24;
	v1 =	vadd.f32 v9, v1  }
0x14c: {  	v63 =	vmovc v34;
	v34 =	vshll.u32 v4, $0x10;
	v2 =	vadd.f32 v3, v2;
	v4 =	vmul.f32 v4, v23;
	v18 =	vld.idx.msk [tilespmem:v36+s3+$0x0], $0xffff  }
0x14d: {  	v3 =	vshll.u32 v17, $0x10;
	v12 =	vadd.f32 v19, v12;
	v35 =	vmul.f32 v34, v23  }
0x14e: {  	v3 =	vmul.f32 v3, v29;
	v2 =	vadd.f32 v4, v2;
	v4 =	vmul.f32 v17, v29  }
0x14f: {  	v36 =	vadd.f32 v35, v12;
	v59 =	vshll.u32 v20, $0x10;
	v61 =	vshll.u32 v0, $0x10  }
0x150: {  	v2 =	vadd.f32 v4, v2;
	v4 =	vmul.f32 v59, v14;
	v34 =	vmul.f32 v61, v16  }
0x151: {  	v17 =	vld.idx.msk [tilespmem:v40+s3+$0x0], $0xffff;
	v3 =	vadd.f32 v3, v36;
	v20 =	vmul.f32 v20, v14;
	v35 =	vshll.u32 v18, $0x10  }
0x152: {  	v0 =	vmul.f32 v0, v16;
	v36 =	vmul.f32 v35, v15;
	v4 =	vadd.f32 v34, v4  }
0x153: {  	v40 =	vadd.f32 v10, v1  }
0x154: {  	v18 =	vmul.f32 v18, v15;
	v0 =	vadd.f32 v0, v20;
	v1 =	vadd.f32 v36, v4;
	v36 =	vld [tilespmem:$0x1FF50]  }
0x155: {  	v12 =	vmul.f32 v47, v43;
	[tilespmem:s10+$0xCE10] =	vst v2;
	v59 =	vmul.f32 v39, v44;
	v35 =	vld [tilespmem:$0x1FF60]  }
0x156: {  	v47 =	vshll.u32 v17, $0x10;
	[tilespmem:s10+$0xCE00] =	vst v3;
	v9 =	vmul.f32 v17, v21;
	v0 =	vadd.f32 v18, v0  }
0x157: {  	v10 =	vor.u32 s20, v53;
	v44 =	vld.idx.msk [tilespmem:v56+s3+$0x0], $0xffff;
	v4 =	vmul.f32 v47, v21;
	v34 =	vmovc v53;
	v53 =	vmul.f32 v50, v46  }
0x158: {  	v12 =	vadd.f32 v58, v12;
	v61 =	vmul.f32 v48, v43;
	v18 =	vld.idx.msk [tilespmem:v57+s3+$0x0], $0xffff;
	v0 =	vadd.f32 v9, v0  }
0x159: {  	v1 =	vadd.f32 v4, v1;
	v20 =	vadd.f32 v53, v60;
	v60 =	vld [tilespmem:$0x1FF70];
	v4 =	vor.u32 s20, v36  }
0x15a: {  	v57 =	vadd.f32 v59, v27;
	v59 =	vmul.f32 v40, v43;
	v43 =	vld.idx.msk [tilespmem:v54+s3+$0x0], $0xffff;
	v47 =	vor.u32 s20, v35  }
0x15b: {  	v56 =	vmul.f32 v62, v46;
	v27 =	vmul.f32 v49, v45;
	v49 =	vld.idx.msk [tilespmem:v37+s3+$0x0], $0xffff;
	[tilespmem:s10+$0xCDB0] =	vst v0  }
0x15c: {  	v11 =	vadd.f32 v11, v61;
	[tilespmem:s10+$0xCDA0] =	vst v1  }
0x15d: {  	v12 =	vadd.f32 v56, v12;
	v9 =	vadd.f32 v57, v59;
	v58 =	vshll.u32 v44, $0x10;
	v10 =	vld.idx.msk [tilespmem:v10+s3+$0x0], $0xffff  }
0x15e: {  	v44 =	vmul.f32 v44, v32;
	v50 =	vmul.f32 v58, v32;
	v37 =	vor.u32 s20, v60;
	v4 =	vld.idx.msk [tilespmem:v4+s3+$0x0], $0xffff  }
0x15f: {  	v17 =	vadd.f32 v20, v27;
	v57 =	vshll.u32 v18, $0x10;
	v18 =	vmul.f32 v18, v30;
	v47 =	vld.idx.msk [tilespmem:v47+s3+$0x0], $0xffff  }
0x160: {  	v59 =	vshll.u32 v43, $0x10;
	v62 =	vshll.u32 v49, $0x10;
	v48 =	vmul.f32 v57, v30  }
0x161: {  	v54 =	vmul.f32 v43, v31;
	v61 =	vmul.f32 v59, v31;
	v18 =	vadd.f32 v44, v18  }
0x162: {  	v48 =	vadd.f32 v50, v48;
	v50 =	vmul.f32 v62, v33;
	v27 =	vshll.u32 v10, $0x10  }
0x163: {  	v10 =	vmul.f32 v10, v22;
	v19 =	vld.idx.msk [tilespmem:v37+s3+$0x0], $0xffff;
	v37 =	vshll.u32 v4, $0x10;
	v4 =	vmul.f32 v4, v24  }
0x164: {  	v20 =	vadd.f32 v61, v48;
	v57 =	vmul.f32 v27, v22;
	v59 =	vshll.u32 v47, $0x10  }
0x165: {  	v58 =	vmul.f32 v37, v24;
	v37 =	vmul.f32 v47, v23;
	v4 =	vadd.f32 v4, v10  }
0x166: {  	v18 =	vadd.f32 v54, v18;
	v43 =	vadd.f32 v50, v20;
	v62 =	vmul.f32 v59, v23  }
0x167: {  	v61 =	vadd.f32 v58, v57;
	v4 =	vadd.f32 v37, v4;
	v37 =	vld [tilespmem:$0x1FFC0]  }
0x168: {  	v59 =	vor.u32 s20, v38;
	v27 =	vshll.u32 v19, $0x10;
	v57 =	vmul.f32 v19, v29  }
0x169: {  	v56 =	vmul.f32 v27, v29;
	v27 =	vmul.f32 v49, v33;
	v44 =	vadd.f32 v62, v61;
	v61 =	vld [tilespmem:$0x1FFE0]  }
0x16a: {  	s2 =	sadd.s32 $0xFFFFFC00, s11;
	v3 =	vmul.f32 v3, v46;
	v46 =	vmul.f32 v43, v46;
	v62 =	vmovc v38;
	v38 =	vld [tilespmem:$0x1FFF0];
	v4 =	vadd.f32 v57, v4  }
0x16b: {  	v20 =	vadd.f32 v56, v44;
	v56 =	vor.u32 s2, v28;
	v44 =	vadd.f32 v27, v18;
	v27 =	vld [tilespmem:$0x1FE50]  }
0x16c: {  	v51 =	vmul.f32 v51, v45;
	v2 =	vmul.f32 v2, v45;
	[tilespmem:s10+$0xCE30] =	vst v4;
	v58 =	vor.u32 s20, v37  }
0x16d: {  	v3 =	vadd.f32 v3, v11;
	v9 =	vadd.f32 v46, v9;
	v46 =	vor.u32 s2, v26;
	[tilespmem:s10+$0xCE20] =	vst v20  }
0x16e: {  	v12 =	vadd.f32 v12, v51;
	v54 =	vor.u32 s20, v61;
	v11 =	vld.idx.msk [tilespmem:v59+s3+$0x0], $0xffff;
	v59 =	vmul.f32 v55, v42  }
0x16f: {  	v2 =	vadd.f32 v3, v2;
	v1 =	vmul.f32 v1, v42;
	v49 =	vor.u32 s20, v38  }
0x170: {  	v0 =	vmul.f32 v0, v41;
	v57 =	vor.u32 s2, v27;
	v48 =	vadd.f32 v59, v17;
	v17 =	vld.idx.msk [tilespmem:v56+s3+$0x0], $0xffff  }
0x171: {  	v1 =	vadd.f32 v1, v12;
	v50 =	vmul.f32 v52, v41;
	v19 =	vor.u32 s2, v25;
	v10 =	vld.idx.msk [tilespmem:v58+s3+$0x0], $0xffff  }
0x172: {  	v47 =	vor.u32 s11, v26;
	v18 =	vmul.f32 v20, v42;
	v58 =	vmul.f32 v44, v45;
	v45 =	vld.idx.msk [tilespmem:v46+s3+$0x0], $0xffff  }
0x173: {  	v27 =	vor.u32 s11, v27;
	v55 =	vadd.f32 v48, v50;
	v50 =	vadd.f32 v1, v0;
	v3 =	vld.idx.msk [tilespmem:v54+s3+$0x0], $0xffff  }
0x174: {  	v0 =	vadd.f32 v18, v2;
	v1 =	vor.u32 s11, v28;
	v2 =	vmul.f32 v4, v41;
	v56 =	vld.idx.msk [tilespmem:v49+s3+$0x0], $0xffff  }
0x175: {  	v49 =	vor.u32 s11, v25;
	v53 =	vadd.f32 v9, v58;
	v12 =	vld.idx.msk [tilespmem:v57+s3+$0x0], $0xffff;
	v57 =	vshll.u32 v11, $0x10  }
0x176: {  	v9 =	vld.idx.msk [tilespmem:v19+s3+$0x0], $0xffff;
	v11 =	vmul.f32 v11, v32;
	v59 =	vmul.f32 v57, v32;
	v51 =	vshll.u32 v10, $0x10  }
0x177: {  	v54 =	vshll.u32 v45, $0x10;
	v10 =	vmul.f32 v10, v30;
	v58 =	vmul.f32 v51, v30  }
0x178: {  	v18 =	vld.idx.msk [tilespmem:v27+s3+$0x0], $0xffff;
	v28 =	vshll.u32 v3, $0x10;
	v51 =	vshll.u32 v17, $0x10;
	v17 =	vmul.f32 v17, v6  }
0x179: {  	v27 =	vld [tilespmem:$0x1FEC0];
	v48 =	vmul.f32 v54, v7;
	v54 =	vshll.u32 v56, $0x10;
	v3 =	vmul.f32 v3, v31  }
0x17a: {  	v20 =	vmul.f32 v51, v6;
	v52 =	vshll.u32 v12, $0x10;
	v12 =	vmul.f32 v12, v8  }
0x17b: {  	v26 =	vld [tilespmem:$0x1FED0];
	v57 =	vshll.u32 v9, $0x10;
	v19 =	vmul.f32 v28, v31;
	v46 =	vmul.f32 v52, v8  }
0x17c: {  	v4 =	vadd.f32 v59, v58;
	v58 =	vmul.f32 v45, v7;
	v12 =	vadd.f32 v12, v17  }
0x17d: {  	v1 =	vld.idx.msk [tilespmem:v1+s3+$0x0], $0xffff;
	v9 =	vmul.f32 v9, v13;
	v54 =	vmul.f32 v54, v33;
	v20 =	vadd.f32 v46, v20  }
0x17e: {  	v59 =	vmul.f32 v57, v13;
	v28 =	vor.u32 s2, v27;
	v12 =	vadd.f32 v58, v12  }
0x17f: {  	v47 =	vld.idx.msk [tilespmem:v47+s3+$0x0], $0xffff;
	v25 =	vshll.u32 v18, $0x10;
	v4 =	vadd.f32 v19, v4;
	v20 =	vadd.f32 v48, v20  }
0x180: {  	v45 =	vld [tilespmem:s28+$0x280];
	v52 =	vadd.f32 v0, v2;
	v2 =	vor.u32 s2, v26;
	v58 =	vadd.f32 v9, v12  }
0x181: {  	v18 =	vmul.f32 v18, v8;
	v54 =	vadd.f32 v54, v4;
	v9 =	vld.idx.msk [tilespmem:v49+s3+$0x0], $0xffff;
	v0 =	vadd.f32 v59, v20  }
0x182: {  	v46 =	vld [tilespmem:s28+$0x200];
	v12 =	vor.u32 s2, v5;
	v59 =	vshll.u32 v1, $0x10;
	v1 =	vmul.f32 v1, v6;
	[tilespmem:s10+$0xCD50] =	vst v58  }
0x183: {  	v48 =	vor.u32 s2, v63;
	v20 =	vmul.f32 v25, v8;
	v19 =	vmul.f32 v59, v6;
	[tilespmem:s10+$0xCD40] =	vst v0  }
0x184: {  	v8 =	vmul.f32 v47, v7;
	v1 =	vadd.f32 v18, v1;
	v17 =	vld.idx.msk [tilespmem:v28+s3+$0x0], $0xffff;
	v28 =	vshll.u32 v47, $0x10  }
0x185: {  	v4 =	vor.u32 s2, v36;
	v2 =	vld.idx.msk [tilespmem:v2+s3+$0x0], $0xffff;
	v19 =	vadd.f32 v20, v19;
	v57 =	vmul.f32 v28, v7  }
0x186: {  	v59 =	vshll.u32 v9, $0x10;
	v1 =	vadd.f32 v8, v1;
	v9 =	vmul.f32 v9, v13  }
0x187: {  	v42 =	vmul.f32 v54, v42;
	v12 =	vld.idx.msk [tilespmem:v12+s3+$0x0], $0xffff;
	v25 =	vmul.f32 v59, v13;
	v19 =	vadd.f32 v57, v19  }
0x188: {  	v58 =	vmul.f32 v58, v45;
	v28 =	vor.u32 s11, v27;
	v49 =	vadd.f32 v9, v1  }
0x189: {  	v57 =	vld.idx.msk [tilespmem:v48+s3+$0x0], $0xffff;
	v51 =	vadd.f32 v25, v19;
	v19 =	vor.u32 s11, v26;
	v8 =	vshll.u32 v17, $0x10  }
0x18a: {  	v47 =	vld [tilespmem:s28+$0x380];
	v13 =	vshll.u32 v2, $0x10;
	v17 =	vmul.f32 v17, v14;
	v2 =	vmul.f32 v2, v16  }
0x18b: {  	v20 =	vor.u32 s11, v5;
	v48 =	vld [tilespmem:s28+$0x300];
	[tilespmem:s10+$0xCD70] =	vst v49;
	v1 =	vmul.f32 v8, v14;
	v25 =	vmul.f32 v13, v16  }
0x18c: {  	v26 =	vshll.u32 v12, $0x10;
	v12 =	vmul.f32 v12, v15;
	[tilespmem:s10+$0xCD60] =	vst v51;
	v2 =	vadd.f32 v2, v17  }
0x18d: {  	v59 =	vor.u32 s11, v63;
	v27 =	vmul.f32 v26, v15;
	v1 =	vadd.f32 v25, v1;
	v18 =	vld.idx.msk [tilespmem:v28+s3+$0x0], $0xffff  }
0x18e: {  	v28 =	vshll.u32 v57, $0x10;
	v25 =	vmul.f32 v57, v21;
	v2 =	vadd.f32 v12, v2;
	v19 =	vld.idx.msk [tilespmem:v19+s3+$0x0], $0xffff  }
0x18f: {  	v63 =	vmul.f32 v28, v21;
	v1 =	vadd.f32 v27, v1;
	v27 =	vadd.f32 v11, v10  }
0x190: {  	v0 =	vmul.f32 v0, v46;
	v26 =	vor.u32 s2, v34;
	v20 =	vld.idx.msk [tilespmem:v20+s3+$0x0], $0xffff;
	v2 =	vadd.f32 v25, v2  }
0x191: {  	v11 =	vor.u32 s2, v35;
	v1 =	vadd.f32 v63, v1;
	v3 =	vadd.f32 v3, v27  }
0x192: {  	v10 =	vld.idx.msk [tilespmem:v59+s3+$0x0], $0xffff;
	v27 =	vmul.f32 v56, v33;
	v28 =	vshll.u32 v18, $0x10;
	v18 =	vmul.f32 v18, v14  }
0x193: {  	[tilespmem:s10+$0xCDD0] =	vst v2;
	v2 =	vmul.f32 v2, v45;
	v63 =	vshll.u32 v19, $0x10;
	v19 =	vmul.f32 v19, v16  }
0x194: {  	v25 =	vmovc v60;
	v60 =	vor.u32 s2, v60;
	[tilespmem:s10+$0xCDC0] =	vst v1;
	v9 =	vmul.f32 v28, v14;
	v8 =	vmul.f32 v63, v16  }
0x195: {  	v28 =	vshll.u32 v20, $0x10;
	v17 =	vld.idx.msk [tilespmem:v26+s3+$0x0], $0xffff;
	v26 =	vmul.f32 v20, v15;
	v18 =	vadd.f32 v19, v18  }
0x196: {  	v57 =	vadd.f32 v27, v3;
	v4 =	vld.idx.msk [tilespmem:v4+s3+$0x0], $0xffff;
	v63 =	vmul.f32 v28, v15;
	v9 =	vadd.f32 v8, v9  }
0x197: {  	v14 =	vshll.u32 v10, $0x10;
	v11 =	vld.idx.msk [tilespmem:v11+s3+$0x0], $0xffff;
	v10 =	vmul.f32 v10, v21;
	v18 =	vadd.f32 v26, v18  }
0x198: {  	v28 =	vmul.f32 v14, v21;
	v19 =	vor.u32 s11, v34;
	v9 =	vadd.f32 v63, v9  }
0x199: {  	v3 =	vor.u32 s11, v36;
	v36 =	vor.u32 s11, v25;
	v56 =	vadd.f32 v10, v18  }
0x19a: {  	v1 =	vmul.f32 v1, v46;
	v8 =	vshll.u32 v17, $0x10;
	v59 =	vadd.f32 v28, v9  }
0x19b: {  	v63 =	vld.idx.msk [tilespmem:v60+s3+$0x0], $0xffff;
	v16 =	vshll.u32 v4, $0x10;
	v17 =	vmul.f32 v17, v22;
	v28 =	vor.u32 s11, v35;
	[tilespmem:s10+$0xCDF0] =	vst v56  }
0x19c: {  	v34 =	vshll.u32 v11, $0x10;
	v4 =	vmul.f32 v4, v24;
	v11 =	vmul.f32 v11, v23;
	[tilespmem:s10+$0xCDE0] =	vst v59  }
0x19d: {  	v0 =	vadd.f32 v0, v55;
	v26 =	vmul.f32 v8, v22;
	v27 =	vmul.f32 v16, v24;
	v19 =	vld.idx.msk [tilespmem:v19+s3+$0x0], $0xffff  }
0x19e: {  	v18 =	vmul.f32 v57, v41;
	v35 =	vmul.f32 v34, v23;
	v4 =	vadd.f32 v4, v17;
	v3 =	vld.idx.msk [tilespmem:v3+s3+$0x0], $0xffff  }
0x19f: {  	v17 =	vadd.f32 v42, v53;
	v34 =	vor.u32 s2, v61;
	v10 =	vadd.f32 v27, v26  }
0x1a0: {  	v26 =	vor.u32 s2, v62;
	v4 =	vadd.f32 v11, v4;
	v9 =	vmul.f32 v63, v29;
	v11 =	vld.idx.msk [tilespmem:v28+s3+$0x0], $0xffff  }
0x1a1: {  	v10 =	vadd.f32 v35, v10;
	v60 =	vshll.u32 v63, $0x10;
	v63 =	vor.u32 s2, v37;
	v25 =	vld.idx.msk [tilespmem:v36+s3+$0x0], $0xffff  }
0x1a2: {  	v12 =	vmul.f32 v60, v29;
	v4 =	vadd.f32 v9, v4;
	v27 =	vshll.u32 v19, $0x10  }
0x1a3: {  	v28 =	vshll.u32 v3, $0x10;
	v19 =	vmul.f32 v19, v22;
	v3 =	vmul.f32 v3, v24  }
0x1a4: {  	v10 =	vadd.f32 v12, v10;
	v41 =	vmul.f32 v27, v22;
	v42 =	vmul.f32 v28, v24  }
0x1a5: {  	[tilespmem:s10+$0xCE50] =	vst v4;
	v35 =	vshll.u32 v11, $0x10;
	v3 =	vadd.f32 v3, v19;
	v11 =	vmul.f32 v11, v23  }
0x1a6: {  	[tilespmem:s10+$0xCE40] =	vst v10;
	v60 =	vshll.u32 v25, $0x10;
	v41 =	vadd.f32 v42, v41;
	v36 =	vmul.f32 v35, v23  }
0x1a7: {  	v25 =	vmul.f32 v25, v29;
	v9 =	vld.idx.msk [tilespmem:v63+s3+$0x0], $0xffff;
	v63 =	vor.u32 s2, v38;
	v3 =	vadd.f32 v11, v3  }
0x1a8: {  	v24 =	vmul.f32 v60, v29;
	v20 =	vld.idx.msk [tilespmem:v26+s3+$0x0], $0xffff;
	v26 =	vor.u32 s11, v37;
	v41 =	vadd.f32 v36, v41  }
0x1a9: {  	v1 =	vadd.f32 v1, v50;
	v27 =	vor.u32 s11, v62;
	v3 =	vadd.f32 v25, v3  }
0x1aa: {  	v0 =	vadd.f32 v0, v58;
	v53 =	vld.idx.msk [tilespmem:v34+s3+$0x0], $0xffff;
	v41 =	vadd.f32 v24, v41  }
0x1ab: {  	v1 =	vadd.f32 v1, v2;
	v4 =	vmul.f32 v4, v45;
	v28 =	vor.u32 s11, v61;
	[tilespmem:s10+$0xCE70] =	vst v3  }
0x1ac: {  	v10 =	vmul.f32 v10, v46;
	v36 =	vor.u32 s11, v38;
	v29 =	vld.idx.msk [tilespmem:v63+s3+$0x0], $0xffff;
	v34 =	vshll.u32 v9, $0x10;
	[tilespmem:s10+$0xCE60] =	vst v41  }
0x1ad: {  	v35 =	vshll.u32 v20, $0x10;
	v9 =	vmul.f32 v9, v30;
	v20 =	vmul.f32 v20, v32;
	v12 =	vld.idx.msk [tilespmem:v26+s3+$0x0], $0xffff  }
0x1ae: {  	v10 =	vadd.f32 v10, v52;
	v19 =	vmul.f32 v34, v30;
	v50 =	vmul.f32 v35, v32;
	v42 =	vld.idx.msk [tilespmem:v27+s3+$0x0], $0xffff  }
0x1af: {  	v13 =	vld [tilespmem:$0x1FDC0];
	v37 =	vshll.u32 v53, $0x10;
	v61 =	vmul.f32 v53, v31;
	v9 =	vadd.f32 v20, v9  }
0x1b0: {  	v17 =	vadd.f32 v17, v18;
	v38 =	vmul.f32 v37, v31;
	v19 =	vadd.f32 v50, v19;
	v11 =	vld.idx.msk [tilespmem:v28+s3+$0x0], $0xffff  }
0x1b1: {  	[tilespmem:s10+$0xCAE0] =	vst v39;
	v55 =	vmul.f32 v51, v48;
	v2 =	vadd.f32 v10, v4;
	v50 =	vld [tilespmem:$0x1FDA0];
	v9 =	vadd.f32 v61, v9  }
0x1b2: {  	[tilespmem:s10+$0xCAF0] =	vst v40;
	v4 =	vshll.u32 v29, $0x10;
	v58 =	vadd.f32 v38, v19;
	v19 =	vld.idx.msk [tilespmem:v36+s3+$0x0], $0xffff;
	v18 =	vmul.f32 v29, v33  }
0x1b3: {  	[tilespmem:s10+$0xCE80] =	vst v43;
	v4 =	vmul.f32 v4, v33;
	v62 =	vshll.u32 v12, $0x10;
	v63 =	vshll.u32 v42, $0x10  }
0x1b4: {  	[tilespmem:s10+$0xCE90] =	vst v44;
	s20 =	sor.u32 $0x1A0, s12;
	v60 =	vld [tilespmem:$0x1FDB0];
	v9 =	vadd.f32 v18, v9;
	v14 =	vmul.f32 v62, v30;
	v15 =	vmul.f32 v63, v32  }
0x1b5: {  	[tilespmem:s20+$0xD000] =	vst v54;
	v34 =	vld [tilespmem:$0x1FDE0];
	v4 =	vadd.f32 v4, v58;
	v29 =	vshll.u32 v11, $0x10;
	v12 =	vmul.f32 v12, v30  }
0x1b6: {  	[tilespmem:s10+$0xCAA0] =	vst v13;
	v28 =	vld [tilespmem:$0x1FDD0];
	v42 =	vmul.f32 v42, v32;
	v20 =	vmul.f32 v29, v31;
	v10 =	vadd.f32 v15, v14  }
0x1b7: {  	s20 =	sor.u32 $0x1B0, s12;
	[tilespmem:s10+$0xCA80] =	vst v50;
	v11 =	vmul.f32 v11, v31;
	v35 =	vmul.f32 v4, v46;
	v50 =	vshll.u32 v19, $0x10  }
0x1b8: {  	[tilespmem:s20+$0xD000] =	vst v57;
	v52 =	vmul.f32 v50, v33;
	v12 =	vadd.f32 v42, v12;
	v10 =	vadd.f32 v20, v10  }
0x1b9: {  	[tilespmem:s10+$0xCA90] =	vst v60;
	v61 =	vmul.f32 v56, v47;
	v53 =	vmul.f32 v9, v45;
	v46 =	vld [tilespmem:$0x1FDF0];
	v17 =	vadd.f32 v35, v17  }
0x1ba: {  	s0 =	sadd.s32 $0x8, s0;
	[tilespmem:s10+$0xCAC0] =	vst v34;
	v19 =	vmul.f32 v19, v33;
	v11 =	vadd.f32 v11, v12;
	v10 =	vadd.f32 v52, v10  }
0x1bb: {  	p0 =	slt.u32 s0, $0x10;
	v0 =	vadd.f32 v55, v0;
	v58 =	vmul.f32 v59, v48;
	v59 =	vmul.f32 v41, v48;
	[tilespmem:s10+$0xCAB0] =	vst v28  }
.Ltmp0:
0x1bc: {  	[tilespmem:s10+$0xCED0] =	vst v9;
	v17 =	vadd.f32 v17, v53;
	v11 =	vadd.f32 v19, v11;
	v60 =	vmul.f32 v10, v48;
	(pc) =	sbr.rel @p0 .LBB2_4-.Ltmp0, $4  }
0x1bd: {  	v1 =	vadd.f32 v58, v1;
	[tilespmem:s10+$0xCEC0] =	vst v4;
	v2 =	vadd.f32 v59, v2;
	v4 =	vmul.f32 v49, v47  }
0x1be: {  	v62 =	vmul.f32 v3, v47;
	[tilespmem:s10+$0xCAD0] =	vst v46;
	v63 =	vmul.f32 v11, v47;
	v12 =	vadd.f32 v60, v17  }
0x1bf: {  	v4 =	vadd.f32 v0, v4;
	v3 =	vadd.f32 v1, v61;
	[tilespmem:s10+$0xCEF0] =	vst v11  }
0x1c0: {  	s12 =	sadd.s32 $0x800, s12;
	s28 =	sadd.s32 $0x1000, s28;
	s11 =	sadd.s32 $0x2000, s11;
	v0 =	vadd.f32 v2, v62;
	[tilespmem:s10+$0xCEE0] =	vst v10;
	v1 =	vadd.f32 v12, v63  }
0x1c1: {  	s0 =	sor.u32 $0x6200, s31  }
0x1c2: {  	s11 =	sor.u32 $0x6A00, s31;
	v17 =	vld [tilespmem:s0+$0x0]  }
0x1c3: {  	v5 =	vld [tilespmem:s11+$0x0];
	_ =	sdelay $0x1  }
0x1c4: {  	s12 =	sor.u32 $0x280, s1  }
0x1c5: {  	v13 =	vld [tilespmem:s12+$0x6800]  }
0x1c6: {  	[tilespmem:$0x1FB80] =	vst v0;
	v0 =	vmax.f32 v17, $-4.000000000e+01  }
0x1c7: {  	v5 =	vmax.f32 v5, $-4.000000000e+01;
	v0 =	vmin.f32 v0, $4.000000000e+01  }
0x1c8: {  	v5 =	vmin.f32 v5, $4.000000000e+01;
	v6 =	vtrunc.f32 v0  }
0x1c9: {  	v7 =	vtrunc.f32 v5;
	v6 =	vcvt.f32.s32 v6  }
0x1ca: {  	v13 =	vmax.f32 v13, $-4.000000000e+01;
	v7 =	vcvt.f32.s32 v7  }
0x1cb: {  	v13 =	vmin.f32 v13, $4.000000000e+01;
	v8 =	vcvt.s32.f32 v6  }
0x1cc: {  	v27 =	vld [tilespmem:s12+$0x6000];
	v15 =	vtrunc.f32 v13;
	v9 =	vcvt.s32.f32 v7  }
0x1cd: {  	[tilespmem:$0x1FB90] =	vst v1;
	v1 =	vimm.s32 $0x0;
	v15 =	vcvt.f32.s32 v15;
	v10 =	vadd.f32 $-1.000000000e+00, v8  }
0x1ce: {  	vm0 =	vlt.f32 v0, v8;
	v12 =	vadd.f32 $-1.000000000e+00, v9;
	vm10 =	vlt.f32 v5, v9  }
0x1cf: {  	v11 =	vsel vm0, $0xFFFFFFFF, v1;
	v20 =	vsel vm10, $0xFFFFFFFF, v1;
	v8 =	vsel vm0, v10, v8  }
0x1d0: {  	v18 =	vadd.s32 v6, v11;
	v19 =	vsel vm10, v12, v9;
	v9 =	vadd.s32 v7, v20  }
0x1d1: {  	v12 =	vmax.f32 v27, $-4.000000000e+01;
	v0 =	vsub.f32 v0, v8;
	v21 =	vsub.f32 v5, v19  }
0x1d2: {  	v22 =	vadd.f32 $1.000000000e+00, v8;
	vm11 =	vge.f32 v8, $0.0e+00;
	vm1 =	vle.f32 v8, $3.100000000e+01  }
0x1d3: {  	vm13 =	vge.f32 v19, $0.0e+00;
	v23 =	vadd.f32 $1.000000000e+00, v19;
	vm3 =	vle.f32 v19, $3.100000000e+01  }
0x1d4: {  	v30 =	vadd.s32 $0x1, v18;
	vm9 =	vgt.s32 v18, $0x0;
	v14 =	vmin.f32 v12, $4.000000000e+01  }
0x1d5: {  	v19 =	vcvt.s32.f32 v15;
	vm0 =	vmand vm11, vm1;
	vm10 =	vgt.s32 v30, $0x0  }
0x1d6: {  	v31 =	vnsel vm9, $0x0, v18;
	vm11 =	vgt.s32 v9, $0x0;
	v12 =	vtrunc.f32 v14  }
0x1d7: {  	vm12 =	vge.f32 v22, $0.0e+00;
	vm2 =	vle.f32 v22, $3.100000000e+01;
	v24 =	vsub.f32 $1.000000000e+00, v0  }
0x1d8: {  	v25 =	vsub.f32 $1.000000000e+00, v21;
	vm14 =	vge.f32 v23, $0.0e+00;
	vm4 =	vle.f32 v23, $3.100000000e+01  }
0x1d9: {  	v32 =	vnsel vm10, $0x0, v30;
	v33 =	vnsel vm11, $0x0, v9;
	v9 =	vadd.s32 $0x1, v9  }
0x1da: {  	v16 =	vcvt.f32.s32 v12;
	v20 =	vadd.f32 $-1.000000000e+00, v19;
	vm1 =	vmand vm12, vm2  }
0x1db: {  	vm2 =	vmand vm13, vm3;
	vm3 =	vmand vm14, vm4;
	v10 =	vmin.u32 v32, $0x1F  }
0x1dc: {  	vm12 =	vgt.s32 v9, $0x0;
	v11 =	vmin.u32 v33, $0x1F;
	vm14 =	vlt.f32 v13, v19  }
0x1dd: {  	v26 =	vmul.f32 v25, v24;
	v6 =	vmul.f32 v21, v24;
	vm15 =	vmand vm0, vm2  }
0x1de: {  	vm0 =	vmand vm0, vm3;
	v7 =	vmul.f32 v25, v0;
	vm7 =	vmand vm2, vm1  }
0x1df: {  	v0 =	vmul.f32 v21, v0;
	vm8 =	vmand vm1, vm3;
	v9 =	vnsel vm12, $0x0, v9  }
0x1e0: {  	v17 =	vshll.u32 v10, $0x5;
	v18 =	vcvt.s32.f32 v16;
	v41 =	vsel vm14, v20, v19  }
0x1e1: {  	v42 =	vsel vm14, $0xFFFFFFFF, v1;
	v34 =	vmin.u32 v9, $0x1F;
	v36 =	vor.u32 v11, v17  }
0x1e2: {  	v20 =	vsub.f32 v13, v41;
	vm6 =	vge.f32 v41, $0.0e+00;
	v45 =	vadd.f32 $1.000000000e+00, v41  }
0x1e3: {  	v48 =	vadd.s32 v15, v42;
	v2 =	vnsel vm15, $0x0, v26;
	v28 =	vnsel vm0, $0x0, v6  }
0x1e4: {  	v29 =	vnsel vm7, $0x0, v7;
	v0 =	vnsel vm8, $0x0, v0;
	vm13 =	vlt.f32 v14, v18  }
0x1e5: {  	s20 =	sor.u32 $0x6300, s31;
	v37 =	vadd.f32 $-1.000000000e+00, v18;
	v38 =	vor.u32 v34, v17;
	vm7 =	vle.f32 v41, $3.100000000e+01  }
0x1e6: {  	s28 =	sor.u32 $0x6B00, s31;
	v21 =	vld [tilespmem:s20+$0x0];
	vm14 =	vgt.s32 v48, $0x0;
	[tilespmem:$0x1FBD0] =	vst v0;
	v0 =	vmin.u32 v31, $0x1F;
	v40 =	vsel vm13, $0xFFFFFFFF, v1  }
0x1e7: {  	v56 =	vld [tilespmem:s28+$0x0];
	v47 =	vsub.f32 $1.000000000e+00, v20;
	vm2 =	vmand vm6, vm7;
	vm8 =	vge.f32 v45, $0.0e+00  }
0x1e8: {  	vm9 =	vle.f32 v45, $3.100000000e+01;
	v59 =	vnsel vm14, $0x0, v48;
	v0 =	vshll.u32 v0, $0x5  }
0x1e9: {  	v17 =	vadd.s32 v16, v40;
	vm3 =	vmand vm8, vm9;
	v35 =	vor.u32 v11, v0  }
0x1ea: {  	v0 =	vor.u32 v0, v34;
	vm12 =	vgt.s32 v17, $0x0;
	v57 =	vadd.s32 $0x1, v17  }
0x1eb: {  	s31 =	sor.u32 s30, s29;
	v21 =	vmax.f32 v21, $-4.000000000e+01;
	[tilespmem:$0x1FC00] =	vst v0;
	v0 =	vsel vm13, v37, v18;
	v17 =	vnsel vm12, $0x0, v17  }
0x1ec: {  	s0 =	sor.u32 $0x380, s31;
	vm13 =	vgt.s32 v57, $0x0;
	v21 =	vmin.f32 v21, $4.000000000e+01;
	v18 =	vmax.f32 v56, $-4.000000000e+01  }
0x1ed: {  	[tilespmem:$0x1FBC0] =	vst v29;
	v29 =	vld [tilespmem:s0+$0x6800];
	v43 =	vsub.f32 v14, v0;
	v44 =	vadd.f32 $1.000000000e+00, v0;
	vm0 =	vge.f32 v0, $0.0e+00  }
0x1ee: {  	vm15 =	vle.f32 v0, $3.100000000e+01;
	v17 =	vmin.u32 v17, $0x1F;
	v19 =	vnsel vm13, $0x0, v57  }
0x1ef: {  	v0 =	vadd.s32 $0x1, v48;
	v22 =	vmin.f32 v18, $4.000000000e+01;
	v60 =	vtrunc.f32 v21  }
0x1f0: {  	v16 =	vld [tilespmem:s0+$0x6000];
	vm0 =	vmand vm0, vm15;
	v19 =	vmin.u32 v19, $0x1F;
	vm15 =	vgt.s32 v0, $0x0  }
0x1f1: {  	v23 =	vcvt.f32.s32 v60;
	v61 =	vtrunc.f32 v22;
	v25 =	vshll.u32 v17, $0x5  }
0x1f2: {  	v34 =	vmax.f32 v29, $-4.000000000e+01;
	vm4 =	vge.f32 v44, $0.0e+00;
	vm5 =	vle.f32 v44, $3.100000000e+01  }
0x1f3: {  	v46 =	vsub.f32 $1.000000000e+00, v43;
	vm10 =	vmand vm0, vm2;
	v51 =	vmul.f32 v47, v43  }
0x1f4: {  	vm0 =	vmand vm0, vm3;
	v55 =	vmul.f32 v20, v43;
	v0 =	vnsel vm15, $0x0, v0  }
0x1f5: {  	v24 =	vcvt.f32.s32 v61;
	v26 =	vshll.u32 v19, $0x5;
	v32 =	vmax.f32 v16, $-4.000000000e+01  }
0x1f6: {  	v29 =	vmin.f32 v34, $4.000000000e+01;
	vm1 =	vmand vm4, vm5;
	v0 =	vmin.u32 v0, $0x1F  }
0x1f7: {  	[tilespmem:$0x1FBF0] =	vst v36;
	v27 =	vcvt.s32.f32 v23;
	v30 =	vmin.f32 v32, $4.000000000e+01;
	v36 =	vtrunc.f32 v29  }
0x1f8: {  	[tilespmem:$0x1FB60] =	vst v4;
	v49 =	vmul.f32 v47, v46;
	v50 =	vmul.f32 v20, v46;
	vm2 =	vmand vm2, vm1  }
0x1f9: {  	[tilespmem:$0x1FBB0] =	vst v28;
	vm11 =	vmand vm1, vm3;
	v20 =	vmin.u32 v59, $0x1F;
	v28 =	vcvt.s32.f32 v24  }
0x1fa: {  	[tilespmem:$0x1FBE0] =	vst v35;
	v4 =	vor.u32 v25, v0;
	v0 =	vor.u32 v0, v26;
	v35 =	vtrunc.f32 v30  }
0x1fb: {  	v32 =	vcvt.f32.s32 v36;
	v54 =	vnsel vm2, $0x0, v51;
	v58 =	vnsel vm11, $0x0, v55  }
0x1fc: {  	v62 =	vor.u32 v20, v25;
	v63 =	vor.u32 v20, v26;
	vm4 =	vlt.f32 v21, v27  }
0x1fd: {  	v5 =	vadd.f32 $-1.000000000e+00, v27;
	v31 =	vcvt.f32.s32 v35;
	v52 =	vnsel vm10, $0x0, v49  }
0x1fe: {  	v53 =	vnsel vm0, $0x0, v50;
	v6 =	vsel vm4, $0xFFFFFFFF, v1;
	v7 =	vadd.f32 $-1.000000000e+00, v28  }
0x1ff: {  	vm5 =	vlt.f32 v22, v28;
	v35 =	vcvt.s32.f32 v32;
	v25 =	vsel vm4, v5, v27  }
0x200: {  	[tilespmem:$0x1FC90] =	vst v0;
	v0 =	vadd.s32 v23, v6;
	v9 =	vsel vm5, $0xFFFFFFFF, v1;
	v34 =	vcvt.s32.f32 v31  }
0x201: {  	v8 =	vsel vm5, v7, v28;
	v27 =	vadd.f32 $1.000000000e+00, v25;
	v10 =	vsub.f32 v21, v25  }
0x202: {  	vm6 =	vge.f32 v25, $0.0e+00;
	vm7 =	vle.f32 v25, $3.100000000e+01;
	v26 =	vadd.s32 v24, v9  }
0x203: {  	v21 =	vadd.s32 $0x1, v0;
	v42 =	vadd.f32 $-1.000000000e+00, v35;
	v11 =	vsub.f32 v22, v8  }
0x204: {  	vm0 =	vmand vm6, vm7;
	vm10 =	vge.f32 v8, $0.0e+00;
	v12 =	vadd.f32 $1.000000000e+00, v8  }
0x205: {  	vm11 =	vle.f32 v8, $3.100000000e+01;
	v40 =	vadd.f32 $-1.000000000e+00, v34;
	vm8 =	vge.f32 v27, $0.0e+00  }
0x206: {  	vm9 =	vle.f32 v27, $3.100000000e+01;
	v13 =	vsub.f32 $1.000000000e+00, v10;
	vm12 =	vmand vm10, vm11  }
0x207: {  	vm10 =	vgt.s32 v26, $0x0;
	v14 =	vsub.f32 $1.000000000e+00, v11;
	vm1 =	vmand vm8, vm9  }
0x208: {  	vm13 =	vge.f32 v12, $0.0e+00;
	vm14 =	vle.f32 v12, $3.100000000e+01;
	vm15 =	vmand vm0, vm12  }
0x209: {  	v20 =	vmul.f32 v11, v10;
	vm8 =	vgt.s32 v0, $0x0;
	vm9 =	vgt.s32 v21, $0x0  }
0x20a: {  	v33 =	vnsel vm10, $0x0, v26;
	v26 =	vadd.s32 $0x1, v26;
	vm3 =	vmand vm13, vm14  }
0x20b: {  	v22 =	vmul.f32 v11, v13;
	vm2 =	vmand vm12, vm1;
	v0 =	vnsel vm8, $0x0, v0  }
0x20c: {  	v25 =	vnsel vm9, $0x0, v21;
	vm11 =	vgt.s32 v26, $0x0;
	v27 =	vmin.u32 v33, $0x1F  }
0x20d: {  	vm12 =	vlt.f32 v30, v34;
	vm13 =	vlt.f32 v29, v35;
	v15 =	vmul.f32 v14, v13  }
0x20e: {  	v23 =	vmul.f32 v14, v10;
	vm0 =	vmand vm0, vm3;
	vm1 =	vmand vm1, vm3  }
0x20f: {  	[tilespmem:$0x1FB70] =	vst v3;
	v0 =	vmin.u32 v0, $0x1F;
	v26 =	vnsel vm11, $0x0, v26;
	v43 =	vsel vm12, $0xFFFFFFFF, v1  }
0x210: {  	[tilespmem:$0x1FBA0] =	vst v2;
	v44 =	vsel vm13, v42, v35;
	v45 =	vsel vm13, $0xFFFFFFFF, v1;
	v18 =	vnsel vm0, $0x0, v22  }
0x211: {  	[tilespmem:$0x1FC10] =	vst v38;
	v22 =	vnsel vm1, $0x0, v20;
	v33 =	vmin.u32 v26, $0x1F;
	v0 =	vshll.u32 v0, $0x5  }
0x212: {  	[tilespmem:$0x1FC80] =	vst v4;
	v35 =	vsub.f32 v29, v44;
	vm6 =	vge.f32 v44, $0.0e+00;
	v48 =	vadd.f32 $1.000000000e+00, v44  }
0x213: {  	[tilespmem:$0x1FC40] =	vst v54;
	vm7 =	vle.f32 v44, $3.100000000e+01;
	v17 =	vnsel vm15, $0x0, v15;
	v19 =	vnsel vm2, $0x0, v23  }
0x214: {  	[tilespmem:$0x1FC50] =	vst v58;
	v23 =	vmin.u32 v25, $0x1F;
	v37 =	vor.u32 v27, v0;
	v0 =	vor.u32 v0, v33  }
0x215: {  	vm2 =	vmand vm6, vm7;
	v28 =	vshll.u32 v23, $0x5;
	[tilespmem:$0x1FD00] =	vst v0;
	v0 =	vsel vm12, v40, v34  }
0x216: {  	[tilespmem:$0x1FC60] =	vst v62;
	v34 =	vadd.s32 v31, v43;
	v50 =	vsub.f32 $1.000000000e+00, v35;
	vm8 =	vge.f32 v48, $0.0e+00  }
0x217: {  	[tilespmem:$0x1FC70] =	vst v63;
	vm9 =	vle.f32 v48, $3.100000000e+01;
	v38 =	vor.u32 v27, v28;
	v41 =	vor.u32 v33, v28  }
0x218: {  	[tilespmem:$0x1FC20] =	vst v52;
	v33 =	vadd.s32 v32, v45;
	v46 =	vsub.f32 v30, v0;
	v47 =	vadd.f32 $1.000000000e+00, v0  }
0x219: {  	[tilespmem:$0x1FC30] =	vst v53;
	vm14 =	vge.f32 v0, $0.0e+00;
	vm15 =	vle.f32 v0, $3.100000000e+01;
	vm12 =	vgt.s32 v34, $0x0  }
0x21a: {  	[tilespmem:$0x1FCB0] =	vst v18;
	vm3 =	vmand vm8, vm9;
	vm0 =	vmand vm14, vm15;
	v56 =	vnsel vm12, $0x0, v34  }
0x21b: {  	[tilespmem:$0x1FCD0] =	vst v22;
	v34 =	vadd.s32 $0x1, v34;
	vm14 =	vgt.s32 v33, $0x0;
	v58 =	vadd.s32 $0x1, v33  }
0x21c: {  	[tilespmem:$0x1FCA0] =	vst v17;
	vm4 =	vge.f32 v47, $0.0e+00;
	vm5 =	vle.f32 v47, $3.100000000e+01;
	v49 =	vsub.f32 $1.000000000e+00, v46  }
0x21d: {  	[tilespmem:$0x1FCC0] =	vst v19;
	vm10 =	vmand vm0, vm2;
	vm0 =	vmand vm0, vm3;
	v36 =	vmul.f32 v50, v46  }
0x21e: {  	[tilespmem:$0x1FCE0] =	vst v37;
	v55 =	vmul.f32 v35, v46;
	vm13 =	vgt.s32 v34, $0x0;
	vm1 =	vmand vm4, vm5  }
0x21f: {  	[tilespmem:$0x1FCF0] =	vst v38;
	v33 =	vnsel vm14, $0x0, v33;
	v51 =	vmul.f32 v50, v49;
	vm11 =	vmand vm2, vm1  }
0x220: {  	[tilespmem:$0x1FD10] =	vst v41;
	v34 =	vnsel vm13, $0x0, v34;
	v52 =	vmul.f32 v35, v49;
	v54 =	vnsel vm11, $0x0, v36  }
0x221: {  	vm15 =	vgt.s32 v58, $0x0;
	v34 =	vmin.u32 v34, $0x1F;
	v0 =	vnsel vm10, $0x0, v51;
	[tilespmem:$0x1FD40] =	vst v54  }
0x222: {  	v59 =	vmin.u32 v33, $0x1F;
	v38 =	vshll.u32 v34, $0x5;
	v53 =	vnsel vm0, $0x0, v52;
	[tilespmem:$0x1FD20] =	vst v0  }
0x223: {  	v60 =	vnsel vm15, $0x0, v58;
	vm1 =	vmand vm1, vm3;
	v62 =	vor.u32 v59, v38;
	[tilespmem:$0x1FD30] =	vst v53  }
0x224: {  	v57 =	vmin.u32 v56, $0x1F;
	v37 =	vmin.u32 v60, $0x1F;
	v0 =	vnsel vm1, $0x0, v55;
	[tilespmem:$0x1FD70] =	vst v62  }
0x225: {  	v63 =	vor.u32 v37, v38;
	[tilespmem:$0x1FD50] =	vst v0;
	v0 =	vshll.u32 v57, $0x5  }
0x226: {  	[tilespmem:$0x1FD90] =	vst v63;
	v61 =	vor.u32 v59, v0  }
0x227: {  	v39 =	vimm.f32 $0.0e+00;
	v0 =	vor.u32 v0, v37;
	[tilespmem:$0x1FD60] =	vst v61  }
0x228: {  	s1 =	simm.s32 $0xFFFFFFF8;
	s29 =	simm.s32 $0x700;
	s30 =	simm.s32 $0x0;
	v44 =	vimm.f32 $0.0e+00;
	v38 =	vimm.f32 $0.0e+00;
	v37 =	vimm.f32 $0.0e+00;
	[tilespmem:$0x1FD80] =	vst v0  }
.LBB2_6:
0x229: {  	v27 =	vld [tilespmem:$0x1FBE0]  }
0x22a: {  	v28 =	vld [tilespmem:$0x1FBF0];
	_ =	sdelay $0x1  }
0x22b: {  	v33 =	vld [tilespmem:$0x1FC00];
	_ =	sdelay $0x1  }
0x22c: {  	v5 =	vld [tilespmem:$0x1FC10];
	v0 =	vor.u32 s30, v27  }
0x22d: {  	v40 =	vor.u32 s30, v28;
	_ =	sdelay $0x1  }
0x22e: {  	v6 =	vld [tilespmem:$0x1FBA0];
	v41 =	vor.u32 s30, v33  }
0x22f: {  	v8 =	vld [tilespmem:$0x1FBC0]  }
0x230: {  	v42 =	vor.u32 s30, v5;
	v0 =	vld.idx.msk [tilespmem:v0+s3+$0x0], $0xffff  }
0x231: {  	v40 =	vld.idx.msk [tilespmem:v40+s3+$0x0], $0xffff  }
0x232: {  	v7 =	vld [tilespmem:$0x1FBB0]  }
0x233: {  	v41 =	vld.idx.msk [tilespmem:v41+s3+$0x0], $0xffff  }
0x234: {  	v13 =	vld [tilespmem:$0x1FBD0]  }
0x235: {  	v42 =	vld.idx.msk [tilespmem:v42+s3+$0x0], $0xffff;
	v43 =	vshll.u32 v0, $0x10  }
0x236: {  	v36 =	vld [tilespmem:$0x1FC60];
	v45 =	vshll.u32 v40, $0x10;
	v0 =	vmul.f32 v0, v6;
	v40 =	vmul.f32 v40, v8  }
0x237: {  	v35 =	vld [tilespmem:$0x1FC70];
	v43 =	vmul.f32 v43, v6;
	v45 =	vmul.f32 v45, v8  }
0x238: {  	v46 =	vshll.u32 v41, $0x10;
	v52 =	vmul.f32 v41, v7;
	v0 =	vadd.f32 v40, v0  }
0x239: {  	v9 =	vld [tilespmem:$0x1FC80];
	v50 =	vmul.f32 v46, v7;
	v43 =	vadd.f32 v45, v43  }
0x23a: {  	v4 =	vld [tilespmem:$0x1FC90];
	v51 =	vshll.u32 v42, $0x10;
	v55 =	vmul.f32 v42, v13;
	v0 =	vadd.f32 v52, v0  }
0x23b: {  	v14 =	vld [tilespmem:$0x1FC20];
	v56 =	vor.u32 s30, v36;
	v54 =	vmul.f32 v51, v13;
	v53 =	vadd.f32 v50, v43  }
0x23c: {  	v16 =	vld [tilespmem:$0x1FC40];
	v57 =	vor.u32 s30, v35;
	v0 =	vadd.f32 v55, v0  }
0x23d: {  	s0 =	sshra.s32 s30, $0x2;
	v42 =	vld [tilespmem:s7+$0xFFFFF880];
	v47 =	vadd.f32 v54, v53  }
0x23e: {  	v58 =	vor.u32 s30, v9;
	v43 =	vld [tilespmem:s7+$0xFFFFF800];
	[tilespmem:s0+$0xD210] =	vst v0  }
0x23f: {  	v15 =	vld [tilespmem:$0x1FC30];
	[tilespmem:s0+$0xD200] =	vst v47  }
0x240: {  	v60 =	vor.u32 s30, v4;
	v59 =	vld.idx.msk [tilespmem:v56+s3+$0x0], $0xffff  }
0x241: {  	v41 =	vld.idx.msk [tilespmem:v57+s3+$0x0], $0xffff  }
0x242: {  	s2 =	sadd.s32 $0x400, s30;
	v21 =	vld [tilespmem:$0x1FC50]  }
0x243: {  	v49 =	vor.u32 s2, v28;
	v40 =	vld.idx.msk [tilespmem:v58+s3+$0x0], $0xffff  }
0x244: {  	v18 =	vld [tilespmem:$0x1FCE0]  }
0x245: {  	v48 =	vor.u32 s2, v27;
	v62 =	vor.u32 s2, v5;
	v46 =	vld.idx.msk [tilespmem:v60+s3+$0x0], $0xffff;
	v50 =	vshll.u32 v59, $0x10  }
0x246: {  	v17 =	vld [tilespmem:$0x1FCF0];
	v51 =	vshll.u32 v41, $0x10;
	v45 =	vmul.f32 v59, v14;
	v41 =	vmul.f32 v41, v16  }
0x247: {  	v12 =	vld [tilespmem:$0x1FD00];
	v52 =	vor.u32 s2, v33;
	v50 =	vmul.f32 v50, v14;
	v51 =	vmul.f32 v51, v16  }
0x248: {  	v63 =	vld.idx.msk [tilespmem:v49+s3+$0x0], $0xffff;
	v53 =	vshll.u32 v40, $0x10;
	v40 =	vmul.f32 v40, v15;
	v41 =	vadd.f32 v41, v45  }
0x249: {  	v61 =	vmul.f32 v53, v15;
	v50 =	vadd.f32 v51, v50  }
0x24a: {  	v48 =	vld.idx.msk [tilespmem:v48+s3+$0x0], $0xffff;
	v54 =	vshll.u32 v46, $0x10;
	v3 =	vmul.f32 v46, v21;
	v40 =	vadd.f32 v40, v41  }
0x24b: {  	v10 =	vor.u32 s30, v18;
	v2 =	vmul.f32 v54, v21;
	v1 =	vadd.f32 v61, v50  }
0x24c: {  	v19 =	vor.u32 s30, v17;
	v11 =	vld.idx.msk [tilespmem:v52+s3+$0x0], $0xffff;
	v52 =	vadd.f32 v3, v40  }
0x24d: {  	v22 =	vor.u32 s30, v12;
	v20 =	vld.idx.msk [tilespmem:v62+s3+$0x0], $0xffff;
	v24 =	vshll.u32 v63, $0x10;
	v49 =	vadd.f32 v2, v1  }
0x24e: {  	v54 =	vmul.f32 v24, v8;
	v24 =	vld [tilespmem:$0x1FCC0];
	[tilespmem:s0+$0xD290] =	vst v52  }
0x24f: {  	v23 =	vshll.u32 v48, $0x10;
	v3 =	vld [tilespmem:$0x1FD10];
	[tilespmem:s0+$0xD280] =	vst v49  }
0x250: {  	v53 =	vmul.f32 v23, v6;
	v56 =	vld.idx.msk [tilespmem:v10+s3+$0x0], $0xffff  }
0x251: {  	v48 =	vmul.f32 v48, v6;
	v25 =	vshll.u32 v11, $0x10;
	v45 =	vmul.f32 v63, v8;
	v50 =	vld.idx.msk [tilespmem:v19+s3+$0x0], $0xffff  }
0x252: {  	v46 =	vmul.f32 v25, v7;
	v53 =	vadd.f32 v54, v53;
	v30 =	vld.idx.msk [tilespmem:v22+s3+$0x0], $0xffff  }
0x253: {  	v26 =	vshll.u32 v20, $0x10;
	v29 =	vmul.f32 v11, v7;
	v45 =	vadd.f32 v45, v48;
	v22 =	vld [tilespmem:$0x1FCA0]  }
0x254: {  	v32 =	vmul.f32 v26, v13;
	v23 =	vld [tilespmem:$0x1FCB0];
	v31 =	vadd.f32 v46, v53;
	v55 =	vor.u32 s30, v3  }
0x255: {  	v63 =	vmul.f32 v20, v13;
	v20 =	vld [tilespmem:$0x1FD60];
	v48 =	vadd.f32 v29, v45;
	v1 =	vor.u32 s2, v36  }
0x256: {  	v26 =	vor.u32 s2, v4;
	v41 =	vld [tilespmem:s7+$0xFFFFF980];
	v45 =	vadd.f32 v32, v31  }
0x257: {  	v57 =	vor.u32 s2, v35;
	v40 =	vld [tilespmem:s7+$0xFFFFF900];
	v46 =	vadd.f32 v63, v48;
	v58 =	vshll.u32 v56, $0x10  }
0x258: {  	v29 =	vld [tilespmem:$0x1FCD0];
	[tilespmem:s0+$0xD220] =	vst v45;
	v59 =	vshll.u32 v50, $0x10;
	v56 =	vmul.f32 v56, v22;
	v50 =	vmul.f32 v50, v24  }
0x259: {  	v11 =	vor.u32 s2, v9;
	[tilespmem:s0+$0xD230] =	vst v46;
	v34 =	vld.idx.msk [tilespmem:v55+s3+$0x0], $0xffff;
	v2 =	vmul.f32 v58, v22;
	v10 =	vmul.f32 v59, v24  }
0x25a: {  	v19 =	vshll.u32 v30, $0x10;
	v55 =	vld.idx.msk [tilespmem:v1+s3+$0x0], $0xffff  }
0x25b: {  	v51 =	vmul.f32 v30, v23;
	v50 =	vadd.f32 v50, v56;
	v48 =	vadd.f32 v10, v2;
	v10 =	vld [tilespmem:$0x1FD70]  }
0x25c: {  	v25 =	vmul.f32 v19, v23;
	v56 =	vld.idx.msk [tilespmem:v57+s3+$0x0], $0xffff  }
0x25d: {  	v47 =	vmul.f32 v47, v43;
	v32 =	vor.u32 s30, v20;
	v2 =	vld.idx.msk [tilespmem:v26+s3+$0x0], $0xffff;
	v50 =	vadd.f32 v51, v50  }
0x25e: {  	v48 =	vadd.f32 v25, v48;
	v60 =	vshll.u32 v34, $0x10;
	v31 =	vmul.f32 v34, v29;
	v34 =	vld.idx.msk [tilespmem:v11+s3+$0x0], $0xffff  }
0x25f: {  	v25 =	vld [tilespmem:$0x1FD80];
	v26 =	vshll.u32 v55, $0x10;
	v55 =	vmul.f32 v55, v14;
	v30 =	vmul.f32 v60, v29  }
0x260: {  	v11 =	vld [tilespmem:$0x1FD90];
	v59 =	vmul.f32 v26, v14;
	v1 =	vor.u32 s30, v10;
	v50 =	vadd.f32 v31, v50  }
0x261: {  	v48 =	vadd.f32 v30, v48;
	v30 =	vshll.u32 v56, $0x10;
	v56 =	vmul.f32 v56, v16  }
0x262: {  	v51 =	vmul.f32 v2, v21;
	[tilespmem:s0+$0xD310] =	vst v50;
	v60 =	vmul.f32 v30, v16  }
0x263: {  	v30 =	vld [tilespmem:$0x1FD20];
	[tilespmem:s0+$0xD300] =	vst v48;
	v62 =	vshll.u32 v34, $0x10;
	v55 =	vadd.f32 v56, v55;
	v34 =	vmul.f32 v34, v15  }
0x264: {  	v19 =	vor.u32 s30, v25;
	v53 =	vld.idx.msk [tilespmem:v32+s3+$0x0], $0xffff;
	v59 =	vadd.f32 v60, v59;
	v31 =	vmul.f32 v62, v15  }
0x265: {  	v61 =	vor.u32 s30, v11;
	v32 =	vshll.u32 v2, $0x10;
	v54 =	vld.idx.msk [tilespmem:v1+s3+$0x0], $0xffff;
	v55 =	vadd.f32 v34, v55  }
0x266: {  	v56 =	vor.u32 s2, v18;
	v63 =	vmul.f32 v32, v21;
	v32 =	vld [tilespmem:$0x1FD40];
	v60 =	vadd.f32 v31, v59  }
0x267: {  	v57 =	vor.u32 s2, v17;
	v51 =	vadd.f32 v51, v55  }
0x268: {  	v44 =	vadd.f32 v47, v44;
	v47 =	vadd.f32 v63, v60  }
0x269: {  	v0 =	vmul.f32 v0, v42;
	v58 =	vld.idx.msk [tilespmem:v19+s3+$0x0], $0xffff;
	[tilespmem:s0+$0xD2B0] =	vst v51  }
0x26a: {  	v34 =	vmul.f32 v49, v43;
	v59 =	vld.idx.msk [tilespmem:v61+s3+$0x0], $0xffff;
	v2 =	vshll.u32 v53, $0x10;
	v19 =	vshll.u32 v54, $0x10;
	[tilespmem:s0+$0xD2A0] =	vst v47  }
0x26b: {  	v26 =	vmul.f32 v2, v30;
	v31 =	vmul.f32 v19, v32;
	v56 =	vld.idx.msk [tilespmem:v56+s3+$0x0], $0xffff  }
0x26c: {  	v49 =	vmul.f32 v52, v42;
	v38 =	vadd.f32 v34, v38;
	v57 =	vld.idx.msk [tilespmem:v57+s3+$0x0], $0xffff  }
0x26d: {  	s11 =	sadd.s32 $0x800, s30;
	v0 =	vadd.f32 v44, v0;
	v19 =	vor.u32 s2, v3;
	v52 =	vadd.f32 v31, v26;
	v31 =	vld [tilespmem:$0x1FD30]  }
0x26e: {  	v34 =	vmul.f32 v48, v43;
	v60 =	vadd.f32 v38, v49;
	v49 =	vor.u32 s11, v28;
	v26 =	vld [tilespmem:$0x1FD50]  }
0x26f: {  	v61 =	vor.u32 s2, v12;
	v53 =	vmul.f32 v53, v30;
	v54 =	vmul.f32 v54, v32  }
0x270: {  	v50 =	vmul.f32 v50, v42;
	v63 =	vor.u32 s11, v5;
	v44 =	vadd.f32 v34, v37  }
0x271: {  	v38 =	vor.u32 s11, v27;
	v1 =	vshll.u32 v58, $0x10;
	v48 =	vadd.f32 v54, v53  }
0x272: {  	v2 =	vshll.u32 v59, $0x10;
	v53 =	vld.idx.msk [tilespmem:v19+s3+$0x0], $0xffff;
	v19 =	vshll.u32 v56, $0x10;
	v55 =	vmul.f32 v1, v31  }
0x273: {  	v49 =	vld.idx.msk [tilespmem:v49+s3+$0x0], $0xffff;
	v34 =	vshll.u32 v57, $0x10;
	v54 =	vmul.f32 v19, v22;
	v1 =	vmul.f32 v2, v26  }
0x274: {  	v2 =	vmul.f32 v58, v31;
	v58 =	vmul.f32 v34, v24;
	v52 =	vadd.f32 v55, v52;
	v55 =	vld.idx.msk [tilespmem:v61+s3+$0x0], $0xffff  }
0x275: {  	v56 =	vmul.f32 v56, v22;
	v57 =	vmul.f32 v57, v24;
	v61 =	vor.u32 s11, v33  }
0x276: {  	v47 =	vmul.f32 v47, v40;
	v62 =	vld.idx.msk [tilespmem:v38+s3+$0x0], $0xffff;
	v54 =	vadd.f32 v58, v54;
	v1 =	vadd.f32 v1, v52  }
0x277: {  	v34 =	vmul.f32 v59, v26;
	v38 =	vadd.f32 v2, v48;
	v2 =	vadd.f32 v57, v56  }
0x278: {  	v59 =	vmul.f32 v53, v29;
	v52 =	vor.u32 s2, v20;
	v43 =	vmul.f32 v1, v43  }
0x279: {  	[tilespmem:$0x1FAE0] =	vst v1;
	v1 =	vshll.u32 v49, $0x10;
	v49 =	vmul.f32 v49, v8;
	v37 =	vshll.u32 v55, $0x10  }
0x27a: {  	v19 =	vmul.f32 v55, v23;
	v58 =	vmul.f32 v37, v23;
	v37 =	vshll.u32 v53, $0x10;
	v53 =	vld.idx.msk [tilespmem:v61+s3+$0x0], $0xffff  }
0x27b: {  	v55 =	vld.idx.msk [tilespmem:v63+s3+$0x0], $0xffff;
	v63 =	vshll.u32 v62, $0x10;
	v62 =	vmul.f32 v62, v6;
	v39 =	vadd.f32 v43, v39  }
0x27c: {  	v57 =	vmul.f32 v63, v6;
	v48 =	vadd.f32 v19, v2;
	v2 =	vadd.f32 v34, v38  }
0x27d: {  	v56 =	vmul.f32 v37, v29;
	v49 =	vadd.f32 v49, v62;
	v54 =	vadd.f32 v58, v54  }
0x27e: {  	v58 =	vmul.f32 v1, v8;
	v48 =	vadd.f32 v59, v48;
	v59 =	vor.u32 s2, v25  }
0x27f: {  	v54 =	vadd.f32 v56, v54;
	v56 =	vor.u32 s2, v10;
	v61 =	vshll.u32 v53, $0x10  }
0x280: {  	v19 =	vadd.f32 v58, v57;
	[tilespmem:s0+$0xD330] =	vst v48;
	v53 =	vmul.f32 v53, v7;
	v34 =	vmul.f32 v61, v7  }
0x281: {  	v1 =	vshll.u32 v55, $0x10;
	v55 =	vmul.f32 v55, v13;
	[tilespmem:s0+$0xD320] =	vst v54;
	v61 =	vor.u32 s2, v11  }
0x282: {  	v58 =	vld.idx.msk [tilespmem:v52+s3+$0x0], $0xffff;
	v52 =	vmul.f32 v1, v13;
	v53 =	vadd.f32 v53, v49;
	v43 =	vadd.f32 v34, v19  }
0x283: {  	v44 =	vadd.f32 v44, v50;
	v1 =	vmul.f32 v2, v42;
	v42 =	vld [tilespmem:s7+$0xFFFFFA00];
	v19 =	vor.u32 s11, v36  }
0x284: {  	v57 =	vld.idx.msk [tilespmem:v59+s3+$0x0], $0xffff;
	v50 =	vadd.f32 v55, v53;
	v49 =	vadd.f32 v52, v43;
	v52 =	vor.u32 s11, v35  }
0x285: {  	[tilespmem:$0x1FAF0] =	vst v2;
	v2 =	vmul.f32 v45, v40;
	v45 =	vor.u32 s11, v9;
	v56 =	vld.idx.msk [tilespmem:v56+s3+$0x0], $0xffff  }
0x286: {  	v51 =	vmul.f32 v51, v41;
	v47 =	vadd.f32 v47, v60;
	v63 =	vor.u32 s11, v4;
	v43 =	vld [tilespmem:s7+$0xFFFFFA80];
	[tilespmem:s0+$0xD250] =	vst v50  }
0x287: {  	v46 =	vmul.f32 v46, v41;
	v55 =	vld.idx.msk [tilespmem:v61+s3+$0x0], $0xffff;
	[tilespmem:s0+$0xD240] =	vst v49  }
0x288: {  	v51 =	vadd.f32 v47, v51;
	v37 =	vmov v11;
	v54 =	vmul.f32 v54, v40;
	v59 =	vld.idx.msk [tilespmem:v19+s3+$0x0], $0xffff  }
0x289: {  	v53 =	vadd.f32 v39, v1;
	v0 =	vadd.f32 v2, v0;
	v34 =	vmovc v9;
	v9 =	vshll.u32 v58, $0x10;
	v62 =	vld.idx.msk [tilespmem:v52+s3+$0x0], $0xffff  }
0x28a: {  	s10 =	sadd.s32 $0xC00, s30;
	v61 =	vadd.f32 v54, v44;
	v19 =	vmovc v4;
	v4 =	vmul.f32 v9, v30;
	v45 =	vld.idx.msk [tilespmem:v45+s3+$0x0], $0xffff;
	v11 =	vshll.u32 v56, $0x10  }
0x28b: {  	v44 =	vld.idx.msk [tilespmem:v63+s3+$0x0], $0xffff;
	v63 =	vor.u32 s10, v33;
	v9 =	vmul.f32 v11, v32;
	v11 =	vshll.u32 v57, $0x10  }
0x28c: {  	v52 =	vadd.f32 v0, v46;
	v46 =	vor.u32 s10, v28;
	v38 =	vmul.f32 v11, v31  }
0x28d: {  	v39 =	vadd.f32 v9, v4;
	v4 =	vor.u32 s10, v27;
	v9 =	vshll.u32 v59, $0x10  }
0x28e: {  	v59 =	vmul.f32 v59, v14;
	v54 =	vmul.f32 v9, v14;
	v11 =	vshll.u32 v62, $0x10  }
0x28f: {  	v47 =	vshll.u32 v55, $0x10;
	v62 =	vmul.f32 v62, v16;
	v60 =	vmul.f32 v11, v16  }
0x290: {  	v39 =	vadd.f32 v38, v39;
	v38 =	vshll.u32 v45, $0x10;
	v45 =	vmul.f32 v45, v15  }
0x291: {  	v1 =	vmul.f32 v38, v15;
	v59 =	vadd.f32 v62, v59;
	v54 =	vadd.f32 v60, v54  }
0x292: {  	v0 =	vld.idx.msk [tilespmem:v4+s3+$0x0], $0xffff;
	v4 =	vshll.u32 v44, $0x10;
	v44 =	vmul.f32 v44, v21;
	v60 =	vor.u32 s10, v5  }
0x293: {  	v46 =	vld.idx.msk [tilespmem:v46+s3+$0x0], $0xffff;
	v2 =	vmul.f32 v4, v21;
	v45 =	vadd.f32 v45, v59;
	v1 =	vadd.f32 v1, v54  }
0x294: {  	v47 =	vmul.f32 v47, v26;
	v11 =	vmov v5;
	v5 =	vor.u32 s11, v18  }
0x295: {  	v59 =	vld.idx.msk [tilespmem:v63+s3+$0x0], $0xffff;
	v45 =	vadd.f32 v44, v45;
	v1 =	vadd.f32 v2, v1;
	v2 =	vor.u32 s11, v17  }
0x296: {  	v56 =	vmul.f32 v56, v32;
	v9 =	vadd.f32 v47, v39;
	v47 =	vmul.f32 v58, v30  }
0x297: {  	v48 =	vmul.f32 v48, v41;
	v57 =	vmul.f32 v57, v31;
	v58 =	vor.u32 s11, v12;
	v44 =	vld.idx.msk [tilespmem:v60+s3+$0x0], $0xffff;
	[tilespmem:s0+$0xD2D0] =	vst v45  }
0x298: {  	v38 =	vmovc v17;
	v47 =	vadd.f32 v56, v47;
	v4 =	vshll.u32 v46, $0x10;
	v17 =	vmovc v12;
	v12 =	vshll.u32 v0, $0x10;
	[tilespmem:s0+$0xD2C0] =	vst v1  }
0x299: {  	v39 =	vmovc v3;
	v63 =	vor.u32 s11, v3;
	v62 =	vmul.f32 v4, v8;
	v60 =	vmul.f32 v12, v6;
	v3 =	vld.idx.msk [tilespmem:v5+s3+$0x0], $0xffff  }
0x29a: {  	v46 =	vmul.f32 v46, v8;
	v0 =	vmul.f32 v0, v6;
	v5 =	vshll.u32 v59, $0x10;
	v2 =	vld.idx.msk [tilespmem:v2+s3+$0x0], $0xffff  }
0x29b: {  	v56 =	vor.u32 s10, v35;
	v12 =	vadd.f32 v62, v60;
	v54 =	vmul.f32 v5, v7  }
0x29c: {  	v0 =	vadd.f32 v46, v0;
	v5 =	vmul.f32 v59, v7;
	v4 =	vshll.u32 v44, $0x10  }
0x29d: {  	v57 =	vadd.f32 v57, v47;
	v58 =	vld.idx.msk [tilespmem:v58+s3+$0x0], $0xffff;
	v54 =	vadd.f32 v54, v12;
	v12 =	vmul.f32 v4, v13  }
0x29e: {  	v60 =	vor.u32 s10, v36;
	v0 =	vadd.f32 v5, v0;
	v4 =	vmul.f32 v44, v13  }
0x29f: {  	v47 =	vld [tilespmem:s7+$0xFFFFFB80];
	v5 =	vshll.u32 v3, $0x10;
	v54 =	vadd.f32 v12, v54;
	v12 =	vshll.u32 v2, $0x10  }
0x2a0: {  	v59 =	vld.idx.msk [tilespmem:v63+s3+$0x0], $0xffff;
	v3 =	vmul.f32 v3, v22;
	v46 =	vadd.f32 v4, v0;
	v2 =	vmul.f32 v2, v24  }
0x2a1: {  	v63 =	vor.u32 s10, v34;
	v44 =	vld [tilespmem:s7+$0xFFFFFB00];
	v0 =	vmul.f32 v5, v22;
	v62 =	vmul.f32 v12, v24;
	[tilespmem:s0+$0xD260] =	vst v54  }
0x2a2: {  	v55 =	vmul.f32 v55, v26;
	[tilespmem:s0+$0xD270] =	vst v46;
	v2 =	vadd.f32 v2, v3;
	v12 =	vmovc v34;
	v34 =	vshll.u32 v58, $0x10  }
0x2a3: {  	v5 =	vmovc v19;
	v60 =	vld.idx.msk [tilespmem:v60+s3+$0x0], $0xffff;
	v0 =	vadd.f32 v62, v0;
	v62 =	vor.u32 s10, v19;
	v19 =	vmul.f32 v58, v23  }
0x2a4: {  	v56 =	vld.idx.msk [tilespmem:v56+s3+$0x0], $0xffff;
	v58 =	vmul.f32 v9, v40;
	v4 =	vmul.f32 v34, v23  }
0x2a5: {  	v40 =	vmul.f32 v59, v29;
	v34 =	vshll.u32 v59, $0x10;
	v2 =	vadd.f32 v19, v2  }
0x2a6: {  	v3 =	vor.u32 s11, v20;
	v59 =	vld.idx.msk [tilespmem:v63+s3+$0x0], $0xffff;
	v0 =	vadd.f32 v4, v0;
	v4 =	vmul.f32 v34, v29  }
0x2a7: {  	v19 =	vadd.f32 v55, v57;
	v55 =	vor.u32 s11, v10;
	v2 =	vadd.f32 v40, v2  }
0x2a8: {  	v40 =	vshll.u32 v60, $0x10;
	v60 =	vmul.f32 v60, v14;
	v0 =	vadd.f32 v4, v0;
	v4 =	vld.idx.msk [tilespmem:v62+s3+$0x0], $0xffff  }
0x2a9: {  	v34 =	vmovc v10;
	v10 =	vshll.u32 v56, $0x10;
	v56 =	vmul.f32 v56, v16;
	v41 =	vmul.f32 v19, v41  }
0x2aa: {  	v53 =	vadd.f32 v58, v53;
	v57 =	vmul.f32 v40, v14;
	v58 =	vmul.f32 v10, v16  }
0x2ab: {  	[tilespmem:$0x1FB10] =	vst v19;
	v63 =	vshll.u32 v59, $0x10;
	v56 =	vadd.f32 v56, v60;
	v59 =	vmul.f32 v59, v15  }
0x2ac: {  	v62 =	vor.u32 s11, v25;
	[tilespmem:s0+$0xD350] =	vst v2;
	v57 =	vadd.f32 v58, v57;
	v19 =	vmul.f32 v63, v15  }
0x2ad: {  	[tilespmem:s0+$0xD340] =	vst v0;
	v56 =	vadd.f32 v59, v56;
	v40 =	vshll.u32 v4, $0x10;
	v4 =	vmul.f32 v4, v21  }
0x2ae: {  	v3 =	vld.idx.msk [tilespmem:v3+s3+$0x0], $0xffff;
	v59 =	vor.u32 s10, v18;
	v57 =	vadd.f32 v19, v57;
	v10 =	vmul.f32 v40, v21  }
0x2af: {  	v61 =	vadd.f32 v61, v48;
	v55 =	vld.idx.msk [tilespmem:v55+s3+$0x0], $0xffff;
	v18 =	vor.u32 s10, v38;
	v48 =	vadd.f32 v4, v56  }
0x2b0: {  	[tilespmem:$0x1FB00] =	vst v9;
	v1 =	vmul.f32 v1, v42;
	v9 =	vor.u32 s11, v37;
	v57 =	vadd.f32 v10, v57  }
0x2b1: {  	v45 =	vmul.f32 v45, v43;
	v62 =	vld.idx.msk [tilespmem:v62+s3+$0x0], $0xffff;
	[tilespmem:s0+$0xD2F0] =	vst v48  }
0x2b2: {  	v1 =	vadd.f32 v1, v51;
	v63 =	vadd.f32 v53, v41;
	v0 =	vmul.f32 v0, v42;
	[tilespmem:s0+$0xD2E0] =	vst v57  }
0x2b3: {  	v41 =	vmul.f32 v50, v43;
	v19 =	vmul.f32 v49, v42;
	v49 =	vor.u32 s10, v17;
	v56 =	vld.idx.msk [tilespmem:v59+s3+$0x0], $0xffff  }
0x2b4: {  	v0 =	vadd.f32 v0, v61;
	v40 =	vmovc v38;
	v38 =	vshll.u32 v3, $0x10;
	v60 =	vshll.u32 v55, $0x10;
	v58 =	vld.idx.msk [tilespmem:v18+s3+$0x0], $0xffff  }
0x2b5: {  	v50 =	vld.idx.msk [tilespmem:v9+s3+$0x0], $0xffff;
	v9 =	vmul.f32 v38, v30;
	v10 =	vmul.f32 v60, v32;
	v60 =	vor.u32 s10, v39  }
0x2b6: {  	s12 =	sadd.s32 $0x1000, s30;
	v4 =	vadd.f32 v19, v52;
	v3 =	vmul.f32 v3, v30;
	v38 =	vshll.u32 v62, $0x10  }
0x2b7: {  	v19 =	vmovc v39;
	v39 =	vor.u32 s12, v28;
	v9 =	vadd.f32 v10, v9;
	v10 =	vmul.f32 v38, v31  }
0x2b8: {  	v55 =	vmul.f32 v55, v32;
	v4 =	vadd.f32 v4, v41;
	v49 =	vld.idx.msk [tilespmem:v49+s3+$0x0], $0xffff;
	v38 =	vor.u32 s12, v27  }
0x2b9: {  	v41 =	vadd.f32 v10, v9;
	v9 =	vshll.u32 v56, $0x10;
	v10 =	vshll.u32 v58, $0x10  }
0x2ba: {  	v59 =	vld.idx.msk [tilespmem:v60+s3+$0x0], $0xffff;
	v60 =	vmul.f32 v9, v22;
	v61 =	vmul.f32 v10, v24;
	v9 =	vor.u32 s12, v33  }
0x2bb: {  	v18 =	vshll.u32 v50, $0x10;
	v56 =	vmul.f32 v56, v22;
	v58 =	vmul.f32 v58, v24  }
0x2bc: {  	v51 =	vmul.f32 v18, v26;
	v53 =	vld.idx.msk [tilespmem:v39+s3+$0x0], $0xffff;
	v60 =	vadd.f32 v61, v60;
	v61 =	vor.u32 s12, v11  }
0x2bd: {  	v18 =	vshll.u32 v49, $0x10;
	v52 =	vld.idx.msk [tilespmem:v38+s3+$0x0], $0xffff;
	v49 =	vmul.f32 v49, v23;
	v38 =	vadd.f32 v58, v56  }
0x2be: {  	v3 =	vadd.f32 v55, v3;
	v39 =	vmul.f32 v62, v31;
	v10 =	vmul.f32 v18, v23  }
0x2bf: {  	v55 =	vor.u32 s10, v20;
	v62 =	vmul.f32 v59, v29;
	v49 =	vadd.f32 v49, v38;
	v9 =	vld.idx.msk [tilespmem:v9+s3+$0x0], $0xffff  }
0x2c0: {  	v3 =	vadd.f32 v39, v3;
	v18 =	vmovc v11;
	v10 =	vadd.f32 v10, v60;
	v60 =	vshll.u32 v59, $0x10  }
0x2c1: {  	v11 =	vadd.f32 v51, v41;
	v58 =	vmul.f32 v60, v29;
	v51 =	vadd.f32 v62, v49;
	v49 =	vld.idx.msk [tilespmem:v61+s3+$0x0], $0xffff  }
0x2c2: {  	v39 =	vshll.u32 v53, $0x10;
	v53 =	vmul.f32 v53, v8;
	v38 =	vmovc v20;
	v20 =	vshll.u32 v52, $0x10  }
0x2c3: {  	v56 =	vmul.f32 v20, v6;
	v10 =	vadd.f32 v58, v10;
	v58 =	vmul.f32 v39, v8  }
0x2c4: {  	v59 =	vor.u32 s10, v34;
	v52 =	vmul.f32 v52, v6;
	v41 =	vshll.u32 v9, $0x10  }
0x2c5: {  	v61 =	vmul.f32 v50, v26;
	v20 =	vadd.f32 v58, v56;
	v34 =	vmul.f32 v41, v7  }
0x2c6: {  	v52 =	vadd.f32 v53, v52;
	v9 =	vmul.f32 v9, v7;
	v39 =	vshll.u32 v49, $0x10  }
0x2c7: {  	[tilespmem:s0+$0xD370] =	vst v51;
	v3 =	vadd.f32 v61, v3;
	v53 =	vadd.f32 v34, v20;
	v41 =	vmul.f32 v39, v13  }
0x2c8: {  	v50 =	vld [tilespmem:s7+$0x0];
	[tilespmem:s0+$0xD360] =	vst v10;
	v9 =	vadd.f32 v9, v52;
	v34 =	vmul.f32 v49, v13;
	v39 =	vor.u32 s12, v36  }
0x2c9: {  	v60 =	vld.idx.msk [tilespmem:v55+s3+$0x0], $0xffff;
	v20 =	vmul.f32 v11, v42;
	v42 =	vor.u32 s12, v35;
	v53 =	vadd.f32 v41, v53  }
0x2ca: {  	v2 =	vmul.f32 v2, v43;
	v61 =	vor.u32 s12, v12;
	v59 =	vld.idx.msk [tilespmem:v59+s3+$0x0], $0xffff;
	[tilespmem:$0x1FB30] =	vst v3;
	v52 =	vadd.f32 v34, v9  }
0x2cb: {  	v1 =	vadd.f32 v1, v45;
	v54 =	vmul.f32 v54, v44;
	v45 =	vor.u32 s12, v5;
	v49 =	vld [tilespmem:s7+$0x80];
	[tilespmem:s0+$0xD600] =	vst v53  }
0x2cc: {  	v0 =	vadd.f32 v0, v2;
	v43 =	vmul.f32 v3, v43;
	v3 =	vmul.f32 v57, v44;
	[tilespmem:s0+$0xD610] =	vst v52  }
0x2cd: {  	v48 =	vmul.f32 v48, v47;
	v55 =	vor.u32 s10, v25;
	v34 =	vadd.f32 v20, v63;
	v2 =	vld.idx.msk [tilespmem:v39+s3+$0x0], $0xffff  }
0x2ce: {  	v4 =	vadd.f32 v54, v4;
	[tilespmem:$0x1FB20] =	vst v11;
	v58 =	vadd.f32 v3, v1;
	v11 =	vshll.u32 v60, $0x10;
	v42 =	vld.idx.msk [tilespmem:v42+s3+$0x0], $0xffff  }
0x2cf: {  	v60 =	vmul.f32 v60, v30;
	v20 =	vmovc v12;
	v56 =	vadd.f32 v34, v43;
	v12 =	vshll.u32 v59, $0x10;
	v61 =	vld.idx.msk [tilespmem:v61+s3+$0x0], $0xffff  }
0x2d0: {  	s31 =	sadd.s32 $0x1400, s30;
	v34 =	vor.u32 s10, v37;
	v53 =	vmul.f32 v53, v50;
	v39 =	vmul.f32 v46, v47  }
0x2d1: {  	v43 =	vor.u32 s31, v28;
	v46 =	vmul.f32 v11, v30;
	v54 =	vmul.f32 v12, v32  }
0x2d2: {  	v62 =	vld.idx.msk [tilespmem:v55+s3+$0x0], $0xffff;
	v55 =	vadd.f32 v4, v39;
	v39 =	vor.u32 s31, v27;
	v4 =	vmul.f32 v10, v44  }
0x2d3: {  	v9 =	vadd.f32 v54, v46;
	v10 =	vld.idx.msk [tilespmem:v45+s3+$0x0], $0xffff;
	v63 =	vshll.u32 v2, $0x10;
	v3 =	vshll.u32 v42, $0x10  }
0x2d4: {  	v11 =	vshll.u32 v61, $0x10;
	v2 =	vmul.f32 v2, v14;
	v42 =	vmul.f32 v42, v16  }
0x2d5: {  	v41 =	vld [tilespmem:$0x1FCE0];
	v46 =	vmul.f32 v63, v14;
	v54 =	vmul.f32 v3, v16;
	v63 =	vor.u32 s31, v33  }
0x2d6: {  	v43 =	vld.idx.msk [tilespmem:v43+s3+$0x0], $0xffff;
	v61 =	vmul.f32 v61, v15;
	v12 =	vmul.f32 v11, v15  }
0x2d7: {  	v3 =	vld.idx.msk [tilespmem:v34+s3+$0x0], $0xffff;
	v34 =	vor.u32 s31, v18;
	v2 =	vadd.f32 v42, v2;
	v46 =	vadd.f32 v54, v46  }
0x2d8: {  	v45 =	vshll.u32 v62, $0x10;
	v1 =	vld.idx.msk [tilespmem:v39+s3+$0x0], $0xffff;
	v39 =	vshll.u32 v10, $0x10;
	v10 =	vmul.f32 v10, v21  }
0x2d9: {  	v11 =	vmul.f32 v39, v21;
	v2 =	vadd.f32 v61, v2;
	v46 =	vadd.f32 v12, v46  }
0x2da: {  	v45 =	vmul.f32 v45, v31;
	v0 =	vadd.f32 v4, v0;
	v12 =	vor.u32 s12, v41;
	v61 =	vld.idx.msk [tilespmem:v63+s3+$0x0], $0xffff  }
0x2db: {  	v54 =	vadd.f32 v10, v2;
	v4 =	vadd.f32 v11, v46;
	v11 =	vor.u32 s12, v40  }
0x2dc: {  	v9 =	vadd.f32 v45, v9;
	v18 =	vshll.u32 v43, $0x10;
	v43 =	vmul.f32 v43, v8;
	v2 =	vld.idx.msk [tilespmem:v34+s3+$0x0], $0xffff  }
0x2dd: {  	v39 =	vmovc v17;
	v10 =	vor.u32 s12, v17;
	v17 =	vshll.u32 v1, $0x10;
	v1 =	vmul.f32 v1, v6;
	[tilespmem:s0+$0xD690] =	vst v54  }
0x2de: {  	v57 =	vmul.f32 v18, v8;
	v63 =	vor.u32 s12, v19;
	v46 =	vmul.f32 v17, v6;
	[tilespmem:s0+$0xD680] =	vst v4  }
0x2df: {  	v45 =	vshll.u32 v3, $0x10;
	v34 =	vmovc v19;
	v1 =	vadd.f32 v43, v1;
	v42 =	vld.idx.msk [tilespmem:v12+s3+$0x0], $0xffff;
	v12 =	vshll.u32 v61, $0x10  }
0x2e0: {  	v19 =	vadd.f32 v57, v46;
	v18 =	vmul.f32 v61, v7;
	v11 =	vld.idx.msk [tilespmem:v11+s3+$0x0], $0xffff;
	v12 =	vmul.f32 v12, v7  }
0x2e1: {  	v3 =	vmul.f32 v3, v26;
	v57 =	vshll.u32 v2, $0x10;
	v2 =	vmul.f32 v2, v13  }
0x2e2: {  	v10 =	vld.idx.msk [tilespmem:v10+s3+$0x0], $0xffff;
	v1 =	vadd.f32 v18, v1;
	v12 =	vadd.f32 v12, v19;
	v19 =	vmul.f32 v57, v13  }
0x2e3: {  	v17 =	vmul.f32 v45, v26;
	v43 =	vor.u32 s31, v36;
	v61 =	vld.idx.msk [tilespmem:v63+s3+$0x0], $0xffff;
	v63 =	vmul.f32 v59, v32  }
0x2e4: {  	v57 =	vadd.f32 v2, v1;
	v59 =	vadd.f32 v19, v12;
	v12 =	vor.u32 s31, v35  }
0x2e5: {  	v45 =	vld [tilespmem:s7+$0x180];
	v18 =	vor.u32 s31, v20;
	v36 =	vshll.u32 v42, $0x10;
	v35 =	vshll.u32 v11, $0x10  }
0x2e6: {  	v48 =	vadd.f32 v58, v48;
	v46 =	vld [tilespmem:s7+$0x100];
	v42 =	vmul.f32 v42, v22;
	v1 =	vmul.f32 v36, v22;
	[tilespmem:s0+$0xD630] =	vst v57  }
0x2e7: {  	v60 =	vadd.f32 v63, v60;
	v11 =	vmul.f32 v11, v24;
	v2 =	vmul.f32 v35, v24;
	[tilespmem:s0+$0xD620] =	vst v59  }
0x2e8: {  	v36 =	vshll.u32 v10, $0x10;
	v10 =	vmul.f32 v10, v23;
	v19 =	vld.idx.msk [tilespmem:v43+s3+$0x0], $0xffff;
	v35 =	vmovc v20;
	v20 =	vor.u32 s31, v5  }
0x2e9: {  	v11 =	vadd.f32 v11, v42;
	v1 =	vadd.f32 v2, v1;
	v2 =	vmul.f32 v36, v23;
	v12 =	vld.idx.msk [tilespmem:v12+s3+$0x0], $0xffff  }
0x2ea: {  	v63 =	vmul.f32 v62, v31;
	v43 =	vshll.u32 v61, $0x10;
	v61 =	vmul.f32 v61, v29;
	v18 =	vld.idx.msk [tilespmem:v18+s3+$0x0], $0xffff  }
0x2eb: {  	v10 =	vadd.f32 v10, v11;
	v1 =	vadd.f32 v2, v1;
	v2 =	vmul.f32 v43, v29  }
0x2ec: {  	v36 =	vmovc v5;
	v5 =	vadd.f32 v17, v9;
	v9 =	vadd.f32 v63, v60;
	v11 =	vor.u32 s12, v38;
	v43 =	vld [tilespmem:$0x1FD70]  }
0x2ed: {  	v1 =	vadd.f32 v2, v1;
	v2 =	vadd.f32 v61, v10;
	v62 =	vshll.u32 v19, $0x10;
	v10 =	vld.idx.msk [tilespmem:v20+s3+$0x0], $0xffff  }
0x2ee: {  	v19 =	vmul.f32 v19, v14;
	v63 =	vshll.u32 v12, $0x10;
	v12 =	vmul.f32 v12, v16  }
0x2ef: {  	v60 =	vshll.u32 v18, $0x10;
	v17 =	vmul.f32 v62, v14;
	v20 =	vmul.f32 v63, v16  }
0x2f0: {  	v61 =	vor.u32 s12, v25;
	v18 =	vmul.f32 v18, v15;
	v12 =	vadd.f32 v12, v19  }
0x2f1: {  	v42 =	vor.u32 s12, v43;
	v17 =	vadd.f32 v20, v17;
	v20 =	vmul.f32 v60, v15  }
0x2f2: {  	v19 =	vor.u32 s12, v37;
	v60 =	vshll.u32 v10, $0x10;
	v12 =	vadd.f32 v18, v12  }
0x2f3: {  	[tilespmem:s0+$0xD700] =	vst v1;
	v10 =	vmul.f32 v10, v21;
	v17 =	vadd.f32 v20, v17;
	v20 =	vmul.f32 v60, v21  }
0x2f4: {  	v4 =	vmul.f32 v4, v50;
	v62 =	vadd.f32 v3, v9;
	[tilespmem:s0+$0xD710] =	vst v2;
	v18 =	vor.u32 s31, v41  }
0x2f5: {  	v11 =	vld.idx.msk [tilespmem:v11+s3+$0x0], $0xffff;
	v9 =	vadd.f32 v10, v12;
	v17 =	vadd.f32 v20, v17;
	v20 =	vor.u32 s31, v40  }
0x2f6: {  	v52 =	vmul.f32 v52, v49;
	v44 =	vmul.f32 v5, v44;
	v3 =	vld.idx.msk [tilespmem:v42+s3+$0x0], $0xffff  }
0x2f7: {  	v4 =	vadd.f32 v4, v48;
	v63 =	vmul.f32 v51, v47;
	v51 =	vor.u32 s31, v39;
	v42 =	vld.idx.msk [tilespmem:v61+s3+$0x0], $0xffff;
	[tilespmem:s0+$0xD6B0] =	vst v9  }
0x2f8: {  	v56 =	vadd.f32 v44, v56;
	v47 =	vmul.f32 v62, v47;
	v19 =	vld.idx.msk [tilespmem:v19+s3+$0x0], $0xffff;
	[tilespmem:s0+$0xD6A0] =	vst v17  }
0x2f9: {  	v1 =	vmul.f32 v1, v50;
	v60 =	vadd.f32 v53, v55;
	v10 =	vld.idx.msk [tilespmem:v18+s3+$0x0], $0xffff;
	v18 =	vor.u32 s31, v34  }
0x2fa: {  	v0 =	vadd.f32 v0, v63;
	v12 =	vadd.f32 v56, v47;
	v61 =	vshll.u32 v11, $0x10;
	v20 =	vld.idx.msk [tilespmem:v20+s3+$0x0], $0xffff  }
0x2fb: {  	v11 =	vmul.f32 v11, v30;
	v56 =	vor.u32 s31, v38;
	v52 =	vadd.f32 v60, v52  }
0x2fc: {  	[tilespmem:$0x1FB50] =	vst v62;
	v63 =	vmul.f32 v61, v30;
	v51 =	vld.idx.msk [tilespmem:v51+s3+$0x0], $0xffff;
	v62 =	vshll.u32 v3, $0x10;
	v3 =	vmul.f32 v3, v32  }
0x2fd: {  	v58 =	vshll.u32 v42, $0x10;
	v42 =	vmul.f32 v42, v31;
	v44 =	vmul.f32 v62, v32  }
0x2fe: {  	v60 =	vshll.u32 v19, $0x10;
	v48 =	vmul.f32 v58, v31;
	v58 =	vor.u32 s31, v43;
	v18 =	vld.idx.msk [tilespmem:v18+s3+$0x0], $0xffff  }
0x2ff: {  	v53 =	vmul.f32 v60, v26;
	v61 =	vshll.u32 v10, $0x10;
	v62 =	vshll.u32 v20, $0x10  }
0x300: {  	v47 =	vadd.f32 v44, v63;
	v63 =	vmul.f32 v61, v22;
	v44 =	vmul.f32 v62, v24  }
0x301: {  	v60 =	vshll.u32 v51, $0x10;
	v10 =	vmul.f32 v10, v22;
	v20 =	vmul.f32 v20, v24  }
0x302: {  	v47 =	vadd.f32 v48, v47;
	v61 =	vmul.f32 v60, v23;
	v48 =	vadd.f32 v44, v63  }
0x303: {  	v10 =	vadd.f32 v20, v10;
	v62 =	vshll.u32 v18, $0x10;
	v63 =	vmul.f32 v51, v23  }
0x304: {  	[tilespmem:$0x1FB40] =	vst v5;
	v3 =	vadd.f32 v3, v11;
	v55 =	vmul.f32 v62, v29;
	v5 =	vadd.f32 v61, v48  }
0x305: {  	v47 =	vadd.f32 v53, v47;
	v18 =	vmul.f32 v18, v29;
	v10 =	vadd.f32 v63, v10  }
0x306: {  	s10 =	sadd.s32 $0xFFFFFE00, s29;
	v63 =	vmul.f32 v54, v49;
	v54 =	vmul.f32 v19, v26;
	v11 =	vadd.f32 v55, v5  }
0x307: {  	s12 =	sor.u32 $0x320, s10;
	v44 =	vmovc v38;
	v19 =	vor.u32 s31, v25;
	v38 =	vmovc v25;
	v25 =	vmul.f32 v59, v46;
	v10 =	vadd.f32 v18, v10  }
0x308: {  	s20 =	sor.u32 $0x330, s10;
	v3 =	vadd.f32 v42, v3;
	v60 =	vmul.f32 v47, v50;
	v62 =	vmul.f32 v2, v49;
	[tilespmem:s12+$0xD000] =	vst v11;
	s12 =	sadd.s32 $0x1800, s30  }
0x309: {  	v4 =	vadd.f32 v4, v63;
	v2 =	vadd.f32 v25, v52;
	v25 =	vld [tilespmem:$0x1FC10];
	[tilespmem:s20+$0xD000] =	vst v10;
	v55 =	vor.u32 s12, v27  }
0x30a: {  	v48 =	vadd.f32 v54, v3;
	v63 =	vmul.f32 v57, v45;
	v61 =	vor.u32 s12, v28;
	v18 =	vld.idx.msk [tilespmem:v56+s3+$0x0], $0xffff  }
0x30b: {  	s11 =	sadd.s32 $0x1C00, s30;
	v0 =	vadd.f32 v1, v0;
	v3 =	vadd.f32 v60, v12;
	v54 =	vor.u32 s12, v33;
	v59 =	vld.idx.msk [tilespmem:v58+s3+$0x0], $0xffff  }
0x30c: {  	v53 =	vmul.f32 v48, v49;
	v58 =	vadd.f32 v2, v63;
	v63 =	vor.u32 s11, v27  }
0x30d: {  	v0 =	vadd.f32 v0, v62;
	v11 =	vmul.f32 v11, v46;
	v19 =	vld.idx.msk [tilespmem:v19+s3+$0x0], $0xffff;
	v27 =	vor.u32 s11, v28  }
0x30e: {  	v17 =	vmul.f32 v17, v46;
	v62 =	vor.u32 s31, v37;
	v57 =	vadd.f32 v3, v53;
	v1 =	vld.idx.msk [tilespmem:v55+s3+$0x0], $0xffff  }
0x30f: {  	v56 =	vmul.f32 v9, v45;
	v0 =	vadd.f32 v11, v0;
	v51 =	vor.u32 s12, v25;
	v9 =	vld.idx.msk [tilespmem:v61+s3+$0x0], $0xffff  }
0x310: {  	v52 =	vor.u32 s11, v25;
	v42 =	vld.idx.msk [tilespmem:v54+s3+$0x0], $0xffff;
	v60 =	vshll.u32 v18, $0x10;
	v61 =	vshll.u32 v59, $0x10  }
0x311: {  	v55 =	vadd.f32 v17, v4;
	v2 =	vld.idx.msk [tilespmem:v63+s3+$0x0], $0xffff;
	v12 =	vmul.f32 v60, v30;
	v17 =	vmul.f32 v61, v32  }
0x312: {  	v4 =	vmul.f32 v10, v45;
	v28 =	vshll.u32 v19, $0x10;
	v11 =	vld.idx.msk [tilespmem:v27+s3+$0x0], $0xffff;
	v18 =	vmul.f32 v18, v30  }
0x313: {  	v27 =	vld [tilespmem:$0x1FC70];
	v54 =	vadd.f32 v55, v56;
	v56 =	vor.u32 s11, v33;
	v10 =	vadd.f32 v17, v12  }
0x314: {  	v3 =	vld.idx.msk [tilespmem:v51+s3+$0x0], $0xffff;
	v12 =	vmul.f32 v28, v31;
	v53 =	vshll.u32 v1, $0x10;
	v1 =	vmul.f32 v1, v6  }
0x315: {  	v28 =	vld [tilespmem:$0x1FC60];
	v55 =	vshll.u32 v9, $0x10;
	v9 =	vmul.f32 v9, v8;
	v63 =	vmul.f32 v42, v7  }
0x316: {  	v60 =	vshll.u32 v42, $0x10;
	v17 =	vmul.f32 v53, v6;
	v49 =	vmul.f32 v55, v8  }
0x317: {  	v42 =	vor.u32 s12, v36;
	v61 =	vmul.f32 v60, v7;
	v1 =	vadd.f32 v9, v1  }
0x318: {  	v20 =	vld.idx.msk [tilespmem:v62+s3+$0x0], $0xffff;
	v33 =	vor.u32 s12, v27;
	v10 =	vadd.f32 v12, v10;
	v17 =	vadd.f32 v49, v17  }
0x319: {  	v62 =	vshll.u32 v3, $0x10;
	v3 =	vmul.f32 v3, v13;
	v51 =	vld.idx.msk [tilespmem:v56+s3+$0x0], $0xffff;
	v1 =	vadd.f32 v63, v1  }
0x31a: {  	v25 =	vmul.f32 v62, v13;
	v9 =	vor.u32 s12, v28;
	v17 =	vadd.f32 v61, v17  }
0x31b: {  	v50 =	vld [tilespmem:s7+$0x200];
	v56 =	vadd.f32 v0, v4;
	v62 =	vshll.u32 v11, $0x10;
	v60 =	vadd.f32 v3, v1  }
0x31c: {  	v11 =	vmul.f32 v11, v8;
	v61 =	vshll.u32 v2, $0x10;
	v1 =	vld.idx.msk [tilespmem:v52+s3+$0x0], $0xffff;
	v0 =	vadd.f32 v25, v17  }
0x31d: {  	v49 =	vld [tilespmem:s7+$0x280];
	v2 =	vmul.f32 v2, v6;
	v3 =	vor.u32 s12, v35;
	v12 =	vmul.f32 v61, v6;
	[tilespmem:s0+$0xD650] =	vst v60  }
0x31e: {  	v17 =	vmul.f32 v62, v8;
	v63 =	vshll.u32 v51, $0x10;
	v25 =	vshll.u32 v20, $0x10;
	[tilespmem:s0+$0xD640] =	vst v0  }
0x31f: {  	v2 =	vadd.f32 v11, v2;
	v62 =	vor.u32 s11, v36;
	v61 =	vmul.f32 v25, v26;
	v9 =	vld.idx.msk [tilespmem:v9+s3+$0x0], $0xffff  }
0x320: {  	v12 =	vadd.f32 v17, v12;
	v17 =	vor.u32 s11, v35;
	v4 =	vld.idx.msk [tilespmem:v33+s3+$0x0], $0xffff;
	v33 =	vmul.f32 v63, v7  }
0x321: {  	v35 =	vmul.f32 v59, v32;
	v7 =	vmul.f32 v51, v7;
	v6 =	vshll.u32 v1, $0x10  }
0x322: {  	v0 =	vmul.f32 v0, v50;
	v3 =	vld.idx.msk [tilespmem:v3+s3+$0x0], $0xffff;
	v12 =	vadd.f32 v33, v12;
	v25 =	vmul.f32 v6, v13  }
0x323: {  	v1 =	vmul.f32 v1, v13;
	v2 =	vadd.f32 v7, v2;
	v33 =	vor.u32 s11, v28  }
0x324: {  	v42 =	vld.idx.msk [tilespmem:v42+s3+$0x0], $0xffff;
	v59 =	vadd.f32 v61, v10;
	v63 =	vmul.f32 v20, v26;
	v55 =	vadd.f32 v25, v12  }
0x325: {  	v52 =	vld [tilespmem:s7+$0x300];
	v12 =	vor.u32 s11, v27;
	v53 =	vadd.f32 v1, v2;
	v7 =	vshll.u32 v9, $0x10  }
0x326: {  	v51 =	vld [tilespmem:s7+$0x380];
	v8 =	vshll.u32 v4, $0x10;
	v9 =	vmul.f32 v9, v14;
	v4 =	vmul.f32 v4, v16;
	[tilespmem:s0+$0xD660] =	vst v55  }
0x327: {  	v13 =	vmul.f32 v7, v14;
	v25 =	vmul.f32 v8, v16;
	v27 =	vshll.u32 v3, $0x10;
	[tilespmem:s0+$0xD670] =	vst v53  }
0x328: {  	v0 =	vadd.f32 v0, v58;
	v3 =	vmul.f32 v3, v15;
	v28 =	vmul.f32 v27, v15;
	v11 =	vld.idx.msk [tilespmem:v33+s3+$0x0], $0xffff  }
0x329: {  	v4 =	vadd.f32 v4, v9;
	v33 =	vshll.u32 v42, $0x10;
	v17 =	vld.idx.msk [tilespmem:v17+s3+$0x0], $0xffff;
	v1 =	vadd.f32 v25, v13  }
0x32a: {  	v27 =	vor.u32 s12, v40;
	v36 =	vmul.f32 v33, v21;
	v13 =	vmul.f32 v42, v21;
	v12 =	vld.idx.msk [tilespmem:v12+s3+$0x0], $0xffff  }
0x32b: {  	v25 =	vor.u32 s12, v41;
	v3 =	vadd.f32 v3, v4;
	v1 =	vadd.f32 v28, v1  }
0x32c: {  	v33 =	vmul.f32 v19, v31;
	v19 =	vor.u32 s12, v39;
	v28 =	vadd.f32 v35, v18  }
0x32d: {  	v3 =	vadd.f32 v13, v3;
	v13 =	vor.u32 s11, v34;
	v1 =	vadd.f32 v36, v1  }
0x32e: {  	s2 =	sadd.s32 $0xFFFFFF00, s29;
	v4 =	vld.idx.msk [tilespmem:v62+s3+$0x0], $0xffff;
	v35 =	vshll.u32 v11, $0x10;
	v10 =	vadd.f32 v33, v28;
	v28 =	vshll.u32 v17, $0x10  }
0x32f: {  	s20 =	sor.u32 $0x2C0, s2;
	v11 =	vmul.f32 v11, v14;
	v36 =	vshll.u32 v12, $0x10;
	v12 =	vmul.f32 v12, v16  }
0x330: {  	s28 =	sor.u32 $0x2D0, s2;
	v33 =	vor.u32 s12, v34;
	v6 =	vmul.f32 v35, v14;
	[tilespmem:s20+$0xD000] =	vst v1;
	v7 =	vmul.f32 v36, v16  }
0x331: {  	v62 =	vmul.f32 v17, v15;
	v35 =	vmul.f32 v28, v15;
	[tilespmem:s28+$0xD000] =	vst v3;
	v11 =	vadd.f32 v12, v11  }
0x332: {  	v14 =	vmul.f32 v59, v46;
	v1 =	vmul.f32 v1, v50;
	v9 =	vld.idx.msk [tilespmem:v25+s3+$0x0], $0xffff;
	v18 =	vadd.f32 v7, v6  }
0x333: {  	v36 =	vshll.u32 v4, $0x10;
	v4 =	vmul.f32 v4, v21;
	v2 =	vld.idx.msk [tilespmem:v27+s3+$0x0], $0xffff;
	v11 =	vadd.f32 v62, v11  }
0x334: {  	v5 =	vmovc v26;
	v19 =	vld.idx.msk [tilespmem:v19+s3+$0x0], $0xffff;
	v26 =	vmul.f32 v36, v21;
	v27 =	vor.u32 s11, v41;
	v18 =	vadd.f32 v35, v18  }
0x335: {  	v62 =	vadd.f32 v63, v10;
	v10 =	vor.u32 s11, v40;
	v61 =	vadd.f32 v4, v11  }
0x336: {  	v3 =	vmul.f32 v3, v49;
	v41 =	vor.u32 s11, v39;
	v63 =	vadd.f32 v26, v18  }
0x337: {  	v39 =	vor.u32 s12, v37;
	v1 =	vadd.f32 v1, v54;
	v28 =	vld.idx.msk [tilespmem:v33+s3+$0x0], $0xffff;
	v33 =	vshll.u32 v9, $0x10;
	[tilespmem:s0+$0xD6F0] =	vst v61  }
0x338: {  	v35 =	vshll.u32 v2, $0x10;
	v9 =	vmul.f32 v9, v22;
	v2 =	vmul.f32 v2, v24;
	[tilespmem:s0+$0xD6E0] =	vst v63  }
0x339: {  	v42 =	vshll.u32 v19, $0x10;
	v36 =	vmul.f32 v33, v22;
	v40 =	vmul.f32 v35, v24;
	v12 =	vld.idx.msk [tilespmem:v27+s3+$0x0], $0xffff  }
0x33a: {  	v21 =	vmul.f32 v19, v23;
	v18 =	vadd.f32 v14, v57;
	v2 =	vadd.f32 v2, v9;
	v10 =	vld.idx.msk [tilespmem:v10+s3+$0x0], $0xffff  }
0x33b: {  	v19 =	vmul.f32 v62, v45;
	v7 =	vmul.f32 v42, v23;
	v4 =	vadd.f32 v40, v36  }
0x33c: {  	v26 =	vshll.u32 v28, $0x10;
	v27 =	vmul.f32 v28, v29;
	v28 =	vld.idx.msk [tilespmem:v41+s3+$0x0], $0xffff;
	v2 =	vadd.f32 v21, v2  }
0x33d: {  	v11 =	vmul.f32 v26, v29;
	v9 =	vor.u32 s12, v44;
	v4 =	vadd.f32 v7, v4  }
0x33e: {  	v6 =	vld.idx.msk [tilespmem:v13+s3+$0x0], $0xffff;
	v7 =	vor.u32 s12, v43;
	v2 =	vadd.f32 v27, v2;
	v33 =	vshll.u32 v12, $0x10  }
0x33f: {  	v34 =	vshll.u32 v10, $0x10;
	v12 =	vmul.f32 v12, v22;
	v10 =	vmul.f32 v10, v24  }
0x340: {  	v4 =	vadd.f32 v11, v4;
	v25 =	vmul.f32 v33, v22;
	v42 =	vmul.f32 v34, v24  }
0x341: {  	s31 =	sor.u32 $0x340, s2;
	v36 =	vshll.u32 v28, $0x10;
	v17 =	vmul.f32 v28, v23;
	v10 =	vadd.f32 v10, v12  }
0x342: {  	s28 =	sor.u32 $0x350, s2;
	v35 =	vor.u32 s12, v38;
	[tilespmem:s31+$0xD000] =	vst v4;
	v46 =	vmul.f32 v36, v23;
	v25 =	vadd.f32 v42, v25  }
0x343: {  	v11 =	vmul.f32 v6, v29;
	v22 =	vshll.u32 v6, $0x10;
	[tilespmem:s28+$0xD000] =	vst v2;
	v10 =	vadd.f32 v17, v10  }
0x344: {  	v12 =	vmul.f32 v22, v29;
	v29 =	vor.u32 s11, v44;
	v9 =	vld.idx.msk [tilespmem:v9+s3+$0x0], $0xffff;
	v25 =	vadd.f32 v46, v25  }
0x345: {  	v1 =	vadd.f32 v1, v3;
	v33 =	vor.u32 s11, v43;
	v20 =	vld.idx.msk [tilespmem:v7+s3+$0x0], $0xffff;
	v10 =	vadd.f32 v11, v10  }
0x346: {  	v16 =	vld [tilespmem:$0x1FAF0];
	v18 =	vadd.f32 v18, v19;
	v28 =	vmul.f32 v60, v49;
	v12 =	vadd.f32 v12, v25  }
0x347: {  	v57 =	vmul.f32 v63, v52;
	v34 =	vor.u32 s11, v38;
	v4 =	vmul.f32 v4, v50;
	v45 =	vld.idx.msk [tilespmem:v35+s3+$0x0], $0xffff;
	[tilespmem:s0+$0xD770] =	vst v10  }
0x348: {  	v0 =	vadd.f32 v0, v28;
	v2 =	vmul.f32 v2, v49;
	v35 =	vld.idx.msk [tilespmem:v39+s3+$0x0], $0xffff;
	[tilespmem:s0+$0xD760] =	vst v12  }
0x349: {  	v39 =	vor.u32 s11, v37;
	v4 =	vadd.f32 v4, v56;
	v36 =	vshll.u32 v9, $0x10;
	v17 =	vld.idx.msk [tilespmem:v29+s3+$0x0], $0xffff  }
0x34a: {  	v38 =	vshll.u32 v20, $0x10;
	v9 =	vmul.f32 v9, v30;
	v20 =	vmul.f32 v20, v32;
	v25 =	vld.idx.msk [tilespmem:v33+s3+$0x0], $0xffff  }
0x34b: {  	v41 =	vld [tilespmem:$0x1FB20];
	v2 =	vadd.f32 v4, v2;
	v42 =	vmul.f32 v36, v30;
	v46 =	vmul.f32 v38, v32  }
0x34c: {  	[tilespmem:s0+$0xD780] =	vst v47;
	v60 =	vshll.u32 v45, $0x10;
	v21 =	vmul.f32 v45, v31;
	v11 =	vld.idx.msk [tilespmem:v34+s3+$0x0], $0xffff;
	v9 =	vadd.f32 v20, v9  }
0x34d: {  	[tilespmem:s0+$0xD790] =	vst v48;
	v43 =	vld [tilespmem:$0x1FB30];
	v8 =	vshll.u32 v35, $0x10;
	v6 =	vmul.f32 v60, v31;
	v42 =	vadd.f32 v46, v42  }
0x34e: {  	v19 =	vmul.f32 v35, v5;
	v3 =	vmul.f32 v8, v5;
	v14 =	vld.idx.msk [tilespmem:v39+s3+$0x0], $0xffff;
	v9 =	vadd.f32 v21, v9  }
0x34f: {  	[tilespmem:s0+$0xD390] =	vst v16;
	v28 =	vld [tilespmem:$0x1FB00];
	v13 =	vadd.f32 v6, v42;
	v22 =	vshll.u32 v17, $0x10;
	v23 =	vshll.u32 v25, $0x10  }
0x350: {  	[tilespmem:s0+$0xD3C0] =	vst v41;
	s31 =	sor.u32 $0x3A0, s10;
	v7 =	vld [tilespmem:$0x1FAE0];
	v9 =	vadd.f32 v19, v9;
	v29 =	vmul.f32 v22, v30;
	v33 =	vmul.f32 v23, v32  }
0x351: {  	[tilespmem:s31+$0xD000] =	vst v59;
	s11 =	sor.u32 $0x3B0, s10;
	v45 =	vld [tilespmem:$0x1FB40];
	v3 =	vadd.f32 v3, v13;
	v35 =	vshll.u32 v11, $0x10;
	v17 =	vmul.f32 v17, v30  }
0x352: {  	[tilespmem:s11+$0xD000] =	vst v62;
	v34 =	vld [tilespmem:$0x1FB10];
	v25 =	vmul.f32 v25, v32;
	v38 =	vmul.f32 v35, v31;
	v4 =	vadd.f32 v33, v29  }
0x353: {  	[tilespmem:s0+$0xD3D0] =	vst v43;
	v44 =	vshll.u32 v14, $0x10;
	v11 =	vmul.f32 v11, v31;
	v42 =	vmul.f32 v3, v50  }
0x354: {  	[tilespmem:s0+$0xD3A0] =	vst v28;
	v46 =	vmul.f32 v44, v5;
	v17 =	vadd.f32 v25, v17;
	v4 =	vadd.f32 v38, v4  }
0x355: {  	v56 =	vmul.f32 v55, v52;
	[tilespmem:s0+$0xD380] =	vst v7;
	v20 =	vmul.f32 v14, v5;
	v50 =	vld [tilespmem:$0x1FB50];
	v18 =	vadd.f32 v42, v18  }
0x356: {  	s1 =	sadd.s32 $0x8, s1;
	[tilespmem:s0+$0xD3E0] =	vst v45;
	v54 =	vmul.f32 v9, v49;
	v11 =	vadd.f32 v11, v17;
	v4 =	vadd.f32 v46, v4  }
0x357: {  	p0 =	slt.u32 s1, $0x10;
	s12 =	sor.u32 $0x3C0, s2;
	v59 =	vmul.f32 v53, v51;
	v0 =	vadd.f32 v56, v0;
	v12 =	vmul.f32 v12, v52;
	[tilespmem:s0+$0xD3B0] =	vst v34  }
.Ltmp1:
0x358: {  	s20 =	sor.u32 $0x3D0, s2;
	[tilespmem:s12+$0xD000] =	vst v3;
	v18 =	vadd.f32 v18, v54;
	v11 =	vadd.f32 v20, v11;
	v58 =	vmul.f32 v4, v52;
	(pc) =	sbr.rel @p0 .LBB2_6-.Ltmp1, $4  }
0x359: {  	v60 =	vmul.f32 v61, v51;
	v61 =	vmul.f32 v10, v51;
	v2 =	vadd.f32 v12, v2;
	[tilespmem:s20+$0xD000] =	vst v9  }
0x35a: {  	v1 =	vadd.f32 v57, v1;
	s28 =	sor.u32 $0x3E0, s29;
	[tilespmem:s0+$0xD3F0] =	vst v50;
	v63 =	vmul.f32 v11, v51;
	v62 =	vadd.f32 v58, v18  }
0x35b: {  	s31 =	sor.u32 $0x3F0, s29;
	v37 =	vadd.f32 v2, v61;
	v44 =	vadd.f32 v0, v59;
	[tilespmem:s28+$0xD000] =	vst v4  }
0x35c: {  	s30 =	sadd.s32 $0x2000, s30;
	s7 =	sadd.s32 $0x1000, s7;
	s29 =	sadd.s32 $0x800, s29;
	v38 =	vadd.f32 v1, v60;
	[tilespmem:s31+$0xD000] =	vst v11;
	v39 =	vadd.f32 v62, v63  }
0x35d: {  	v0 =	vld [tilespmem:$0x1FB60]  }
0x35e: {  	v1 =	vld [tilespmem:$0x1FB70]  }
0x35f: {  	v2 =	vld [tilespmem:$0x1FB80]  }
0x360: {  	v3 =	vld [tilespmem:$0x1FB90];
	_ =	sdelay $0x2  }
0x361: {  	v0 =	vmul.f32 $1.443375650e-01, v0;
	v1 =	vmul.f32 $1.443375650e-01, v1  }
0x362: {  	v2 =	vmul.f32 $1.443375650e-01, v2  }
0x363: {  	v3 =	vmul.f32 $1.443375650e-01, v3;
	v4 =	vmax.f32 v0, v1  }
0x364: {  	v5 =	vmul.f32 $1.443375650e-01, v44;
	v4 =	vmax.f32 v4, v2  }
0x365: {  	v6 =	vmul.f32 $1.443375650e-01, v38;
	v4 =	vmax.f32 v4, v3  }
0x366: {  	v7 =	vmul.f32 $1.443375650e-01, v37;
	v4 =	vmax.f32 v4, v5  }
0x367: {  	v8 =	vmul.f32 $1.443375650e-01, v39;
	v4 =	vmax.f32 v4, v6  }
0x368: {  	v4 =	vmax.f32 v4, v7  }
0x369: {  	v4 =	vmax.f32 v4, v8  }
0x36a: {  	v0 =	vsub.f32 v0, v4  }
0x36b: {  	v1 =	vsub.f32 v1, v4  }
0x36c: {  	v0 =	vmul.f32 $1.442695020e+00, v0  }
0x36d: {  	v2 =	vsub.f32 v2, v4;
	v1 =	vmul.f32 $1.442695020e+00, v1  }
0x36e: {  	(erf) = vpow2.f32 v0  }
0x36f: {  	v0 =	vmul.f32 $1.442695020e+00, v2;
	(erf) = vpow2.f32 v1;
	v1 =	vsub.f32 v3, v4;
	_ =	sdelay $0x1  }
0x370: {  	(erf) = vpow2.f32 v0;
	v0 =	vmul.f32 $1.442695020e+00, v1;
	v1 =	vsub.f32 v5, v4;
	_ =	sdelay $0x1  }
0x371: {  	(erf) = vpow2.f32 v0;
	v0 =	vmul.f32 $1.442695020e+00, v1;
	v1 =	vsub.f32 v6, v4;
	_ =	sdelay $0x1  }
0x372: {  	(erf) = vpow2.f32 v0;
	v0 =	vmul.f32 $1.442695020e+00, v1;
	v1 =	vsub.f32 v7, v4;
	_ =	sdelay $0x1  }
0x373: {  	v2 =	vpop (erf);
	(erf) = vpow2.f32 v0;
	v0 =	vmul.f32 $1.442695020e+00, v1;
	v1 =	vsub.f32 v8, v4  }
0x374: {  	v3 =	vpop (erf)  }
0x375: {  	(erf) = vpow2.f32 v0;
	v0 =	vmul.f32 $1.442695020e+00, v1;
	v1 =	vadd.f32 v3, v2  }
0x376: {  	s1 =	simm.s32 $0xD200;
	v4 =	vpop (erf)  }
0x377: {  	v9 =	vld [tilespmem:s1+$0xFFFFFE80];
	(erf) = vpow2.f32 v0;
	v0 =	vadd.f32 v1, v4  }
0x378: {  	v11 =	vld [tilespmem:s1+$0xFFFFFF70];
	v5 =	vpop (erf)  }
0x379: {  	v12 =	vld [tilespmem:s1+$0xFFFFFE10];
	v0 =	vadd.f32 v0, v5  }
0x37a: {  	v14 =	vld [tilespmem:s1+$0xFFFFFFF0];
	v7 =	vpop (erf)  }
0x37b: {  	v15 =	vld [tilespmem:s1+$0xFFFFFE90];
	v0 =	vadd.f32 v0, v7  }
0x37c: {  	v17 =	vld [tilespmem:s1+$0x70];
	v10 =	vpop (erf)  }
0x37d: {  	v18 =	vld [tilespmem:s1+$0xFFFFFE20];
	v0 =	vadd.f32 v0, v10  }
0x37e: {  	v19 =	vld [tilespmem:s1+$0xF0];
	v13 =	vpop (erf)  }
0x37f: {  	v20 =	vld [tilespmem:s1+$0x170];
	v0 =	vadd.f32 v0, v13  }
0x380: {  	v21 =	vld [tilespmem:s1+$0xFFFFFE30];
	v16 =	vpop (erf)  }
0x381: {  	v22 =	vld [tilespmem:s1+$0x1F0];
	v0 =	vadd.f32 v0, v16  }
0x382: {  	v23 =	vld [tilespmem:s1+$0xFFFFFEB0]  }
0x383: {  	v24 =	vld [tilespmem:s1+$0xFFFFFE40];
	(erf) = vrcp.f32 v0  }
0x384: {  	v25 =	vld [tilespmem:s1+$0xFFFFFEC0]  }
0x385: {  	v26 =	vld [tilespmem:s1+$0xFFFFFE50]  }
0x386: {  	v27 =	vld [tilespmem:s1+$0xFFFFFED0]  }
0x387: {  	v29 =	vld [tilespmem:s1+$0xFFFFFE60]  }
0x388: {  	v30 =	vld [tilespmem:s1+$0xFFFFFEE0]  }
0x389: {  	v31 =	vld [tilespmem:s1+$0xFFFFFE00]  }
0x38a: {  	v6 =	vld [tilespmem:s1+$0xFFFFFE70]  }
0x38b: {  	v8 =	vld [tilespmem:s1+$0xFFFFFEF0]  }
0x38c: {  	v32 =	vld [tilespmem:s1+$0xFFFFFF00];
	v28 =	vpop (erf)  }
0x38d: {  	v0 =	vld [tilespmem:s1+$0xFFFFFEA0];
	v1 =	vmul.f32 v28, v2  }
0x38e: {  	v33 =	vld [tilespmem:s1+$0xFFFFFF10];
	v2 =	vmul.f32 v28, v3;
	v3 =	vmul.f32 v28, v4  }
0x38f: {  	v34 =	vld [tilespmem:s1+$0xFFFFFF30];
	v4 =	vmul.f32 v28, v5;
	v6 =	vmul.f32 v6, v1  }
0x390: {  	v35 =	vld [tilespmem:s1+$0xFFFFFF50];
	v8 =	vmul.f32 v8, v2;
	v12 =	vmul.f32 v12, v1  }
0x391: {  	v36 =	vld [tilespmem:s1+$0xFFFFFF60];
	v15 =	vmul.f32 v15, v2;
	v9 =	vmul.f32 v9, v2  }
0x392: {  	v40 =	vld [tilespmem:s1+$0xFFFFFFE0];
	v0 =	vmul.f32 v0, v2;
	v21 =	vmul.f32 v21, v1  }
0x393: {  	v42 =	vld [tilespmem:s1+$0x0];
	v41 =	vmul.f32 v26, v1;
	v43 =	vmul.f32 v31, v1  }
0x394: {  	v44 =	vld [tilespmem:s1+$0x10];
	v45 =	vmul.f32 v30, v2;
	v47 =	vmul.f32 v32, v3  }
0x395: {  	v46 =	vld [tilespmem:s1+$0x20];
	v49 =	vmul.f32 v33, v3;
	v5 =	vadd.f32 v8, v6;
	v8 =	vmul.f32 v11, v3  }
0x396: {  	v48 =	vld [tilespmem:s1+$0x30];
	v51 =	vmul.f32 v34, v3;
	v6 =	vmul.f32 v28, v7;
	v12 =	vadd.f32 v15, v12  }
0x397: {  	v50 =	vld [tilespmem:s1+$0x40];
	v15 =	vmul.f32 v18, v1;
	v5 =	vadd.f32 v8, v5;
	v8 =	vmul.f32 v14, v4  }
0x398: {  	v53 =	vld [tilespmem:s1+$0x60];
	v7 =	vmul.f32 v28, v10;
	v17 =	vmul.f32 v17, v6  }
0x399: {  	v11 =	vld [tilespmem:s1+$0xFFFFFF20];
	v0 =	vadd.f32 v0, v15;
	v15 =	vmul.f32 v23, v2;
	v10 =	vadd.f32 v8, v5  }
0x39a: {  	v52 =	vld [tilespmem:s1+$0x50];
	v9 =	vadd.f32 v9, v43;
	v23 =	vmul.f32 v24, v1;
	v8 =	vmul.f32 v28, v13  }
0x39b: {  	v14 =	vld [tilespmem:s1+$0xFFFFFF40];
	v5 =	vmul.f32 v28, v16;
	v16 =	vmul.f32 v19, v7;
	v10 =	vadd.f32 v17, v10  }
0x39c: {  	v9 =	vadd.f32 v47, v9;
	v55 =	vmul.f32 v46, v6;
	v13 =	vld [tilespmem:s1+$0xFFFFFF80];
	v15 =	vadd.f32 v15, v21  }
0x39d: {  	v19 =	vld [tilespmem:s1+$0xFFFFFFA0];
	v21 =	vmul.f32 v27, v2;
	v10 =	vadd.f32 v16, v10;
	v16 =	vmul.f32 v20, v8  }
0x39e: {  	v12 =	vadd.f32 v49, v12;
	v58 =	vmul.f32 v53, v6;
	v11 =	vmul.f32 v11, v3;
	v17 =	vld [tilespmem:s1+$0xFFFFFF90]  }
0x39f: {  	v18 =	vld [tilespmem:s1+$0xFFFFFFC0];
	v21 =	vadd.f32 v21, v41;
	v10 =	vadd.f32 v16, v10;
	v16 =	vmul.f32 v22, v5  }
0x3a0: {  	v15 =	vadd.f32 v51, v15;
	v0 =	vadd.f32 v11, v0;
	v11 =	vmul.f32 v35, v3;
	v20 =	vld [tilespmem:s1+$0xFFFFFFB0]  }
0x3a1: {  	v14 =	vmul.f32 v14, v3;
	v22 =	vld [tilespmem:s1+$0xFFFFFFD0];
	v10 =	vadd.f32 v16, v10;
	v16 =	vmul.f32 v25, v2  }
0x3a2: {  	v54 =	vld [tilespmem:s1+$0x80];
	v13 =	vmul.f32 v13, v4;
	v11 =	vadd.f32 v11, v21;
	v19 =	vmul.f32 v19, v4  }
0x3a3: {  	v56 =	vld [tilespmem:s1+$0xE0];
	v17 =	vmul.f32 v17, v4;
	v16 =	vadd.f32 v16, v23;
	v23 =	vmul.f32 v29, v1  }
0x3a4: {  	v57 =	vld [tilespmem:s1+$0x110];
	v9 =	vadd.f32 v13, v9;
	v13 =	vmul.f32 v18, v4;
	v0 =	vadd.f32 v19, v0  }
0x3a5: {  	v21 =	vld [tilespmem:s1+$0x90];
	v23 =	vadd.f32 v45, v23;
	v14 =	vadd.f32 v14, v16;
	v16 =	vmul.f32 v36, v3  }
0x3a6: {  	v59 =	vld [tilespmem:s1+$0x120];
	v20 =	vmul.f32 v20, v4;
	v12 =	vadd.f32 v17, v12;
	v18 =	vmul.f32 v22, v4  }
0x3a7: {  	v19 =	vld [tilespmem:s1+$0xC0];
	v16 =	vadd.f32 v16, v23;
	v13 =	vadd.f32 v13, v14;
	v14 =	vmul.f32 v40, v4  }
0x3a8: {  	v15 =	vadd.f32 v20, v15;
	v11 =	vadd.f32 v18, v11;
	v18 =	vmul.f32 v44, v6;
	v23 =	vld [tilespmem:s1+$0xA0]  }
0x3a9: {  	v17 =	vld [tilespmem:s1+$0xB0];
	v20 =	vmul.f32 v42, v6;
	v14 =	vadd.f32 v14, v16;
	v16 =	vmul.f32 v48, v6  }
0x3aa: {  	v21 =	vmul.f32 v21, v7;
	v22 =	vld [tilespmem:s1+$0xD0];
	v12 =	vadd.f32 v18, v12;
	v18 =	vmul.f32 v50, v6  }
0x3ab: {  	v9 =	vadd.f32 v20, v9;
	v20 =	vld [tilespmem:s1+$0x100];
	v15 =	vadd.f32 v16, v15;
	v16 =	vmul.f32 v52, v6  }
0x3ac: {  	v60 =	vld [tilespmem:s1+$0x130];
	v0 =	vadd.f32 v55, v0;
	v13 =	vadd.f32 v18, v13;
	v18 =	vmul.f32 v54, v7  }
0x3ad: {  	v12 =	vadd.f32 v21, v12;
	v21 =	vld [tilespmem:s1+$0x150];
	v11 =	vadd.f32 v16, v11;
	v16 =	vmul.f32 v23, v7  }
0x3ae: {  	v17 =	vmul.f32 v17, v7;
	v14 =	vadd.f32 v58, v14;
	v9 =	vadd.f32 v18, v9;
	v23 =	vld [tilespmem:s1+$0x140]  }
0x3af: {  	v18 =	vmul.f32 v22, v7;
	v0 =	vadd.f32 v16, v0;
	v16 =	vmul.f32 v19, v7;
	v19 =	vld [tilespmem:s1+$0x160]  }
0x3b0: {  	v22 =	vadd.f32 v17, v15;
	v15 =	vmul.f32 v56, v7;
	v17 =	vmul.f32 v20, v8;
	v20 =	vld [tilespmem:s1+$0x180]  }
0x3b1: {  	v62 =	vld [tilespmem:s1+$0x190];
	v11 =	vadd.f32 v18, v11;
	v61 =	vadd.f32 v16, v13;
	v13 =	vmul.f32 v57, v8  }
0x3b2: {  	v27 =	vadd.f32 v15, v14;
	v14 =	vadd.f32 v17, v9;
	v9 =	vmul.f32 v59, v8;
	v17 =	vld [tilespmem:s1+$0x1A0]  }
0x3b3: {  	v18 =	vld [tilespmem:s1+$0x1B0];
	v23 =	vmul.f32 v23, v8;
	v15 =	vadd.f32 v13, v12;
	v13 =	vmul.f32 v60, v8  }
0x3b4: {  	v16 =	vld [tilespmem:s1+$0x1C0];
	v12 =	vadd.f32 v9, v0;
	v0 =	vmul.f32 v21, v8;
	v63 =	vmul.f32 v19, v8  }
0x3b5: {  	v21 =	vmul.f32 v20, v5;
	v9 =	vadd.f32 v23, v61;
	v19 =	vld [tilespmem:s1+$0x1D0];
	v13 =	vadd.f32 v13, v22  }
0x3b6: {  	s0 =	simm.s32 $0x0;
	[tilespmem:s26+$0x180] =	vst v10;
	v20 =	vld [tilespmem:s1+$0x1E0];
	s1 =	simm.s32 $0xD600;
	v11 =	vadd.f32 v0, v11;
	v22 =	vmul.f32 v62, v5;
	v10 =	vadd.f32 v63, v27  }
.LBB2_8:
0x3b7: {  	v0 =	vld [tilespmem:s1+$0xFFFFFE70];
	v14 =	vadd.f32 v21, v14;
	v17 =	vmul.f32 v17, v5  }
0x3b8: {  	s0 =	sadd.s32 $0x8, s0;
	v21 =	vld [tilespmem:s1+$0xFFFFFEF0];
	v15 =	vadd.f32 v22, v15;
	v18 =	vmul.f32 v18, v5  }
0x3b9: {  	p0 =	slt.u32 s0, $0x28;
	v22 =	vld [tilespmem:s1+$0xFFFFFE80];
	[tilespmem:s26+$0xFFFFFE00] =	vst v14;
	v12 =	vadd.f32 v17, v12;
	v14 =	vmul.f32 v16, v5  }
0x3ba: {  	v16 =	vld [tilespmem:s1+$0xFFFFFF70];
	[tilespmem:s26+$0xFFFFFE80] =	vst v15;
	v13 =	vadd.f32 v18, v13;
	v15 =	vmul.f32 v19, v5  }
0x3bb: {  	v17 =	vld [tilespmem:s1+$0xFFFFFE10];
	[tilespmem:s26+$0xFFFFFF00] =	vst v12;
	v9 =	vadd.f32 v14, v9;
	v12 =	vmul.f32 v20, v5  }
0x3bc: {  	v14 =	vld [tilespmem:s1+$0xFFFFFFF0];
	[tilespmem:s26+$0xFFFFFF80] =	vst v13;
	v11 =	vadd.f32 v15, v11  }
0x3bd: {  	v0 =	vmul.f32 v0, v1;
	v13 =	vld [tilespmem:s1+$0xFFFFFE90];
	v15 =	vmul.f32 v21, v2;
	[tilespmem:s26+$0x0] =	vst v9;
	v9 =	vadd.f32 v12, v10  }
0x3be: {  	v10 =	vmul.f32 v22, v2;
	v12 =	vld [tilespmem:s1+$0x70];
	[tilespmem:s26+$0x80] =	vst v11  }
0x3bf: {  	v11 =	vld [tilespmem:s1+$0xFFFFFE20];
	v0 =	vadd.f32 v15, v0;
	v15 =	vmul.f32 v16, v3;
	[tilespmem:s26+$0x100] =	vst v9  }
0x3c0: {  	v9 =	vmul.f32 v17, v1;
	v16 =	vld [tilespmem:s1+$0xF0]  }
0x3c1: {  	v17 =	vld [tilespmem:s1+$0xFFFFFEA0];
	v0 =	vadd.f32 v15, v0;
	v14 =	vmul.f32 v14, v4  }
0x3c2: {  	v13 =	vmul.f32 v13, v2;
	v15 =	vld [tilespmem:s1+$0x170]  }
0x3c3: {  	v18 =	vld [tilespmem:s1+$0xFFFFFE30];
	v0 =	vadd.f32 v14, v0;
	v12 =	vmul.f32 v12, v6  }
0x3c4: {  	v9 =	vadd.f32 v13, v9;
	v11 =	vmul.f32 v11, v1;
	v13 =	vld [tilespmem:s1+$0x1F0]  }
0x3c5: {  	v14 =	vld [tilespmem:s1+$0xFFFFFEB0];
	v0 =	vadd.f32 v12, v0;
	v12 =	vmul.f32 v16, v7  }
0x3c6: {  	v16 =	vmul.f32 v17, v2;
	v17 =	vld [tilespmem:s1+$0xFFFFFE40]  }
0x3c7: {  	v19 =	vld [tilespmem:s1+$0xFFFFFEC0];
	v0 =	vadd.f32 v12, v0;
	v12 =	vmul.f32 v15, v8  }
0x3c8: {  	v11 =	vadd.f32 v16, v11;
	v15 =	vmul.f32 v18, v1;
	v16 =	vld [tilespmem:s1+$0xFFFFFE50]  }
0x3c9: {  	v18 =	vld [tilespmem:s1+$0xFFFFFED0];
	v0 =	vadd.f32 v12, v0;
	v12 =	vmul.f32 v13, v5  }
0x3ca: {  	v13 =	vmul.f32 v14, v2;
	v14 =	vld [tilespmem:s1+$0xFFFFFE60]  }
0x3cb: {  	v17 =	vmul.f32 v17, v1;
	v20 =	vld [tilespmem:s1+$0xFFFFFEE0];
	v0 =	vadd.f32 v12, v0  }
0x3cc: {  	s26 =	sadd.s32 $0x800, s26;
	v12 =	vld [tilespmem:s1+$0xFFFFFE00];
	v13 =	vadd.f32 v13, v15;
	v15 =	vmul.f32 v19, v2  }
0x3cd: {  	v19 =	vld [tilespmem:s1+$0xFFFFFF00];
	v16 =	vmul.f32 v16, v1;
	[tilespmem:s26+$0x180] =	vst v0  }
0x3ce: {  	v0 =	vld [tilespmem:s1+$0xFFFFFF10];
	v15 =	vadd.f32 v15, v17;
	v17 =	vmul.f32 v18, v2  }
0x3cf: {  	v18 =	vld [tilespmem:s1+$0xFFFFFF20];
	v14 =	vmul.f32 v14, v1  }
0x3d0: {  	v21 =	vld [tilespmem:s1+$0xFFFFFF30];
	v16 =	vadd.f32 v17, v16;
	v17 =	vmul.f32 v20, v2  }
0x3d1: {  	v12 =	vmul.f32 v12, v1;
	v20 =	vld [tilespmem:s1+$0xFFFFFF40]  }
0x3d2: {  	v19 =	vmul.f32 v19, v3;
	v22 =	vld [tilespmem:s1+$0xFFFFFF50];
	v14 =	vadd.f32 v17, v14  }
0x3d3: {  	v10 =	vadd.f32 v10, v12;
	v0 =	vmul.f32 v0, v3;
	v12 =	vld [tilespmem:s1+$0xFFFFFF60]  }
0x3d4: {  	v17 =	vld [tilespmem:s1+$0xFFFFFF80];
	v18 =	vmul.f32 v18, v3  }
0x3d5: {  	v10 =	vadd.f32 v19, v10;
	v0 =	vadd.f32 v0, v9;
	v9 =	vld [tilespmem:s1+$0xFFFFFF90];
	v19 =	vmul.f32 v21, v3  }
0x3d6: {  	v11 =	vadd.f32 v18, v11;
	v18 =	vld [tilespmem:s1+$0xFFFFFFA0];
	v20 =	vmul.f32 v20, v3  }
0x3d7: {  	v13 =	vadd.f32 v19, v13;
	v19 =	vld [tilespmem:s1+$0xFFFFFFB0];
	v21 =	vmul.f32 v22, v3  }
0x3d8: {  	v15 =	vadd.f32 v20, v15;
	v20 =	vld [tilespmem:s1+$0xFFFFFFC0];
	v12 =	vmul.f32 v12, v3  }
0x3d9: {  	v17 =	vmul.f32 v17, v4;
	v16 =	vadd.f32 v21, v16;
	v21 =	vld [tilespmem:s1+$0xFFFFFFD0]  }
0x3da: {  	v9 =	vmul.f32 v9, v4;
	v12 =	vadd.f32 v12, v14;
	v14 =	vld [tilespmem:s1+$0xFFFFFFE0]  }
0x3db: {  	v10 =	vadd.f32 v17, v10;
	v17 =	vld [tilespmem:s1+$0x0];
	v18 =	vmul.f32 v18, v4  }
0x3dc: {  	v0 =	vadd.f32 v9, v0;
	v9 =	vld [tilespmem:s1+$0x10];
	v19 =	vmul.f32 v19, v4  }
0x3dd: {  	v11 =	vadd.f32 v18, v11;
	v18 =	vld [tilespmem:s1+$0x20];
	v20 =	vmul.f32 v20, v4  }
0x3de: {  	v13 =	vadd.f32 v19, v13;
	v19 =	vld [tilespmem:s1+$0x30];
	v21 =	vmul.f32 v21, v4  }
0x3df: {  	v15 =	vadd.f32 v20, v15;
	v20 =	vld [tilespmem:s1+$0x40];
	v14 =	vmul.f32 v14, v4  }
0x3e0: {  	v17 =	vmul.f32 v17, v6;
	v16 =	vadd.f32 v21, v16;
	v21 =	vld [tilespmem:s1+$0x50]  }
0x3e1: {  	v9 =	vmul.f32 v9, v6;
	v12 =	vadd.f32 v14, v12;
	v14 =	vld [tilespmem:s1+$0x60]  }
0x3e2: {  	v10 =	vadd.f32 v17, v10;
	v17 =	vld [tilespmem:s1+$0x80];
	v18 =	vmul.f32 v18, v6  }
0x3e3: {  	v0 =	vadd.f32 v9, v0;
	v9 =	vld [tilespmem:s1+$0x90];
	v19 =	vmul.f32 v19, v6  }
0x3e4: {  	v11 =	vadd.f32 v18, v11;
	v18 =	vld [tilespmem:s1+$0xA0];
	v20 =	vmul.f32 v20, v6  }
0x3e5: {  	v13 =	vadd.f32 v19, v13;
	v19 =	vld [tilespmem:s1+$0xB0];
	v21 =	vmul.f32 v21, v6  }
0x3e6: {  	v15 =	vadd.f32 v20, v15;
	v20 =	vld [tilespmem:s1+$0xC0];
	v14 =	vmul.f32 v14, v6  }
0x3e7: {  	v17 =	vmul.f32 v17, v7;
	v16 =	vadd.f32 v21, v16;
	v21 =	vld [tilespmem:s1+$0xD0]  }
0x3e8: {  	v9 =	vmul.f32 v9, v7;
	v12 =	vadd.f32 v14, v12;
	v14 =	vld [tilespmem:s1+$0xE0]  }
0x3e9: {  	v10 =	vadd.f32 v17, v10;
	v17 =	vld [tilespmem:s1+$0x100];
	v18 =	vmul.f32 v18, v7  }
0x3ea: {  	v0 =	vadd.f32 v9, v0;
	v9 =	vld [tilespmem:s1+$0x110];
	v19 =	vmul.f32 v19, v7  }
0x3eb: {  	v11 =	vadd.f32 v18, v11;
	v18 =	vld [tilespmem:s1+$0x120];
	v20 =	vmul.f32 v20, v7  }
0x3ec: {  	v13 =	vadd.f32 v19, v13;
	v19 =	vld [tilespmem:s1+$0x130];
	v21 =	vmul.f32 v21, v7  }
0x3ed: {  	v20 =	vadd.f32 v20, v15;
	v22 =	vld [tilespmem:s1+$0x140];
	v14 =	vmul.f32 v14, v7  }
0x3ee: {  	v15 =	vmul.f32 v17, v8;
	v23 =	vadd.f32 v21, v16;
	v16 =	vld [tilespmem:s1+$0x150]  }
0x3ef: {  	v9 =	vmul.f32 v9, v8;
	v24 =	vadd.f32 v14, v12;
	v21 =	vld [tilespmem:s1+$0x160]  }
0x3f0: {  	v14 =	vadd.f32 v15, v10;
	v10 =	vld [tilespmem:s1+$0x180];
	v12 =	vmul.f32 v18, v8  }
0x3f1: {  	v15 =	vadd.f32 v9, v0;
	v0 =	vld [tilespmem:s1+$0x190];
	v9 =	vmul.f32 v19, v8  }
.Ltmp2:
0x3f2: {  	v12 =	vadd.f32 v12, v11;
	v17 =	vld [tilespmem:s1+$0x1A0];
	v11 =	vmul.f32 v22, v8;
	(pc) =	sbr.rel @p0 .LBB2_8-.Ltmp2, $4  }
0x3f3: {  	v13 =	vadd.f32 v9, v13;
	v18 =	vld [tilespmem:s1+$0x1B0];
	v19 =	vmul.f32 v16, v8  }
0x3f4: {  	v9 =	vadd.f32 v11, v20;
	v16 =	vld [tilespmem:s1+$0x1C0];
	v20 =	vmul.f32 v21, v8  }
0x3f5: {  	v21 =	vmul.f32 v10, v5;
	v11 =	vadd.f32 v19, v23;
	v19 =	vld [tilespmem:s1+$0x1D0]  }
0x3f6: {  	v22 =	vmul.f32 v0, v5;
	v10 =	vadd.f32 v20, v24;
	v20 =	vld [tilespmem:s1+$0x1E0];
	s1 =	sadd.s32 $0x400, s1  }
0x3f7: {  	v0 =	vadd.f32 v21, v14;
	v1 =	vmul.f32 v17, v5  }
0x3f8: {  	v2 =	vadd.f32 v22, v15;
	v3 =	vmul.f32 v18, v5  }
0x3f9: {  	s25 =	sadd.s32 $0x1, s25;
	[tilespmem:s26+$0xFFFFFE00] =	vst v0;
	v56 =	vadd.f32 v1, v12;
	v57 =	vmul.f32 v16, v5  }
0x3fa: {  	p0 =	sne.s32 s25, $0x10;
	[tilespmem:s26+$0xFFFFFE80] =	vst v2;
	v58 =	vadd.f32 v3, v13;
	v59 =	vmul.f32 v19, v5  }
.Ltmp3:
0x3fb: {  	[tilespmem:s26+$0xFFFFFF00] =	vst v56;
	v60 =	vadd.f32 v57, v9;
	v61 =	vmul.f32 v20, v5;
	(pc) =	sbr.rel @p0 .LBB2_3-.Ltmp3, $4  }
0x3fc: {  	[tilespmem:s26+$0xFFFFFF80] =	vst v58;
	v62 =	vadd.f32 v59, v11  }
0x3fd: {  	[tilespmem:s26+$0x0] =	vst v60;
	v63 =	vadd.f32 v61, v10  }
0x3fe: {  	[tilespmem:s26+$0x80] =	vst v62  }
0x3ff: {  	s24 =	sadd.s32 $0x80, s24;
	s23 =	sadd.s32 $0x1, s23;
	[tilespmem:s26+$0x100] =	vst v63  }
0x400: {  	s21 =	sadd.s32 $0x1, s21  }
0x401: {  	p0 =	sne.s32 s21, $0x4  }
.Ltmp4:
0x402: {  	s0 =	sadd.s32 s6, s22;
	(pc) =	sbr.rel @p0 .LBB2_2-.Ltmp4, $4  }
0x403: {  	[hbm4b:s0+s14] =	stream.strided.scatter [tilespmem:s19], [sflag:$0x1], $0x3000, s15, s14, $0x38;
	[tilespmem:$0xE800] =	vst v63  }
0x404: {  	_ =	swait.ge [sflag:s13], $0x3000  }
0x405: {  	[sflag:s13] =	ssyncset.done $0x0  }
0x406: {  	[sflag:s13] =	ssyncadd.s32 $0xFFFFD000  }
0x407: {  	s1 =	rddreg [dreg:$0x5]  }
0x408: {  	s0 =	rddreg [dreg:$0x4];
	s1 =	sadd.s32 $0x1, s1  }
0x409: {  	p0 =	sne.s32 s1, s0  }
.Ltmp5:
0x40a: {  	_ = 	snop;
	(pc) =	sbr.rel @p0 .LBB2_1-.Ltmp5, $1  }
0x40b: {  	_ =	sdelay $0x3  }
0x40c: {  	_ =	sfence.sel $0x180000  }
0x40d: {  	[bflag:$0x0] =	sbarrier.arrive $0xFFFF  }
0x40e: {  	_ =	strace $0x90000047  }
0x40f: {  	s0 =	stileid.u32;
	[bflag:$0x2] =	sbarrier.arrive $0xFFFF  }
0x410: {  	p0 =	sne.s32 s0, $0x0;
	s0 =	rddreg [dreg:$0x2]  }
0x411: {  	s0 =	sadd.s32 @!p0 $0x100000, s0  }
0x412: {  	[sflag:s0] =	ssyncadd.tile.s32 @!p0 $0x1;
	_ =	shalt  }
.Lfunc_end2:
_tile_overlayer_lowered:
.L_overlay_start_2:
0x413: {  	(tag) =	ssettag $0x2  }
0x414: {  	s0 =	rddreg [dreg:$0x0];
	s2 =	stileid.u32  }
0x415: {  	s1 =	rddreg [dreg:$0x1];
	p0 =	sne.s32 s2, $0x0  }
0x416: {  	s3 =	rddreg [dreg:$0x2];
	[bflag:$0x3] =	sbarrier.arrive $0xFFFF;
	s2 =	simm.s32 @!p0 $0x1C01  }
0x417: {  	[timem:s3], [sflag:s2] =	dma.local @!p0 [hbm:s0], s1  }
0x418: {  	s0 =	simm.s32 @!p0 $0x1  }
0x419: {  	_ =	swait.ge @!p0 [sflag:s0], s1  }
0x41a: {  	s1 =	ssub.s32 @!p0 $0x0, s1;
	[sflag:s0] =	ssyncset.done @!p0 $0x0  }
0x41b: {  	[sflag:s0] =	ssyncadd.s32 @!p0 s1  }
0x41c: {  	[bflag:$0x3] =	sbarrier.arrive $0xFFFF  }
0x41d: {  	_ =	shalt  }

</sc_bundles>
